<compile_context>
chip_gen: v7x
topology: tpu7x:2x2x1
jax: 0.10.2.dev20260603
libtpu: 0.0.44.dev20260713+nightly
codegen_flags: <defaults>
</compile_context>

<pallas_src>
import functools

import jax
import jax.numpy as jnp
from jax import lax
from jax.experimental import pallas as pl
from jax.experimental.pallas import tpu as pltpu
from jax.experimental.pallas import tpu_sc as plsc

EMBED = 64
TROWS = 72
_INFO = plsc.get_sparse_core_info()
NC = _INFO.num_cores
NSUB = _INFO.num_subcores
NW = NC * NSUB
LANES = _INFO.num_lanes

BLK = 512
SUB = 128
K = BLK // SUB


@functools.lru_cache(maxsize=None)
def _make_sc_lookup(n):
    per_w = n // NW
    nblk = per_w // BLK
    assert per_w * NW == n and nblk * BLK == per_w
    assert nblk % 2 == 0 and nblk >= 6

    mesh = plsc.VectorSubcoreMesh(core_axis_name="c", subcore_axis_name="s")

    @functools.partial(
        pl.kernel,
        mesh=mesh,
        compiler_params=pltpu.CompilerParams(use_tc_tiling_on_sc=False),
        out_type=jax.ShapeDtypeStruct((n, EMBED), jnp.float32),
        scratch_types=[
            [pltpu.VMEM((BLK,), jnp.int32)] * 2,
            [pltpu.VMEM((BLK,), jnp.int32)] * 2,
            [pltpu.VMEM((K, SUB), jnp.int32)] * 2,
            [pltpu.VMEM((BLK, EMBED), jnp.float32)] * 2,
            pltpu.VMEM_SHARED((NW * TROWS, EMBED), jnp.float32),
            [pltpu.SemaphoreType.DMA] * 2,
            [pltpu.SemaphoreType.DMA] * 2,
            [pltpu.SemaphoreType.DMA] * 2,
        ],
    )
    def body(ridx_hbm, sidx_hbm, table_hbm, out_hbm,
             ridx_v, sidx_v, cidx_v, rows_v, table_sp, isem, gsem, osem):
        wid = lax.axis_index("s") * NC + lax.axis_index("c")
        base_w = wid * per_w
        woff = wid * TROWS

        @pl.when(lax.axis_index("s") == 0)
        def _stage_table():
            pltpu.sync_copy(table_hbm, table_sp)
        plsc.subcore_barrier()

        def load_idx(g, s):
            base = base_w + g * BLK
            pltpu.async_copy(ridx_hbm.at[pl.ds(base, BLK)], ridx_v[s], isem[s])
            pltpu.async_copy(sidx_hbm.at[pl.ds(base, BLK)], sidx_v[s], isem[s])

        def wait_idx(s):
            pltpu.make_async_copy(
                ridx_hbm.at[pl.ds(0, BLK)], ridx_v[s], isem[s]).wait()
            pltpu.make_async_copy(
                sidx_hbm.at[pl.ds(0, BLK)], sidx_v[s], isem[s]).wait()

        def compute(s):
            for j in range(K):
                for i in range(SUB // LANES):
                    o = j * SUB + i * LANES
                    r = ridx_v[s][pl.ds(o, LANES)]
                    t = sidx_v[s][pl.ds(o, LANES)]
                    cidx_v[s][j, pl.ds(i * LANES, LANES)] = r * 5 + t + woff

        def fire_gathers(s):
            for j in range(K):
                pltpu.async_copy(table_sp.at[cidx_v[s].at[j]],
                                 rows_v[s].at[pl.ds(j * SUB, SUB)], gsem[s])

        def wait_gathers(s):
            for j in range(K):
                pltpu.make_async_copy(
                    table_sp.at[cidx_v[s].at[j]],
                    rows_v[s].at[pl.ds(j * SUB, SUB)], gsem[s]).wait()

        def fire_out(g, s):
            base = base_w + g * BLK
            pltpu.async_copy(rows_v[s], out_hbm.at[pl.ds(base, BLK)], osem[s])

        def wait_out(s):
            pltpu.make_async_copy(
                rows_v[s], out_hbm.at[pl.ds(0, BLK)], osem[s]).wait()

        load_idx(0, 0)
        load_idx(1, 1)
        wait_idx(0)
        compute(0)
        fire_gathers(0)
        load_idx(2, 0)
        wait_idx(1)
        compute(1)
        fire_gathers(1)
        load_idx(3, 1)
        wait_gathers(0)
        fire_out(0, 0)
        wait_gathers(1)
        fire_out(1, 1)

        def steady(G, carry):
            g0 = 2 * G
            for s, g in ((0, g0), (1, g0 + 1)):
                wait_idx(s)
                compute(s)
                wait_out(s)
                fire_gathers(s)
                load_idx(g + 2, s)
            for s, g in ((0, g0), (1, g0 + 1)):
                wait_gathers(s)
                fire_out(g, s)
            return carry

        lax.fori_loop(1, nblk // 2 - 1, steady, 0)

        gl = nblk - 2
        for s in (0, 1):
            wait_idx(s)
            compute(s)
            wait_out(s)
            fire_gathers(s)
        for s in (0, 1):
            wait_gathers(s)
            fire_out(gl + s, s)
        wait_out(0)
        wait_out(1)

    return body


def kernel(rank_indices, suit_indices, rank_table, suit_table):
    b, h = rank_indices.shape
    n = b * h
    ridx = rank_indices.reshape(n).astype(jnp.int32)
    sidx = suit_indices.reshape(n).astype(jnp.int32)
    combined = jnp.concatenate(
        [jnp.repeat(rank_table, 5, axis=0), jnp.tile(suit_table, (14, 1))],
        axis=1,
    )
    table = jnp.zeros((TROWS, EMBED), jnp.float32).at[:70].set(combined)
    table = jnp.tile(table, (NW, 1))
    out = _make_sc_lookup(n)(ridx, sidx, table)
    return out.reshape(b, h, EMBED)

# --- scband reference (transcript-rebuilt; emitter-appended) ---
"""Pipeline reference for scband-card-embedding-42949673325 (READ-ONLY COPY).

The authoritative reference and input builder live on the scoring server;
editing this copy changes nothing except your own understanding.
"""

import jax, jax.numpy as jnp
import numpy as np

EMBED_DIM = 64
HALF = EMBED_DIM // 2
BATCH = 16384
HIST = 200

def setup_inputs(seed: int = 0) -> dict:
    key = jax.random.key(seed)
    k1, k2, k3, k4 = jax.random.split(key, 4)
    rank_indices = jax.random.randint(k1, (BATCH, HIST), 0, 14, dtype=jnp.int64 if jax.config.jax_enable_x64 else jnp.int32)
    suit_indices = jax.random.randint(k2, (BATCH, HIST), 0, 5, dtype=jnp.int64 if jax.config.jax_enable_x64 else jnp.int32)
    rank_table = jax.random.normal(k3, (14, HALF), dtype=jnp.float32)
    suit_table = jax.random.normal(k4, (5, HALF), dtype=jnp.float32)
    return {"rank_indices": rank_indices, "suit_indices": suit_indices, "rank_table": rank_table, "suit_table": suit_table}

def reference(rank_indices, suit_indices, rank_table, suit_table):
    # Faithful translation of CardEmbedding.forward: embed rank and suit indices,
    # then concatenate along the feature axis.
    rank_emb = jnp.take(rank_table, rank_indices, axis=0)
    suit_emb = jnp.take(suit_table, suit_indices, axis=0)
    return jnp.concatenate([rank_emb, suit_emb], axis=-1)

if __name__ == "__main__":
    import jax
    _d = setup_inputs()
    print(jax.jit(kernel)(*tuple(_d.values())))

</pallas_src>

<mosaic_0001>
#map = affine_map<(d0, d1) -> (0)>
#map1 = affine_map<(d0, d1) -> (0, 0)>
module attributes {stable_mosaic.version = 14 : i64} {
  func.func @body(%arg0: i32, %arg1: i32, %arg2: memref<3276800xi32, #tpu.memory_space<hbm>>, %arg3: memref<3276800xi32, #tpu.memory_space<hbm>>, %arg4: memref<2304x64xf32, #tpu.memory_space<hbm>>, %arg5: memref<3276800x64xf32, #tpu.memory_space<hbm>>, %arg6: memref<512xi32, #tpu.memory_space<vmem>>, %arg7: memref<512xi32, #tpu.memory_space<vmem>>, %arg8: memref<512xi32, #tpu.memory_space<vmem>>, %arg9: memref<512xi32, #tpu.memory_space<vmem>>, %arg10: memref<4x128xi32, #tpu.memory_space<vmem>>, %arg11: memref<4x128xi32, #tpu.memory_space<vmem>>, %arg12: memref<512x64xf32, #tpu.memory_space<vmem>>, %arg13: memref<512x64xf32, #tpu.memory_space<vmem>>, %arg14: memref<2304x64xf32, #tpu.memory_space<vmem_shared>>, %arg15: memref<!tpu.dma_semaphore, #tpu.memory_space<semaphore_mem>>, %arg16: memref<!tpu.dma_semaphore, #tpu.memory_space<semaphore_mem>>, %arg17: memref<!tpu.dma_semaphore, #tpu.memory_space<semaphore_mem>>, %arg18: memref<!tpu.dma_semaphore, #tpu.memory_space<semaphore_mem>>, %arg19: memref<!tpu.dma_semaphore, #tpu.memory_space<semaphore_mem>>, %arg20: memref<!tpu.dma_semaphore, #tpu.memory_space<semaphore_mem>>) attributes {dimension_semantics = [#tpu.dimension_semantics<core_parallel>, #tpu.dimension_semantics<subcore_parallel>], iteration_bounds = array<i64: 2, 16>, scalar_prefetch = 0 : i64, scratch_operands = 15 : i64, tpu.core_type = #tpu.core_type<sc_vector_subcore>, window_params = [{transform_indices = #map}, {transform_indices = #map}, {transform_indices = #map1}, {transform_indices = #map1}]} {
    %mul3A = arith.constant 2 : i32
    %mul3A_0 = arith.muli %arg1, %mul3A : i32
    %add3A = arith.addi %mul3A_0, %arg0 : i32
    %mul3A_1 = arith.constant 102400 : i32
    %mul3A_2 = arith.muli %add3A, %mul3A_1 : i32
    %mul3A_3 = arith.constant 72 : i32
    %mul3A_4 = arith.muli %add3A, %mul3A_3 : i32
    %eq3A = arith.constant 0 : i32
    %eq3A_5 = arith.cmpi eq, %arg1, %eq3A : i32
    %convert_element_type3A = arith.extui %eq3A_5 : i1 to i32
    %cond3A = arith.constant 0 : i32
    %cond3A_6 = arith.cmpi ne, %convert_element_type3A, %cond3A : i32
    scf.if %cond3A_6 {
      "tpu.region"() ({
        %run_scoped3A = tpu.sem_alloc : memref<!tpu.dma_semaphore, #tpu.memory_space<semaphore_mem>>
        tpu.enqueue_dma source(%arg4 : memref<2304x64xf32, #tpu.memory_space<hbm>>) target(%arg14 : memref<2304x64xf32, #tpu.memory_space<vmem_shared>>) target_semaphore(%run_scoped3A : memref<!tpu.dma_semaphore, #tpu.memory_space<semaphore_mem>>)
        tpu.wait_dma2 semaphore(%run_scoped3A : memref<!tpu.dma_semaphore, #tpu.memory_space<semaphore_mem>>) src(%arg4 : memref<2304x64xf32, #tpu.memory_space<hbm>>) dst(%arg14 : memref<2304x64xf32, #tpu.memory_space<vmem_shared>>)
        tpu.yield
      }) : () -> ()
    } else {
    }
    %barrier3A = arith.constant 0 : index
    tpu.barrier barrier_id(%barrier3A)
    %add3A_7 = arith.constant 0 : i32
    %add3A_8 = arith.addi %mul3A_2, %add3A_7 : i32
    %dma_start3A = tpu.memref_slice %arg2[%add3A_8] : memref<3276800xi32, #tpu.memory_space<hbm>> -> memref<512xi32, #tpu.memory_space<hbm>>
    %dma_start3A_9 = tpu.memref_slice %arg2[%add3A_8] : memref<3276800xi32, #tpu.memory_space<hbm>> -> memref<512xi32, #tpu.memory_space<hbm>>
    tpu.enqueue_dma source(%dma_start3A_9 : memref<512xi32, #tpu.memory_space<hbm>>) target(%arg6 : memref<512xi32, #tpu.memory_space<vmem>>) target_semaphore(%arg15 : memref<!tpu.dma_semaphore, #tpu.memory_space<semaphore_mem>>)
    %dma_start3A_10 = tpu.memref_slice %arg3[%add3A_8] : memref<3276800xi32, #tpu.memory_space<hbm>> -> memref<512xi32, #tpu.memory_space<hbm>>
    %dma_start3A_11 = tpu.memref_slice %arg3[%add3A_8] : memref<3276800xi32, #tpu.memory_space<hbm>> -> memref<512xi32, #tpu.memory_space<hbm>>
    tpu.enqueue_dma source(%dma_start3A_11 : memref<512xi32, #tpu.memory_space<hbm>>) target(%arg8 : memref<512xi32, #tpu.memory_space<vmem>>) target_semaphore(%arg15 : memref<!tpu.dma_semaphore, #tpu.memory_space<semaphore_mem>>)
    %add3A_12 = arith.constant 512 : i32
    %add3A_13 = arith.addi %mul3A_2, %add3A_12 : i32
    %dma_start3A_14 = tpu.memref_slice %arg2[%add3A_13] : memref<3276800xi32, #tpu.memory_space<hbm>> -> memref<512xi32, #tpu.memory_space<hbm>>
    %dma_start3A_15 = tpu.memref_slice %arg2[%add3A_13] : memref<3276800xi32, #tpu.memory_space<hbm>> -> memref<512xi32, #tpu.memory_space<hbm>>
    tpu.enqueue_dma source(%dma_start3A_15 : memref<512xi32, #tpu.memory_space<hbm>>) target(%arg7 : memref<512xi32, #tpu.memory_space<vmem>>) target_semaphore(%arg16 : memref<!tpu.dma_semaphore, #tpu.memory_space<semaphore_mem>>)
    %dma_start3A_16 = tpu.memref_slice %arg3[%add3A_13] : memref<3276800xi32, #tpu.memory_space<hbm>> -> memref<512xi32, #tpu.memory_space<hbm>>
    %dma_start3A_17 = tpu.memref_slice %arg3[%add3A_13] : memref<3276800xi32, #tpu.memory_space<hbm>> -> memref<512xi32, #tpu.memory_space<hbm>>
    tpu.enqueue_dma source(%dma_start3A_17 : memref<512xi32, #tpu.memory_space<hbm>>) target(%arg9 : memref<512xi32, #tpu.memory_space<vmem>>) target_semaphore(%arg16 : memref<!tpu.dma_semaphore, #tpu.memory_space<semaphore_mem>>)
    %dma_wait3A = arith.constant 0 : i32
    %dma_wait3A_18 = tpu.memref_slice %arg2[%dma_wait3A] : memref<3276800xi32, #tpu.memory_space<hbm>> -> memref<512xi32, #tpu.memory_space<hbm>>
    %dma_wait3A_19 = arith.constant 0 : i32
    %dma_wait3A_20 = tpu.memref_slice %arg2[%dma_wait3A_19] : memref<3276800xi32, #tpu.memory_space<hbm>> -> memref<512xi32, #tpu.memory_space<hbm>>
    tpu.wait_dma2 semaphore(%arg15 : memref<!tpu.dma_semaphore, #tpu.memory_space<semaphore_mem>>) src(%dma_wait3A_20 : memref<512xi32, #tpu.memory_space<hbm>>) dst(%arg6 : memref<512xi32, #tpu.memory_space<vmem>>)
    %dma_wait3A_21 = arith.constant 0 : i32
    %dma_wait3A_22 = tpu.memref_slice %arg3[%dma_wait3A_21] : memref<3276800xi32, #tpu.memory_space<hbm>> -> memref<512xi32, #tpu.memory_space<hbm>>
    %dma_wait3A_23 = arith.constant 0 : i32
    %dma_wait3A_24 = tpu.memref_slice %arg3[%dma_wait3A_23] : memref<3276800xi32, #tpu.memory_space<hbm>> -> memref<512xi32, #tpu.memory_space<hbm>>
    tpu.wait_dma2 semaphore(%arg15 : memref<!tpu.dma_semaphore, #tpu.memory_space<semaphore_mem>>) src(%dma_wait3A_24 : memref<512xi32, #tpu.memory_space<hbm>>) dst(%arg8 : memref<512xi32, #tpu.memory_space<vmem>>)
    %get3A = arith.constant 0 : index
    %get3A_25 = tpu.vector_load %arg6[%get3A] {strides = array<i32>} : memref<512xi32, #tpu.memory_space<vmem>>, vector<16xi32>,
    %get3A_26 = vector.shape_cast %get3A_25 : vector<16xi32> to vector<16xi32>
    %get3A_27 = arith.constant 0 : index
    %get3A_28 = tpu.vector_load %arg8[%get3A_27] {strides = array<i32>} : memref<512xi32, #tpu.memory_space<vmem>>, vector<16xi32>,
    %get3A_29 = vector.shape_cast %get3A_28 : vector<16xi32> to vector<16xi32>
    %mul3A_30 = arith.constant 5 : i32
    %mul3A_31 = vector.broadcast %mul3A_30 : i32 to vector<16xi32>
    %mul3A_32 = arith.muli %get3A_26, %mul3A_31 : vector<16xi32>
    %add3A_33 = arith.addi %mul3A_32, %get3A_29 : vector<16xi32>
    %add3A_34 = vector.broadcast %mul3A_4 : i32 to vector<16xi32>
    %add3A_35 = arith.addi %add3A_33, %add3A_34 : vector<16xi32>
    %swap3A = arith.constant 0 : i32
    %swap3A_36 = arith.index_cast %swap3A : i32 to index
    %swap3A_37 = arith.constant 0 : index
    %swap3A_38 = tpu.vector_load %arg10[%swap3A_36, %swap3A_37] {strides = array<i32>} : memref<4x128xi32, #tpu.memory_space<vmem>>, vector<1x16xi32>,
    %swap3A_39 = vector.shape_cast %swap3A_38 : vector<1x16xi32> to vector<16xi32>
    %swap3A_40 = vector.shape_cast %add3A_35 : vector<16xi32> to vector<1x16xi32>
    tpu.vector_store %arg10[%swap3A_36, %swap3A_37], %swap3A_40 {strides = array<i32>} : memref<4x128xi32, #tpu.memory_space<vmem>>, vector<1x16xi32>,
    %get3A_41 = arith.constant 16 : index
    %get3A_42 = tpu.vector_load %arg6[%get3A_41] {strides = array<i32>} : memref<512xi32, #tpu.memory_space<vmem>>, vector<16xi32>,
    %get3A_43 = vector.shape_cast %get3A_42 : vector<16xi32> to vector<16xi32>
    %get3A_44 = arith.constant 16 : index
    %get3A_45 = tpu.vector_load %arg8[%get3A_44] {strides = array<i32>} : memref<512xi32, #tpu.memory_space<vmem>>, vector<16xi32>,
    %get3A_46 = vector.shape_cast %get3A_45 : vector<16xi32> to vector<16xi32>
    %mul3A_47 = arith.constant 5 : i32
    %mul3A_48 = vector.broadcast %mul3A_47 : i32 to vector<16xi32>
    %mul3A_49 = arith.muli %get3A_43, %mul3A_48 : vector<16xi32>
    %add3A_50 = arith.addi %mul3A_49, %get3A_46 : vector<16xi32>
    %add3A_51 = vector.broadcast %mul3A_4 : i32 to vector<16xi32>
    %add3A_52 = arith.addi %add3A_50, %add3A_51 : vector<16xi32>
    %swap3A_53 = arith.constant 0 : i32
    %swap3A_54 = arith.index_cast %swap3A_53 : i32 to index
    %swap3A_55 = arith.constant 16 : index
    %swap3A_56 = tpu.vector_load %arg10[%swap3A_54, %swap3A_55] {strides = array<i32>} : memref<4x128xi32, #tpu.memory_space<vmem>>, vector<1x16xi32>,
    %swap3A_57 = vector.shape_cast %swap3A_56 : vector<1x16xi32> to vector<16xi32>
    %swap3A_58 = vector.shape_cast %add3A_52 : vector<16xi32> to vector<1x16xi32>
    tpu.vector_store %arg10[%swap3A_54, %swap3A_55], %swap3A_58 {strides = array<i32>} : memref<4x128xi32, #tpu.memory_space<vmem>>, vector<1x16xi32>,
    %get3A_59 = arith.constant 32 : index
    %get3A_60 = tpu.vector_load %arg6[%get3A_59] {strides = array<i32>} : memref<512xi32, #tpu.memory_space<vmem>>, vector<16xi32>,
    %get3A_61 = vector.shape_cast %get3A_60 : vector<16xi32> to vector<16xi32>
    %get3A_62 = arith.constant 32 : index
    %get3A_63 = tpu.vector_load %arg8[%get3A_62] {strides = array<i32>} : memref<512xi32, #tpu.memory_space<vmem>>, vector<16xi32>,
    %get3A_64 = vector.shape_cast %get3A_63 : vector<16xi32> to vector<16xi32>
    %mul3A_65 = arith.constant 5 : i32
    %mul3A_66 = vector.broadcast %mul3A_65 : i32 to vector<16xi32>
    %mul3A_67 = arith.muli %get3A_61, %mul3A_66 : vector<16xi32>
    %add3A_68 = arith.addi %mul3A_67, %get3A_64 : vector<16xi32>
    %add3A_69 = vector.broadcast %mul3A_4 : i32 to vector<16xi32>
    %add3A_70 = arith.addi %add3A_68, %add3A_69 : vector<16xi32>
    %swap3A_71 = arith.constant 0 : i32
    %swap3A_72 = arith.index_cast %swap3A_71 : i32 to index
    %swap3A_73 = arith.constant 32 : index
    %swap3A_74 = tpu.vector_load %arg10[%swap3A_72, %swap3A_73] {strides = array<i32>} : memref<4x128xi32, #tpu.memory_space<vmem>>, vector<1x16xi32>,
    %swap3A_75 = vector.shape_cast %swap3A_74 : vector<1x16xi32> to vector<16xi32>
    %swap3A_76 = vector.shape_cast %add3A_70 : vector<16xi32> to vector<1x16xi32>
    tpu.vector_store %arg10[%swap3A_72, %swap3A_73], %swap3A_76 {strides = array<i32>} : memref<4x128xi32, #tpu.memory_space<vmem>>, vector<1x16xi32>,
    %get3A_77 = arith.constant 48 : index
    %get3A_78 = tpu.vector_load %arg6[%get3A_77] {strides = array<i32>} : memref<512xi32, #tpu.memory_space<vmem>>, vector<16xi32>,
    %get3A_79 = vector.shape_cast %get3A_78 : vector<16xi32> to vector<16xi32>
    %get3A_80 = arith.constant 48 : index
    %get3A_81 = tpu.vector_load %arg8[%get3A_80] {strides = array<i32>} : memref<512xi32, #tpu.memory_space<vmem>>, vector<16xi32>,
    %get3A_82 = vector.shape_cast %get3A_81 : vector<16xi32> to vector<16xi32>
    %mul3A_83 = arith.constant 5 : i32
    %mul3A_84 = vector.broadcast %mul3A_83 : i32 to vector<16xi32>
    %mul3A_85 = arith.muli %get3A_79, %mul3A_84 : vector<16xi32>
    %add3A_86 = arith.addi %mul3A_85, %get3A_82 : vector<16xi32>
    %add3A_87 = vector.broadcast %mul3A_4 : i32 to vector<16xi32>
    %add3A_88 = arith.addi %add3A_86, %add3A_87 : vector<16xi32>
    %swap3A_89 = arith.constant 0 : i32
    %swap3A_90 = arith.index_cast %swap3A_89 : i32 to index
    %swap3A_91 = arith.constant 48 : index
    %swap3A_92 = tpu.vector_load %arg10[%swap3A_90, %swap3A_91] {strides = array<i32>} : memref<4x128xi32, #tpu.memory_space<vmem>>, vector<1x16xi32>,
    %swap3A_93 = vector.shape_cast %swap3A_92 : vector<1x16xi32> to vector<16xi32>
    %swap3A_94 = vector.shape_cast %add3A_88 : vector<16xi32> to vector<1x16xi32>
    tpu.vector_store %arg10[%swap3A_90, %swap3A_91], %swap3A_94 {strides = array<i32>} : memref<4x128xi32, #tpu.memory_space<vmem>>, vector<1x16xi32>,
    %get3A_95 = arith.constant 64 : index
    %get3A_96 = tpu.vector_load %arg6[%get3A_95] {strides = array<i32>} : memref<512xi32, #tpu.memory_space<vmem>>, vector<16xi32>,
    %get3A_97 = vector.shape_cast %get3A_96 : vector<16xi32> to vector<16xi32>
    %get3A_98 = arith.constant 64 : index
    %get3A_99 = tpu.vector_load %arg8[%get3A_98] {strides = array<i32>} : memref<512xi32, #tpu.memory_space<vmem>>, vector<16xi32>,
    %get3A_100 = vector.shape_cast %get3A_99 : vector<16xi32> to vector<16xi32>
    %mul3A_101 = arith.constant 5 : i32
    %mul3A_102 = vector.broadcast %mul3A_101 : i32 to vector<16xi32>
    %mul3A_103 = arith.muli %get3A_97, %mul3A_102 : vector<16xi32>
    %add3A_104 = arith.addi %mul3A_103, %get3A_100 : vector<16xi32>
    %add3A_105 = vector.broadcast %mul3A_4 : i32 to vector<16xi32>
    %add3A_106 = arith.addi %add3A_104, %add3A_105 : vector<16xi32>
    %swap3A_107 = arith.constant 0 : i32
    %swap3A_108 = arith.index_cast %swap3A_107 : i32 to index
    %swap3A_109 = arith.constant 64 : index
    %swap3A_110 = tpu.vector_load %arg10[%swap3A_108, %swap3A_109] {strides = array<i32>} : memref<4x128xi32, #tpu.memory_space<vmem>>, vector<1x16xi32>,
    %swap3A_111 = vector.shape_cast %swap3A_110 : vector<1x16xi32> to vector<16xi32>
    %swap3A_112 = vector.shape_cast %add3A_106 : vector<16xi32> to vector<1x16xi32>
    tpu.vector_store %arg10[%swap3A_108, %swap3A_109], %swap3A_112 {strides = array<i32>} : memref<4x128xi32, #tpu.memory_space<vmem>>, vector<1x16xi32>,
    %get3A_113 = arith.constant 80 : index
    %get3A_114 = tpu.vector_load %arg6[%get3A_113] {strides = array<i32>} : memref<512xi32, #tpu.memory_space<vmem>>, vector<16xi32>,
    %get3A_115 = vector.shape_cast %get3A_114 : vector<16xi32> to vector<16xi32>
    %get3A_116 = arith.constant 80 : index
    %get3A_117 = tpu.vector_load %arg8[%get3A_116] {strides = array<i32>} : memref<512xi32, #tpu.memory_space<vmem>>, vector<16xi32>,
    %get3A_118 = vector.shape_cast %get3A_117 : vector<16xi32> to vector<16xi32>
    %mul3A_119 = arith.constant 5 : i32
    %mul3A_120 = vector.broadcast %mul3A_119 : i32 to vector<16xi32>
    %mul3A_121 = arith.muli %get3A_115, %mul3A_120 : vector<16xi32>
    %add3A_122 = arith.addi %mul3A_121, %get3A_118 : vector<16xi32>
    %add3A_123 = vector.broadcast %mul3A_4 : i32 to vector<16xi32>
    %add3A_124 = arith.addi %add3A_122, %add3A_123 : vector<16xi32>
    %swap3A_125 = arith.constant 0 : i32
    %swap3A_126 = arith.index_cast %swap3A_125 : i32 to index
    %swap3A_127 = arith.constant 80 : index
    %swap3A_128 = tpu.vector_load %arg10[%swap3A_126, %swap3A_127] {strides = array<i32>} : memref<4x128xi32, #tpu.memory_space<vmem>>, vector<1x16xi32>,
    %swap3A_129 = vector.shape_cast %swap3A_128 : vector<1x16xi32> to vector<16xi32>
    %swap3A_130 = vector.shape_cast %add3A_124 : vector<16xi32> to vector<1x16xi32>
    tpu.vector_store %arg10[%swap3A_126, %swap3A_127], %swap3A_130 {strides = array<i32>} : memref<4x128xi32, #tpu.memory_space<vmem>>, vector<1x16xi32>,
    %get3A_131 = arith.constant 96 : index
    %get3A_132 = tpu.vector_load %arg6[%get3A_131] {strides = array<i32>} : memref<512xi32, #tpu.memory_space<vmem>>, vector<16xi32>,
    %get3A_133 = vector.shape_cast %get3A_132 : vector<16xi32> to vector<16xi32>
    %get3A_134 = arith.constant 96 : index
    %get3A_135 = tpu.vector_load %arg8[%get3A_134] {strides = array<i32>} : memref<512xi32, #tpu.memory_space<vmem>>, vector<16xi32>,
    %get3A_136 = vector.shape_cast %get3A_135 : vector<16xi32> to vector<16xi32>
    %mul3A_137 = arith.constant 5 : i32
    %mul3A_138 = vector.broadcast %mul3A_137 : i32 to vector<16xi32>
    %mul3A_139 = arith.muli %get3A_133, %mul3A_138 : vector<16xi32>
    %add3A_140 = arith.addi %mul3A_139, %get3A_136 : vector<16xi32>
    %add3A_141 = vector.broadcast %mul3A_4 : i32 to vector<16xi32>
    %add3A_142 = arith.addi %add3A_140, %add3A_141 : vector<16xi32>
    %swap3A_143 = arith.constant 0 : i32
    %swap3A_144 = arith.index_cast %swap3A_143 : i32 to index
    %swap3A_145 = arith.constant 96 : index
    %swap3A_146 = tpu.vector_load %arg10[%swap3A_144, %swap3A_145] {strides = array<i32>} : memref<4x128xi32, #tpu.memory_space<vmem>>, vector<1x16xi32>,
    %swap3A_147 = vector.shape_cast %swap3A_146 : vector<1x16xi32> to vector<16xi32>
    %swap3A_148 = vector.shape_cast %add3A_142 : vector<16xi32> to vector<1x16xi32>
    tpu.vector_store %arg10[%swap3A_144, %swap3A_145], %swap3A_148 {strides = array<i32>} : memref<4x128xi32, #tpu.memory_space<vmem>>, vector<1x16xi32>,
    %get3A_149 = arith.constant 112 : index
    %get3A_150 = tpu.vector_load %arg6[%get3A_149] {strides = array<i32>} : memref<512xi32, #tpu.memory_space<vmem>>, vector<16xi32>,
    %get3A_151 = vector.shape_cast %get3A_150 : vector<16xi32> to vector<16xi32>
    %get3A_152 = arith.constant 112 : index
    %get3A_153 = tpu.vector_load %arg8[%get3A_152] {strides = array<i32>} : memref<512xi32, #tpu.memory_space<vmem>>, vector<16xi32>,
    %get3A_154 = vector.shape_cast %get3A_153 : vector<16xi32> to vector<16xi32>
    %mul3A_155 = arith.constant 5 : i32
    %mul3A_156 = vector.broadcast %mul3A_155 : i32 to vector<16xi32>
    %mul3A_157 = arith.muli %get3A_151, %mul3A_156 : vector<16xi32>
    %add3A_158 = arith.addi %mul3A_157, %get3A_154 : vector<16xi32>
    %add3A_159 = vector.broadcast %mul3A_4 : i32 to vector<16xi32>
    %add3A_160 = arith.addi %add3A_158, %add3A_159 : vector<16xi32>
    %swap3A_161 = arith.constant 0 : i32
    %swap3A_162 = arith.index_cast %swap3A_161 : i32 to index
    %swap3A_163 = arith.constant 112 : index
    %swap3A_164 = tpu.vector_load %arg10[%swap3A_162, %swap3A_163] {strides = array<i32>} : memref<4x128xi32, #tpu.memory_space<vmem>>, vector<1x16xi32>,
    %swap3A_165 = vector.shape_cast %swap3A_164 : vector<1x16xi32> to vector<16xi32>
    %swap3A_166 = vector.shape_cast %add3A_160 : vector<16xi32> to vector<1x16xi32>
    tpu.vector_store %arg10[%swap3A_162, %swap3A_163], %swap3A_166 {strides = array<i32>} : memref<4x128xi32, #tpu.memory_space<vmem>>, vector<1x16xi32>,
    %get3A_167 = arith.constant 128 : index
    %get3A_168 = tpu.vector_load %arg6[%get3A_167] {strides = array<i32>} : memref<512xi32, #tpu.memory_space<vmem>>, vector<16xi32>,
    %get3A_169 = vector.shape_cast %get3A_168 : vector<16xi32> to vector<16xi32>
    %get3A_170 = arith.constant 128 : index
    %get3A_171 = tpu.vector_load %arg8[%get3A_170] {strides = array<i32>} : memref<512xi32, #tpu.memory_space<vmem>>, vector<16xi32>,
    %get3A_172 = vector.shape_cast %get3A_171 : vector<16xi32> to vector<16xi32>
    %mul3A_173 = arith.constant 5 : i32
    %mul3A_174 = vector.broadcast %mul3A_173 : i32 to vector<16xi32>
    %mul3A_175 = arith.muli %get3A_169, %mul3A_174 : vector<16xi32>
    %add3A_176 = arith.addi %mul3A_175, %get3A_172 : vector<16xi32>
    %add3A_177 = vector.broadcast %mul3A_4 : i32 to vector<16xi32>
    %add3A_178 = arith.addi %add3A_176, %add3A_177 : vector<16xi32>
    %swap3A_179 = arith.constant 1 : i32
    %swap3A_180 = arith.index_cast %swap3A_179 : i32 to index
    %swap3A_181 = arith.constant 0 : index
    %swap3A_182 = tpu.vector_load %arg10[%swap3A_180, %swap3A_181] {strides = array<i32>} : memref<4x128xi32, #tpu.memory_space<vmem>>, vector<1x16xi32>,
    %swap3A_183 = vector.shape_cast %swap3A_182 : vector<1x16xi32> to vector<16xi32>
    %swap3A_184 = vector.shape_cast %add3A_178 : vector<16xi32> to vector<1x16xi32>
    tpu.vector_store %arg10[%swap3A_180, %swap3A_181], %swap3A_184 {strides = array<i32>} : memref<4x128xi32, #tpu.memory_space<vmem>>, vector<1x16xi32>,
    %get3A_185 = arith.constant 144 : index
    %get3A_186 = tpu.vector_load %arg6[%get3A_185] {strides = array<i32>} : memref<512xi32, #tpu.memory_space<vmem>>, vector<16xi32>,
    %get3A_187 = vector.shape_cast %get3A_186 : vector<16xi32> to vector<16xi32>
    %get3A_188 = arith.constant 144 : index
    %get3A_189 = tpu.vector_load %arg8[%get3A_188] {strides = array<i32>} : memref<512xi32, #tpu.memory_space<vmem>>, vector<16xi32>,
    %get3A_190 = vector.shape_cast %get3A_189 : vector<16xi32> to vector<16xi32>
    %mul3A_191 = arith.constant 5 : i32
    %mul3A_192 = vector.broadcast %mul3A_191 : i32 to vector<16xi32>
    %mul3A_193 = arith.muli %get3A_187, %mul3A_192 : vector<16xi32>
    %add3A_194 = arith.addi %mul3A_193, %get3A_190 : vector<16xi32>
    %add3A_195 = vector.broadcast %mul3A_4 : i32 to vector<16xi32>
    %add3A_196 = arith.addi %add3A_194, %add3A_195 : vector<16xi32>
    %swap3A_197 = arith.constant 1 : i32
    %swap3A_198 = arith.index_cast %swap3A_197 : i32 to index
    %swap3A_199 = arith.constant 16 : index
    %swap3A_200 = tpu.vector_load %arg10[%swap3A_198, %swap3A_199] {strides = array<i32>} : memref<4x128xi32, #tpu.memory_space<vmem>>, vector<1x16xi32>,
    %swap3A_201 = vector.shape_cast %swap3A_200 : vector<1x16xi32> to vector<16xi32>
    %swap3A_202 = vector.shape_cast %add3A_196 : vector<16xi32> to vector<1x16xi32>
    tpu.vector_store %arg10[%swap3A_198, %swap3A_199], %swap3A_202 {strides = array<i32>} : memref<4x128xi32, #tpu.memory_space<vmem>>, vector<1x16xi32>,
    %get3A_203 = arith.constant 160 : index
    %get3A_204 = tpu.vector_load %arg6[%get3A_203] {strides = array<i32>} : memref<512xi32, #tpu.memory_space<vmem>>, vector<16xi32>,
    %get3A_205 = vector.shape_cast %get3A_204 : vector<16xi32> to vector<16xi32>
    %get3A_206 = arith.constant 160 : index
    %get3A_207 = tpu.vector_load %arg8[%get3A_206] {strides = array<i32>} : memref<512xi32, #tpu.memory_space<vmem>>, vector<16xi32>,
    %get3A_208 = vector.shape_cast %get3A_207 : vector<16xi32> to vector<16xi32>
    %mul3A_209 = arith.constant 5 : i32
    %mul3A_210 = vector.broadcast %mul3A_209 : i32 to vector<16xi32>
    %mul3A_211 = arith.muli %get3A_205, %mul3A_210 : vector<16xi32>
    %add3A_212 = arith.addi %mul3A_211, %get3A_208 : vector<16xi32>
    %add3A_213 = vector.broadcast %mul3A_4 : i32 to vector<16xi32>
    %add3A_214 = arith.addi %add3A_212, %add3A_213 : vector<16xi32>
    %swap3A_215 = arith.constant 1 : i32
    %swap3A_216 = arith.index_cast %swap3A_215 : i32 to index
    %swap3A_217 = arith.constant 32 : index
    %swap3A_218 = tpu.vector_load %arg10[%swap3A_216, %swap3A_217] {strides = array<i32>} : memref<4x128xi32, #tpu.memory_space<vmem>>, vector<1x16xi32>,
    %swap3A_219 = vector.shape_cast %swap3A_218 : vector<1x16xi32> to vector<16xi32>
    %swap3A_220 = vector.shape_cast %add3A_214 : vector<16xi32> to vector<1x16xi32>
    tpu.vector_store %arg10[%swap3A_216, %swap3A_217], %swap3A_220 {strides = array<i32>} : memref<4x128xi32, #tpu.memory_space<vmem>>, vector<1x16xi32>,
    %get3A_221 = arith.constant 176 : index
    %get3A_222 = tpu.vector_load %arg6[%get3A_221] {strides = array<i32>} : memref<512xi32, #tpu.memory_space<vmem>>, vector<16xi32>,
    %get3A_223 = vector.shape_cast %get3A_222 : vector<16xi32> to vector<16xi32>
    %get3A_224 = arith.constant 176 : index
    %get3A_225 = tpu.vector_load %arg8[%get3A_224] {strides = array<i32>} : memref<512xi32, #tpu.memory_space<vmem>>, vector<16xi32>,
    %get3A_226 = vector.shape_cast %get3A_225 : vector<16xi32> to vector<16xi32>
    %mul3A_227 = arith.constant 5 : i32
    %mul3A_228 = vector.broadcast %mul3A_227 : i32 to vector<16xi32>
    %mul3A_229 = arith.muli %get3A_223, %mul3A_228 : vector<16xi32>
    %add3A_230 = arith.addi %mul3A_229, %get3A_226 : vector<16xi32>
    %add3A_231 = vector.broadcast %mul3A_4 : i32 to vector<16xi32>
    %add3A_232 = arith.addi %add3A_230, %add3A_231 : vector<16xi32>
    %swap3A_233 = arith.constant 1 : i32
    %swap3A_234 = arith.index_cast %swap3A_233 : i32 to index
    %swap3A_235 = arith.constant 48 : index
    %swap3A_236 = tpu.vector_load %arg10[%swap3A_234, %swap3A_235] {strides = array<i32>} : memref<4x128xi32, #tpu.memory_space<vmem>>, vector<1x16xi32>,
    %swap3A_237 = vector.shape_cast %swap3A_236 : vector<1x16xi32> to vector<16xi32>
    %swap3A_238 = vector.shape_cast %add3A_232 : vector<16xi32> to vector<1x16xi32>
    tpu.vector_store %arg10[%swap3A_234, %swap3A_235], %swap3A_238 {strides = array<i32>} : memref<4x128xi32, #tpu.memory_space<vmem>>, vector<1x16xi32>,
    %get3A_239 = arith.constant 192 : index
    %get3A_240 = tpu.vector_load %arg6[%get3A_239] {strides = array<i32>} : memref<512xi32, #tpu.memory_space<vmem>>, vector<16xi32>,
    %get3A_241 = vector.shape_cast %get3A_240 : vector<16xi32> to vector<16xi32>
    %get3A_242 = arith.constant 192 : index
    %get3A_243 = tpu.vector_load %arg8[%get3A_242] {strides = array<i32>} : memref<512xi32, #tpu.memory_space<vmem>>, vector<16xi32>,
    %get3A_244 = vector.shape_cast %get3A_243 : vector<16xi32> to vector<16xi32>
    %mul3A_245 = arith.constant 5 : i32
    %mul3A_246 = vector.broadcast %mul3A_245 : i32 to vector<16xi32>
    %mul3A_247 = arith.muli %get3A_241, %mul3A_246 : vector<16xi32>
    %add3A_248 = arith.addi %mul3A_247, %get3A_244 : vector<16xi32>
    %add3A_249 = vector.broadcast %mul3A_4 : i32 to vector<16xi32>
    %add3A_250 = arith.addi %add3A_248, %add3A_249 : vector<16xi32>
    %swap3A_251 = arith.constant 1 : i32
    %swap3A_252 = arith.index_cast %swap3A_251 : i32 to index
    %swap3A_253 = arith.constant 64 : index
    %swap3A_254 = tpu.vector_load %arg10[%swap3A_252, %swap3A_253] {strides = array<i32>} : memref<4x128xi32, #tpu.memory_space<vmem>>, vector<1x16xi32>,
    %swap3A_255 = vector.shape_cast %swap3A_254 : vector<1x16xi32> to vector<16xi32>
    %swap3A_256 = vector.shape_cast %add3A_250 : vector<16xi32> to vector<1x16xi32>
    tpu.vector_store %arg10[%swap3A_252, %swap3A_253], %swap3A_256 {strides = array<i32>} : memref<4x128xi32, #tpu.memory_space<vmem>>, vector<1x16xi32>,
    %get3A_257 = arith.constant 208 : index
    %get3A_258 = tpu.vector_load %arg6[%get3A_257] {strides = array<i32>} : memref<512xi32, #tpu.memory_space<vmem>>, vector<16xi32>,
    %get3A_259 = vector.shape_cast %get3A_258 : vector<16xi32> to vector<16xi32>
    %get3A_260 = arith.constant 208 : index
    %get3A_261 = tpu.vector_load %arg8[%get3A_260] {strides = array<i32>} : memref<512xi32, #tpu.memory_space<vmem>>, vector<16xi32>,
    %get3A_262 = vector.shape_cast %get3A_261 : vector<16xi32> to vector<16xi32>
    %mul3A_263 = arith.constant 5 : i32
    %mul3A_264 = vector.broadcast %mul3A_263 : i32 to vector<16xi32>
    %mul3A_265 = arith.muli %get3A_259, %mul3A_264 : vector<16xi32>
    %add3A_266 = arith.addi %mul3A_265, %get3A_262 : vector<16xi32>
    %add3A_267 = vector.broadcast %mul3A_4 : i32 to vector<16xi32>
    %add3A_268 = arith.addi %add3A_266, %add3A_267 : vector<16xi32>
    %swap3A_269 = arith.constant 1 : i32
    %swap3A_270 = arith.index_cast %swap3A_269 : i32 to index
    %swap3A_271 = arith.constant 80 : index
    %swap3A_272 = tpu.vector_load %arg10[%swap3A_270, %swap3A_271] {strides = array<i32>} : memref<4x128xi32, #tpu.memory_space<vmem>>, vector<1x16xi32>,
    %swap3A_273 = vector.shape_cast %swap3A_272 : vector<1x16xi32> to vector<16xi32>
    %swap3A_274 = vector.shape_cast %add3A_268 : vector<16xi32> to vector<1x16xi32>
    tpu.vector_store %arg10[%swap3A_270, %swap3A_271], %swap3A_274 {strides = array<i32>} : memref<4x128xi32, #tpu.memory_space<vmem>>, vector<1x16xi32>,
    %get3A_275 = arith.constant 224 : index
    %get3A_276 = tpu.vector_load %arg6[%get3A_275] {strides = array<i32>} : memref<512xi32, #tpu.memory_space<vmem>>, vector<16xi32>,
    %get3A_277 = vector.shape_cast %get3A_276 : vector<16xi32> to vector<16xi32>
    %get3A_278 = arith.constant 224 : index
    %get3A_279 = tpu.vector_load %arg8[%get3A_278] {strides = array<i32>} : memref<512xi32, #tpu.memory_space<vmem>>, vector<16xi32>,
    %get3A_280 = vector.shape_cast %get3A_279 : vector<16xi32> to vector<16xi32>
    %mul3A_281 = arith.constant 5 : i32
    %mul3A_282 = vector.broadcast %mul3A_281 : i32 to vector<16xi32>
    %mul3A_283 = arith.muli %get3A_277, %mul3A_282 : vector<16xi32>
    %add3A_284 = arith.addi %mul3A_283, %get3A_280 : vector<16xi32>
    %add3A_285 = vector.broadcast %mul3A_4 : i32 to vector<16xi32>
    %add3A_286 = arith.addi %add3A_284, %add3A_285 : vector<16xi32>
    %swap3A_287 = arith.constant 1 : i32
    %swap3A_288 = arith.index_cast %swap3A_287 : i32 to index
    %swap3A_289 = arith.constant 96 : index
    %swap3A_290 = tpu.vector_load %arg10[%swap3A_288, %swap3A_289] {strides = array<i32>} : memref<4x128xi32, #tpu.memory_space<vmem>>, vector<1x16xi32>,
    %swap3A_291 = vector.shape_cast %swap3A_290 : vector<1x16xi32> to vector<16xi32>
    %swap3A_292 = vector.shape_cast %add3A_286 : vector<16xi32> to vector<1x16xi32>
    tpu.vector_store %arg10[%swap3A_288, %swap3A_289], %swap3A_292 {strides = array<i32>} : memref<4x128xi32, #tpu.memory_space<vmem>>, vector<1x16xi32>,
    %get3A_293 = arith.constant 240 : index
    %get3A_294 = tpu.vector_load %arg6[%get3A_293] {strides = array<i32>} : memref<512xi32, #tpu.memory_space<vmem>>, vector<16xi32>,
    %get3A_295 = vector.shape_cast %get3A_294 : vector<16xi32> to vector<16xi32>
    %get3A_296 = arith.constant 240 : index
    %get3A_297 = tpu.vector_load %arg8[%get3A_296] {strides = array<i32>} : memref<512xi32, #tpu.memory_space<vmem>>, vector<16xi32>,
    %get3A_298 = vector.shape_cast %get3A_297 : vector<16xi32> to vector<16xi32>
    %mul3A_299 = arith.constant 5 : i32
    %mul3A_300 = vector.broadcast %mul3A_299 : i32 to vector<16xi32>
    %mul3A_301 = arith.muli %get3A_295, %mul3A_300 : vector<16xi32>
    %add3A_302 = arith.addi %mul3A_301, %get3A_298 : vector<16xi32>
    %add3A_303 = vector.broadcast %mul3A_4 : i32 to vector<16xi32>
    %add3A_304 = arith.addi %add3A_302, %add3A_303 : vector<16xi32>
    %swap3A_305 = arith.constant 1 : i32
    %swap3A_306 = arith.index_cast %swap3A_305 : i32 to index
    %swap3A_307 = arith.constant 112 : index
    %swap3A_308 = tpu.vector_load %arg10[%swap3A_306, %swap3A_307] {strides = array<i32>} : memref<4x128xi32, #tpu.memory_space<vmem>>, vector<1x16xi32>,
    %swap3A_309 = vector.shape_cast %swap3A_308 : vector<1x16xi32> to vector<16xi32>
    %swap3A_310 = vector.shape_cast %add3A_304 : vector<16xi32> to vector<1x16xi32>
    tpu.vector_store %arg10[%swap3A_306, %swap3A_307], %swap3A_310 {strides = array<i32>} : memref<4x128xi32, #tpu.memory_space<vmem>>, vector<1x16xi32>,
    %get3A_311 = arith.constant 256 : index
    %get3A_312 = tpu.vector_load %arg6[%get3A_311] {strides = array<i32>} : memref<512xi32, #tpu.memory_space<vmem>>, vector<16xi32>,
    %get3A_313 = vector.shape_cast %get3A_312 : vector<16xi32> to vector<16xi32>
    %get3A_314 = arith.constant 256 : index
    %get3A_315 = tpu.vector_load %arg8[%get3A_314] {strides = array<i32>} : memref<512xi32, #tpu.memory_space<vmem>>, vector<16xi32>,
    %get3A_316 = vector.shape_cast %get3A_315 : vector<16xi32> to vector<16xi32>
    %mul3A_317 = arith.constant 5 : i32
    %mul3A_318 = vector.broadcast %mul3A_317 : i32 to vector<16xi32>
    %mul3A_319 = arith.muli %get3A_313, %mul3A_318 : vector<16xi32>
    %add3A_320 = arith.addi %mul3A_319, %get3A_316 : vector<16xi32>
    %add3A_321 = vector.broadcast %mul3A_4 : i32 to vector<16xi32>
    %add3A_322 = arith.addi %add3A_320, %add3A_321 : vector<16xi32>
    %swap3A_323 = arith.constant 2 : i32
    %swap3A_324 = arith.index_cast %swap3A_323 : i32 to index
    %swap3A_325 = arith.constant 0 : index
    %swap3A_326 = tpu.vector_load %arg10[%swap3A_324, %swap3A_325] {strides = array<i32>} : memref<4x128xi32, #tpu.memory_space<vmem>>, vector<1x16xi32>,
    %swap3A_327 = vector.shape_cast %swap3A_326 : vector<1x16xi32> to vector<16xi32>
    %swap3A_328 = vector.shape_cast %add3A_322 : vector<16xi32> to vector<1x16xi32>
    tpu.vector_store %arg10[%swap3A_324, %swap3A_325], %swap3A_328 {strides = array<i32>} : memref<4x128xi32, #tpu.memory_space<vmem>>, vector<1x16xi32>,
    %get3A_329 = arith.constant 272 : index
    %get3A_330 = tpu.vector_load %arg6[%get3A_329] {strides = array<i32>} : memref<512xi32, #tpu.memory_space<vmem>>, vector<16xi32>,
    %get3A_331 = vector.shape_cast %get3A_330 : vector<16xi32> to vector<16xi32>
    %get3A_332 = arith.constant 272 : index
    %get3A_333 = tpu.vector_load %arg8[%get3A_332] {strides = array<i32>} : memref<512xi32, #tpu.memory_space<vmem>>, vector<16xi32>,
    %get3A_334 = vector.shape_cast %get3A_333 : vector<16xi32> to vector<16xi32>
    %mul3A_335 = arith.constant 5 : i32
    %mul3A_336 = vector.broadcast %mul3A_335 : i32 to vector<16xi32>
    %mul3A_337 = arith.muli %get3A_331, %mul3A_336 : vector<16xi32>
    %add3A_338 = arith.addi %mul3A_337, %get3A_334 : vector<16xi32>
    %add3A_339 = vector.broadcast %mul3A_4 : i32 to vector<16xi32>
    %add3A_340 = arith.addi %add3A_338, %add3A_339 : vector<16xi32>
    %swap3A_341 = arith.constant 2 : i32
    %swap3A_342 = arith.index_cast %swap3A_341 : i32 to index
    %swap3A_343 = arith.constant 16 : index
    %swap3A_344 = tpu.vector_load %arg10[%swap3A_342, %swap3A_343] {strides = array<i32>} : memref<4x128xi32, #tpu.memory_space<vmem>>, vector<1x16xi32>,
    %swap3A_345 = vector.shape_cast %swap3A_344 : vector<1x16xi32> to vector<16xi32>
    %swap3A_346 = vector.shape_cast %add3A_340 : vector<16xi32> to vector<1x16xi32>
    tpu.vector_store %arg10[%swap3A_342, %swap3A_343], %swap3A_346 {strides = array<i32>} : memref<4x128xi32, #tpu.memory_space<vmem>>, vector<1x16xi32>,
    %get3A_347 = arith.constant 288 : index
    %get3A_348 = tpu.vector_load %arg6[%get3A_347] {strides = array<i32>} : memref<512xi32, #tpu.memory_space<vmem>>, vector<16xi32>,
    %get3A_349 = vector.shape_cast %get3A_348 : vector<16xi32> to vector<16xi32>
    %get3A_350 = arith.constant 288 : index
    %get3A_351 = tpu.vector_load %arg8[%get3A_350] {strides = array<i32>} : memref<512xi32, #tpu.memory_space<vmem>>, vector<16xi32>,
    %get3A_352 = vector.shape_cast %get3A_351 : vector<16xi32> to vector<16xi32>
    %mul3A_353 = arith.constant 5 : i32
    %mul3A_354 = vector.broadcast %mul3A_353 : i32 to vector<16xi32>
    %mul3A_355 = arith.muli %get3A_349, %mul3A_354 : vector<16xi32>
    %add3A_356 = arith.addi %mul3A_355, %get3A_352 : vector<16xi32>
    %add3A_357 = vector.broadcast %mul3A_4 : i32 to vector<16xi32>
    %add3A_358 = arith.addi %add3A_356, %add3A_357 : vector<16xi32>
    %swap3A_359 = arith.constant 2 : i32
    %swap3A_360 = arith.index_cast %swap3A_359 : i32 to index
    %swap3A_361 = arith.constant 32 : index
    %swap3A_362 = tpu.vector_load %arg10[%swap3A_360, %swap3A_361] {strides = array<i32>} : memref<4x128xi32, #tpu.memory_space<vmem>>, vector<1x16xi32>,
    %swap3A_363 = vector.shape_cast %swap3A_362 : vector<1x16xi32> to vector<16xi32>
    %swap3A_364 = vector.shape_cast %add3A_358 : vector<16xi32> to vector<1x16xi32>
    tpu.vector_store %arg10[%swap3A_360, %swap3A_361], %swap3A_364 {strides = array<i32>} : memref<4x128xi32, #tpu.memory_space<vmem>>, vector<1x16xi32>,
    %get3A_365 = arith.constant 304 : index
    %get3A_366 = tpu.vector_load %arg6[%get3A_365] {strides = array<i32>} : memref<512xi32, #tpu.memory_space<vmem>>, vector<16xi32>,
    %get3A_367 = vector.shape_cast %get3A_366 : vector<16xi32> to vector<16xi32>
    %get3A_368 = arith.constant 304 : index
    %get3A_369 = tpu.vector_load %arg8[%get3A_368] {strides = array<i32>} : memref<512xi32, #tpu.memory_space<vmem>>, vector<16xi32>,
    %get3A_370 = vector.shape_cast %get3A_369 : vector<16xi32> to vector<16xi32>
    %mul3A_371 = arith.constant 5 : i32
    %mul3A_372 = vector.broadcast %mul3A_371 : i32 to vector<16xi32>
    %mul3A_373 = arith.muli %get3A_367, %mul3A_372 : vector<16xi32>
    %add3A_374 = arith.addi %mul3A_373, %get3A_370 : vector<16xi32>
    %add3A_375 = vector.broadcast %mul3A_4 : i32 to vector<16xi32>
    %add3A_376 = arith.addi %add3A_374, %add3A_375 : vector<16xi32>
    %swap3A_377 = arith.constant 2 : i32
    %swap3A_378 = arith.index_cast %swap3A_377 : i32 to index
    %swap3A_379 = arith.constant 48 : index
    %swap3A_380 = tpu.vector_load %arg10[%swap3A_378, %swap3A_379] {strides = array<i32>} : memref<4x128xi32, #tpu.memory_space<vmem>>, vector<1x16xi32>,
    %swap3A_381 = vector.shape_cast %swap3A_380 : vector<1x16xi32> to vector<16xi32>
    %swap3A_382 = vector.shape_cast %add3A_376 : vector<16xi32> to vector<1x16xi32>
    tpu.vector_store %arg10[%swap3A_378, %swap3A_379], %swap3A_382 {strides = array<i32>} : memref<4x128xi32, #tpu.memory_space<vmem>>, vector<1x16xi32>,
    %get3A_383 = arith.constant 320 : index
    %get3A_384 = tpu.vector_load %arg6[%get3A_383] {strides = array<i32>} : memref<512xi32, #tpu.memory_space<vmem>>, vector<16xi32>,
    %get3A_385 = vector.shape_cast %get3A_384 : vector<16xi32> to vector<16xi32>
    %get3A_386 = arith.constant 320 : index
    %get3A_387 = tpu.vector_load %arg8[%get3A_386] {strides = array<i32>} : memref<512xi32, #tpu.memory_space<vmem>>, vector<16xi32>,
    %get3A_388 = vector.shape_cast %get3A_387 : vector<16xi32> to vector<16xi32>
    %mul3A_389 = arith.constant 5 : i32
    %mul3A_390 = vector.broadcast %mul3A_389 : i32 to vector<16xi32>
    %mul3A_391 = arith.muli %get3A_385, %mul3A_390 : vector<16xi32>
    %add3A_392 = arith.addi %mul3A_391, %get3A_388 : vector<16xi32>
    %add3A_393 = vector.broadcast %mul3A_4 : i32 to vector<16xi32>
    %add3A_394 = arith.addi %add3A_392, %add3A_393 : vector<16xi32>
    %swap3A_395 = arith.constant 2 : i32
    %swap3A_396 = arith.index_cast %swap3A_395 : i32 to index
    %swap3A_397 = arith.constant 64 : index
    %swap3A_398 = tpu.vector_load %arg10[%swap3A_396, %swap3A_397] {strides = array<i32>} : memref<4x128xi32, #tpu.memory_space<vmem>>, vector<1x16xi32>,
    %swap3A_399 = vector.shape_cast %swap3A_398 : vector<1x16xi32> to vector<16xi32>
    %swap3A_400 = vector.shape_cast %add3A_394 : vector<16xi32> to vector<1x16xi32>
    tpu.vector_store %arg10[%swap3A_396, %swap3A_397], %swap3A_400 {strides = array<i32>} : memref<4x128xi32, #tpu.memory_space<vmem>>, vector<1x16xi32>,
    %get3A_401 = arith.constant 336 : index
    %get3A_402 = tpu.vector_load %arg6[%get3A_401] {strides = array<i32>} : memref<512xi32, #tpu.memory_space<vmem>>, vector<16xi32>,
    %get3A_403 = vector.shape_cast %get3A_402 : vector<16xi32> to vector<16xi32>
    %get3A_404 = arith.constant 336 : index
    %get3A_405 = tpu.vector_load %arg8[%get3A_404] {strides = array<i32>} : memref<512xi32, #tpu.memory_space<vmem>>, vector<16xi32>,
    %get3A_406 = vector.shape_cast %get3A_405 : vector<16xi32> to vector<16xi32>
    %mul3A_407 = arith.constant 5 : i32
    %mul3A_408 = vector.broadcast %mul3A_407 : i32 to vector<16xi32>
    %mul3A_409 = arith.muli %get3A_403, %mul3A_408 : vector<16xi32>
    %add3A_410 = arith.addi %mul3A_409, %get3A_406 : vector<16xi32>
    %add3A_411 = vector.broadcast %mul3A_4 : i32 to vector<16xi32>
    %add3A_412 = arith.addi %add3A_410, %add3A_411 : vector<16xi32>
    %swap3A_413 = arith.constant 2 : i32
    %swap3A_414 = arith.index_cast %swap3A_413 : i32 to index
    %swap3A_415 = arith.constant 80 : index
    %swap3A_416 = tpu.vector_load %arg10[%swap3A_414, %swap3A_415] {strides = array<i32>} : memref<4x128xi32, #tpu.memory_space<vmem>>, vector<1x16xi32>,
    %swap3A_417 = vector.shape_cast %swap3A_416 : vector<1x16xi32> to vector<16xi32>
    %swap3A_418 = vector.shape_cast %add3A_412 : vector<16xi32> to vector<1x16xi32>
    tpu.vector_store %arg10[%swap3A_414, %swap3A_415], %swap3A_418 {strides = array<i32>} : memref<4x128xi32, #tpu.memory_space<vmem>>, vector<1x16xi32>,
    %get3A_419 = arith.constant 352 : index
    %get3A_420 = tpu.vector_load %arg6[%get3A_419] {strides = array<i32>} : memref<512xi32, #tpu.memory_space<vmem>>, vector<16xi32>,
    %get3A_421 = vector.shape_cast %get3A_420 : vector<16xi32> to vector<16xi32>
    %get3A_422 = arith.constant 352 : index
    %get3A_423 = tpu.vector_load %arg8[%get3A_422] {strides = array<i32>} : memref<512xi32, #tpu.memory_space<vmem>>, vector<16xi32>,
    %get3A_424 = vector.shape_cast %get3A_423 : vector<16xi32> to vector<16xi32>
    %mul3A_425 = arith.constant 5 : i32
    %mul3A_426 = vector.broadcast %mul3A_425 : i32 to vector<16xi32>
    %mul3A_427 = arith.muli %get3A_421, %mul3A_426 : vector<16xi32>
    %add3A_428 = arith.addi %mul3A_427, %get3A_424 : vector<16xi32>
    %add3A_429 = vector.broadcast %mul3A_4 : i32 to vector<16xi32>
    %add3A_430 = arith.addi %add3A_428, %add3A_429 : vector<16xi32>
    %swap3A_431 = arith.constant 2 : i32
    %swap3A_432 = arith.index_cast %swap3A_431 : i32 to index
    %swap3A_433 = arith.constant 96 : index
    %swap3A_434 = tpu.vector_load %arg10[%swap3A_432, %swap3A_433] {strides = array<i32>} : memref<4x128xi32, #tpu.memory_space<vmem>>, vector<1x16xi32>,
    %swap3A_435 = vector.shape_cast %swap3A_434 : vector<1x16xi32> to vector<16xi32>
    %swap3A_436 = vector.shape_cast %add3A_430 : vector<16xi32> to vector<1x16xi32>
    tpu.vector_store %arg10[%swap3A_432, %swap3A_433], %swap3A_436 {strides = array<i32>} : memref<4x128xi32, #tpu.memory_space<vmem>>, vector<1x16xi32>,
    %get3A_437 = arith.constant 368 : index
    %get3A_438 = tpu.vector_load %arg6[%get3A_437] {strides = array<i32>} : memref<512xi32, #tpu.memory_space<vmem>>, vector<16xi32>,
    %get3A_439 = vector.shape_cast %get3A_438 : vector<16xi32> to vector<16xi32>
    %get3A_440 = arith.constant 368 : index
    %get3A_441 = tpu.vector_load %arg8[%get3A_440] {strides = array<i32>} : memref<512xi32, #tpu.memory_space<vmem>>, vector<16xi32>,
    %get3A_442 = vector.shape_cast %get3A_441 : vector<16xi32> to vector<16xi32>
    %mul3A_443 = arith.constant 5 : i32
    %mul3A_444 = vector.broadcast %mul3A_443 : i32 to vector<16xi32>
    %mul3A_445 = arith.muli %get3A_439, %mul3A_444 : vector<16xi32>
    %add3A_446 = arith.addi %mul3A_445, %get3A_442 : vector<16xi32>
    %add3A_447 = vector.broadcast %mul3A_4 : i32 to vector<16xi32>
    %add3A_448 = arith.addi %add3A_446, %add3A_447 : vector<16xi32>
    %swap3A_449 = arith.constant 2 : i32
    %swap3A_450 = arith.index_cast %swap3A_449 : i32 to index
    %swap3A_451 = arith.constant 112 : index
    %swap3A_452 = tpu.vector_load %arg10[%swap3A_450, %swap3A_451] {strides = array<i32>} : memref<4x128xi32, #tpu.memory_space<vmem>>, vector<1x16xi32>,
    %swap3A_453 = vector.shape_cast %swap3A_452 : vector<1x16xi32> to vector<16xi32>
    %swap3A_454 = vector.shape_cast %add3A_448 : vector<16xi32> to vector<1x16xi32>
    tpu.vector_store %arg10[%swap3A_450, %swap3A_451], %swap3A_454 {strides = array<i32>} : memref<4x128xi32, #tpu.memory_space<vmem>>, vector<1x16xi32>,
    %get3A_455 = arith.constant 384 : index
    %get3A_456 = tpu.vector_load %arg6[%get3A_455] {strides = array<i32>} : memref<512xi32, #tpu.memory_space<vmem>>, vector<16xi32>,
    %get3A_457 = vector.shape_cast %get3A_456 : vector<16xi32> to vector<16xi32>
    %get3A_458 = arith.constant 384 : index
    %get3A_459 = tpu.vector_load %arg8[%get3A_458] {strides = array<i32>} : memref<512xi32, #tpu.memory_space<vmem>>, vector<16xi32>,
    %get3A_460 = vector.shape_cast %get3A_459 : vector<16xi32> to vector<16xi32>
    %mul3A_461 = arith.constant 5 : i32
    %mul3A_462 = vector.broadcast %mul3A_461 : i32 to vector<16xi32>
    %mul3A_463 = arith.muli %get3A_457, %mul3A_462 : vector<16xi32>
    %add3A_464 = arith.addi %mul3A_463, %get3A_460 : vector<16xi32>
    %add3A_465 = vector.broadcast %mul3A_4 : i32 to vector<16xi32>
    %add3A_466 = arith.addi %add3A_464, %add3A_465 : vector<16xi32>
    %swap3A_467 = arith.constant 3 : i32
    %swap3A_468 = arith.index_cast %swap3A_467 : i32 to index
    %swap3A_469 = arith.constant 0 : index
    %swap3A_470 = tpu.vector_load %arg10[%swap3A_468, %swap3A_469] {strides = array<i32>} : memref<4x128xi32, #tpu.memory_space<vmem>>, vector<1x16xi32>,
    %swap3A_471 = vector.shape_cast %swap3A_470 : vector<1x16xi32> to vector<16xi32>
    %swap3A_472 = vector.shape_cast %add3A_466 : vector<16xi32> to vector<1x16xi32>
    tpu.vector_store %arg10[%swap3A_468, %swap3A_469], %swap3A_472 {strides = array<i32>} : memref<4x128xi32, #tpu.memory_space<vmem>>, vector<1x16xi32>,
    %get3A_473 = arith.constant 400 : index
    %get3A_474 = tpu.vector_load %arg6[%get3A_473] {strides = array<i32>} : memref<512xi32, #tpu.memory_space<vmem>>, vector<16xi32>,
    %get3A_475 = vector.shape_cast %get3A_474 : vector<16xi32> to vector<16xi32>
    %get3A_476 = arith.constant 400 : index
    %get3A_477 = tpu.vector_load %arg8[%get3A_476] {strides = array<i32>} : memref<512xi32, #tpu.memory_space<vmem>>, vector<16xi32>,
    %get3A_478 = vector.shape_cast %get3A_477 : vector<16xi32> to vector<16xi32>
    %mul3A_479 = arith.constant 5 : i32
    %mul3A_480 = vector.broadcast %mul3A_479 : i32 to vector<16xi32>
    %mul3A_481 = arith.muli %get3A_475, %mul3A_480 : vector<16xi32>
    %add3A_482 = arith.addi %mul3A_481, %get3A_478 : vector<16xi32>
    %add3A_483 = vector.broadcast %mul3A_4 : i32 to vector<16xi32>
    %add3A_484 = arith.addi %add3A_482, %add3A_483 : vector<16xi32>
    %swap3A_485 = arith.constant 3 : i32
    %swap3A_486 = arith.index_cast %swap3A_485 : i32 to index
    %swap3A_487 = arith.constant 16 : index
    %swap3A_488 = tpu.vector_load %arg10[%swap3A_486, %swap3A_487] {strides = array<i32>} : memref<4x128xi32, #tpu.memory_space<vmem>>, vector<1x16xi32>,
    %swap3A_489 = vector.shape_cast %swap3A_488 : vector<1x16xi32> to vector<16xi32>
    %swap3A_490 = vector.shape_cast %add3A_484 : vector<16xi32> to vector<1x16xi32>
    tpu.vector_store %arg10[%swap3A_486, %swap3A_487], %swap3A_490 {strides = array<i32>} : memref<4x128xi32, #tpu.memory_space<vmem>>, vector<1x16xi32>,
    %get3A_491 = arith.constant 416 : index
    %get3A_492 = tpu.vector_load %arg6[%get3A_491] {strides = array<i32>} : memref<512xi32, #tpu.memory_space<vmem>>, vector<16xi32>,
    %get3A_493 = vector.shape_cast %get3A_492 : vector<16xi32> to vector<16xi32>
    %get3A_494 = arith.constant 416 : index
    %get3A_495 = tpu.vector_load %arg8[%get3A_494] {strides = array<i32>} : memref<512xi32, #tpu.memory_space<vmem>>, vector<16xi32>,
    %get3A_496 = vector.shape_cast %get3A_495 : vector<16xi32> to vector<16xi32>
    %mul3A_497 = arith.constant 5 : i32
    %mul3A_498 = vector.broadcast %mul3A_497 : i32 to vector<16xi32>
    %mul3A_499 = arith.muli %get3A_493, %mul3A_498 : vector<16xi32>
    %add3A_500 = arith.addi %mul3A_499, %get3A_496 : vector<16xi32>
    %add3A_501 = vector.broadcast %mul3A_4 : i32 to vector<16xi32>
    %add3A_502 = arith.addi %add3A_500, %add3A_501 : vector<16xi32>
    %swap3A_503 = arith.constant 3 : i32
    %swap3A_504 = arith.index_cast %swap3A_503 : i32 to index
    %swap3A_505 = arith.constant 32 : index
    %swap3A_506 = tpu.vector_load %arg10[%swap3A_504, %swap3A_505] {strides = array<i32>} : memref<4x128xi32, #tpu.memory_space<vmem>>, vector<1x16xi32>,
    %swap3A_507 = vector.shape_cast %swap3A_506 : vector<1x16xi32> to vector<16xi32>
    %swap3A_508 = vector.shape_cast %add3A_502 : vector<16xi32> to vector<1x16xi32>
    tpu.vector_store %arg10[%swap3A_504, %swap3A_505], %swap3A_508 {strides = array<i32>} : memref<4x128xi32, #tpu.memory_space<vmem>>, vector<1x16xi32>,
    %get3A_509 = arith.constant 432 : index
    %get3A_510 = tpu.vector_load %arg6[%get3A_509] {strides = array<i32>} : memref<512xi32, #tpu.memory_space<vmem>>, vector<16xi32>,
    %get3A_511 = vector.shape_cast %get3A_510 : vector<16xi32> to vector<16xi32>
    %get3A_512 = arith.constant 432 : index
    %get3A_513 = tpu.vector_load %arg8[%get3A_512] {strides = array<i32>} : memref<512xi32, #tpu.memory_space<vmem>>, vector<16xi32>,
    %get3A_514 = vector.shape_cast %get3A_513 : vector<16xi32> to vector<16xi32>
    %mul3A_515 = arith.constant 5 : i32
    %mul3A_516 = vector.broadcast %mul3A_515 : i32 to vector<16xi32>
    %mul3A_517 = arith.muli %get3A_511, %mul3A_516 : vector<16xi32>
    %add3A_518 = arith.addi %mul3A_517, %get3A_514 : vector<16xi32>
    %add3A_519 = vector.broadcast %mul3A_4 : i32 to vector<16xi32>
    %add3A_520 = arith.addi %add3A_518, %add3A_519 : vector<16xi32>
    %swap3A_521 = arith.constant 3 : i32
    %swap3A_522 = arith.index_cast %swap3A_521 : i32 to index
    %swap3A_523 = arith.constant 48 : index
    %swap3A_524 = tpu.vector_load %arg10[%swap3A_522, %swap3A_523] {strides = array<i32>} : memref<4x128xi32, #tpu.memory_space<vmem>>, vector<1x16xi32>,
    %swap3A_525 = vector.shape_cast %swap3A_524 : vector<1x16xi32> to vector<16xi32>
    %swap3A_526 = vector.shape_cast %add3A_520 : vector<16xi32> to vector<1x16xi32>
    tpu.vector_store %arg10[%swap3A_522, %swap3A_523], %swap3A_526 {strides = array<i32>} : memref<4x128xi32, #tpu.memory_space<vmem>>, vector<1x16xi32>,
    %get3A_527 = arith.constant 448 : index
    %get3A_528 = tpu.vector_load %arg6[%get3A_527] {strides = array<i32>} : memref<512xi32, #tpu.memory_space<vmem>>, vector<16xi32>,
    %get3A_529 = vector.shape_cast %get3A_528 : vector<16xi32> to vector<16xi32>
    %get3A_530 = arith.constant 448 : index
    %get3A_531 = tpu.vector_load %arg8[%get3A_530] {strides = array<i32>} : memref<512xi32, #tpu.memory_space<vmem>>, vector<16xi32>,
    %get3A_532 = vector.shape_cast %get3A_531 : vector<16xi32> to vector<16xi32>
    %mul3A_533 = arith.constant 5 : i32
    %mul3A_534 = vector.broadcast %mul3A_533 : i32 to vector<16xi32>
    %mul3A_535 = arith.muli %get3A_529, %mul3A_534 : vector<16xi32>
    %add3A_536 = arith.addi %mul3A_535, %get3A_532 : vector<16xi32>
    %add3A_537 = vector.broadcast %mul3A_4 : i32 to vector<16xi32>
    %add3A_538 = arith.addi %add3A_536, %add3A_537 : vector<16xi32>
    %swap3A_539 = arith.constant 3 : i32
    %swap3A_540 = arith.index_cast %swap3A_539 : i32 to index
    %swap3A_541 = arith.constant 64 : index
    %swap3A_542 = tpu.vector_load %arg10[%swap3A_540, %swap3A_541] {strides = array<i32>} : memref<4x128xi32, #tpu.memory_space<vmem>>, vector<1x16xi32>,
    %swap3A_543 = vector.shape_cast %swap3A_542 : vector<1x16xi32> to vector<16xi32>
    %swap3A_544 = vector.shape_cast %add3A_538 : vector<16xi32> to vector<1x16xi32>
    tpu.vector_store %arg10[%swap3A_540, %swap3A_541], %swap3A_544 {strides = array<i32>} : memref<4x128xi32, #tpu.memory_space<vmem>>, vector<1x16xi32>,
    %get3A_545 = arith.constant 464 : index
    %get3A_546 = tpu.vector_load %arg6[%get3A_545] {strides = array<i32>} : memref<512xi32, #tpu.memory_space<vmem>>, vector<16xi32>,
    %get3A_547 = vector.shape_cast %get3A_546 : vector<16xi32> to vector<16xi32>
    %get3A_548 = arith.constant 464 : index
    %get3A_549 = tpu.vector_load %arg8[%get3A_548] {strides = array<i32>} : memref<512xi32, #tpu.memory_space<vmem>>, vector<16xi32>,
    %get3A_550 = vector.shape_cast %get3A_549 : vector<16xi32> to vector<16xi32>
    %mul3A_551 = arith.constant 5 : i32
    %mul3A_552 = vector.broadcast %mul3A_551 : i32 to vector<16xi32>
    %mul3A_553 = arith.muli %get3A_547, %mul3A_552 : vector<16xi32>
    %add3A_554 = arith.addi %mul3A_553, %get3A_550 : vector<16xi32>
    %add3A_555 = vector.broadcast %mul3A_4 : i32 to vector<16xi32>
    %add3A_556 = arith.addi %add3A_554, %add3A_555 : vector<16xi32>
    %swap3A_557 = arith.constant 3 : i32
    %swap3A_558 = arith.index_cast %swap3A_557 : i32 to index
    %swap3A_559 = arith.constant 80 : index
    %swap3A_560 = tpu.vector_load %arg10[%swap3A_558, %swap3A_559] {strides = array<i32>} : memref<4x128xi32, #tpu.memory_space<vmem>>, vector<1x16xi32>,
    %swap3A_561 = vector.shape_cast %swap3A_560 : vector<1x16xi32> to vector<16xi32>
    %swap3A_562 = vector.shape_cast %add3A_556 : vector<16xi32> to vector<1x16xi32>
    tpu.vector_store %arg10[%swap3A_558, %swap3A_559], %swap3A_562 {strides = array<i32>} : memref<4x128xi32, #tpu.memory_space<vmem>>, vector<1x16xi32>,
    %get3A_563 = arith.constant 480 : index
    %get3A_564 = tpu.vector_load %arg6[%get3A_563] {strides = array<i32>} : memref<512xi32, #tpu.memory_space<vmem>>, vector<16xi32>,
    %get3A_565 = vector.shape_cast %get3A_564 : vector<16xi32> to vector<16xi32>
    %get3A_566 = arith.constant 480 : index
    %get3A_567 = tpu.vector_load %arg8[%get3A_566] {strides = array<i32>} : memref<512xi32, #tpu.memory_space<vmem>>, vector<16xi32>,
    %get3A_568 = vector.shape_cast %get3A_567 : vector<16xi32> to vector<16xi32>
    %mul3A_569 = arith.constant 5 : i32
    %mul3A_570 = vector.broadcast %mul3A_569 : i32 to vector<16xi32>
    %mul3A_571 = arith.muli %get3A_565, %mul3A_570 : vector<16xi32>
    %add3A_572 = arith.addi %mul3A_571, %get3A_568 : vector<16xi32>
    %add3A_573 = vector.broadcast %mul3A_4 : i32 to vector<16xi32>
    %add3A_574 = arith.addi %add3A_572, %add3A_573 : vector<16xi32>
    %swap3A_575 = arith.constant 3 : i32
    %swap3A_576 = arith.index_cast %swap3A_575 : i32 to index
    %swap3A_577 = arith.constant 96 : index
    %swap3A_578 = tpu.vector_load %arg10[%swap3A_576, %swap3A_577] {strides = array<i32>} : memref<4x128xi32, #tpu.memory_space<vmem>>, vector<1x16xi32>,
    %swap3A_579 = vector.shape_cast %swap3A_578 : vector<1x16xi32> to vector<16xi32>
    %swap3A_580 = vector.shape_cast %add3A_574 : vector<16xi32> to vector<1x16xi32>
    tpu.vector_store %arg10[%swap3A_576, %swap3A_577], %swap3A_580 {strides = array<i32>} : memref<4x128xi32, #tpu.memory_space<vmem>>, vector<1x16xi32>,
    %get3A_581 = arith.constant 496 : index
    %get3A_582 = tpu.vector_load %arg6[%get3A_581] {strides = array<i32>} : memref<512xi32, #tpu.memory_space<vmem>>, vector<16xi32>,
    %get3A_583 = vector.shape_cast %get3A_582 : vector<16xi32> to vector<16xi32>
    %get3A_584 = arith.constant 496 : index
    %get3A_585 = tpu.vector_load %arg8[%get3A_584] {strides = array<i32>} : memref<512xi32, #tpu.memory_space<vmem>>, vector<16xi32>,
    %get3A_586 = vector.shape_cast %get3A_585 : vector<16xi32> to vector<16xi32>
    %mul3A_587 = arith.constant 5 : i32
    %mul3A_588 = vector.broadcast %mul3A_587 : i32 to vector<16xi32>
    %mul3A_589 = arith.muli %get3A_583, %mul3A_588 : vector<16xi32>
    %add3A_590 = arith.addi %mul3A_589, %get3A_586 : vector<16xi32>
    %add3A_591 = vector.broadcast %mul3A_4 : i32 to vector<16xi32>
    %add3A_592 = arith.addi %add3A_590, %add3A_591 : vector<16xi32>
    %swap3A_593 = arith.constant 3 : i32
    %swap3A_594 = arith.index_cast %swap3A_593 : i32 to index
    %swap3A_595 = arith.constant 112 : index
    %swap3A_596 = tpu.vector_load %arg10[%swap3A_594, %swap3A_595] {strides = array<i32>} : memref<4x128xi32, #tpu.memory_space<vmem>>, vector<1x16xi32>,
    %swap3A_597 = vector.shape_cast %swap3A_596 : vector<1x16xi32> to vector<16xi32>
    %swap3A_598 = vector.shape_cast %add3A_592 : vector<16xi32> to vector<1x16xi32>
    tpu.vector_store %arg10[%swap3A_594, %swap3A_595], %swap3A_598 {strides = array<i32>} : memref<4x128xi32, #tpu.memory_space<vmem>>, vector<1x16xi32>,
    %dma_start3A_599 = arith.constant 0 : i32
    %dma_start3A_600 = arith.constant 0 : i32
    %dma_start3A_601 = arith.constant 0 : i32
    %dma_start3A_602 = tpu.memref_slice %arg12[%dma_start3A_600, %dma_start3A_601] : memref<512x64xf32, #tpu.memory_space<vmem>> -> memref<128x64xf32, #tpu.memory_space<vmem>>
    %dma_start3A_603 = arith.constant 0 : i32
    %dma_start3A_604 = tpu.memref_slice %arg10[%dma_start3A_599, %dma_start3A_603] : memref<4x128xi32, #tpu.memory_space<vmem>> -> memref<1x128xi32, #tpu.memory_space<vmem>>
    %dma_start3A_605 = tpu.memref_squeeze %dma_start3A_604 : memref<1x128xi32, #tpu.memory_space<vmem>> -> memref<128xi32, #tpu.memory_space<vmem>>
    %dma_start3A_606 = arith.constant 0 : i32
    %dma_start3A_607 = arith.constant 0 : i32
    %dma_start3A_608 = tpu.memref_slice %arg14[%dma_start3A_606, %dma_start3A_607] : memref<2304x64xf32, #tpu.memory_space<vmem_shared>> -> memref<2304x64xf32, #tpu.memory_space<vmem_shared>>
    tpu.enqueue_indirect_dma source(%dma_start3A_608 : memref<2304x64xf32, #tpu.memory_space<vmem_shared>>) target(%dma_start3A_602 : memref<128x64xf32, #tpu.memory_space<vmem>>) offsets(%dma_start3A_605 : memref<128xi32, #tpu.memory_space<vmem>>) semaphore(%arg17 : memref<!tpu.dma_semaphore, #tpu.memory_space<semaphore_mem>>)
    %dma_start3A_609 = arith.constant 1 : i32
    %dma_start3A_610 = arith.constant 128 : i32
    %dma_start3A_611 = arith.constant 0 : i32
    %dma_start3A_612 = tpu.memref_slice %arg12[%dma_start3A_610, %dma_start3A_611] : memref<512x64xf32, #tpu.memory_space<vmem>> -> memref<128x64xf32, #tpu.memory_space<vmem>>
    %dma_start3A_613 = arith.constant 0 : i32
    %dma_start3A_614 = tpu.memref_slice %arg10[%dma_start3A_609, %dma_start3A_613] : memref<4x128xi32, #tpu.memory_space<vmem>> -> memref<1x128xi32, #tpu.memory_space<vmem>>
    %dma_start3A_615 = tpu.memref_squeeze %dma_start3A_614 : memref<1x128xi32, #tpu.memory_space<vmem>> -> memref<128xi32, #tpu.memory_space<vmem>>
    %dma_start3A_616 = arith.constant 0 : i32
    %dma_start3A_617 = arith.constant 0 : i32
    %dma_start3A_618 = tpu.memref_slice %arg14[%dma_start3A_616, %dma_start3A_617] : memref<2304x64xf32, #tpu.memory_space<vmem_shared>> -> memref<2304x64xf32, #tpu.memory_space<vmem_shared>>
    tpu.enqueue_indirect_dma source(%dma_start3A_618 : memref<2304x64xf32, #tpu.memory_space<vmem_shared>>) target(%dma_start3A_612 : memref<128x64xf32, #tpu.memory_space<vmem>>) offsets(%dma_start3A_615 : memref<128xi32, #tpu.memory_space<vmem>>) semaphore(%arg17 : memref<!tpu.dma_semaphore, #tpu.memory_space<semaphore_mem>>)
    %dma_start3A_619 = arith.constant 2 : i32
    %dma_start3A_620 = arith.constant 256 : i32
    %dma_start3A_621 = arith.constant 0 : i32
    %dma_start3A_622 = tpu.memref_slice %arg12[%dma_start3A_620, %dma_start3A_621] : memref<512x64xf32, #tpu.memory_space<vmem>> -> memref<128x64xf32, #tpu.memory_space<vmem>>
    %dma_start3A_623 = arith.constant 0 : i32
    %dma_start3A_624 = tpu.memref_slice %arg10[%dma_start3A_619, %dma_start3A_623] : memref<4x128xi32, #tpu.memory_space<vmem>> -> memref<1x128xi32, #tpu.memory_space<vmem>>
    %dma_start3A_625 = tpu.memref_squeeze %dma_start3A_624 : memref<1x128xi32, #tpu.memory_space<vmem>> -> memref<128xi32, #tpu.memory_space<vmem>>
    %dma_start3A_626 = arith.constant 0 : i32
    %dma_start3A_627 = arith.constant 0 : i32
    %dma_start3A_628 = tpu.memref_slice %arg14[%dma_start3A_626, %dma_start3A_627] : memref<2304x64xf32, #tpu.memory_space<vmem_shared>> -> memref<2304x64xf32, #tpu.memory_space<vmem_shared>>
    tpu.enqueue_indirect_dma source(%dma_start3A_628 : memref<2304x64xf32, #tpu.memory_space<vmem_shared>>) target(%dma_start3A_622 : memref<128x64xf32, #tpu.memory_space<vmem>>) offsets(%dma_start3A_625 : memref<128xi32, #tpu.memory_space<vmem>>) semaphore(%arg17 : memref<!tpu.dma_semaphore, #tpu.memory_space<semaphore_mem>>)
    %dma_start3A_629 = arith.constant 3 : i32
    %dma_start3A_630 = arith.constant 384 : i32
    %dma_start3A_631 = arith.constant 0 : i32
    %dma_start3A_632 = tpu.memref_slice %arg12[%dma_start3A_630, %dma_start3A_631] : memref<512x64xf32, #tpu.memory_space<vmem>> -> memref<128x64xf32, #tpu.memory_space<vmem>>
    %dma_start3A_633 = arith.constant 0 : i32
    %dma_start3A_634 = tpu.memref_slice %arg10[%dma_start3A_629, %dma_start3A_633] : memref<4x128xi32, #tpu.memory_space<vmem>> -> memref<1x128xi32, #tpu.memory_space<vmem>>
    %dma_start3A_635 = tpu.memref_squeeze %dma_start3A_634 : memref<1x128xi32, #tpu.memory_space<vmem>> -> memref<128xi32, #tpu.memory_space<vmem>>
    %dma_start3A_636 = arith.constant 0 : i32
    %dma_start3A_637 = arith.constant 0 : i32
    %dma_start3A_638 = tpu.memref_slice %arg14[%dma_start3A_636, %dma_start3A_637] : memref<2304x64xf32, #tpu.memory_space<vmem_shared>> -> memref<2304x64xf32, #tpu.memory_space<vmem_shared>>
    tpu.enqueue_indirect_dma source(%dma_start3A_638 : memref<2304x64xf32, #tpu.memory_space<vmem_shared>>) target(%dma_start3A_632 : memref<128x64xf32, #tpu.memory_space<vmem>>) offsets(%dma_start3A_635 : memref<128xi32, #tpu.memory_space<vmem>>) semaphore(%arg17 : memref<!tpu.dma_semaphore, #tpu.memory_space<semaphore_mem>>)
    %add3A_639 = arith.constant 1024 : i32
    %add3A_640 = arith.addi %mul3A_2, %add3A_639 : i32
    %dma_start3A_641 = tpu.memref_slice %arg2[%add3A_640] : memref<3276800xi32, #tpu.memory_space<hbm>> -> memref<512xi32, #tpu.memory_space<hbm>>
    %dma_start3A_642 = tpu.memref_slice %arg2[%add3A_640] : memref<3276800xi32, #tpu.memory_space<hbm>> -> memref<512xi32, #tpu.memory_space<hbm>>
    tpu.enqueue_dma source(%dma_start3A_642 : memref<512xi32, #tpu.memory_space<hbm>>) target(%arg6 : memref<512xi32, #tpu.memory_space<vmem>>) target_semaphore(%arg15 : memref<!tpu.dma_semaphore, #tpu.memory_space<semaphore_mem>>)
    %dma_start3A_643 = tpu.memref_slice %arg3[%add3A_640] : memref<3276800xi32, #tpu.memory_space<hbm>> -> memref<512xi32, #tpu.memory_space<hbm>>
    %dma_start3A_644 = tpu.memref_slice %arg3[%add3A_640] : memref<3276800xi32, #tpu.memory_space<hbm>> -> memref<512xi32, #tpu.memory_space<hbm>>
    tpu.enqueue_dma source(%dma_start3A_644 : memref<512xi32, #tpu.memory_space<hbm>>) target(%arg8 : memref<512xi32, #tpu.memory_space<vmem>>) target_semaphore(%arg15 : memref<!tpu.dma_semaphore, #tpu.memory_space<semaphore_mem>>)
    %dma_wait3A_645 = arith.constant 0 : i32
    %dma_wait3A_646 = tpu.memref_slice %arg2[%dma_wait3A_645] : memref<3276800xi32, #tpu.memory_space<hbm>> -> memref<512xi32, #tpu.memory_space<hbm>>
    %dma_wait3A_647 = arith.constant 0 : i32
    %dma_wait3A_648 = tpu.memref_slice %arg2[%dma_wait3A_647] : memref<3276800xi32, #tpu.memory_space<hbm>> -> memref<512xi32, #tpu.memory_space<hbm>>
    tpu.wait_dma2 semaphore(%arg16 : memref<!tpu.dma_semaphore, #tpu.memory_space<semaphore_mem>>) src(%dma_wait3A_648 : memref<512xi32, #tpu.memory_space<hbm>>) dst(%arg7 : memref<512xi32, #tpu.memory_space<vmem>>)
    %dma_wait3A_649 = arith.constant 0 : i32
    %dma_wait3A_650 = tpu.memref_slice %arg3[%dma_wait3A_649] : memref<3276800xi32, #tpu.memory_space<hbm>> -> memref<512xi32, #tpu.memory_space<hbm>>
    %dma_wait3A_651 = arith.constant 0 : i32
    %dma_wait3A_652 = tpu.memref_slice %arg3[%dma_wait3A_651] : memref<3276800xi32, #tpu.memory_space<hbm>> -> memref<512xi32, #tpu.memory_space<hbm>>
    tpu.wait_dma2 semaphore(%arg16 : memref<!tpu.dma_semaphore, #tpu.memory_space<semaphore_mem>>) src(%dma_wait3A_652 : memref<512xi32, #tpu.memory_space<hbm>>) dst(%arg9 : memref<512xi32, #tpu.memory_space<vmem>>)
    %get3A_653 = arith.constant 0 : index
    %get3A_654 = tpu.vector_load %arg7[%get3A_653] {strides = array<i32>} : memref<512xi32, #tpu.memory_space<vmem>>, vector<16xi32>,
    %get3A_655 = vector.shape_cast %get3A_654 : vector<16xi32> to vector<16xi32>
    %get3A_656 = arith.constant 0 : index
    %get3A_657 = tpu.vector_load %arg9[%get3A_656] {strides = array<i32>} : memref<512xi32, #tpu.memory_space<vmem>>, vector<16xi32>,
    %get3A_658 = vector.shape_cast %get3A_657 : vector<16xi32> to vector<16xi32>
    %mul3A_659 = arith.constant 5 : i32
    %mul3A_660 = vector.broadcast %mul3A_659 : i32 to vector<16xi32>
    %mul3A_661 = arith.muli %get3A_655, %mul3A_660 : vector<16xi32>
    %add3A_662 = arith.addi %mul3A_661, %get3A_658 : vector<16xi32>
    %add3A_663 = vector.broadcast %mul3A_4 : i32 to vector<16xi32>
    %add3A_664 = arith.addi %add3A_662, %add3A_663 : vector<16xi32>
    %swap3A_665 = arith.constant 0 : i32
    %swap3A_666 = arith.index_cast %swap3A_665 : i32 to index
    %swap3A_667 = arith.constant 0 : index
    %swap3A_668 = tpu.vector_load %arg11[%swap3A_666, %swap3A_667] {strides = array<i32>} : memref<4x128xi32, #tpu.memory_space<vmem>>, vector<1x16xi32>,
    %swap3A_669 = vector.shape_cast %swap3A_668 : vector<1x16xi32> to vector<16xi32>
    %swap3A_670 = vector.shape_cast %add3A_664 : vector<16xi32> to vector<1x16xi32>
    tpu.vector_store %arg11[%swap3A_666, %swap3A_667], %swap3A_670 {strides = array<i32>} : memref<4x128xi32, #tpu.memory_space<vmem>>, vector<1x16xi32>,
    %get3A_671 = arith.constant 16 : index
    %get3A_672 = tpu.vector_load %arg7[%get3A_671] {strides = array<i32>} : memref<512xi32, #tpu.memory_space<vmem>>, vector<16xi32>,
    %get3A_673 = vector.shape_cast %get3A_672 : vector<16xi32> to vector<16xi32>
    %get3A_674 = arith.constant 16 : index
    %get3A_675 = tpu.vector_load %arg9[%get3A_674] {strides = array<i32>} : memref<512xi32, #tpu.memory_space<vmem>>, vector<16xi32>,
    %get3A_676 = vector.shape_cast %get3A_675 : vector<16xi32> to vector<16xi32>
    %mul3A_677 = arith.constant 5 : i32
    %mul3A_678 = vector.broadcast %mul3A_677 : i32 to vector<16xi32>
    %mul3A_679 = arith.muli %get3A_673, %mul3A_678 : vector<16xi32>
    %add3A_680 = arith.addi %mul3A_679, %get3A_676 : vector<16xi32>
    %add3A_681 = vector.broadcast %mul3A_4 : i32 to vector<16xi32>
    %add3A_682 = arith.addi %add3A_680, %add3A_681 : vector<16xi32>
    %swap3A_683 = arith.constant 0 : i32
    %swap3A_684 = arith.index_cast %swap3A_683 : i32 to index
    %swap3A_685 = arith.constant 16 : index
    %swap3A_686 = tpu.vector_load %arg11[%swap3A_684, %swap3A_685] {strides = array<i32>} : memref<4x128xi32, #tpu.memory_space<vmem>>, vector<1x16xi32>,
    %swap3A_687 = vector.shape_cast %swap3A_686 : vector<1x16xi32> to vector<16xi32>
    %swap3A_688 = vector.shape_cast %add3A_682 : vector<16xi32> to vector<1x16xi32>
    tpu.vector_store %arg11[%swap3A_684, %swap3A_685], %swap3A_688 {strides = array<i32>} : memref<4x128xi32, #tpu.memory_space<vmem>>, vector<1x16xi32>,
    %get3A_689 = arith.constant 32 : index
    %get3A_690 = tpu.vector_load %arg7[%get3A_689] {strides = array<i32>} : memref<512xi32, #tpu.memory_space<vmem>>, vector<16xi32>,
    %get3A_691 = vector.shape_cast %get3A_690 : vector<16xi32> to vector<16xi32>
    %get3A_692 = arith.constant 32 : index
    %get3A_693 = tpu.vector_load %arg9[%get3A_692] {strides = array<i32>} : memref<512xi32, #tpu.memory_space<vmem>>, vector<16xi32>,
    %get3A_694 = vector.shape_cast %get3A_693 : vector<16xi32> to vector<16xi32>
    %mul3A_695 = arith.constant 5 : i32
    %mul3A_696 = vector.broadcast %mul3A_695 : i32 to vector<16xi32>
    %mul3A_697 = arith.muli %get3A_691, %mul3A_696 : vector<16xi32>
    %add3A_698 = arith.addi %mul3A_697, %get3A_694 : vector<16xi32>
    %add3A_699 = vector.broadcast %mul3A_4 : i32 to vector<16xi32>
    %add3A_700 = arith.addi %add3A_698, %add3A_699 : vector<16xi32>
    %swap3A_701 = arith.constant 0 : i32
    %swap3A_702 = arith.index_cast %swap3A_701 : i32 to index
    %swap3A_703 = arith.constant 32 : index
    %swap3A_704 = tpu.vector_load %arg11[%swap3A_702, %swap3A_703] {strides = array<i32>} : memref<4x128xi32, #tpu.memory_space<vmem>>, vector<1x16xi32>,
    %swap3A_705 = vector.shape_cast %swap3A_704 : vector<1x16xi32> to vector<16xi32>
    %swap3A_706 = vector.shape_cast %add3A_700 : vector<16xi32> to vector<1x16xi32>
    tpu.vector_store %arg11[%swap3A_702, %swap3A_703], %swap3A_706 {strides = array<i32>} : memref<4x128xi32, #tpu.memory_space<vmem>>, vector<1x16xi32>,
    %get3A_707 = arith.constant 48 : index
    %get3A_708 = tpu.vector_load %arg7[%get3A_707] {strides = array<i32>} : memref<512xi32, #tpu.memory_space<vmem>>, vector<16xi32>,
    %get3A_709 = vector.shape_cast %get3A_708 : vector<16xi32> to vector<16xi32>
    %get3A_710 = arith.constant 48 : index
    %get3A_711 = tpu.vector_load %arg9[%get3A_710] {strides = array<i32>} : memref<512xi32, #tpu.memory_space<vmem>>, vector<16xi32>,
    %get3A_712 = vector.shape_cast %get3A_711 : vector<16xi32> to vector<16xi32>
    %mul3A_713 = arith.constant 5 : i32
    %mul3A_714 = vector.broadcast %mul3A_713 : i32 to vector<16xi32>
    %mul3A_715 = arith.muli %get3A_709, %mul3A_714 : vector<16xi32>
    %add3A_716 = arith.addi %mul3A_715, %get3A_712 : vector<16xi32>
    %add3A_717 = vector.broadcast %mul3A_4 : i32 to vector<16xi32>
    %add3A_718 = arith.addi %add3A_716, %add3A_717 : vector<16xi32>
    %swap3A_719 = arith.constant 0 : i32
    %swap3A_720 = arith.index_cast %swap3A_719 : i32 to index
    %swap3A_721 = arith.constant 48 : index
    %swap3A_722 = tpu.vector_load %arg11[%swap3A_720, %swap3A_721] {strides = array<i32>} : memref<4x128xi32, #tpu.memory_space<vmem>>, vector<1x16xi32>,
    %swap3A_723 = vector.shape_cast %swap3A_722 : vector<1x16xi32> to vector<16xi32>
    %swap3A_724 = vector.shape_cast %add3A_718 : vector<16xi32> to vector<1x16xi32>
    tpu.vector_store %arg11[%swap3A_720, %swap3A_721], %swap3A_724 {strides = array<i32>} : memref<4x128xi32, #tpu.memory_space<vmem>>, vector<1x16xi32>,
    %get3A_725 = arith.constant 64 : index
    %get3A_726 = tpu.vector_load %arg7[%get3A_725] {strides = array<i32>} : memref<512xi32, #tpu.memory_space<vmem>>, vector<16xi32>,
    %get3A_727 = vector.shape_cast %get3A_726 : vector<16xi32> to vector<16xi32>
    %get3A_728 = arith.constant 64 : index
    %get3A_729 = tpu.vector_load %arg9[%get3A_728] {strides = array<i32>} : memref<512xi32, #tpu.memory_space<vmem>>, vector<16xi32>,
    %get3A_730 = vector.shape_cast %get3A_729 : vector<16xi32> to vector<16xi32>
    %mul3A_731 = arith.constant 5 : i32
    %mul3A_732 = vector.broadcast %mul3A_731 : i32 to vector<16xi32>
    %mul3A_733 = arith.muli %get3A_727, %mul3A_732 : vector<16xi32>
    %add3A_734 = arith.addi %mul3A_733, %get3A_730 : vector<16xi32>
    %add3A_735 = vector.broadcast %mul3A_4 : i32 to vector<16xi32>
    %add3A_736 = arith.addi %add3A_734, %add3A_735 : vector<16xi32>
    %swap3A_737 = arith.constant 0 : i32
    %swap3A_738 = arith.index_cast %swap3A_737 : i32 to index
    %swap3A_739 = arith.constant 64 : index
    %swap3A_740 = tpu.vector_load %arg11[%swap3A_738, %swap3A_739] {strides = array<i32>} : memref<4x128xi32, #tpu.memory_space<vmem>>, vector<1x16xi32>,
    %swap3A_741 = vector.shape_cast %swap3A_740 : vector<1x16xi32> to vector<16xi32>
    %swap3A_742 = vector.shape_cast %add3A_736 : vector<16xi32> to vector<1x16xi32>
    tpu.vector_store %arg11[%swap3A_738, %swap3A_739], %swap3A_742 {strides = array<i32>} : memref<4x128xi32, #tpu.memory_space<vmem>>, vector<1x16xi32>,
    %get3A_743 = arith.constant 80 : index
    %get3A_744 = tpu.vector_load %arg7[%get3A_743] {strides = array<i32>} : memref<512xi32, #tpu.memory_space<vmem>>, vector<16xi32>,
    %get3A_745 = vector.shape_cast %get3A_744 : vector<16xi32> to vector<16xi32>
    %get3A_746 = arith.constant 80 : index
    %get3A_747 = tpu.vector_load %arg9[%get3A_746] {strides = array<i32>} : memref<512xi32, #tpu.memory_space<vmem>>, vector<16xi32>,
    %get3A_748 = vector.shape_cast %get3A_747 : vector<16xi32> to vector<16xi32>
    %mul3A_749 = arith.constant 5 : i32
    %mul3A_750 = vector.broadcast %mul3A_749 : i32 to vector<16xi32>
    %mul3A_751 = arith.muli %get3A_745, %mul3A_750 : vector<16xi32>
    %add3A_752 = arith.addi %mul3A_751, %get3A_748 : vector<16xi32>
    %add3A_753 = vector.broadcast %mul3A_4 : i32 to vector<16xi32>
    %add3A_754 = arith.addi %add3A_752, %add3A_753 : vector<16xi32>
    %swap3A_755 = arith.constant 0 : i32
    %swap3A_756 = arith.index_cast %swap3A_755 : i32 to index
    %swap3A_757 = arith.constant 80 : index
    %swap3A_758 = tpu.vector_load %arg11[%swap3A_756, %swap3A_757] {strides = array<i32>} : memref<4x128xi32, #tpu.memory_space<vmem>>, vector<1x16xi32>,
    %swap3A_759 = vector.shape_cast %swap3A_758 : vector<1x16xi32> to vector<16xi32>
    %swap3A_760 = vector.shape_cast %add3A_754 : vector<16xi32> to vector<1x16xi32>
    tpu.vector_store %arg11[%swap3A_756, %swap3A_757], %swap3A_760 {strides = array<i32>} : memref<4x128xi32, #tpu.memory_space<vmem>>, vector<1x16xi32>,
    %get3A_761 = arith.constant 96 : index
    %get3A_762 = tpu.vector_load %arg7[%get3A_761] {strides = array<i32>} : memref<512xi32, #tpu.memory_space<vmem>>, vector<16xi32>,
    %get3A_763 = vector.shape_cast %get3A_762 : vector<16xi32> to vector<16xi32>
    %get3A_764 = arith.constant 96 : index
    %get3A_765 = tpu.vector_load %arg9[%get3A_764] {strides = array<i32>} : memref<512xi32, #tpu.memory_space<vmem>>, vector<16xi32>,
    %get3A_766 = vector.shape_cast %get3A_765 : vector<16xi32> to vector<16xi32>
    %mul3A_767 = arith.constant 5 : i32
    %mul3A_768 = vector.broadcast %mul3A_767 : i32 to vector<16xi32>
    %mul3A_769 = arith.muli %get3A_763, %mul3A_768 : vector<16xi32>
    %add3A_770 = arith.addi %mul3A_769, %get3A_766 : vector<16xi32>
    %add3A_771 = vector.broadcast %mul3A_4 : i32 to vector<16xi32>
    %add3A_772 = arith.addi %add3A_770, %add3A_771 : vector<16xi32>
    %swap3A_773 = arith.constant 0 : i32
    %swap3A_774 = arith.index_cast %swap3A_773 : i32 to index
    %swap3A_775 = arith.constant 96 : index
    %swap3A_776 = tpu.vector_load %arg11[%swap3A_774, %swap3A_775] {strides = array<i32>} : memref<4x128xi32, #tpu.memory_space<vmem>>, vector<1x16xi32>,
    %swap3A_777 = vector.shape_cast %swap3A_776 : vector<1x16xi32> to vector<16xi32>
    %swap3A_778 = vector.shape_cast %add3A_772 : vector<16xi32> to vector<1x16xi32>
    tpu.vector_store %arg11[%swap3A_774, %swap3A_775], %swap3A_778 {strides = array<i32>} : memref<4x128xi32, #tpu.memory_space<vmem>>, vector<1x16xi32>,
    %get3A_779 = arith.constant 112 : index
    %get3A_780 = tpu.vector_load %arg7[%get3A_779] {strides = array<i32>} : memref<512xi32, #tpu.memory_space<vmem>>, vector<16xi32>,
    %get3A_781 = vector.shape_cast %get3A_780 : vector<16xi32> to vector<16xi32>
    %get3A_782 = arith.constant 112 : index
    %get3A_783 = tpu.vector_load %arg9[%get3A_782] {strides = array<i32>} : memref<512xi32, #tpu.memory_space<vmem>>, vector<16xi32>,
    %get3A_784 = vector.shape_cast %get3A_783 : vector<16xi32> to vector<16xi32>
    %mul3A_785 = arith.constant 5 : i32
    %mul3A_786 = vector.broadcast %mul3A_785 : i32 to vector<16xi32>
    %mul3A_787 = arith.muli %get3A_781, %mul3A_786 : vector<16xi32>
    %add3A_788 = arith.addi %mul3A_787, %get3A_784 : vector<16xi32>
    %add3A_789 = vector.broadcast %mul3A_4 : i32 to vector<16xi32>
    %add3A_790 = arith.addi %add3A_788, %add3A_789 : vector<16xi32>
    %swap3A_791 = arith.constant 0 : i32
    %swap3A_792 = arith.index_cast %swap3A_791 : i32 to index
    %swap3A_793 = arith.constant 112 : index
    %swap3A_794 = tpu.vector_load %arg11[%swap3A_792, %swap3A_793] {strides = array<i32>} : memref<4x128xi32, #tpu.memory_space<vmem>>, vector<1x16xi32>,
    %swap3A_795 = vector.shape_cast %swap3A_794 : vector<1x16xi32> to vector<16xi32>
    %swap3A_796 = vector.shape_cast %add3A_790 : vector<16xi32> to vector<1x16xi32>
    tpu.vector_store %arg11[%swap3A_792, %swap3A_793], %swap3A_796 {strides = array<i32>} : memref<4x128xi32, #tpu.memory_space<vmem>>, vector<1x16xi32>,
    %get3A_797 = arith.constant 128 : index
    %get3A_798 = tpu.vector_load %arg7[%get3A_797] {strides = array<i32>} : memref<512xi32, #tpu.memory_space<vmem>>, vector<16xi32>,
    %get3A_799 = vector.shape_cast %get3A_798 : vector<16xi32> to vector<16xi32>
    %get3A_800 = arith.constant 128 : index
    %get3A_801 = tpu.vector_load %arg9[%get3A_800] {strides = array<i32>} : memref<512xi32, #tpu.memory_space<vmem>>, vector<16xi32>,
    %get3A_802 = vector.shape_cast %get3A_801 : vector<16xi32> to vector<16xi32>
    %mul3A_803 = arith.constant 5 : i32
    %mul3A_804 = vector.broadcast %mul3A_803 : i32 to vector<16xi32>
    %mul3A_805 = arith.muli %get3A_799, %mul3A_804 : vector<16xi32>
    %add3A_806 = arith.addi %mul3A_805, %get3A_802 : vector<16xi32>
    %add3A_807 = vector.broadcast %mul3A_4 : i32 to vector<16xi32>
    %add3A_808 = arith.addi %add3A_806, %add3A_807 : vector<16xi32>
    %swap3A_809 = arith.constant 1 : i32
    %swap3A_810 = arith.index_cast %swap3A_809 : i32 to index
    %swap3A_811 = arith.constant 0 : index
    %swap3A_812 = tpu.vector_load %arg11[%swap3A_810, %swap3A_811] {strides = array<i32>} : memref<4x128xi32, #tpu.memory_space<vmem>>, vector<1x16xi32>,
    %swap3A_813 = vector.shape_cast %swap3A_812 : vector<1x16xi32> to vector<16xi32>
    %swap3A_814 = vector.shape_cast %add3A_808 : vector<16xi32> to vector<1x16xi32>
    tpu.vector_store %arg11[%swap3A_810, %swap3A_811], %swap3A_814 {strides = array<i32>} : memref<4x128xi32, #tpu.memory_space<vmem>>, vector<1x16xi32>,
    %get3A_815 = arith.constant 144 : index
    %get3A_816 = tpu.vector_load %arg7[%get3A_815] {strides = array<i32>} : memref<512xi32, #tpu.memory_space<vmem>>, vector<16xi32>,
    %get3A_817 = vector.shape_cast %get3A_816 : vector<16xi32> to vector<16xi32>
    %get3A_818 = arith.constant 144 : index
    %get3A_819 = tpu.vector_load %arg9[%get3A_818] {strides = array<i32>} : memref<512xi32, #tpu.memory_space<vmem>>, vector<16xi32>,
    %get3A_820 = vector.shape_cast %get3A_819 : vector<16xi32> to vector<16xi32>
    %mul3A_821 = arith.constant 5 : i32
    %mul3A_822 = vector.broadcast %mul3A_821 : i32 to vector<16xi32>
    %mul3A_823 = arith.muli %get3A_817, %mul3A_822 : vector<16xi32>
    %add3A_824 = arith.addi %mul3A_823, %get3A_820 : vector<16xi32>
    %add3A_825 = vector.broadcast %mul3A_4 : i32 to vector<16xi32>
    %add3A_826 = arith.addi %add3A_824, %add3A_825 : vector<16xi32>
    %swap3A_827 = arith.constant 1 : i32
    %swap3A_828 = arith.index_cast %swap3A_827 : i32 to index
    %swap3A_829 = arith.constant 16 : index
    %swap3A_830 = tpu.vector_load %arg11[%swap3A_828, %swap3A_829] {strides = array<i32>} : memref<4x128xi32, #tpu.memory_space<vmem>>, vector<1x16xi32>,
    %swap3A_831 = vector.shape_cast %swap3A_830 : vector<1x16xi32> to vector<16xi32>
    %swap3A_832 = vector.shape_cast %add3A_826 : vector<16xi32> to vector<1x16xi32>
    tpu.vector_store %arg11[%swap3A_828, %swap3A_829], %swap3A_832 {strides = array<i32>} : memref<4x128xi32, #tpu.memory_space<vmem>>, vector<1x16xi32>,
    %get3A_833 = arith.constant 160 : index
    %get3A_834 = tpu.vector_load %arg7[%get3A_833] {strides = array<i32>} : memref<512xi32, #tpu.memory_space<vmem>>, vector<16xi32>,
    %get3A_835 = vector.shape_cast %get3A_834 : vector<16xi32> to vector<16xi32>
    %get3A_836 = arith.constant 160 : index
    %get3A_837 = tpu.vector_load %arg9[%get3A_836] {strides = array<i32>} : memref<512xi32, #tpu.memory_space<vmem>>, vector<16xi32>,
    %get3A_838 = vector.shape_cast %get3A_837 : vector<16xi32> to vector<16xi32>
    %mul3A_839 = arith.constant 5 : i32
    %mul3A_840 = vector.broadcast %mul3A_839 : i32 to vector<16xi32>
    %mul3A_841 = arith.muli %get3A_835, %mul3A_840 : vector<16xi32>
    %add3A_842 = arith.addi %mul3A_841, %get3A_838 : vector<16xi32>
    %add3A_843 = vector.broadcast %mul3A_4 : i32 to vector<16xi32>
    %add3A_844 = arith.addi %add3A_842, %add3A_843 : vector<16xi32>
    %swap3A_845 = arith.constant 1 : i32
    %swap3A_846 = arith.index_cast %swap3A_845 : i32 to index
    %swap3A_847 = arith.constant 32 : index
    %swap3A_848 = tpu.vector_load %arg11[%swap3A_846, %swap3A_847] {strides = array<i32>} : memref<4x128xi32, #tpu.memory_space<vmem>>, vector<1x16xi32>,
    %swap3A_849 = vector.shape_cast %swap3A_848 : vector<1x16xi32> to vector<16xi32>
    %swap3A_850 = vector.shape_cast %add3A_844 : vector<16xi32> to vector<1x16xi32>
    tpu.vector_store %arg11[%swap3A_846, %swap3A_847], %swap3A_850 {strides = array<i32>} : memref<4x128xi32, #tpu.memory_space<vmem>>, vector<1x16xi32>,
    %get3A_851 = arith.constant 176 : index
    %get3A_852 = tpu.vector_load %arg7[%get3A_851] {strides = array<i32>} : memref<512xi32, #tpu.memory_space<vmem>>, vector<16xi32>,
    %get3A_853 = vector.shape_cast %get3A_852 : vector<16xi32> to vector<16xi32>
    %get3A_854 = arith.constant 176 : index
    %get3A_855 = tpu.vector_load %arg9[%get3A_854] {strides = array<i32>} : memref<512xi32, #tpu.memory_space<vmem>>, vector<16xi32>,
    %get3A_856 = vector.shape_cast %get3A_855 : vector<16xi32> to vector<16xi32>
    %mul3A_857 = arith.constant 5 : i32
    %mul3A_858 = vector.broadcast %mul3A_857 : i32 to vector<16xi32>
    %mul3A_859 = arith.muli %get3A_853, %mul3A_858 : vector<16xi32>
    %add3A_860 = arith.addi %mul3A_859, %get3A_856 : vector<16xi32>
    %add3A_861 = vector.broadcast %mul3A_4 : i32 to vector<16xi32>
    %add3A_862 = arith.addi %add3A_860, %add3A_861 : vector<16xi32>
    %swap3A_863 = arith.constant 1 : i32
    %swap3A_864 = arith.index_cast %swap3A_863 : i32 to index
    %swap3A_865 = arith.constant 48 : index
    %swap3A_866 = tpu.vector_load %arg11[%swap3A_864, %swap3A_865] {strides = array<i32>} : memref<4x128xi32, #tpu.memory_space<vmem>>, vector<1x16xi32>,
    %swap3A_867 = vector.shape_cast %swap3A_866 : vector<1x16xi32> to vector<16xi32>
    %swap3A_868 = vector.shape_cast %add3A_862 : vector<16xi32> to vector<1x16xi32>
    tpu.vector_store %arg11[%swap3A_864, %swap3A_865], %swap3A_868 {strides = array<i32>} : memref<4x128xi32, #tpu.memory_space<vmem>>, vector<1x16xi32>,
    %get3A_869 = arith.constant 192 : index
    %get3A_870 = tpu.vector_load %arg7[%get3A_869] {strides = array<i32>} : memref<512xi32, #tpu.memory_space<vmem>>, vector<16xi32>,
    %get3A_871 = vector.shape_cast %get3A_870 : vector<16xi32> to vector<16xi32>
    %get3A_872 = arith.constant 192 : index
    %get3A_873 = tpu.vector_load %arg9[%get3A_872] {strides = array<i32>} : memref<512xi32, #tpu.memory_space<vmem>>, vector<16xi32>,
    %get3A_874 = vector.shape_cast %get3A_873 : vector<16xi32> to vector<16xi32>
    %mul3A_875 = arith.constant 5 : i32
    %mul3A_876 = vector.broadcast %mul3A_875 : i32 to vector<16xi32>
    %mul3A_877 = arith.muli %get3A_871, %mul3A_876 : vector<16xi32>
    %add3A_878 = arith.addi %mul3A_877, %get3A_874 : vector<16xi32>
    %add3A_879 = vector.broadcast %mul3A_4 : i32 to vector<16xi32>
    %add3A_880 = arith.addi %add3A_878, %add3A_879 : vector<16xi32>
    %swap3A_881 = arith.constant 1 : i32
    %swap3A_882 = arith.index_cast %swap3A_881 : i32 to index
    %swap3A_883 = arith.constant 64 : index
    %swap3A_884 = tpu.vector_load %arg11[%swap3A_882, %swap3A_883] {strides = array<i32>} : memref<4x128xi32, #tpu.memory_space<vmem>>, vector<1x16xi32>,
    %swap3A_885 = vector.shape_cast %swap3A_884 : vector<1x16xi32> to vector<16xi32>
    %swap3A_886 = vector.shape_cast %add3A_880 : vector<16xi32> to vector<1x16xi32>
    tpu.vector_store %arg11[%swap3A_882, %swap3A_883], %swap3A_886 {strides = array<i32>} : memref<4x128xi32, #tpu.memory_space<vmem>>, vector<1x16xi32>,
    %get3A_887 = arith.constant 208 : index
    %get3A_888 = tpu.vector_load %arg7[%get3A_887] {strides = array<i32>} : memref<512xi32, #tpu.memory_space<vmem>>, vector<16xi32>,
    %get3A_889 = vector.shape_cast %get3A_888 : vector<16xi32> to vector<16xi32>
    %get3A_890 = arith.constant 208 : index
    %get3A_891 = tpu.vector_load %arg9[%get3A_890] {strides = array<i32>} : memref<512xi32, #tpu.memory_space<vmem>>, vector<16xi32>,
    %get3A_892 = vector.shape_cast %get3A_891 : vector<16xi32> to vector<16xi32>
    %mul3A_893 = arith.constant 5 : i32
    %mul3A_894 = vector.broadcast %mul3A_893 : i32 to vector<16xi32>
    %mul3A_895 = arith.muli %get3A_889, %mul3A_894 : vector<16xi32>
    %add3A_896 = arith.addi %mul3A_895, %get3A_892 : vector<16xi32>
    %add3A_897 = vector.broadcast %mul3A_4 : i32 to vector<16xi32>
    %add3A_898 = arith.addi %add3A_896, %add3A_897 : vector<16xi32>
    %swap3A_899 = arith.constant 1 : i32
    %swap3A_900 = arith.index_cast %swap3A_899 : i32 to index
    %swap3A_901 = arith.constant 80 : index
    %swap3A_902 = tpu.vector_load %arg11[%swap3A_900, %swap3A_901] {strides = array<i32>} : memref<4x128xi32, #tpu.memory_space<vmem>>, vector<1x16xi32>,
    %swap3A_903 = vector.shape_cast %swap3A_902 : vector<1x16xi32> to vector<16xi32>
    %swap3A_904 = vector.shape_cast %add3A_898 : vector<16xi32> to vector<1x16xi32>
    tpu.vector_store %arg11[%swap3A_900, %swap3A_901], %swap3A_904 {strides = array<i32>} : memref<4x128xi32, #tpu.memory_space<vmem>>, vector<1x16xi32>,
    %get3A_905 = arith.constant 224 : index
    %get3A_906 = tpu.vector_load %arg7[%get3A_905] {strides = array<i32>} : memref<512xi32, #tpu.memory_space<vmem>>, vector<16xi32>,
    %get3A_907 = vector.shape_cast %get3A_906 : vector<16xi32> to vector<16xi32>
    %get3A_908 = arith.constant 224 : index
    %get3A_909 = tpu.vector_load %arg9[%get3A_908] {strides = array<i32>} : memref<512xi32, #tpu.memory_space<vmem>>, vector<16xi32>,
    %get3A_910 = vector.shape_cast %get3A_909 : vector<16xi32> to vector<16xi32>
    %mul3A_911 = arith.constant 5 : i32
    %mul3A_912 = vector.broadcast %mul3A_911 : i32 to vector<16xi32>
    %mul3A_913 = arith.muli %get3A_907, %mul3A_912 : vector<16xi32>
    %add3A_914 = arith.addi %mul3A_913, %get3A_910 : vector<16xi32>
    %add3A_915 = vector.broadcast %mul3A_4 : i32 to vector<16xi32>
    %add3A_916 = arith.addi %add3A_914, %add3A_915 : vector<16xi32>
    %swap3A_917 = arith.constant 1 : i32
    %swap3A_918 = arith.index_cast %swap3A_917 : i32 to index
    %swap3A_919 = arith.constant 96 : index
    %swap3A_920 = tpu.vector_load %arg11[%swap3A_918, %swap3A_919] {strides = array<i32>} : memref<4x128xi32, #tpu.memory_space<vmem>>, vector<1x16xi32>,
    %swap3A_921 = vector.shape_cast %swap3A_920 : vector<1x16xi32> to vector<16xi32>
    %swap3A_922 = vector.shape_cast %add3A_916 : vector<16xi32> to vector<1x16xi32>
    tpu.vector_store %arg11[%swap3A_918, %swap3A_919], %swap3A_922 {strides = array<i32>} : memref<4x128xi32, #tpu.memory_space<vmem>>, vector<1x16xi32>,
    %get3A_923 = arith.constant 240 : index
    %get3A_924 = tpu.vector_load %arg7[%get3A_923] {strides = array<i32>} : memref<512xi32, #tpu.memory_space<vmem>>, vector<16xi32>,
    %get3A_925 = vector.shape_cast %get3A_924 : vector<16xi32> to vector<16xi32>
    %get3A_926 = arith.constant 240 : index
    %get3A_927 = tpu.vector_load %arg9[%get3A_926] {strides = array<i32>} : memref<512xi32, #tpu.memory_space<vmem>>, vector<16xi32>,
    %get3A_928 = vector.shape_cast %get3A_927 : vector<16xi32> to vector<16xi32>
    %mul3A_929 = arith.constant 5 : i32
    %mul3A_930 = vector.broadcast %mul3A_929 : i32 to vector<16xi32>
    %mul3A_931 = arith.muli %get3A_925, %mul3A_930 : vector<16xi32>
    %add3A_932 = arith.addi %mul3A_931, %get3A_928 : vector<16xi32>
    %add3A_933 = vector.broadcast %mul3A_4 : i32 to vector<16xi32>
    %add3A_934 = arith.addi %add3A_932, %add3A_933 : vector<16xi32>
    %swap3A_935 = arith.constant 1 : i32
    %swap3A_936 = arith.index_cast %swap3A_935 : i32 to index
    %swap3A_937 = arith.constant 112 : index
    %swap3A_938 = tpu.vector_load %arg11[%swap3A_936, %swap3A_937] {strides = array<i32>} : memref<4x128xi32, #tpu.memory_space<vmem>>, vector<1x16xi32>,
    %swap3A_939 = vector.shape_cast %swap3A_938 : vector<1x16xi32> to vector<16xi32>
    %swap3A_940 = vector.shape_cast %add3A_934 : vector<16xi32> to vector<1x16xi32>
    tpu.vector_store %arg11[%swap3A_936, %swap3A_937], %swap3A_940 {strides = array<i32>} : memref<4x128xi32, #tpu.memory_space<vmem>>, vector<1x16xi32>,
    %get3A_941 = arith.constant 256 : index
    %get3A_942 = tpu.vector_load %arg7[%get3A_941] {strides = array<i32>} : memref<512xi32, #tpu.memory_space<vmem>>, vector<16xi32>,
    %get3A_943 = vector.shape_cast %get3A_942 : vector<16xi32> to vector<16xi32>
    %get3A_944 = arith.constant 256 : index
    %get3A_945 = tpu.vector_load %arg9[%get3A_944] {strides = array<i32>} : memref<512xi32, #tpu.memory_space<vmem>>, vector<16xi32>,
    %get3A_946 = vector.shape_cast %get3A_945 : vector<16xi32> to vector<16xi32>
    %mul3A_947 = arith.constant 5 : i32
    %mul3A_948 = vector.broadcast %mul3A_947 : i32 to vector<16xi32>
    %mul3A_949 = arith.muli %get3A_943, %mul3A_948 : vector<16xi32>
    %add3A_950 = arith.addi %mul3A_949, %get3A_946 : vector<16xi32>
    %add3A_951 = vector.broadcast %mul3A_4 : i32 to vector<16xi32>
    %add3A_952 = arith.addi %add3A_950, %add3A_951 : vector<16xi32>
    %swap3A_953 = arith.constant 2 : i32
    %swap3A_954 = arith.index_cast %swap3A_953 : i32 to index
    %swap3A_955 = arith.constant 0 : index
    %swap3A_956 = tpu.vector_load %arg11[%swap3A_954, %swap3A_955] {strides = array<i32>} : memref<4x128xi32, #tpu.memory_space<vmem>>, vector<1x16xi32>,
    %swap3A_957 = vector.shape_cast %swap3A_956 : vector<1x16xi32> to vector<16xi32>
    %swap3A_958 = vector.shape_cast %add3A_952 : vector<16xi32> to vector<1x16xi32>
    tpu.vector_store %arg11[%swap3A_954, %swap3A_955], %swap3A_958 {strides = array<i32>} : memref<4x128xi32, #tpu.memory_space<vmem>>, vector<1x16xi32>,
    %get3A_959 = arith.constant 272 : index
    %get3A_960 = tpu.vector_load %arg7[%get3A_959] {strides = array<i32>} : memref<512xi32, #tpu.memory_space<vmem>>, vector<16xi32>,
    %get3A_961 = vector.shape_cast %get3A_960 : vector<16xi32> to vector<16xi32>
    %get3A_962 = arith.constant 272 : index
    %get3A_963 = tpu.vector_load %arg9[%get3A_962] {strides = array<i32>} : memref<512xi32, #tpu.memory_space<vmem>>, vector<16xi32>,
    %get3A_964 = vector.shape_cast %get3A_963 : vector<16xi32> to vector<16xi32>
    %mul3A_965 = arith.constant 5 : i32
    %mul3A_966 = vector.broadcast %mul3A_965 : i32 to vector<16xi32>
    %mul3A_967 = arith.muli %get3A_961, %mul3A_966 : vector<16xi32>
    %add3A_968 = arith.addi %mul3A_967, %get3A_964 : vector<16xi32>
    %add3A_969 = vector.broadcast %mul3A_4 : i32 to vector<16xi32>
    %add3A_970 = arith.addi %add3A_968, %add3A_969 : vector<16xi32>
    %swap3A_971 = arith.constant 2 : i32
    %swap3A_972 = arith.index_cast %swap3A_971 : i32 to index
    %swap3A_973 = arith.constant 16 : index
    %swap3A_974 = tpu.vector_load %arg11[%swap3A_972, %swap3A_973] {strides = array<i32>} : memref<4x128xi32, #tpu.memory_space<vmem>>, vector<1x16xi32>,
    %swap3A_975 = vector.shape_cast %swap3A_974 : vector<1x16xi32> to vector<16xi32>
    %swap3A_976 = vector.shape_cast %add3A_970 : vector<16xi32> to vector<1x16xi32>
    tpu.vector_store %arg11[%swap3A_972, %swap3A_973], %swap3A_976 {strides = array<i32>} : memref<4x128xi32, #tpu.memory_space<vmem>>, vector<1x16xi32>,
    %get3A_977 = arith.constant 288 : index
    %get3A_978 = tpu.vector_load %arg7[%get3A_977] {strides = array<i32>} : memref<512xi32, #tpu.memory_space<vmem>>, vector<16xi32>,
    %get3A_979 = vector.shape_cast %get3A_978 : vector<16xi32> to vector<16xi32>
    %get3A_980 = arith.constant 288 : index
    %get3A_981 = tpu.vector_load %arg9[%get3A_980] {strides = array<i32>} : memref<512xi32, #tpu.memory_space<vmem>>, vector<16xi32>,
    %get3A_982 = vector.shape_cast %get3A_981 : vector<16xi32> to vector<16xi32>
    %mul3A_983 = arith.constant 5 : i32
    %mul3A_984 = vector.broadcast %mul3A_983 : i32 to vector<16xi32>
    %mul3A_985 = arith.muli %get3A_979, %mul3A_984 : vector<16xi32>
    %add3A_986 = arith.addi %mul3A_985, %get3A_982 : vector<16xi32>
    %add3A_987 = vector.broadcast %mul3A_4 : i32 to vector<16xi32>
    %add3A_988 = arith.addi %add3A_986, %add3A_987 : vector<16xi32>
    %swap3A_989 = arith.constant 2 : i32
    %swap3A_990 = arith.index_cast %swap3A_989 : i32 to index
    %swap3A_991 = arith.constant 32 : index
    %swap3A_992 = tpu.vector_load %arg11[%swap3A_990, %swap3A_991] {strides = array<i32>} : memref<4x128xi32, #tpu.memory_space<vmem>>, vector<1x16xi32>,
    %swap3A_993 = vector.shape_cast %swap3A_992 : vector<1x16xi32> to vector<16xi32>
    %swap3A_994 = vector.shape_cast %add3A_988 : vector<16xi32> to vector<1x16xi32>
    tpu.vector_store %arg11[%swap3A_990, %swap3A_991], %swap3A_994 {strides = array<i32>} : memref<4x128xi32, #tpu.memory_space<vmem>>, vector<1x16xi32>,
    %get3A_995 = arith.constant 304 : index
    %get3A_996 = tpu.vector_load %arg7[%get3A_995] {strides = array<i32>} : memref<512xi32, #tpu.memory_space<vmem>>, vector<16xi32>,
    %get3A_997 = vector.shape_cast %get3A_996 : vector<16xi32> to vector<16xi32>
    %get3A_998 = arith.constant 304 : index
    %get3A_999 = tpu.vector_load %arg9[%get3A_998] {strides = array<i32>} : memref<512xi32, #tpu.memory_space<vmem>>, vector<16xi32>,
    %get3A_1000 = vector.shape_cast %get3A_999 : vector<16xi32> to vector<16xi32>
    %mul3A_1001 = arith.constant 5 : i32
    %mul3A_1002 = vector.broadcast %mul3A_1001 : i32 to vector<16xi32>
    %mul3A_1003 = arith.muli %get3A_997, %mul3A_1002 : vector<16xi32>
    %add3A_1004 = arith.addi %mul3A_1003, %get3A_1000 : vector<16xi32>
    %add3A_1005 = vector.broadcast %mul3A_4 : i32 to vector<16xi32>
    %add3A_1006 = arith.addi %add3A_1004, %add3A_1005 : vector<16xi32>
    %swap3A_1007 = arith.constant 2 : i32
    %swap3A_1008 = arith.index_cast %swap3A_1007 : i32 to index
    %swap3A_1009 = arith.constant 48 : index
    %swap3A_1010 = tpu.vector_load %arg11[%swap3A_1008, %swap3A_1009] {strides = array<i32>} : memref<4x128xi32, #tpu.memory_space<vmem>>, vector<1x16xi32>,
    %swap3A_1011 = vector.shape_cast %swap3A_1010 : vector<1x16xi32> to vector<16xi32>
    %swap3A_1012 = vector.shape_cast %add3A_1006 : vector<16xi32> to vector<1x16xi32>
    tpu.vector_store %arg11[%swap3A_1008, %swap3A_1009], %swap3A_1012 {strides = array<i32>} : memref<4x128xi32, #tpu.memory_space<vmem>>, vector<1x16xi32>,
    %get3A_1013 = arith.constant 320 : index
    %get3A_1014 = tpu.vector_load %arg7[%get3A_1013] {strides = array<i32>} : memref<512xi32, #tpu.memory_space<vmem>>, vector<16xi32>,
    %get3A_1015 = vector.shape_cast %get3A_1014 : vector<16xi32> to vector<16xi32>
    %get3A_1016 = arith.constant 320 : index
    %get3A_1017 = tpu.vector_load %arg9[%get3A_1016] {strides = array<i32>} : memref<512xi32, #tpu.memory_space<vmem>>, vector<16xi32>,
    %get3A_1018 = vector.shape_cast %get3A_1017 : vector<16xi32> to vector<16xi32>
    %mul3A_1019 = arith.constant 5 : i32
    %mul3A_1020 = vector.broadcast %mul3A_1019 : i32 to vector<16xi32>
    %mul3A_1021 = arith.muli %get3A_1015, %mul3A_1020 : vector<16xi32>
    %add3A_1022 = arith.addi %mul3A_1021, %get3A_1018 : vector<16xi32>
    %add3A_1023 = vector.broadcast %mul3A_4 : i32 to vector<16xi32>
    %add3A_1024 = arith.addi %add3A_1022, %add3A_1023 : vector<16xi32>
    %swap3A_1025 = arith.constant 2 : i32
    %swap3A_1026 = arith.index_cast %swap3A_1025 : i32 to index
    %swap3A_1027 = arith.constant 64 : index
    %swap3A_1028 = tpu.vector_load %arg11[%swap3A_1026, %swap3A_1027] {strides = array<i32>} : memref<4x128xi32, #tpu.memory_space<vmem>>, vector<1x16xi32>,
    %swap3A_1029 = vector.shape_cast %swap3A_1028 : vector<1x16xi32> to vector<16xi32>
    %swap3A_1030 = vector.shape_cast %add3A_1024 : vector<16xi32> to vector<1x16xi32>
    tpu.vector_store %arg11[%swap3A_1026, %swap3A_1027], %swap3A_1030 {strides = array<i32>} : memref<4x128xi32, #tpu.memory_space<vmem>>, vector<1x16xi32>,
    %get3A_1031 = arith.constant 336 : index
    %get3A_1032 = tpu.vector_load %arg7[%get3A_1031] {strides = array<i32>} : memref<512xi32, #tpu.memory_space<vmem>>, vector<16xi32>,
    %get3A_1033 = vector.shape_cast %get3A_1032 : vector<16xi32> to vector<16xi32>
    %get3A_1034 = arith.constant 336 : index
    %get3A_1035 = tpu.vector_load %arg9[%get3A_1034] {strides = array<i32>} : memref<512xi32, #tpu.memory_space<vmem>>, vector<16xi32>,
    %get3A_1036 = vector.shape_cast %get3A_1035 : vector<16xi32> to vector<16xi32>
    %mul3A_1037 = arith.constant 5 : i32
    %mul3A_1038 = vector.broadcast %mul3A_1037 : i32 to vector<16xi32>
    %mul3A_1039 = arith.muli %get3A_1033, %mul3A_1038 : vector<16xi32>
    %add3A_1040 = arith.addi %mul3A_1039, %get3A_1036 : vector<16xi32>
    %add3A_1041 = vector.broadcast %mul3A_4 : i32 to vector<16xi32>
    %add3A_1042 = arith.addi %add3A_1040, %add3A_1041 : vector<16xi32>
    %swap3A_1043 = arith.constant 2 : i32
    %swap3A_1044 = arith.index_cast %swap3A_1043 : i32 to index
    %swap3A_1045 = arith.constant 80 : index
    %swap3A_1046 = tpu.vector_load %arg11[%swap3A_1044, %swap3A_1045] {strides = array<i32>} : memref<4x128xi32, #tpu.memory_space<vmem>>, vector<1x16xi32>,
    %swap3A_1047 = vector.shape_cast %swap3A_1046 : vector<1x16xi32> to vector<16xi32>
    %swap3A_1048 = vector.shape_cast %add3A_1042 : vector<16xi32> to vector<1x16xi32>
    tpu.vector_store %arg11[%swap3A_1044, %swap3A_1045], %swap3A_1048 {strides = array<i32>} : memref<4x128xi32, #tpu.memory_space<vmem>>, vector<1x16xi32>,
    %get3A_1049 = arith.constant 352 : index
    %get3A_1050 = tpu.vector_load %arg7[%get3A_1049] {strides = array<i32>} : memref<512xi32, #tpu.memory_space<vmem>>, vector<16xi32>,
    %get3A_1051 = vector.shape_cast %get3A_1050 : vector<16xi32> to vector<16xi32>
    %get3A_1052 = arith.constant 352 : index
    %get3A_1053 = tpu.vector_load %arg9[%get3A_1052] {strides = array<i32>} : memref<512xi32, #tpu.memory_space<vmem>>, vector<16xi32>,
    %get3A_1054 = vector.shape_cast %get3A_1053 : vector<16xi32> to vector<16xi32>
    %mul3A_1055 = arith.constant 5 : i32
    %mul3A_1056 = vector.broadcast %mul3A_1055 : i32 to vector<16xi32>
    %mul3A_1057 = arith.muli %get3A_1051, %mul3A_1056 : vector<16xi32>
    %add3A_1058 = arith.addi %mul3A_1057, %get3A_1054 : vector<16xi32>
    %add3A_1059 = vector.broadcast %mul3A_4 : i32 to vector<16xi32>
    %add3A_1060 = arith.addi %add3A_1058, %add3A_1059 : vector<16xi32>
    %swap3A_1061 = arith.constant 2 : i32
    %swap3A_1062 = arith.index_cast %swap3A_1061 : i32 to index
    %swap3A_1063 = arith.constant 96 : index
    %swap3A_1064 = tpu.vector_load %arg11[%swap3A_1062, %swap3A_1063] {strides = array<i32>} : memref<4x128xi32, #tpu.memory_space<vmem>>, vector<1x16xi32>,
    %swap3A_1065 = vector.shape_cast %swap3A_1064 : vector<1x16xi32> to vector<16xi32>
    %swap3A_1066 = vector.shape_cast %add3A_1060 : vector<16xi32> to vector<1x16xi32>
    tpu.vector_store %arg11[%swap3A_1062, %swap3A_1063], %swap3A_1066 {strides = array<i32>} : memref<4x128xi32, #tpu.memory_space<vmem>>, vector<1x16xi32>,
    %get3A_1067 = arith.constant 368 : index
    %get3A_1068 = tpu.vector_load %arg7[%get3A_1067] {strides = array<i32>} : memref<512xi32, #tpu.memory_space<vmem>>, vector<16xi32>,
    %get3A_1069 = vector.shape_cast %get3A_1068 : vector<16xi32> to vector<16xi32>
    %get3A_1070 = arith.constant 368 : index
    %get3A_1071 = tpu.vector_load %arg9[%get3A_1070] {strides = array<i32>} : memref<512xi32, #tpu.memory_space<vmem>>, vector<16xi32>,
    %get3A_1072 = vector.shape_cast %get3A_1071 : vector<16xi32> to vector<16xi32>
    %mul3A_1073 = arith.constant 5 : i32
    %mul3A_1074 = vector.broadcast %mul3A_1073 : i32 to vector<16xi32>
    %mul3A_1075 = arith.muli %get3A_1069, %mul3A_1074 : vector<16xi32>
    %add3A_1076 = arith.addi %mul3A_1075, %get3A_1072 : vector<16xi32>
    %add3A_1077 = vector.broadcast %mul3A_4 : i32 to vector<16xi32>
    %add3A_1078 = arith.addi %add3A_1076, %add3A_1077 : vector<16xi32>
    %swap3A_1079 = arith.constant 2 : i32
    %swap3A_1080 = arith.index_cast %swap3A_1079 : i32 to index
    %swap3A_1081 = arith.constant 112 : index
    %swap3A_1082 = tpu.vector_load %arg11[%swap3A_1080, %swap3A_1081] {strides = array<i32>} : memref<4x128xi32, #tpu.memory_space<vmem>>, vector<1x16xi32>,
    %swap3A_1083 = vector.shape_cast %swap3A_1082 : vector<1x16xi32> to vector<16xi32>
    %swap3A_1084 = vector.shape_cast %add3A_1078 : vector<16xi32> to vector<1x16xi32>
    tpu.vector_store %arg11[%swap3A_1080, %swap3A_1081], %swap3A_1084 {strides = array<i32>} : memref<4x128xi32, #tpu.memory_space<vmem>>, vector<1x16xi32>,
    %get3A_1085 = arith.constant 384 : index
    %get3A_1086 = tpu.vector_load %arg7[%get3A_1085] {strides = array<i32>} : memref<512xi32, #tpu.memory_space<vmem>>, vector<16xi32>,
    %get3A_1087 = vector.shape_cast %get3A_1086 : vector<16xi32> to vector<16xi32>
    %get3A_1088 = arith.constant 384 : index
    %get3A_1089 = tpu.vector_load %arg9[%get3A_1088] {strides = array<i32>} : memref<512xi32, #tpu.memory_space<vmem>>, vector<16xi32>,
    %get3A_1090 = vector.shape_cast %get3A_1089 : vector<16xi32> to vector<16xi32>
    %mul3A_1091 = arith.constant 5 : i32
    %mul3A_1092 = vector.broadcast %mul3A_1091 : i32 to vector<16xi32>
    %mul3A_1093 = arith.muli %get3A_1087, %mul3A_1092 : vector<16xi32>
    %add3A_1094 = arith.addi %mul3A_1093, %get3A_1090 : vector<16xi32>
    %add3A_1095 = vector.broadcast %mul3A_4 : i32 to vector<16xi32>
    %add3A_1096 = arith.addi %add3A_1094, %add3A_1095 : vector<16xi32>
    %swap3A_1097 = arith.constant 3 : i32
    %swap3A_1098 = arith.index_cast %swap3A_1097 : i32 to index
    %swap3A_1099 = arith.constant 0 : index
    %swap3A_1100 = tpu.vector_load %arg11[%swap3A_1098, %swap3A_1099] {strides = array<i32>} : memref<4x128xi32, #tpu.memory_space<vmem>>, vector<1x16xi32>,
    %swap3A_1101 = vector.shape_cast %swap3A_1100 : vector<1x16xi32> to vector<16xi32>
    %swap3A_1102 = vector.shape_cast %add3A_1096 : vector<16xi32> to vector<1x16xi32>
    tpu.vector_store %arg11[%swap3A_1098, %swap3A_1099], %swap3A_1102 {strides = array<i32>} : memref<4x128xi32, #tpu.memory_space<vmem>>, vector<1x16xi32>,
    %get3A_1103 = arith.constant 400 : index
    %get3A_1104 = tpu.vector_load %arg7[%get3A_1103] {strides = array<i32>} : memref<512xi32, #tpu.memory_space<vmem>>, vector<16xi32>,
    %get3A_1105 = vector.shape_cast %get3A_1104 : vector<16xi32> to vector<16xi32>
    %get3A_1106 = arith.constant 400 : index
    %get3A_1107 = tpu.vector_load %arg9[%get3A_1106] {strides = array<i32>} : memref<512xi32, #tpu.memory_space<vmem>>, vector<16xi32>,
    %get3A_1108 = vector.shape_cast %get3A_1107 : vector<16xi32> to vector<16xi32>
    %mul3A_1109 = arith.constant 5 : i32
    %mul3A_1110 = vector.broadcast %mul3A_1109 : i32 to vector<16xi32>
    %mul3A_1111 = arith.muli %get3A_1105, %mul3A_1110 : vector<16xi32>
    %add3A_1112 = arith.addi %mul3A_1111, %get3A_1108 : vector<16xi32>
    %add3A_1113 = vector.broadcast %mul3A_4 : i32 to vector<16xi32>
    %add3A_1114 = arith.addi %add3A_1112, %add3A_1113 : vector<16xi32>
    %swap3A_1115 = arith.constant 3 : i32
    %swap3A_1116 = arith.index_cast %swap3A_1115 : i32 to index
    %swap3A_1117 = arith.constant 16 : index
    %swap3A_1118 = tpu.vector_load %arg11[%swap3A_1116, %swap3A_1117] {strides = array<i32>} : memref<4x128xi32, #tpu.memory_space<vmem>>, vector<1x16xi32>,
    %swap3A_1119 = vector.shape_cast %swap3A_1118 : vector<1x16xi32> to vector<16xi32>
    %swap3A_1120 = vector.shape_cast %add3A_1114 : vector<16xi32> to vector<1x16xi32>
    tpu.vector_store %arg11[%swap3A_1116, %swap3A_1117], %swap3A_1120 {strides = array<i32>} : memref<4x128xi32, #tpu.memory_space<vmem>>, vector<1x16xi32>,
    %get3A_1121 = arith.constant 416 : index
    %get3A_1122 = tpu.vector_load %arg7[%get3A_1121] {strides = array<i32>} : memref<512xi32, #tpu.memory_space<vmem>>, vector<16xi32>,
    %get3A_1123 = vector.shape_cast %get3A_1122 : vector<16xi32> to vector<16xi32>
    %get3A_1124 = arith.constant 416 : index
    %get3A_1125 = tpu.vector_load %arg9[%get3A_1124] {strides = array<i32>} : memref<512xi32, #tpu.memory_space<vmem>>, vector<16xi32>,
    %get3A_1126 = vector.shape_cast %get3A_1125 : vector<16xi32> to vector<16xi32>
    %mul3A_1127 = arith.constant 5 : i32
    %mul3A_1128 = vector.broadcast %mul3A_1127 : i32 to vector<16xi32>
    %mul3A_1129 = arith.muli %get3A_1123, %mul3A_1128 : vector<16xi32>
    %add3A_1130 = arith.addi %mul3A_1129, %get3A_1126 : vector<16xi32>
    %add3A_1131 = vector.broadcast %mul3A_4 : i32 to vector<16xi32>
    %add3A_1132 = arith.addi %add3A_1130, %add3A_1131 : vector<16xi32>
    %swap3A_1133 = arith.constant 3 : i32
    %swap3A_1134 = arith.index_cast %swap3A_1133 : i32 to index
    %swap3A_1135 = arith.constant 32 : index
    %swap3A_1136 = tpu.vector_load %arg11[%swap3A_1134, %swap3A_1135] {strides = array<i32>} : memref<4x128xi32, #tpu.memory_space<vmem>>, vector<1x16xi32>,
    %swap3A_1137 = vector.shape_cast %swap3A_1136 : vector<1x16xi32> to vector<16xi32>
    %swap3A_1138 = vector.shape_cast %add3A_1132 : vector<16xi32> to vector<1x16xi32>
    tpu.vector_store %arg11[%swap3A_1134, %swap3A_1135], %swap3A_1138 {strides = array<i32>} : memref<4x128xi32, #tpu.memory_space<vmem>>, vector<1x16xi32>,
    %get3A_1139 = arith.constant 432 : index
    %get3A_1140 = tpu.vector_load %arg7[%get3A_1139] {strides = array<i32>} : memref<512xi32, #tpu.memory_space<vmem>>, vector<16xi32>,
    %get3A_1141 = vector.shape_cast %get3A_1140 : vector<16xi32> to vector<16xi32>
    %get3A_1142 = arith.constant 432 : index
    %get3A_1143 = tpu.vector_load %arg9[%get3A_1142] {strides = array<i32>} : memref<512xi32, #tpu.memory_space<vmem>>, vector<16xi32>,
    %get3A_1144 = vector.shape_cast %get3A_1143 : vector<16xi32> to vector<16xi32>
    %mul3A_1145 = arith.constant 5 : i32
    %mul3A_1146 = vector.broadcast %mul3A_1145 : i32 to vector<16xi32>
    %mul3A_1147 = arith.muli %get3A_1141, %mul3A_1146 : vector<16xi32>
    %add3A_1148 = arith.addi %mul3A_1147, %get3A_1144 : vector<16xi32>
    %add3A_1149 = vector.broadcast %mul3A_4 : i32 to vector<16xi32>
    %add3A_1150 = arith.addi %add3A_1148, %add3A_1149 : vector<16xi32>
    %swap3A_1151 = arith.constant 3 : i32
    %swap3A_1152 = arith.index_cast %swap3A_1151 : i32 to index
    %swap3A_1153 = arith.constant 48 : index
    %swap3A_1154 = tpu.vector_load %arg11[%swap3A_1152, %swap3A_1153] {strides = array<i32>} : memref<4x128xi32, #tpu.memory_space<vmem>>, vector<1x16xi32>,
    %swap3A_1155 = vector.shape_cast %swap3A_1154 : vector<1x16xi32> to vector<16xi32>
    %swap3A_1156 = vector.shape_cast %add3A_1150 : vector<16xi32> to vector<1x16xi32>
    tpu.vector_store %arg11[%swap3A_1152, %swap3A_1153], %swap3A_1156 {strides = array<i32>} : memref<4x128xi32, #tpu.memory_space<vmem>>, vector<1x16xi32>,
    %get3A_1157 = arith.constant 448 : index
    %get3A_1158 = tpu.vector_load %arg7[%get3A_1157] {strides = array<i32>} : memref<512xi32, #tpu.memory_space<vmem>>, vector<16xi32>,
    %get3A_1159 = vector.shape_cast %get3A_1158 : vector<16xi32> to vector<16xi32>
    %get3A_1160 = arith.constant 448 : index
    %get3A_1161 = tpu.vector_load %arg9[%get3A_1160] {strides = array<i32>} : memref<512xi32, #tpu.memory_space<vmem>>, vector<16xi32>,
    %get3A_1162 = vector.shape_cast %get3A_1161 : vector<16xi32> to vector<16xi32>
    %mul3A_1163 = arith.constant 5 : i32
    %mul3A_1164 = vector.broadcast %mul3A_1163 : i32 to vector<16xi32>
    %mul3A_1165 = arith.muli %get3A_1159, %mul3A_1164 : vector<16xi32>
    %add3A_1166 = arith.addi %mul3A_1165, %get3A_1162 : vector<16xi32>
    %add3A_1167 = vector.broadcast %mul3A_4 : i32 to vector<16xi32>
    %add3A_1168 = arith.addi %add3A_1166, %add3A_1167 : vector<16xi32>
    %swap3A_1169 = arith.constant 3 : i32
    %swap3A_1170 = arith.index_cast %swap3A_1169 : i32 to index
    %swap3A_1171 = arith.constant 64 : index
    %swap3A_1172 = tpu.vector_load %arg11[%swap3A_1170, %swap3A_1171] {strides = array<i32>} : memref<4x128xi32, #tpu.memory_space<vmem>>, vector<1x16xi32>,
    %swap3A_1173 = vector.shape_cast %swap3A_1172 : vector<1x16xi32> to vector<16xi32>
    %swap3A_1174 = vector.shape_cast %add3A_1168 : vector<16xi32> to vector<1x16xi32>
    tpu.vector_store %arg11[%swap3A_1170, %swap3A_1171], %swap3A_1174 {strides = array<i32>} : memref<4x128xi32, #tpu.memory_space<vmem>>, vector<1x16xi32>,
    %get3A_1175 = arith.constant 464 : index
    %get3A_1176 = tpu.vector_load %arg7[%get3A_1175] {strides = array<i32>} : memref<512xi32, #tpu.memory_space<vmem>>, vector<16xi32>,
    %get3A_1177 = vector.shape_cast %get3A_1176 : vector<16xi32> to vector<16xi32>
    %get3A_1178 = arith.constant 464 : index
    %get3A_1179 = tpu.vector_load %arg9[%get3A_1178] {strides = array<i32>} : memref<512xi32, #tpu.memory_space<vmem>>, vector<16xi32>,
    %get3A_1180 = vector.shape_cast %get3A_1179 : vector<16xi32> to vector<16xi32>
    %mul3A_1181 = arith.constant 5 : i32
    %mul3A_1182 = vector.broadcast %mul3A_1181 : i32 to vector<16xi32>
    %mul3A_1183 = arith.muli %get3A_1177, %mul3A_1182 : vector<16xi32>
    %add3A_1184 = arith.addi %mul3A_1183, %get3A_1180 : vector<16xi32>
    %add3A_1185 = vector.broadcast %mul3A_4 : i32 to vector<16xi32>
    %add3A_1186 = arith.addi %add3A_1184, %add3A_1185 : vector<16xi32>
    %swap3A_1187 = arith.constant 3 : i32
    %swap3A_1188 = arith.index_cast %swap3A_1187 : i32 to index
    %swap3A_1189 = arith.constant 80 : index
    %swap3A_1190 = tpu.vector_load %arg11[%swap3A_1188, %swap3A_1189] {strides = array<i32>} : memref<4x128xi32, #tpu.memory_space<vmem>>, vector<1x16xi32>,
    %swap3A_1191 = vector.shape_cast %swap3A_1190 : vector<1x16xi32> to vector<16xi32>
    %swap3A_1192 = vector.shape_cast %add3A_1186 : vector<16xi32> to vector<1x16xi32>
    tpu.vector_store %arg11[%swap3A_1188, %swap3A_1189], %swap3A_1192 {strides = array<i32>} : memref<4x128xi32, #tpu.memory_space<vmem>>, vector<1x16xi32>,
    %get3A_1193 = arith.constant 480 : index
    %get3A_1194 = tpu.vector_load %arg7[%get3A_1193] {strides = array<i32>} : memref<512xi32, #tpu.memory_space<vmem>>, vector<16xi32>,
    %get3A_1195 = vector.shape_cast %get3A_1194 : vector<16xi32> to vector<16xi32>
    %get3A_1196 = arith.constant 480 : index
    %get3A_1197 = tpu.vector_load %arg9[%get3A_1196] {strides = array<i32>} : memref<512xi32, #tpu.memory_space<vmem>>, vector<16xi32>,
    %get3A_1198 = vector.shape_cast %get3A_1197 : vector<16xi32> to vector<16xi32>
    %mul3A_1199 = arith.constant 5 : i32
    %mul3A_1200 = vector.broadcast %mul3A_1199 : i32 to vector<16xi32>
    %mul3A_1201 = arith.muli %get3A_1195, %mul3A_1200 : vector<16xi32>
    %add3A_1202 = arith.addi %mul3A_1201, %get3A_1198 : vector<16xi32>
    %add3A_1203 = vector.broadcast %mul3A_4 : i32 to vector<16xi32>
    %add3A_1204 = arith.addi %add3A_1202, %add3A_1203 : vector<16xi32>
    %swap3A_1205 = arith.constant 3 : i32
    %swap3A_1206 = arith.index_cast %swap3A_1205 : i32 to index
    %swap3A_1207 = arith.constant 96 : index
    %swap3A_1208 = tpu.vector_load %arg11[%swap3A_1206, %swap3A_1207] {strides = array<i32>} : memref<4x128xi32, #tpu.memory_space<vmem>>, vector<1x16xi32>,
    %swap3A_1209 = vector.shape_cast %swap3A_1208 : vector<1x16xi32> to vector<16xi32>
    %swap3A_1210 = vector.shape_cast %add3A_1204 : vector<16xi32> to vector<1x16xi32>
    tpu.vector_store %arg11[%swap3A_1206, %swap3A_1207], %swap3A_1210 {strides = array<i32>} : memref<4x128xi32, #tpu.memory_space<vmem>>, vector<1x16xi32>,
    %get3A_1211 = arith.constant 496 : index
    %get3A_1212 = tpu.vector_load %arg7[%get3A_1211] {strides = array<i32>} : memref<512xi32, #tpu.memory_space<vmem>>, vector<16xi32>,
    %get3A_1213 = vector.shape_cast %get3A_1212 : vector<16xi32> to vector<16xi32>
    %get3A_1214 = arith.constant 496 : index
    %get3A_1215 = tpu.vector_load %arg9[%get3A_1214] {strides = array<i32>} : memref<512xi32, #tpu.memory_space<vmem>>, vector<16xi32>,
    %get3A_1216 = vector.shape_cast %get3A_1215 : vector<16xi32> to vector<16xi32>
    %mul3A_1217 = arith.constant 5 : i32
    %mul3A_1218 = vector.broadcast %mul3A_1217 : i32 to vector<16xi32>
    %mul3A_1219 = arith.muli %get3A_1213, %mul3A_1218 : vector<16xi32>
    %add3A_1220 = arith.addi %mul3A_1219, %get3A_1216 : vector<16xi32>
    %add3A_1221 = vector.broadcast %mul3A_4 : i32 to vector<16xi32>
    %add3A_1222 = arith.addi %add3A_1220, %add3A_1221 : vector<16xi32>
    %swap3A_1223 = arith.constant 3 : i32
    %swap3A_1224 = arith.index_cast %swap3A_1223 : i32 to index
    %swap3A_1225 = arith.constant 112 : index
    %swap3A_1226 = tpu.vector_load %arg11[%swap3A_1224, %swap3A_1225] {strides = array<i32>} : memref<4x128xi32, #tpu.memory_space<vmem>>, vector<1x16xi32>,
    %swap3A_1227 = vector.shape_cast %swap3A_1226 : vector<1x16xi32> to vector<16xi32>
    %swap3A_1228 = vector.shape_cast %add3A_1222 : vector<16xi32> to vector<1x16xi32>
    tpu.vector_store %arg11[%swap3A_1224, %swap3A_1225], %swap3A_1228 {strides = array<i32>} : memref<4x128xi32, #tpu.memory_space<vmem>>, vector<1x16xi32>,
    %dma_start3A_1229 = arith.constant 0 : i32
    %dma_start3A_1230 = arith.constant 0 : i32
    %dma_start3A_1231 = arith.constant 0 : i32
    %dma_start3A_1232 = tpu.memref_slice %arg13[%dma_start3A_1230, %dma_start3A_1231] : memref<512x64xf32, #tpu.memory_space<vmem>> -> memref<128x64xf32, #tpu.memory_space<vmem>>
    %dma_start3A_1233 = arith.constant 0 : i32
    %dma_start3A_1234 = tpu.memref_slice %arg11[%dma_start3A_1229, %dma_start3A_1233] : memref<4x128xi32, #tpu.memory_space<vmem>> -> memref<1x128xi32, #tpu.memory_space<vmem>>
    %dma_start3A_1235 = tpu.memref_squeeze %dma_start3A_1234 : memref<1x128xi32, #tpu.memory_space<vmem>> -> memref<128xi32, #tpu.memory_space<vmem>>
    %dma_start3A_1236 = arith.constant 0 : i32
    %dma_start3A_1237 = arith.constant 0 : i32
    %dma_start3A_1238 = tpu.memref_slice %arg14[%dma_start3A_1236, %dma_start3A_1237] : memref<2304x64xf32, #tpu.memory_space<vmem_shared>> -> memref<2304x64xf32, #tpu.memory_space<vmem_shared>>
    tpu.enqueue_indirect_dma source(%dma_start3A_1238 : memref<2304x64xf32, #tpu.memory_space<vmem_shared>>) target(%dma_start3A_1232 : memref<128x64xf32, #tpu.memory_space<vmem>>) offsets(%dma_start3A_1235 : memref<128xi32, #tpu.memory_space<vmem>>) semaphore(%arg18 : memref<!tpu.dma_semaphore, #tpu.memory_space<semaphore_mem>>)
    %dma_start3A_1239 = arith.constant 1 : i32
    %dma_start3A_1240 = arith.constant 128 : i32
    %dma_start3A_1241 = arith.constant 0 : i32
    %dma_start3A_1242 = tpu.memref_slice %arg13[%dma_start3A_1240, %dma_start3A_1241] : memref<512x64xf32, #tpu.memory_space<vmem>> -> memref<128x64xf32, #tpu.memory_space<vmem>>
    %dma_start3A_1243 = arith.constant 0 : i32
    %dma_start3A_1244 = tpu.memref_slice %arg11[%dma_start3A_1239, %dma_start3A_1243] : memref<4x128xi32, #tpu.memory_space<vmem>> -> memref<1x128xi32, #tpu.memory_space<vmem>>
    %dma_start3A_1245 = tpu.memref_squeeze %dma_start3A_1244 : memref<1x128xi32, #tpu.memory_space<vmem>> -> memref<128xi32, #tpu.memory_space<vmem>>
    %dma_start3A_1246 = arith.constant 0 : i32
    %dma_start3A_1247 = arith.constant 0 : i32
    %dma_start3A_1248 = tpu.memref_slice %arg14[%dma_start3A_1246, %dma_start3A_1247] : memref<2304x64xf32, #tpu.memory_space<vmem_shared>> -> memref<2304x64xf32, #tpu.memory_space<vmem_shared>>
    tpu.enqueue_indirect_dma source(%dma_start3A_1248 : memref<2304x64xf32, #tpu.memory_space<vmem_shared>>) target(%dma_start3A_1242 : memref<128x64xf32, #tpu.memory_space<vmem>>) offsets(%dma_start3A_1245 : memref<128xi32, #tpu.memory_space<vmem>>) semaphore(%arg18 : memref<!tpu.dma_semaphore, #tpu.memory_space<semaphore_mem>>)
    %dma_start3A_1249 = arith.constant 2 : i32
    %dma_start3A_1250 = arith.constant 256 : i32
    %dma_start3A_1251 = arith.constant 0 : i32
    %dma_start3A_1252 = tpu.memref_slice %arg13[%dma_start3A_1250, %dma_start3A_1251] : memref<512x64xf32, #tpu.memory_space<vmem>> -> memref<128x64xf32, #tpu.memory_space<vmem>>
    %dma_start3A_1253 = arith.constant 0 : i32
    %dma_start3A_1254 = tpu.memref_slice %arg11[%dma_start3A_1249, %dma_start3A_1253] : memref<4x128xi32, #tpu.memory_space<vmem>> -> memref<1x128xi32, #tpu.memory_space<vmem>>
    %dma_start3A_1255 = tpu.memref_squeeze %dma_start3A_1254 : memref<1x128xi32, #tpu.memory_space<vmem>> -> memref<128xi32, #tpu.memory_space<vmem>>
    %dma_start3A_1256 = arith.constant 0 : i32
    %dma_start3A_1257 = arith.constant 0 : i32
    %dma_start3A_1258 = tpu.memref_slice %arg14[%dma_start3A_1256, %dma_start3A_1257] : memref<2304x64xf32, #tpu.memory_space<vmem_shared>> -> memref<2304x64xf32, #tpu.memory_space<vmem_shared>>
    tpu.enqueue_indirect_dma source(%dma_start3A_1258 : memref<2304x64xf32, #tpu.memory_space<vmem_shared>>) target(%dma_start3A_1252 : memref<128x64xf32, #tpu.memory_space<vmem>>) offsets(%dma_start3A_1255 : memref<128xi32, #tpu.memory_space<vmem>>) semaphore(%arg18 : memref<!tpu.dma_semaphore, #tpu.memory_space<semaphore_mem>>)
    %dma_start3A_1259 = arith.constant 3 : i32
    %dma_start3A_1260 = arith.constant 384 : i32
    %dma_start3A_1261 = arith.constant 0 : i32
    %dma_start3A_1262 = tpu.memref_slice %arg13[%dma_start3A_1260, %dma_start3A_1261] : memref<512x64xf32, #tpu.memory_space<vmem>> -> memref<128x64xf32, #tpu.memory_space<vmem>>
    %dma_start3A_1263 = arith.constant 0 : i32
    %dma_start3A_1264 = tpu.memref_slice %arg11[%dma_start3A_1259, %dma_start3A_1263] : memref<4x128xi32, #tpu.memory_space<vmem>> -> memref<1x128xi32, #tpu.memory_space<vmem>>
    %dma_start3A_1265 = tpu.memref_squeeze %dma_start3A_1264 : memref<1x128xi32, #tpu.memory_space<vmem>> -> memref<128xi32, #tpu.memory_space<vmem>>
    %dma_start3A_1266 = arith.constant 0 : i32
    %dma_start3A_1267 = arith.constant 0 : i32
    %dma_start3A_1268 = tpu.memref_slice %arg14[%dma_start3A_1266, %dma_start3A_1267] : memref<2304x64xf32, #tpu.memory_space<vmem_shared>> -> memref<2304x64xf32, #tpu.memory_space<vmem_shared>>
    tpu.enqueue_indirect_dma source(%dma_start3A_1268 : memref<2304x64xf32, #tpu.memory_space<vmem_shared>>) target(%dma_start3A_1262 : memref<128x64xf32, #tpu.memory_space<vmem>>) offsets(%dma_start3A_1265 : memref<128xi32, #tpu.memory_space<vmem>>) semaphore(%arg18 : memref<!tpu.dma_semaphore, #tpu.memory_space<semaphore_mem>>)
    %add3A_1269 = arith.constant 1536 : i32
    %add3A_1270 = arith.addi %mul3A_2, %add3A_1269 : i32
    %dma_start3A_1271 = tpu.memref_slice %arg2[%add3A_1270] : memref<3276800xi32, #tpu.memory_space<hbm>> -> memref<512xi32, #tpu.memory_space<hbm>>
    %dma_start3A_1272 = tpu.memref_slice %arg2[%add3A_1270] : memref<3276800xi32, #tpu.memory_space<hbm>> -> memref<512xi32, #tpu.memory_space<hbm>>
    tpu.enqueue_dma source(%dma_start3A_1272 : memref<512xi32, #tpu.memory_space<hbm>>) target(%arg7 : memref<512xi32, #tpu.memory_space<vmem>>) target_semaphore(%arg16 : memref<!tpu.dma_semaphore, #tpu.memory_space<semaphore_mem>>)
    %dma_start3A_1273 = tpu.memref_slice %arg3[%add3A_1270] : memref<3276800xi32, #tpu.memory_space<hbm>> -> memref<512xi32, #tpu.memory_space<hbm>>
    %dma_start3A_1274 = tpu.memref_slice %arg3[%add3A_1270] : memref<3276800xi32, #tpu.memory_space<hbm>> -> memref<512xi32, #tpu.memory_space<hbm>>
    tpu.enqueue_dma source(%dma_start3A_1274 : memref<512xi32, #tpu.memory_space<hbm>>) target(%arg9 : memref<512xi32, #tpu.memory_space<vmem>>) target_semaphore(%arg16 : memref<!tpu.dma_semaphore, #tpu.memory_space<semaphore_mem>>)
    %dma_wait3A_1275 = arith.constant 0 : i32
    %dma_wait3A_1276 = arith.constant 0 : i32
    %dma_wait3A_1277 = arith.constant 0 : i32
    %dma_wait3A_1278 = tpu.memref_slice %arg12[%dma_wait3A_1276, %dma_wait3A_1277] : memref<512x64xf32, #tpu.memory_space<vmem>> -> memref<128x64xf32, #tpu.memory_space<vmem>>
    %dma_wait3A_1279 = arith.constant 0 : i32
    %dma_wait3A_1280 = tpu.memref_slice %arg10[%dma_wait3A_1275, %dma_wait3A_1279] : memref<4x128xi32, #tpu.memory_space<vmem>> -> memref<1x128xi32, #tpu.memory_space<vmem>>
    %dma_wait3A_1281 = tpu.memref_squeeze %dma_wait3A_1280 : memref<1x128xi32, #tpu.memory_space<vmem>> -> memref<128xi32, #tpu.memory_space<vmem>>
    %dma_wait3A_1282 = arith.constant 0 : i32
    %dma_wait3A_1283 = arith.constant 0 : i32
    %dma_wait3A_1284 = tpu.memref_slice %arg14[%dma_wait3A_1282, %dma_wait3A_1283] : memref<2304x64xf32, #tpu.memory_space<vmem_shared>> -> memref<2304x64xf32, #tpu.memory_space<vmem_shared>>
    tpu.wait_indirect_dma semaphore(%arg17 : memref<!tpu.dma_semaphore, #tpu.memory_space<semaphore_mem>>) src(%dma_wait3A_1284 : memref<2304x64xf32, #tpu.memory_space<vmem_shared>>) dst(%dma_wait3A_1278 : memref<128x64xf32, #tpu.memory_space<vmem>>)
    %dma_wait3A_1285 = arith.constant 1 : i32
    %dma_wait3A_1286 = arith.constant 128 : i32
    %dma_wait3A_1287 = arith.constant 0 : i32
    %dma_wait3A_1288 = tpu.memref_slice %arg12[%dma_wait3A_1286, %dma_wait3A_1287] : memref<512x64xf32, #tpu.memory_space<vmem>> -> memref<128x64xf32, #tpu.memory_space<vmem>>
    %dma_wait3A_1289 = arith.constant 0 : i32
    %dma_wait3A_1290 = tpu.memref_slice %arg10[%dma_wait3A_1285, %dma_wait3A_1289] : memref<4x128xi32, #tpu.memory_space<vmem>> -> memref<1x128xi32, #tpu.memory_space<vmem>>
    %dma_wait3A_1291 = tpu.memref_squeeze %dma_wait3A_1290 : memref<1x128xi32, #tpu.memory_space<vmem>> -> memref<128xi32, #tpu.memory_space<vmem>>
    %dma_wait3A_1292 = arith.constant 0 : i32
    %dma_wait3A_1293 = arith.constant 0 : i32
    %dma_wait3A_1294 = tpu.memref_slice %arg14[%dma_wait3A_1292, %dma_wait3A_1293] : memref<2304x64xf32, #tpu.memory_space<vmem_shared>> -> memref<2304x64xf32, #tpu.memory_space<vmem_shared>>
    tpu.wait_indirect_dma semaphore(%arg17 : memref<!tpu.dma_semaphore, #tpu.memory_space<semaphore_mem>>) src(%dma_wait3A_1294 : memref<2304x64xf32, #tpu.memory_space<vmem_shared>>) dst(%dma_wait3A_1288 : memref<128x64xf32, #tpu.memory_space<vmem>>)
    %dma_wait3A_1295 = arith.constant 2 : i32
    %dma_wait3A_1296 = arith.constant 256 : i32
    %dma_wait3A_1297 = arith.constant 0 : i32
    %dma_wait3A_1298 = tpu.memref_slice %arg12[%dma_wait3A_1296, %dma_wait3A_1297] : memref<512x64xf32, #tpu.memory_space<vmem>> -> memref<128x64xf32, #tpu.memory_space<vmem>>
    %dma_wait3A_1299 = arith.constant 0 : i32
    %dma_wait3A_1300 = tpu.memref_slice %arg10[%dma_wait3A_1295, %dma_wait3A_1299] : memref<4x128xi32, #tpu.memory_space<vmem>> -> memref<1x128xi32, #tpu.memory_space<vmem>>
    %dma_wait3A_1301 = tpu.memref_squeeze %dma_wait3A_1300 : memref<1x128xi32, #tpu.memory_space<vmem>> -> memref<128xi32, #tpu.memory_space<vmem>>
    %dma_wait3A_1302 = arith.constant 0 : i32
    %dma_wait3A_1303 = arith.constant 0 : i32
    %dma_wait3A_1304 = tpu.memref_slice %arg14[%dma_wait3A_1302, %dma_wait3A_1303] : memref<2304x64xf32, #tpu.memory_space<vmem_shared>> -> memref<2304x64xf32, #tpu.memory_space<vmem_shared>>
    tpu.wait_indirect_dma semaphore(%arg17 : memref<!tpu.dma_semaphore, #tpu.memory_space<semaphore_mem>>) src(%dma_wait3A_1304 : memref<2304x64xf32, #tpu.memory_space<vmem_shared>>) dst(%dma_wait3A_1298 : memref<128x64xf32, #tpu.memory_space<vmem>>)
    %dma_wait3A_1305 = arith.constant 3 : i32
    %dma_wait3A_1306 = arith.constant 384 : i32
    %dma_wait3A_1307 = arith.constant 0 : i32
    %dma_wait3A_1308 = tpu.memref_slice %arg12[%dma_wait3A_1306, %dma_wait3A_1307] : memref<512x64xf32, #tpu.memory_space<vmem>> -> memref<128x64xf32, #tpu.memory_space<vmem>>
    %dma_wait3A_1309 = arith.constant 0 : i32
    %dma_wait3A_1310 = tpu.memref_slice %arg10[%dma_wait3A_1305, %dma_wait3A_1309] : memref<4x128xi32, #tpu.memory_space<vmem>> -> memref<1x128xi32, #tpu.memory_space<vmem>>
    %dma_wait3A_1311 = tpu.memref_squeeze %dma_wait3A_1310 : memref<1x128xi32, #tpu.memory_space<vmem>> -> memref<128xi32, #tpu.memory_space<vmem>>
    %dma_wait3A_1312 = arith.constant 0 : i32
    %dma_wait3A_1313 = arith.constant 0 : i32
    %dma_wait3A_1314 = tpu.memref_slice %arg14[%dma_wait3A_1312, %dma_wait3A_1313] : memref<2304x64xf32, #tpu.memory_space<vmem_shared>> -> memref<2304x64xf32, #tpu.memory_space<vmem_shared>>
    tpu.wait_indirect_dma semaphore(%arg17 : memref<!tpu.dma_semaphore, #tpu.memory_space<semaphore_mem>>) src(%dma_wait3A_1314 : memref<2304x64xf32, #tpu.memory_space<vmem_shared>>) dst(%dma_wait3A_1308 : memref<128x64xf32, #tpu.memory_space<vmem>>)
    %add3A_1315 = arith.constant 0 : i32
    %add3A_1316 = arith.addi %mul3A_2, %add3A_1315 : i32
    %dma_start3A_1317 = arith.constant 0 : i32
    %dma_start3A_1318 = tpu.memref_slice %arg5[%add3A_1316, %dma_start3A_1317] : memref<3276800x64xf32, #tpu.memory_space<hbm>> -> memref<512x64xf32, #tpu.memory_space<hbm>>
    %dma_start3A_1319 = arith.constant 0 : i32
    %dma_start3A_1320 = tpu.memref_slice %arg5[%add3A_1316, %dma_start3A_1319] : memref<3276800x64xf32, #tpu.memory_space<hbm>> -> memref<512x64xf32, #tpu.memory_space<hbm>>
    tpu.enqueue_dma source(%arg12 : memref<512x64xf32, #tpu.memory_space<vmem>>) target(%dma_start3A_1320 : memref<512x64xf32, #tpu.memory_space<hbm>>) target_semaphore(%arg19 : memref<!tpu.dma_semaphore, #tpu.memory_space<semaphore_mem>>)
    %dma_wait3A_1321 = arith.constant 0 : i32
    %dma_wait3A_1322 = arith.constant 0 : i32
    %dma_wait3A_1323 = arith.constant 0 : i32
    %dma_wait3A_1324 = tpu.memref_slice %arg13[%dma_wait3A_1322, %dma_wait3A_1323] : memref<512x64xf32, #tpu.memory_space<vmem>> -> memref<128x64xf32, #tpu.memory_space<vmem>>
    %dma_wait3A_1325 = arith.constant 0 : i32
    %dma_wait3A_1326 = tpu.memref_slice %arg11[%dma_wait3A_1321, %dma_wait3A_1325] : memref<4x128xi32, #tpu.memory_space<vmem>> -> memref<1x128xi32, #tpu.memory_space<vmem>>
    %dma_wait3A_1327 = tpu.memref_squeeze %dma_wait3A_1326 : memref<1x128xi32, #tpu.memory_space<vmem>> -> memref<128xi32, #tpu.memory_space<vmem>>
    %dma_wait3A_1328 = arith.constant 0 : i32
    %dma_wait3A_1329 = arith.constant 0 : i32
    %dma_wait3A_1330 = tpu.memref_slice %arg14[%dma_wait3A_1328, %dma_wait3A_1329] : memref<2304x64xf32, #tpu.memory_space<vmem_shared>> -> memref<2304x64xf32, #tpu.memory_space<vmem_shared>>
    tpu.wait_indirect_dma semaphore(%arg18 : memref<!tpu.dma_semaphore, #tpu.memory_space<semaphore_mem>>) src(%dma_wait3A_1330 : memref<2304x64xf32, #tpu.memory_space<vmem_shared>>) dst(%dma_wait3A_1324 : memref<128x64xf32, #tpu.memory_space<vmem>>)
    %dma_wait3A_1331 = arith.constant 1 : i32
    %dma_wait3A_1332 = arith.constant 128 : i32
    %dma_wait3A_1333 = arith.constant 0 : i32
    %dma_wait3A_1334 = tpu.memref_slice %arg13[%dma_wait3A_1332, %dma_wait3A_1333] : memref<512x64xf32, #tpu.memory_space<vmem>> -> memref<128x64xf32, #tpu.memory_space<vmem>>
    %dma_wait3A_1335 = arith.constant 0 : i32
    %dma_wait3A_1336 = tpu.memref_slice %arg11[%dma_wait3A_1331, %dma_wait3A_1335] : memref<4x128xi32, #tpu.memory_space<vmem>> -> memref<1x128xi32, #tpu.memory_space<vmem>>
    %dma_wait3A_1337 = tpu.memref_squeeze %dma_wait3A_1336 : memref<1x128xi32, #tpu.memory_space<vmem>> -> memref<128xi32, #tpu.memory_space<vmem>>
    %dma_wait3A_1338 = arith.constant 0 : i32
    %dma_wait3A_1339 = arith.constant 0 : i32
    %dma_wait3A_1340 = tpu.memref_slice %arg14[%dma_wait3A_1338, %dma_wait3A_1339] : memref<2304x64xf32, #tpu.memory_space<vmem_shared>> -> memref<2304x64xf32, #tpu.memory_space<vmem_shared>>
    tpu.wait_indirect_dma semaphore(%arg18 : memref<!tpu.dma_semaphore, #tpu.memory_space<semaphore_mem>>) src(%dma_wait3A_1340 : memref<2304x64xf32, #tpu.memory_space<vmem_shared>>) dst(%dma_wait3A_1334 : memref<128x64xf32, #tpu.memory_space<vmem>>)
    %dma_wait3A_1341 = arith.constant 2 : i32
    %dma_wait3A_1342 = arith.constant 256 : i32
    %dma_wait3A_1343 = arith.constant 0 : i32
    %dma_wait3A_1344 = tpu.memref_slice %arg13[%dma_wait3A_1342, %dma_wait3A_1343] : memref<512x64xf32, #tpu.memory_space<vmem>> -> memref<128x64xf32, #tpu.memory_space<vmem>>
    %dma_wait3A_1345 = arith.constant 0 : i32
    %dma_wait3A_1346 = tpu.memref_slice %arg11[%dma_wait3A_1341, %dma_wait3A_1345] : memref<4x128xi32, #tpu.memory_space<vmem>> -> memref<1x128xi32, #tpu.memory_space<vmem>>
    %dma_wait3A_1347 = tpu.memref_squeeze %dma_wait3A_1346 : memref<1x128xi32, #tpu.memory_space<vmem>> -> memref<128xi32, #tpu.memory_space<vmem>>
    %dma_wait3A_1348 = arith.constant 0 : i32
    %dma_wait3A_1349 = arith.constant 0 : i32
    %dma_wait3A_1350 = tpu.memref_slice %arg14[%dma_wait3A_1348, %dma_wait3A_1349] : memref<2304x64xf32, #tpu.memory_space<vmem_shared>> -> memref<2304x64xf32, #tpu.memory_space<vmem_shared>>
    tpu.wait_indirect_dma semaphore(%arg18 : memref<!tpu.dma_semaphore, #tpu.memory_space<semaphore_mem>>) src(%dma_wait3A_1350 : memref<2304x64xf32, #tpu.memory_space<vmem_shared>>) dst(%dma_wait3A_1344 : memref<128x64xf32, #tpu.memory_space<vmem>>)
    %dma_wait3A_1351 = arith.constant 3 : i32
    %dma_wait3A_1352 = arith.constant 384 : i32
    %dma_wait3A_1353 = arith.constant 0 : i32
    %dma_wait3A_1354 = tpu.memref_slice %arg13[%dma_wait3A_1352, %dma_wait3A_1353] : memref<512x64xf32, #tpu.memory_space<vmem>> -> memref<128x64xf32, #tpu.memory_space<vmem>>
    %dma_wait3A_1355 = arith.constant 0 : i32
    %dma_wait3A_1356 = tpu.memref_slice %arg11[%dma_wait3A_1351, %dma_wait3A_1355] : memref<4x128xi32, #tpu.memory_space<vmem>> -> memref<1x128xi32, #tpu.memory_space<vmem>>
    %dma_wait3A_1357 = tpu.memref_squeeze %dma_wait3A_1356 : memref<1x128xi32, #tpu.memory_space<vmem>> -> memref<128xi32, #tpu.memory_space<vmem>>
    %dma_wait3A_1358 = arith.constant 0 : i32
    %dma_wait3A_1359 = arith.constant 0 : i32
    %dma_wait3A_1360 = tpu.memref_slice %arg14[%dma_wait3A_1358, %dma_wait3A_1359] : memref<2304x64xf32, #tpu.memory_space<vmem_shared>> -> memref<2304x64xf32, #tpu.memory_space<vmem_shared>>
    tpu.wait_indirect_dma semaphore(%arg18 : memref<!tpu.dma_semaphore, #tpu.memory_space<semaphore_mem>>) src(%dma_wait3A_1360 : memref<2304x64xf32, #tpu.memory_space<vmem_shared>>) dst(%dma_wait3A_1354 : memref<128x64xf32, #tpu.memory_space<vmem>>)
    %add3A_1361 = arith.constant 512 : i32
    %add3A_1362 = arith.addi %mul3A_2, %add3A_1361 : i32
    %dma_start3A_1363 = arith.constant 0 : i32
    %dma_start3A_1364 = tpu.memref_slice %arg5[%add3A_1362, %dma_start3A_1363] : memref<3276800x64xf32, #tpu.memory_space<hbm>> -> memref<512x64xf32, #tpu.memory_space<hbm>>
    %dma_start3A_1365 = arith.constant 0 : i32
    %dma_start3A_1366 = tpu.memref_slice %arg5[%add3A_1362, %dma_start3A_1365] : memref<3276800x64xf32, #tpu.memory_space<hbm>> -> memref<512x64xf32, #tpu.memory_space<hbm>>
    tpu.enqueue_dma source(%arg13 : memref<512x64xf32, #tpu.memory_space<vmem>>) target(%dma_start3A_1366 : memref<512x64xf32, #tpu.memory_space<hbm>>) target_semaphore(%arg20 : memref<!tpu.dma_semaphore, #tpu.memory_space<semaphore_mem>>)
    %scan3A = arith.constant 0 : i32
    %scan3A_1367 = arith.constant 1 : i32
    %scan3A_1368 = arith.constant 98 : i32
    %scan3A_1369 = arith.addi %scan3A_1367, %scan3A_1368 : i32
    %scan3A_1370 = arith.constant 1 : i32
    scf.for %scan3A_2736 = %scan3A_1367 to %scan3A_1369 step %scan3A_1370  : i32 {
      %mul3A_2737 = arith.constant 2 : i32
      %mul3A_2738 = arith.muli %mul3A_2737, %scan3A_2736 : i32
      %add3A_2739 = arith.constant 1 : i32
      %add3A_2740 = arith.addi %mul3A_2738, %add3A_2739 : i32
      %dma_wait3A_2741 = arith.constant 0 : i32
      %dma_wait3A_2742 = tpu.memref_slice %arg2[%dma_wait3A_2741] : memref<3276800xi32, #tpu.memory_space<hbm>> -> memref<512xi32, #tpu.memory_space<hbm>>
      %dma_wait3A_2743 = arith.constant 0 : i32
      %dma_wait3A_2744 = tpu.memref_slice %arg2[%dma_wait3A_2743] : memref<3276800xi32, #tpu.memory_space<hbm>> -> memref<512xi32, #tpu.memory_space<hbm>>
      tpu.wait_dma2 semaphore(%arg15 : memref<!tpu.dma_semaphore, #tpu.memory_space<semaphore_mem>>) src(%dma_wait3A_2744 : memref<512xi32, #tpu.memory_space<hbm>>) dst(%arg6 : memref<512xi32, #tpu.memory_space<vmem>>)
      %dma_wait3A_2745 = arith.constant 0 : i32
      %dma_wait3A_2746 = tpu.memref_slice %arg3[%dma_wait3A_2745] : memref<3276800xi32, #tpu.memory_space<hbm>> -> memref<512xi32, #tpu.memory_space<hbm>>
      %dma_wait3A_2747 = arith.constant 0 : i32
      %dma_wait3A_2748 = tpu.memref_slice %arg3[%dma_wait3A_2747] : memref<3276800xi32, #tpu.memory_space<hbm>> -> memref<512xi32, #tpu.memory_space<hbm>>
      tpu.wait_dma2 semaphore(%arg15 : memref<!tpu.dma_semaphore, #tpu.memory_space<semaphore_mem>>) src(%dma_wait3A_2748 : memref<512xi32, #tpu.memory_space<hbm>>) dst(%arg8 : memref<512xi32, #tpu.memory_space<vmem>>)
      %get3A_2749 = arith.constant 0 : index
      %get3A_2750 = tpu.vector_load %arg6[%get3A_2749] {strides = array<i32>} : memref<512xi32, #tpu.memory_space<vmem>>, vector<16xi32>,
      %get3A_2751 = vector.shape_cast %get3A_2750 : vector<16xi32> to vector<16xi32>
      %get3A_2752 = arith.constant 0 : index
      %get3A_2753 = tpu.vector_load %arg8[%get3A_2752] {strides = array<i32>} : memref<512xi32, #tpu.memory_space<vmem>>, vector<16xi32>,
      %get3A_2754 = vector.shape_cast %get3A_2753 : vector<16xi32> to vector<16xi32>
      %mul3A_2755 = arith.constant 5 : i32
      %mul3A_2756 = vector.broadcast %mul3A_2755 : i32 to vector<16xi32>
      %mul3A_2757 = arith.muli %get3A_2751, %mul3A_2756 : vector<16xi32>
      %add3A_2758 = arith.addi %mul3A_2757, %get3A_2754 : vector<16xi32>
      %add3A_2759 = vector.broadcast %mul3A_4 : i32 to vector<16xi32>
      %add3A_2760 = arith.addi %add3A_2758, %add3A_2759 : vector<16xi32>
      %swap3A_2761 = arith.constant 0 : i32
      %swap3A_2762 = arith.index_cast %swap3A_2761 : i32 to index
      %swap3A_2763 = arith.constant 0 : index
      %swap3A_2764 = tpu.vector_load %arg10[%swap3A_2762, %swap3A_2763] {strides = array<i32>} : memref<4x128xi32, #tpu.memory_space<vmem>>, vector<1x16xi32>,
      %swap3A_2765 = vector.shape_cast %swap3A_2764 : vector<1x16xi32> to vector<16xi32>
      %swap3A_2766 = vector.shape_cast %add3A_2760 : vector<16xi32> to vector<1x16xi32>
      tpu.vector_store %arg10[%swap3A_2762, %swap3A_2763], %swap3A_2766 {strides = array<i32>} : memref<4x128xi32, #tpu.memory_space<vmem>>, vector<1x16xi32>,
      %get3A_2767 = arith.constant 16 : index
      %get3A_2768 = tpu.vector_load %arg6[%get3A_2767] {strides = array<i32>} : memref<512xi32, #tpu.memory_space<vmem>>, vector<16xi32>,
      %get3A_2769 = vector.shape_cast %get3A_2768 : vector<16xi32> to vector<16xi32>
      %get3A_2770 = arith.constant 16 : index
      %get3A_2771 = tpu.vector_load %arg8[%get3A_2770] {strides = array<i32>} : memref<512xi32, #tpu.memory_space<vmem>>, vector<16xi32>,
      %get3A_2772 = vector.shape_cast %get3A_2771 : vector<16xi32> to vector<16xi32>
      %mul3A_2773 = arith.constant 5 : i32
      %mul3A_2774 = vector.broadcast %mul3A_2773 : i32 to vector<16xi32>
      %mul3A_2775 = arith.muli %get3A_2769, %mul3A_2774 : vector<16xi32>
      %add3A_2776 = arith.addi %mul3A_2775, %get3A_2772 : vector<16xi32>
      %add3A_2777 = vector.broadcast %mul3A_4 : i32 to vector<16xi32>
      %add3A_2778 = arith.addi %add3A_2776, %add3A_2777 : vector<16xi32>
      %swap3A_2779 = arith.constant 0 : i32
      %swap3A_2780 = arith.index_cast %swap3A_2779 : i32 to index
      %swap3A_2781 = arith.constant 16 : index
      %swap3A_2782 = tpu.vector_load %arg10[%swap3A_2780, %swap3A_2781] {strides = array<i32>} : memref<4x128xi32, #tpu.memory_space<vmem>>, vector<1x16xi32>,
      %swap3A_2783 = vector.shape_cast %swap3A_2782 : vector<1x16xi32> to vector<16xi32>
      %swap3A_2784 = vector.shape_cast %add3A_2778 : vector<16xi32> to vector<1x16xi32>
      tpu.vector_store %arg10[%swap3A_2780, %swap3A_2781], %swap3A_2784 {strides = array<i32>} : memref<4x128xi32, #tpu.memory_space<vmem>>, vector<1x16xi32>,
      %get3A_2785 = arith.constant 32 : index
      %get3A_2786 = tpu.vector_load %arg6[%get3A_2785] {strides = array<i32>} : memref<512xi32, #tpu.memory_space<vmem>>, vector<16xi32>,
      %get3A_2787 = vector.shape_cast %get3A_2786 : vector<16xi32> to vector<16xi32>
      %get3A_2788 = arith.constant 32 : index
      %get3A_2789 = tpu.vector_load %arg8[%get3A_2788] {strides = array<i32>} : memref<512xi32, #tpu.memory_space<vmem>>, vector<16xi32>,
      %get3A_2790 = vector.shape_cast %get3A_2789 : vector<16xi32> to vector<16xi32>
      %mul3A_2791 = arith.constant 5 : i32
      %mul3A_2792 = vector.broadcast %mul3A_2791 : i32 to vector<16xi32>
      %mul3A_2793 = arith.muli %get3A_2787, %mul3A_2792 : vector<16xi32>
      %add3A_2794 = arith.addi %mul3A_2793, %get3A_2790 : vector<16xi32>
      %add3A_2795 = vector.broadcast %mul3A_4 : i32 to vector<16xi32>
      %add3A_2796 = arith.addi %add3A_2794, %add3A_2795 : vector<16xi32>
      %swap3A_2797 = arith.constant 0 : i32
      %swap3A_2798 = arith.index_cast %swap3A_2797 : i32 to index
      %swap3A_2799 = arith.constant 32 : index
      %swap3A_2800 = tpu.vector_load %arg10[%swap3A_2798, %swap3A_2799] {strides = array<i32>} : memref<4x128xi32, #tpu.memory_space<vmem>>, vector<1x16xi32>,
      %swap3A_2801 = vector.shape_cast %swap3A_2800 : vector<1x16xi32> to vector<16xi32>
      %swap3A_2802 = vector.shape_cast %add3A_2796 : vector<16xi32> to vector<1x16xi32>
      tpu.vector_store %arg10[%swap3A_2798, %swap3A_2799], %swap3A_2802 {strides = array<i32>} : memref<4x128xi32, #tpu.memory_space<vmem>>, vector<1x16xi32>,
      %get3A_2803 = arith.constant 48 : index
      %get3A_2804 = tpu.vector_load %arg6[%get3A_2803] {strides = array<i32>} : memref<512xi32, #tpu.memory_space<vmem>>, vector<16xi32>,
      %get3A_2805 = vector.shape_cast %get3A_2804 : vector<16xi32> to vector<16xi32>
      %get3A_2806 = arith.constant 48 : index
      %get3A_2807 = tpu.vector_load %arg8[%get3A_2806] {strides = array<i32>} : memref<512xi32, #tpu.memory_space<vmem>>, vector<16xi32>,
      %get3A_2808 = vector.shape_cast %get3A_2807 : vector<16xi32> to vector<16xi32>
      %mul3A_2809 = arith.constant 5 : i32
      %mul3A_2810 = vector.broadcast %mul3A_2809 : i32 to vector<16xi32>
      %mul3A_2811 = arith.muli %get3A_2805, %mul3A_2810 : vector<16xi32>
      %add3A_2812 = arith.addi %mul3A_2811, %get3A_2808 : vector<16xi32>
      %add3A_2813 = vector.broadcast %mul3A_4 : i32 to vector<16xi32>
      %add3A_2814 = arith.addi %add3A_2812, %add3A_2813 : vector<16xi32>
      %swap3A_2815 = arith.constant 0 : i32
      %swap3A_2816 = arith.index_cast %swap3A_2815 : i32 to index
      %swap3A_2817 = arith.constant 48 : index
      %swap3A_2818 = tpu.vector_load %arg10[%swap3A_2816, %swap3A_2817] {strides = array<i32>} : memref<4x128xi32, #tpu.memory_space<vmem>>, vector<1x16xi32>,
      %swap3A_2819 = vector.shape_cast %swap3A_2818 : vector<1x16xi32> to vector<16xi32>
      %swap3A_2820 = vector.shape_cast %add3A_2814 : vector<16xi32> to vector<1x16xi32>
      tpu.vector_store %arg10[%swap3A_2816, %swap3A_2817], %swap3A_2820 {strides = array<i32>} : memref<4x128xi32, #tpu.memory_space<vmem>>, vector<1x16xi32>,
      %get3A_2821 = arith.constant 64 : index
      %get3A_2822 = tpu.vector_load %arg6[%get3A_2821] {strides = array<i32>} : memref<512xi32, #tpu.memory_space<vmem>>, vector<16xi32>,
      %get3A_2823 = vector.shape_cast %get3A_2822 : vector<16xi32> to vector<16xi32>
      %get3A_2824 = arith.constant 64 : index
      %get3A_2825 = tpu.vector_load %arg8[%get3A_2824] {strides = array<i32>} : memref<512xi32, #tpu.memory_space<vmem>>, vector<16xi32>,
      %get3A_2826 = vector.shape_cast %get3A_2825 : vector<16xi32> to vector<16xi32>
      %mul3A_2827 = arith.constant 5 : i32
      %mul3A_2828 = vector.broadcast %mul3A_2827 : i32 to vector<16xi32>
      %mul3A_2829 = arith.muli %get3A_2823, %mul3A_2828 : vector<16xi32>
      %add3A_2830 = arith.addi %mul3A_2829, %get3A_2826 : vector<16xi32>
      %add3A_2831 = vector.broadcast %mul3A_4 : i32 to vector<16xi32>
      %add3A_2832 = arith.addi %add3A_2830, %add3A_2831 : vector<16xi32>
      %swap3A_2833 = arith.constant 0 : i32
      %swap3A_2834 = arith.index_cast %swap3A_2833 : i32 to index
      %swap3A_2835 = arith.constant 64 : index
      %swap3A_2836 = tpu.vector_load %arg10[%swap3A_2834, %swap3A_2835] {strides = array<i32>} : memref<4x128xi32, #tpu.memory_space<vmem>>, vector<1x16xi32>,
      %swap3A_2837 = vector.shape_cast %swap3A_2836 : vector<1x16xi32> to vector<16xi32>
      %swap3A_2838 = vector.shape_cast %add3A_2832 : vector<16xi32> to vector<1x16xi32>
      tpu.vector_store %arg10[%swap3A_2834, %swap3A_2835], %swap3A_2838 {strides = array<i32>} : memref<4x128xi32, #tpu.memory_space<vmem>>, vector<1x16xi32>,
      %get3A_2839 = arith.constant 80 : index
      %get3A_2840 = tpu.vector_load %arg6[%get3A_2839] {strides = array<i32>} : memref<512xi32, #tpu.memory_space<vmem>>, vector<16xi32>,
      %get3A_2841 = vector.shape_cast %get3A_2840 : vector<16xi32> to vector<16xi32>
      %get3A_2842 = arith.constant 80 : index
      %get3A_2843 = tpu.vector_load %arg8[%get3A_2842] {strides = array<i32>} : memref<512xi32, #tpu.memory_space<vmem>>, vector<16xi32>,
      %get3A_2844 = vector.shape_cast %get3A_2843 : vector<16xi32> to vector<16xi32>
      %mul3A_2845 = arith.constant 5 : i32
      %mul3A_2846 = vector.broadcast %mul3A_2845 : i32 to vector<16xi32>
      %mul3A_2847 = arith.muli %get3A_2841, %mul3A_2846 : vector<16xi32>
      %add3A_2848 = arith.addi %mul3A_2847, %get3A_2844 : vector<16xi32>
      %add3A_2849 = vector.broadcast %mul3A_4 : i32 to vector<16xi32>
      %add3A_2850 = arith.addi %add3A_2848, %add3A_2849 : vector<16xi32>
      %swap3A_2851 = arith.constant 0 : i32
      %swap3A_2852 = arith.index_cast %swap3A_2851 : i32 to index
      %swap3A_2853 = arith.constant 80 : index
      %swap3A_2854 = tpu.vector_load %arg10[%swap3A_2852, %swap3A_2853] {strides = array<i32>} : memref<4x128xi32, #tpu.memory_space<vmem>>, vector<1x16xi32>,
      %swap3A_2855 = vector.shape_cast %swap3A_2854 : vector<1x16xi32> to vector<16xi32>
      %swap3A_2856 = vector.shape_cast %add3A_2850 : vector<16xi32> to vector<1x16xi32>
      tpu.vector_store %arg10[%swap3A_2852, %swap3A_2853], %swap3A_2856 {strides = array<i32>} : memref<4x128xi32, #tpu.memory_space<vmem>>, vector<1x16xi32>,
      %get3A_2857 = arith.constant 96 : index
      %get3A_2858 = tpu.vector_load %arg6[%get3A_2857] {strides = array<i32>} : memref<512xi32, #tpu.memory_space<vmem>>, vector<16xi32>,
      %get3A_2859 = vector.shape_cast %get3A_2858 : vector<16xi32> to vector<16xi32>
      %get3A_2860 = arith.constant 96 : index
      %get3A_2861 = tpu.vector_load %arg8[%get3A_2860] {strides = array<i32>} : memref<512xi32, #tpu.memory_space<vmem>>, vector<16xi32>,
      %get3A_2862 = vector.shape_cast %get3A_2861 : vector<16xi32> to vector<16xi32>
      %mul3A_2863 = arith.constant 5 : i32
      %mul3A_2864 = vector.broadcast %mul3A_2863 : i32 to vector<16xi32>
      %mul3A_2865 = arith.muli %get3A_2859, %mul3A_2864 : vector<16xi32>
      %add3A_2866 = arith.addi %mul3A_2865, %get3A_2862 : vector<16xi32>
      %add3A_2867 = vector.broadcast %mul3A_4 : i32 to vector<16xi32>
      %add3A_2868 = arith.addi %add3A_2866, %add3A_2867 : vector<16xi32>
      %swap3A_2869 = arith.constant 0 : i32
      %swap3A_2870 = arith.index_cast %swap3A_2869 : i32 to index
      %swap3A_2871 = arith.constant 96 : index
      %swap3A_2872 = tpu.vector_load %arg10[%swap3A_2870, %swap3A_2871] {strides = array<i32>} : memref<4x128xi32, #tpu.memory_space<vmem>>, vector<1x16xi32>,
      %swap3A_2873 = vector.shape_cast %swap3A_2872 : vector<1x16xi32> to vector<16xi32>
      %swap3A_2874 = vector.shape_cast %add3A_2868 : vector<16xi32> to vector<1x16xi32>
      tpu.vector_store %arg10[%swap3A_2870, %swap3A_2871], %swap3A_2874 {strides = array<i32>} : memref<4x128xi32, #tpu.memory_space<vmem>>, vector<1x16xi32>,
      %get3A_2875 = arith.constant 112 : index
      %get3A_2876 = tpu.vector_load %arg6[%get3A_2875] {strides = array<i32>} : memref<512xi32, #tpu.memory_space<vmem>>, vector<16xi32>,
      %get3A_2877 = vector.shape_cast %get3A_2876 : vector<16xi32> to vector<16xi32>
      %get3A_2878 = arith.constant 112 : index
      %get3A_2879 = tpu.vector_load %arg8[%get3A_2878] {strides = array<i32>} : memref<512xi32, #tpu.memory_space<vmem>>, vector<16xi32>,
      %get3A_2880 = vector.shape_cast %get3A_2879 : vector<16xi32> to vector<16xi32>
      %mul3A_2881 = arith.constant 5 : i32
      %mul3A_2882 = vector.broadcast %mul3A_2881 : i32 to vector<16xi32>
      %mul3A_2883 = arith.muli %get3A_2877, %mul3A_2882 : vector<16xi32>
      %add3A_2884 = arith.addi %mul3A_2883, %get3A_2880 : vector<16xi32>
      %add3A_2885 = vector.broadcast %mul3A_4 : i32 to vector<16xi32>
      %add3A_2886 = arith.addi %add3A_2884, %add3A_2885 : vector<16xi32>
      %swap3A_2887 = arith.constant 0 : i32
      %swap3A_2888 = arith.index_cast %swap3A_2887 : i32 to index
      %swap3A_2889 = arith.constant 112 : index
      %swap3A_2890 = tpu.vector_load %arg10[%swap3A_2888, %swap3A_2889] {strides = array<i32>} : memref<4x128xi32, #tpu.memory_space<vmem>>, vector<1x16xi32>,
      %swap3A_2891 = vector.shape_cast %swap3A_2890 : vector<1x16xi32> to vector<16xi32>
      %swap3A_2892 = vector.shape_cast %add3A_2886 : vector<16xi32> to vector<1x16xi32>
      tpu.vector_store %arg10[%swap3A_2888, %swap3A_2889], %swap3A_2892 {strides = array<i32>} : memref<4x128xi32, #tpu.memory_space<vmem>>, vector<1x16xi32>,
      %get3A_2893 = arith.constant 128 : index
      %get3A_2894 = tpu.vector_load %arg6[%get3A_2893] {strides = array<i32>} : memref<512xi32, #tpu.memory_space<vmem>>, vector<16xi32>,
      %get3A_2895 = vector.shape_cast %get3A_2894 : vector<16xi32> to vector<16xi32>
      %get3A_2896 = arith.constant 128 : index
      %get3A_2897 = tpu.vector_load %arg8[%get3A_2896] {strides = array<i32>} : memref<512xi32, #tpu.memory_space<vmem>>, vector<16xi32>,
      %get3A_2898 = vector.shape_cast %get3A_2897 : vector<16xi32> to vector<16xi32>
      %mul3A_2899 = arith.constant 5 : i32
      %mul3A_2900 = vector.broadcast %mul3A_2899 : i32 to vector<16xi32>
      %mul3A_2901 = arith.muli %get3A_2895, %mul3A_2900 : vector<16xi32>
      %add3A_2902 = arith.addi %mul3A_2901, %get3A_2898 : vector<16xi32>
      %add3A_2903 = vector.broadcast %mul3A_4 : i32 to vector<16xi32>
      %add3A_2904 = arith.addi %add3A_2902, %add3A_2903 : vector<16xi32>
      %swap3A_2905 = arith.constant 1 : i32
      %swap3A_2906 = arith.index_cast %swap3A_2905 : i32 to index
      %swap3A_2907 = arith.constant 0 : index
      %swap3A_2908 = tpu.vector_load %arg10[%swap3A_2906, %swap3A_2907] {strides = array<i32>} : memref<4x128xi32, #tpu.memory_space<vmem>>, vector<1x16xi32>,
      %swap3A_2909 = vector.shape_cast %swap3A_2908 : vector<1x16xi32> to vector<16xi32>
      %swap3A_2910 = vector.shape_cast %add3A_2904 : vector<16xi32> to vector<1x16xi32>
      tpu.vector_store %arg10[%swap3A_2906, %swap3A_2907], %swap3A_2910 {strides = array<i32>} : memref<4x128xi32, #tpu.memory_space<vmem>>, vector<1x16xi32>,
      %get3A_2911 = arith.constant 144 : index
      %get3A_2912 = tpu.vector_load %arg6[%get3A_2911] {strides = array<i32>} : memref<512xi32, #tpu.memory_space<vmem>>, vector<16xi32>,
      %get3A_2913 = vector.shape_cast %get3A_2912 : vector<16xi32> to vector<16xi32>
      %get3A_2914 = arith.constant 144 : index
      %get3A_2915 = tpu.vector_load %arg8[%get3A_2914] {strides = array<i32>} : memref<512xi32, #tpu.memory_space<vmem>>, vector<16xi32>,
      %get3A_2916 = vector.shape_cast %get3A_2915 : vector<16xi32> to vector<16xi32>
      %mul3A_2917 = arith.constant 5 : i32
      %mul3A_2918 = vector.broadcast %mul3A_2917 : i32 to vector<16xi32>
      %mul3A_2919 = arith.muli %get3A_2913, %mul3A_2918 : vector<16xi32>
      %add3A_2920 = arith.addi %mul3A_2919, %get3A_2916 : vector<16xi32>
      %add3A_2921 = vector.broadcast %mul3A_4 : i32 to vector<16xi32>
      %add3A_2922 = arith.addi %add3A_2920, %add3A_2921 : vector<16xi32>
      %swap3A_2923 = arith.constant 1 : i32
      %swap3A_2924 = arith.index_cast %swap3A_2923 : i32 to index
      %swap3A_2925 = arith.constant 16 : index
      %swap3A_2926 = tpu.vector_load %arg10[%swap3A_2924, %swap3A_2925] {strides = array<i32>} : memref<4x128xi32, #tpu.memory_space<vmem>>, vector<1x16xi32>,
      %swap3A_2927 = vector.shape_cast %swap3A_2926 : vector<1x16xi32> to vector<16xi32>
      %swap3A_2928 = vector.shape_cast %add3A_2922 : vector<16xi32> to vector<1x16xi32>
      tpu.vector_store %arg10[%swap3A_2924, %swap3A_2925], %swap3A_2928 {strides = array<i32>} : memref<4x128xi32, #tpu.memory_space<vmem>>, vector<1x16xi32>,
      %get3A_2929 = arith.constant 160 : index
      %get3A_2930 = tpu.vector_load %arg6[%get3A_2929] {strides = array<i32>} : memref<512xi32, #tpu.memory_space<vmem>>, vector<16xi32>,
      %get3A_2931 = vector.shape_cast %get3A_2930 : vector<16xi32> to vector<16xi32>
      %get3A_2932 = arith.constant 160 : index
      %get3A_2933 = tpu.vector_load %arg8[%get3A_2932] {strides = array<i32>} : memref<512xi32, #tpu.memory_space<vmem>>, vector<16xi32>,
      %get3A_2934 = vector.shape_cast %get3A_2933 : vector<16xi32> to vector<16xi32>
      %mul3A_2935 = arith.constant 5 : i32
      %mul3A_2936 = vector.broadcast %mul3A_2935 : i32 to vector<16xi32>
      %mul3A_2937 = arith.muli %get3A_2931, %mul3A_2936 : vector<16xi32>
      %add3A_2938 = arith.addi %mul3A_2937, %get3A_2934 : vector<16xi32>
      %add3A_2939 = vector.broadcast %mul3A_4 : i32 to vector<16xi32>
      %add3A_2940 = arith.addi %add3A_2938, %add3A_2939 : vector<16xi32>
      %swap3A_2941 = arith.constant 1 : i32
      %swap3A_2942 = arith.index_cast %swap3A_2941 : i32 to index
      %swap3A_2943 = arith.constant 32 : index
      %swap3A_2944 = tpu.vector_load %arg10[%swap3A_2942, %swap3A_2943] {strides = array<i32>} : memref<4x128xi32, #tpu.memory_space<vmem>>, vector<1x16xi32>,
      %swap3A_2945 = vector.shape_cast %swap3A_2944 : vector<1x16xi32> to vector<16xi32>
      %swap3A_2946 = vector.shape_cast %add3A_2940 : vector<16xi32> to vector<1x16xi32>
      tpu.vector_store %arg10[%swap3A_2942, %swap3A_2943], %swap3A_2946 {strides = array<i32>} : memref<4x128xi32, #tpu.memory_space<vmem>>, vector<1x16xi32>,
      %get3A_2947 = arith.constant 176 : index
      %get3A_2948 = tpu.vector_load %arg6[%get3A_2947] {strides = array<i32>} : memref<512xi32, #tpu.memory_space<vmem>>, vector<16xi32>,
      %get3A_2949 = vector.shape_cast %get3A_2948 : vector<16xi32> to vector<16xi32>
      %get3A_2950 = arith.constant 176 : index
      %get3A_2951 = tpu.vector_load %arg8[%get3A_2950] {strides = array<i32>} : memref<512xi32, #tpu.memory_space<vmem>>, vector<16xi32>,
      %get3A_2952 = vector.shape_cast %get3A_2951 : vector<16xi32> to vector<16xi32>
      %mul3A_2953 = arith.constant 5 : i32
      %mul3A_2954 = vector.broadcast %mul3A_2953 : i32 to vector<16xi32>
      %mul3A_2955 = arith.muli %get3A_2949, %mul3A_2954 : vector<16xi32>
      %add3A_2956 = arith.addi %mul3A_2955, %get3A_2952 : vector<16xi32>
      %add3A_2957 = vector.broadcast %mul3A_4 : i32 to vector<16xi32>
      %add3A_2958 = arith.addi %add3A_2956, %add3A_2957 : vector<16xi32>
      %swap3A_2959 = arith.constant 1 : i32
      %swap3A_2960 = arith.index_cast %swap3A_2959 : i32 to index
      %swap3A_2961 = arith.constant 48 : index
      %swap3A_2962 = tpu.vector_load %arg10[%swap3A_2960, %swap3A_2961] {strides = array<i32>} : memref<4x128xi32, #tpu.memory_space<vmem>>, vector<1x16xi32>,
      %swap3A_2963 = vector.shape_cast %swap3A_2962 : vector<1x16xi32> to vector<16xi32>
      %swap3A_2964 = vector.shape_cast %add3A_2958 : vector<16xi32> to vector<1x16xi32>
      tpu.vector_store %arg10[%swap3A_2960, %swap3A_2961], %swap3A_2964 {strides = array<i32>} : memref<4x128xi32, #tpu.memory_space<vmem>>, vector<1x16xi32>,
      %get3A_2965 = arith.constant 192 : index
      %get3A_2966 = tpu.vector_load %arg6[%get3A_2965] {strides = array<i32>} : memref<512xi32, #tpu.memory_space<vmem>>, vector<16xi32>,
      %get3A_2967 = vector.shape_cast %get3A_2966 : vector<16xi32> to vector<16xi32>
      %get3A_2968 = arith.constant 192 : index
      %get3A_2969 = tpu.vector_load %arg8[%get3A_2968] {strides = array<i32>} : memref<512xi32, #tpu.memory_space<vmem>>, vector<16xi32>,
      %get3A_2970 = vector.shape_cast %get3A_2969 : vector<16xi32> to vector<16xi32>
      %mul3A_2971 = arith.constant 5 : i32
      %mul3A_2972 = vector.broadcast %mul3A_2971 : i32 to vector<16xi32>
      %mul3A_2973 = arith.muli %get3A_2967, %mul3A_2972 : vector<16xi32>
      %add3A_2974 = arith.addi %mul3A_2973, %get3A_2970 : vector<16xi32>
      %add3A_2975 = vector.broadcast %mul3A_4 : i32 to vector<16xi32>
      %add3A_2976 = arith.addi %add3A_2974, %add3A_2975 : vector<16xi32>
      %swap3A_2977 = arith.constant 1 : i32
      %swap3A_2978 = arith.index_cast %swap3A_2977 : i32 to index
      %swap3A_2979 = arith.constant 64 : index
      %swap3A_2980 = tpu.vector_load %arg10[%swap3A_2978, %swap3A_2979] {strides = array<i32>} : memref<4x128xi32, #tpu.memory_space<vmem>>, vector<1x16xi32>,
      %swap3A_2981 = vector.shape_cast %swap3A_2980 : vector<1x16xi32> to vector<16xi32>
      %swap3A_2982 = vector.shape_cast %add3A_2976 : vector<16xi32> to vector<1x16xi32>
      tpu.vector_store %arg10[%swap3A_2978, %swap3A_2979], %swap3A_2982 {strides = array<i32>} : memref<4x128xi32, #tpu.memory_space<vmem>>, vector<1x16xi32>,
      %get3A_2983 = arith.constant 208 : index
      %get3A_2984 = tpu.vector_load %arg6[%get3A_2983] {strides = array<i32>} : memref<512xi32, #tpu.memory_space<vmem>>, vector<16xi32>,
      %get3A_2985 = vector.shape_cast %get3A_2984 : vector<16xi32> to vector<16xi32>
      %get3A_2986 = arith.constant 208 : index
      %get3A_2987 = tpu.vector_load %arg8[%get3A_2986] {strides = array<i32>} : memref<512xi32, #tpu.memory_space<vmem>>, vector<16xi32>,
      %get3A_2988 = vector.shape_cast %get3A_2987 : vector<16xi32> to vector<16xi32>
      %mul3A_2989 = arith.constant 5 : i32
      %mul3A_2990 = vector.broadcast %mul3A_2989 : i32 to vector<16xi32>
      %mul3A_2991 = arith.muli %get3A_2985, %mul3A_2990 : vector<16xi32>
      %add3A_2992 = arith.addi %mul3A_2991, %get3A_2988 : vector<16xi32>
      %add3A_2993 = vector.broadcast %mul3A_4 : i32 to vector<16xi32>
      %add3A_2994 = arith.addi %add3A_2992, %add3A_2993 : vector<16xi32>
      %swap3A_2995 = arith.constant 1 : i32
      %swap3A_2996 = arith.index_cast %swap3A_2995 : i32 to index
      %swap3A_2997 = arith.constant 80 : index
      %swap3A_2998 = tpu.vector_load %arg10[%swap3A_2996, %swap3A_2997] {strides = array<i32>} : memref<4x128xi32, #tpu.memory_space<vmem>>, vector<1x16xi32>,
      %swap3A_2999 = vector.shape_cast %swap3A_2998 : vector<1x16xi32> to vector<16xi32>
      %swap3A_3000 = vector.shape_cast %add3A_2994 : vector<16xi32> to vector<1x16xi32>
      tpu.vector_store %arg10[%swap3A_2996, %swap3A_2997], %swap3A_3000 {strides = array<i32>} : memref<4x128xi32, #tpu.memory_space<vmem>>, vector<1x16xi32>,
      %get3A_3001 = arith.constant 224 : index
      %get3A_3002 = tpu.vector_load %arg6[%get3A_3001] {strides = array<i32>} : memref<512xi32, #tpu.memory_space<vmem>>, vector<16xi32>,
      %get3A_3003 = vector.shape_cast %get3A_3002 : vector<16xi32> to vector<16xi32>
      %get3A_3004 = arith.constant 224 : index
      %get3A_3005 = tpu.vector_load %arg8[%get3A_3004] {strides = array<i32>} : memref<512xi32, #tpu.memory_space<vmem>>, vector<16xi32>,
      %get3A_3006 = vector.shape_cast %get3A_3005 : vector<16xi32> to vector<16xi32>
      %mul3A_3007 = arith.constant 5 : i32
      %mul3A_3008 = vector.broadcast %mul3A_3007 : i32 to vector<16xi32>
      %mul3A_3009 = arith.muli %get3A_3003, %mul3A_3008 : vector<16xi32>
      %add3A_3010 = arith.addi %mul3A_3009, %get3A_3006 : vector<16xi32>
      %add3A_3011 = vector.broadcast %mul3A_4 : i32 to vector<16xi32>
      %add3A_3012 = arith.addi %add3A_3010, %add3A_3011 : vector<16xi32>
      %swap3A_3013 = arith.constant 1 : i32
      %swap3A_3014 = arith.index_cast %swap3A_3013 : i32 to index
      %swap3A_3015 = arith.constant 96 : index
      %swap3A_3016 = tpu.vector_load %arg10[%swap3A_3014, %swap3A_3015] {strides = array<i32>} : memref<4x128xi32, #tpu.memory_space<vmem>>, vector<1x16xi32>,
      %swap3A_3017 = vector.shape_cast %swap3A_3016 : vector<1x16xi32> to vector<16xi32>
      %swap3A_3018 = vector.shape_cast %add3A_3012 : vector<16xi32> to vector<1x16xi32>
      tpu.vector_store %arg10[%swap3A_3014, %swap3A_3015], %swap3A_3018 {strides = array<i32>} : memref<4x128xi32, #tpu.memory_space<vmem>>, vector<1x16xi32>,
      %get3A_3019 = arith.constant 240 : index
      %get3A_3020 = tpu.vector_load %arg6[%get3A_3019] {strides = array<i32>} : memref<512xi32, #tpu.memory_space<vmem>>, vector<16xi32>,
      %get3A_3021 = vector.shape_cast %get3A_3020 : vector<16xi32> to vector<16xi32>
      %get3A_3022 = arith.constant 240 : index
      %get3A_3023 = tpu.vector_load %arg8[%get3A_3022] {strides = array<i32>} : memref<512xi32, #tpu.memory_space<vmem>>, vector<16xi32>,
      %get3A_3024 = vector.shape_cast %get3A_3023 : vector<16xi32> to vector<16xi32>
      %mul3A_3025 = arith.constant 5 : i32
      %mul3A_3026 = vector.broadcast %mul3A_3025 : i32 to vector<16xi32>
      %mul3A_3027 = arith.muli %get3A_3021, %mul3A_3026 : vector<16xi32>
      %add3A_3028 = arith.addi %mul3A_3027, %get3A_3024 : vector<16xi32>
      %add3A_3029 = vector.broadcast %mul3A_4 : i32 to vector<16xi32>
      %add3A_3030 = arith.addi %add3A_3028, %add3A_3029 : vector<16xi32>
      %swap3A_3031 = arith.constant 1 : i32
      %swap3A_3032 = arith.index_cast %swap3A_3031 : i32 to index
      %swap3A_3033 = arith.constant 112 : index
      %swap3A_3034 = tpu.vector_load %arg10[%swap3A_3032, %swap3A_3033] {strides = array<i32>} : memref<4x128xi32, #tpu.memory_space<vmem>>, vector<1x16xi32>,
      %swap3A_3035 = vector.shape_cast %swap3A_3034 : vector<1x16xi32> to vector<16xi32>
      %swap3A_3036 = vector.shape_cast %add3A_3030 : vector<16xi32> to vector<1x16xi32>
      tpu.vector_store %arg10[%swap3A_3032, %swap3A_3033], %swap3A_3036 {strides = array<i32>} : memref<4x128xi32, #tpu.memory_space<vmem>>, vector<1x16xi32>,
      %get3A_3037 = arith.constant 256 : index
      %get3A_3038 = tpu.vector_load %arg6[%get3A_3037] {strides = array<i32>} : memref<512xi32, #tpu.memory_space<vmem>>, vector<16xi32>,
      %get3A_3039 = vector.shape_cast %get3A_3038 : vector<16xi32> to vector<16xi32>
      %get3A_3040 = arith.constant 256 : index
      %get3A_3041 = tpu.vector_load %arg8[%get3A_3040] {strides = array<i32>} : memref<512xi32, #tpu.memory_space<vmem>>, vector<16xi32>,
      %get3A_3042 = vector.shape_cast %get3A_3041 : vector<16xi32> to vector<16xi32>
      %mul3A_3043 = arith.constant 5 : i32
      %mul3A_3044 = vector.broadcast %mul3A_3043 : i32 to vector<16xi32>
      %mul3A_3045 = arith.muli %get3A_3039, %mul3A_3044 : vector<16xi32>
      %add3A_3046 = arith.addi %mul3A_3045, %get3A_3042 : vector<16xi32>
      %add3A_3047 = vector.broadcast %mul3A_4 : i32 to vector<16xi32>
      %add3A_3048 = arith.addi %add3A_3046, %add3A_3047 : vector<16xi32>
      %swap3A_3049 = arith.constant 2 : i32
      %swap3A_3050 = arith.index_cast %swap3A_3049 : i32 to index
      %swap3A_3051 = arith.constant 0 : index
      %swap3A_3052 = tpu.vector_load %arg10[%swap3A_3050, %swap3A_3051] {strides = array<i32>} : memref<4x128xi32, #tpu.memory_space<vmem>>, vector<1x16xi32>,
      %swap3A_3053 = vector.shape_cast %swap3A_3052 : vector<1x16xi32> to vector<16xi32>
      %swap3A_3054 = vector.shape_cast %add3A_3048 : vector<16xi32> to vector<1x16xi32>
      tpu.vector_store %arg10[%swap3A_3050, %swap3A_3051], %swap3A_3054 {strides = array<i32>} : memref<4x128xi32, #tpu.memory_space<vmem>>, vector<1x16xi32>,
      %get3A_3055 = arith.constant 272 : index
      %get3A_3056 = tpu.vector_load %arg6[%get3A_3055] {strides = array<i32>} : memref<512xi32, #tpu.memory_space<vmem>>, vector<16xi32>,
      %get3A_3057 = vector.shape_cast %get3A_3056 : vector<16xi32> to vector<16xi32>
      %get3A_3058 = arith.constant 272 : index
      %get3A_3059 = tpu.vector_load %arg8[%get3A_3058] {strides = array<i32>} : memref<512xi32, #tpu.memory_space<vmem>>, vector<16xi32>,
      %get3A_3060 = vector.shape_cast %get3A_3059 : vector<16xi32> to vector<16xi32>
      %mul3A_3061 = arith.constant 5 : i32
      %mul3A_3062 = vector.broadcast %mul3A_3061 : i32 to vector<16xi32>
      %mul3A_3063 = arith.muli %get3A_3057, %mul3A_3062 : vector<16xi32>
      %add3A_3064 = arith.addi %mul3A_3063, %get3A_3060 : vector<16xi32>
      %add3A_3065 = vector.broadcast %mul3A_4 : i32 to vector<16xi32>
      %add3A_3066 = arith.addi %add3A_3064, %add3A_3065 : vector<16xi32>
      %swap3A_3067 = arith.constant 2 : i32
      %swap3A_3068 = arith.index_cast %swap3A_3067 : i32 to index
      %swap3A_3069 = arith.constant 16 : index
      %swap3A_3070 = tpu.vector_load %arg10[%swap3A_3068, %swap3A_3069] {strides = array<i32>} : memref<4x128xi32, #tpu.memory_space<vmem>>, vector<1x16xi32>,
      %swap3A_3071 = vector.shape_cast %swap3A_3070 : vector<1x16xi32> to vector<16xi32>
      %swap3A_3072 = vector.shape_cast %add3A_3066 : vector<16xi32> to vector<1x16xi32>
      tpu.vector_store %arg10[%swap3A_3068, %swap3A_3069], %swap3A_3072 {strides = array<i32>} : memref<4x128xi32, #tpu.memory_space<vmem>>, vector<1x16xi32>,
      %get3A_3073 = arith.constant 288 : index
      %get3A_3074 = tpu.vector_load %arg6[%get3A_3073] {strides = array<i32>} : memref<512xi32, #tpu.memory_space<vmem>>, vector<16xi32>,
      %get3A_3075 = vector.shape_cast %get3A_3074 : vector<16xi32> to vector<16xi32>
      %get3A_3076 = arith.constant 288 : index
      %get3A_3077 = tpu.vector_load %arg8[%get3A_3076] {strides = array<i32>} : memref<512xi32, #tpu.memory_space<vmem>>, vector<16xi32>,
      %get3A_3078 = vector.shape_cast %get3A_3077 : vector<16xi32> to vector<16xi32>
      %mul3A_3079 = arith.constant 5 : i32
      %mul3A_3080 = vector.broadcast %mul3A_3079 : i32 to vector<16xi32>
      %mul3A_3081 = arith.muli %get3A_3075, %mul3A_3080 : vector<16xi32>
      %add3A_3082 = arith.addi %mul3A_3081, %get3A_3078 : vector<16xi32>
      %add3A_3083 = vector.broadcast %mul3A_4 : i32 to vector<16xi32>
      %add3A_3084 = arith.addi %add3A_3082, %add3A_3083 : vector<16xi32>
      %swap3A_3085 = arith.constant 2 : i32
      %swap3A_3086 = arith.index_cast %swap3A_3085 : i32 to index
      %swap3A_3087 = arith.constant 32 : index
      %swap3A_3088 = tpu.vector_load %arg10[%swap3A_3086, %swap3A_3087] {strides = array<i32>} : memref<4x128xi32, #tpu.memory_space<vmem>>, vector<1x16xi32>,
      %swap3A_3089 = vector.shape_cast %swap3A_3088 : vector<1x16xi32> to vector<16xi32>
      %swap3A_3090 = vector.shape_cast %add3A_3084 : vector<16xi32> to vector<1x16xi32>
      tpu.vector_store %arg10[%swap3A_3086, %swap3A_3087], %swap3A_3090 {strides = array<i32>} : memref<4x128xi32, #tpu.memory_space<vmem>>, vector<1x16xi32>,
      %get3A_3091 = arith.constant 304 : index
      %get3A_3092 = tpu.vector_load %arg6[%get3A_3091] {strides = array<i32>} : memref<512xi32, #tpu.memory_space<vmem>>, vector<16xi32>,
      %get3A_3093 = vector.shape_cast %get3A_3092 : vector<16xi32> to vector<16xi32>
      %get3A_3094 = arith.constant 304 : index
      %get3A_3095 = tpu.vector_load %arg8[%get3A_3094] {strides = array<i32>} : memref<512xi32, #tpu.memory_space<vmem>>, vector<16xi32>,
      %get3A_3096 = vector.shape_cast %get3A_3095 : vector<16xi32> to vector<16xi32>
      %mul3A_3097 = arith.constant 5 : i32
      %mul3A_3098 = vector.broadcast %mul3A_3097 : i32 to vector<16xi32>
      %mul3A_3099 = arith.muli %get3A_3093, %mul3A_3098 : vector<16xi32>
      %add3A_3100 = arith.addi %mul3A_3099, %get3A_3096 : vector<16xi32>
      %add3A_3101 = vector.broadcast %mul3A_4 : i32 to vector<16xi32>
      %add3A_3102 = arith.addi %add3A_3100, %add3A_3101 : vector<16xi32>
      %swap3A_3103 = arith.constant 2 : i32
      %swap3A_3104 = arith.index_cast %swap3A_3103 : i32 to index
      %swap3A_3105 = arith.constant 48 : index
      %swap3A_3106 = tpu.vector_load %arg10[%swap3A_3104, %swap3A_3105] {strides = array<i32>} : memref<4x128xi32, #tpu.memory_space<vmem>>, vector<1x16xi32>,
      %swap3A_3107 = vector.shape_cast %swap3A_3106 : vector<1x16xi32> to vector<16xi32>
      %swap3A_3108 = vector.shape_cast %add3A_3102 : vector<16xi32> to vector<1x16xi32>
      tpu.vector_store %arg10[%swap3A_3104, %swap3A_3105], %swap3A_3108 {strides = array<i32>} : memref<4x128xi32, #tpu.memory_space<vmem>>, vector<1x16xi32>,
      %get3A_3109 = arith.constant 320 : index
      %get3A_3110 = tpu.vector_load %arg6[%get3A_3109] {strides = array<i32>} : memref<512xi32, #tpu.memory_space<vmem>>, vector<16xi32>,
      %get3A_3111 = vector.shape_cast %get3A_3110 : vector<16xi32> to vector<16xi32>
      %get3A_3112 = arith.constant 320 : index
      %get3A_3113 = tpu.vector_load %arg8[%get3A_3112] {strides = array<i32>} : memref<512xi32, #tpu.memory_space<vmem>>, vector<16xi32>,
      %get3A_3114 = vector.shape_cast %get3A_3113 : vector<16xi32> to vector<16xi32>
      %mul3A_3115 = arith.constant 5 : i32
      %mul3A_3116 = vector.broadcast %mul3A_3115 : i32 to vector<16xi32>
      %mul3A_3117 = arith.muli %get3A_3111, %mul3A_3116 : vector<16xi32>
      %add3A_3118 = arith.addi %mul3A_3117, %get3A_3114 : vector<16xi32>
      %add3A_3119 = vector.broadcast %mul3A_4 : i32 to vector<16xi32>
      %add3A_3120 = arith.addi %add3A_3118, %add3A_3119 : vector<16xi32>
      %swap3A_3121 = arith.constant 2 : i32
      %swap3A_3122 = arith.index_cast %swap3A_3121 : i32 to index
      %swap3A_3123 = arith.constant 64 : index
      %swap3A_3124 = tpu.vector_load %arg10[%swap3A_3122, %swap3A_3123] {strides = array<i32>} : memref<4x128xi32, #tpu.memory_space<vmem>>, vector<1x16xi32>,
      %swap3A_3125 = vector.shape_cast %swap3A_3124 : vector<1x16xi32> to vector<16xi32>
      %swap3A_3126 = vector.shape_cast %add3A_3120 : vector<16xi32> to vector<1x16xi32>
      tpu.vector_store %arg10[%swap3A_3122, %swap3A_3123], %swap3A_3126 {strides = array<i32>} : memref<4x128xi32, #tpu.memory_space<vmem>>, vector<1x16xi32>,
      %get3A_3127 = arith.constant 336 : index
      %get3A_3128 = tpu.vector_load %arg6[%get3A_3127] {strides = array<i32>} : memref<512xi32, #tpu.memory_space<vmem>>, vector<16xi32>,
      %get3A_3129 = vector.shape_cast %get3A_3128 : vector<16xi32> to vector<16xi32>
      %get3A_3130 = arith.constant 336 : index
      %get3A_3131 = tpu.vector_load %arg8[%get3A_3130] {strides = array<i32>} : memref<512xi32, #tpu.memory_space<vmem>>, vector<16xi32>,
      %get3A_3132 = vector.shape_cast %get3A_3131 : vector<16xi32> to vector<16xi32>
      %mul3A_3133 = arith.constant 5 : i32
      %mul3A_3134 = vector.broadcast %mul3A_3133 : i32 to vector<16xi32>
      %mul3A_3135 = arith.muli %get3A_3129, %mul3A_3134 : vector<16xi32>
      %add3A_3136 = arith.addi %mul3A_3135, %get3A_3132 : vector<16xi32>
      %add3A_3137 = vector.broadcast %mul3A_4 : i32 to vector<16xi32>
      %add3A_3138 = arith.addi %add3A_3136, %add3A_3137 : vector<16xi32>
      %swap3A_3139 = arith.constant 2 : i32
      %swap3A_3140 = arith.index_cast %swap3A_3139 : i32 to index
      %swap3A_3141 = arith.constant 80 : index
      %swap3A_3142 = tpu.vector_load %arg10[%swap3A_3140, %swap3A_3141] {strides = array<i32>} : memref<4x128xi32, #tpu.memory_space<vmem>>, vector<1x16xi32>,
      %swap3A_3143 = vector.shape_cast %swap3A_3142 : vector<1x16xi32> to vector<16xi32>
      %swap3A_3144 = vector.shape_cast %add3A_3138 : vector<16xi32> to vector<1x16xi32>
      tpu.vector_store %arg10[%swap3A_3140, %swap3A_3141], %swap3A_3144 {strides = array<i32>} : memref<4x128xi32, #tpu.memory_space<vmem>>, vector<1x16xi32>,
      %get3A_3145 = arith.constant 352 : index
      %get3A_3146 = tpu.vector_load %arg6[%get3A_3145] {strides = array<i32>} : memref<512xi32, #tpu.memory_space<vmem>>, vector<16xi32>,
      %get3A_3147 = vector.shape_cast %get3A_3146 : vector<16xi32> to vector<16xi32>
      %get3A_3148 = arith.constant 352 : index
      %get3A_3149 = tpu.vector_load %arg8[%get3A_3148] {strides = array<i32>} : memref<512xi32, #tpu.memory_space<vmem>>, vector<16xi32>,
      %get3A_3150 = vector.shape_cast %get3A_3149 : vector<16xi32> to vector<16xi32>
      %mul3A_3151 = arith.constant 5 : i32
      %mul3A_3152 = vector.broadcast %mul3A_3151 : i32 to vector<16xi32>
      %mul3A_3153 = arith.muli %get3A_3147, %mul3A_3152 : vector<16xi32>
      %add3A_3154 = arith.addi %mul3A_3153, %get3A_3150 : vector<16xi32>
      %add3A_3155 = vector.broadcast %mul3A_4 : i32 to vector<16xi32>
      %add3A_3156 = arith.addi %add3A_3154, %add3A_3155 : vector<16xi32>
      %swap3A_3157 = arith.constant 2 : i32
      %swap3A_3158 = arith.index_cast %swap3A_3157 : i32 to index
      %swap3A_3159 = arith.constant 96 : index
      %swap3A_3160 = tpu.vector_load %arg10[%swap3A_3158, %swap3A_3159] {strides = array<i32>} : memref<4x128xi32, #tpu.memory_space<vmem>>, vector<1x16xi32>,
      %swap3A_3161 = vector.shape_cast %swap3A_3160 : vector<1x16xi32> to vector<16xi32>
      %swap3A_3162 = vector.shape_cast %add3A_3156 : vector<16xi32> to vector<1x16xi32>
      tpu.vector_store %arg10[%swap3A_3158, %swap3A_3159], %swap3A_3162 {strides = array<i32>} : memref<4x128xi32, #tpu.memory_space<vmem>>, vector<1x16xi32>,
      %get3A_3163 = arith.constant 368 : index
      %get3A_3164 = tpu.vector_load %arg6[%get3A_3163] {strides = array<i32>} : memref<512xi32, #tpu.memory_space<vmem>>, vector<16xi32>,
      %get3A_3165 = vector.shape_cast %get3A_3164 : vector<16xi32> to vector<16xi32>
      %get3A_3166 = arith.constant 368 : index
      %get3A_3167 = tpu.vector_load %arg8[%get3A_3166] {strides = array<i32>} : memref<512xi32, #tpu.memory_space<vmem>>, vector<16xi32>,
      %get3A_3168 = vector.shape_cast %get3A_3167 : vector<16xi32> to vector<16xi32>
      %mul3A_3169 = arith.constant 5 : i32
      %mul3A_3170 = vector.broadcast %mul3A_3169 : i32 to vector<16xi32>
      %mul3A_3171 = arith.muli %get3A_3165, %mul3A_3170 : vector<16xi32>
      %add3A_3172 = arith.addi %mul3A_3171, %get3A_3168 : vector<16xi32>
      %add3A_3173 = vector.broadcast %mul3A_4 : i32 to vector<16xi32>
      %add3A_3174 = arith.addi %add3A_3172, %add3A_3173 : vector<16xi32>
      %swap3A_3175 = arith.constant 2 : i32
      %swap3A_3176 = arith.index_cast %swap3A_3175 : i32 to index
      %swap3A_3177 = arith.constant 112 : index
      %swap3A_3178 = tpu.vector_load %arg10[%swap3A_3176, %swap3A_3177] {strides = array<i32>} : memref<4x128xi32, #tpu.memory_space<vmem>>, vector<1x16xi32>,
      %swap3A_3179 = vector.shape_cast %swap3A_3178 : vector<1x16xi32> to vector<16xi32>
      %swap3A_3180 = vector.shape_cast %add3A_3174 : vector<16xi32> to vector<1x16xi32>
      tpu.vector_store %arg10[%swap3A_3176, %swap3A_3177], %swap3A_3180 {strides = array<i32>} : memref<4x128xi32, #tpu.memory_space<vmem>>, vector<1x16xi32>,
      %get3A_3181 = arith.constant 384 : index
      %get3A_3182 = tpu.vector_load %arg6[%get3A_3181] {strides = array<i32>} : memref<512xi32, #tpu.memory_space<vmem>>, vector<16xi32>,
      %get3A_3183 = vector.shape_cast %get3A_3182 : vector<16xi32> to vector<16xi32>
      %get3A_3184 = arith.constant 384 : index
      %get3A_3185 = tpu.vector_load %arg8[%get3A_3184] {strides = array<i32>} : memref<512xi32, #tpu.memory_space<vmem>>, vector<16xi32>,
      %get3A_3186 = vector.shape_cast %get3A_3185 : vector<16xi32> to vector<16xi32>
      %mul3A_3187 = arith.constant 5 : i32
      %mul3A_3188 = vector.broadcast %mul3A_3187 : i32 to vector<16xi32>
      %mul3A_3189 = arith.muli %get3A_3183, %mul3A_3188 : vector<16xi32>
      %add3A_3190 = arith.addi %mul3A_3189, %get3A_3186 : vector<16xi32>
      %add3A_3191 = vector.broadcast %mul3A_4 : i32 to vector<16xi32>
      %add3A_3192 = arith.addi %add3A_3190, %add3A_3191 : vector<16xi32>
      %swap3A_3193 = arith.constant 3 : i32
      %swap3A_3194 = arith.index_cast %swap3A_3193 : i32 to index
      %swap3A_3195 = arith.constant 0 : index
      %swap3A_3196 = tpu.vector_load %arg10[%swap3A_3194, %swap3A_3195] {strides = array<i32>} : memref<4x128xi32, #tpu.memory_space<vmem>>, vector<1x16xi32>,
      %swap3A_3197 = vector.shape_cast %swap3A_3196 : vector<1x16xi32> to vector<16xi32>
      %swap3A_3198 = vector.shape_cast %add3A_3192 : vector<16xi32> to vector<1x16xi32>
      tpu.vector_store %arg10[%swap3A_3194, %swap3A_3195], %swap3A_3198 {strides = array<i32>} : memref<4x128xi32, #tpu.memory_space<vmem>>, vector<1x16xi32>,
      %get3A_3199 = arith.constant 400 : index
      %get3A_3200 = tpu.vector_load %arg6[%get3A_3199] {strides = array<i32>} : memref<512xi32, #tpu.memory_space<vmem>>, vector<16xi32>,
      %get3A_3201 = vector.shape_cast %get3A_3200 : vector<16xi32> to vector<16xi32>
      %get3A_3202 = arith.constant 400 : index
      %get3A_3203 = tpu.vector_load %arg8[%get3A_3202] {strides = array<i32>} : memref<512xi32, #tpu.memory_space<vmem>>, vector<16xi32>,
      %get3A_3204 = vector.shape_cast %get3A_3203 : vector<16xi32> to vector<16xi32>
      %mul3A_3205 = arith.constant 5 : i32
      %mul3A_3206 = vector.broadcast %mul3A_3205 : i32 to vector<16xi32>
      %mul3A_3207 = arith.muli %get3A_3201, %mul3A_3206 : vector<16xi32>
      %add3A_3208 = arith.addi %mul3A_3207, %get3A_3204 : vector<16xi32>
      %add3A_3209 = vector.broadcast %mul3A_4 : i32 to vector<16xi32>
      %add3A_3210 = arith.addi %add3A_3208, %add3A_3209 : vector<16xi32>
      %swap3A_3211 = arith.constant 3 : i32
      %swap3A_3212 = arith.index_cast %swap3A_3211 : i32 to index
      %swap3A_3213 = arith.constant 16 : index
      %swap3A_3214 = tpu.vector_load %arg10[%swap3A_3212, %swap3A_3213] {strides = array<i32>} : memref<4x128xi32, #tpu.memory_space<vmem>>, vector<1x16xi32>,
      %swap3A_3215 = vector.shape_cast %swap3A_3214 : vector<1x16xi32> to vector<16xi32>
      %swap3A_3216 = vector.shape_cast %add3A_3210 : vector<16xi32> to vector<1x16xi32>
      tpu.vector_store %arg10[%swap3A_3212, %swap3A_3213], %swap3A_3216 {strides = array<i32>} : memref<4x128xi32, #tpu.memory_space<vmem>>, vector<1x16xi32>,
      %get3A_3217 = arith.constant 416 : index
      %get3A_3218 = tpu.vector_load %arg6[%get3A_3217] {strides = array<i32>} : memref<512xi32, #tpu.memory_space<vmem>>, vector<16xi32>,
      %get3A_3219 = vector.shape_cast %get3A_3218 : vector<16xi32> to vector<16xi32>
      %get3A_3220 = arith.constant 416 : index
      %get3A_3221 = tpu.vector_load %arg8[%get3A_3220] {strides = array<i32>} : memref<512xi32, #tpu.memory_space<vmem>>, vector<16xi32>,
      %get3A_3222 = vector.shape_cast %get3A_3221 : vector<16xi32> to vector<16xi32>
      %mul3A_3223 = arith.constant 5 : i32
      %mul3A_3224 = vector.broadcast %mul3A_3223 : i32 to vector<16xi32>
      %mul3A_3225 = arith.muli %get3A_3219, %mul3A_3224 : vector<16xi32>
      %add3A_3226 = arith.addi %mul3A_3225, %get3A_3222 : vector<16xi32>
      %add3A_3227 = vector.broadcast %mul3A_4 : i32 to vector<16xi32>
      %add3A_3228 = arith.addi %add3A_3226, %add3A_3227 : vector<16xi32>
      %swap3A_3229 = arith.constant 3 : i32
      %swap3A_3230 = arith.index_cast %swap3A_3229 : i32 to index
      %swap3A_3231 = arith.constant 32 : index
      %swap3A_3232 = tpu.vector_load %arg10[%swap3A_3230, %swap3A_3231] {strides = array<i32>} : memref<4x128xi32, #tpu.memory_space<vmem>>, vector<1x16xi32>,
      %swap3A_3233 = vector.shape_cast %swap3A_3232 : vector<1x16xi32> to vector<16xi32>
      %swap3A_3234 = vector.shape_cast %add3A_3228 : vector<16xi32> to vector<1x16xi32>
      tpu.vector_store %arg10[%swap3A_3230, %swap3A_3231], %swap3A_3234 {strides = array<i32>} : memref<4x128xi32, #tpu.memory_space<vmem>>, vector<1x16xi32>,
      %get3A_3235 = arith.constant 432 : index
      %get3A_3236 = tpu.vector_load %arg6[%get3A_3235] {strides = array<i32>} : memref<512xi32, #tpu.memory_space<vmem>>, vector<16xi32>,
      %get3A_3237 = vector.shape_cast %get3A_3236 : vector<16xi32> to vector<16xi32>
      %get3A_3238 = arith.constant 432 : index
      %get3A_3239 = tpu.vector_load %arg8[%get3A_3238] {strides = array<i32>} : memref<512xi32, #tpu.memory_space<vmem>>, vector<16xi32>,
      %get3A_3240 = vector.shape_cast %get3A_3239 : vector<16xi32> to vector<16xi32>
      %mul3A_3241 = arith.constant 5 : i32
      %mul3A_3242 = vector.broadcast %mul3A_3241 : i32 to vector<16xi32>
      %mul3A_3243 = arith.muli %get3A_3237, %mul3A_3242 : vector<16xi32>
      %add3A_3244 = arith.addi %mul3A_3243, %get3A_3240 : vector<16xi32>
      %add3A_3245 = vector.broadcast %mul3A_4 : i32 to vector<16xi32>
      %add3A_3246 = arith.addi %add3A_3244, %add3A_3245 : vector<16xi32>
      %swap3A_3247 = arith.constant 3 : i32
      %swap3A_3248 = arith.index_cast %swap3A_3247 : i32 to index
      %swap3A_3249 = arith.constant 48 : index
      %swap3A_3250 = tpu.vector_load %arg10[%swap3A_3248, %swap3A_3249] {strides = array<i32>} : memref<4x128xi32, #tpu.memory_space<vmem>>, vector<1x16xi32>,
      %swap3A_3251 = vector.shape_cast %swap3A_3250 : vector<1x16xi32> to vector<16xi32>
      %swap3A_3252 = vector.shape_cast %add3A_3246 : vector<16xi32> to vector<1x16xi32>
      tpu.vector_store %arg10[%swap3A_3248, %swap3A_3249], %swap3A_3252 {strides = array<i32>} : memref<4x128xi32, #tpu.memory_space<vmem>>, vector<1x16xi32>,
      %get3A_3253 = arith.constant 448 : index
      %get3A_3254 = tpu.vector_load %arg6[%get3A_3253] {strides = array<i32>} : memref<512xi32, #tpu.memory_space<vmem>>, vector<16xi32>,
      %get3A_3255 = vector.shape_cast %get3A_3254 : vector<16xi32> to vector<16xi32>
      %get3A_3256 = arith.constant 448 : index
      %get3A_3257 = tpu.vector_load %arg8[%get3A_3256] {strides = array<i32>} : memref<512xi32, #tpu.memory_space<vmem>>, vector<16xi32>,
      %get3A_3258 = vector.shape_cast %get3A_3257 : vector<16xi32> to vector<16xi32>
      %mul3A_3259 = arith.constant 5 : i32
      %mul3A_3260 = vector.broadcast %mul3A_3259 : i32 to vector<16xi32>
      %mul3A_3261 = arith.muli %get3A_3255, %mul3A_3260 : vector<16xi32>
      %add3A_3262 = arith.addi %mul3A_3261, %get3A_3258 : vector<16xi32>
      %add3A_3263 = vector.broadcast %mul3A_4 : i32 to vector<16xi32>
      %add3A_3264 = arith.addi %add3A_3262, %add3A_3263 : vector<16xi32>
      %swap3A_3265 = arith.constant 3 : i32
      %swap3A_3266 = arith.index_cast %swap3A_3265 : i32 to index
      %swap3A_3267 = arith.constant 64 : index
      %swap3A_3268 = tpu.vector_load %arg10[%swap3A_3266, %swap3A_3267] {strides = array<i32>} : memref<4x128xi32, #tpu.memory_space<vmem>>, vector<1x16xi32>,
      %swap3A_3269 = vector.shape_cast %swap3A_3268 : vector<1x16xi32> to vector<16xi32>
      %swap3A_3270 = vector.shape_cast %add3A_3264 : vector<16xi32> to vector<1x16xi32>
      tpu.vector_store %arg10[%swap3A_3266, %swap3A_3267], %swap3A_3270 {strides = array<i32>} : memref<4x128xi32, #tpu.memory_space<vmem>>, vector<1x16xi32>,
      %get3A_3271 = arith.constant 464 : index
      %get3A_3272 = tpu.vector_load %arg6[%get3A_3271] {strides = array<i32>} : memref<512xi32, #tpu.memory_space<vmem>>, vector<16xi32>,
      %get3A_3273 = vector.shape_cast %get3A_3272 : vector<16xi32> to vector<16xi32>
      %get3A_3274 = arith.constant 464 : index
      %get3A_3275 = tpu.vector_load %arg8[%get3A_3274] {strides = array<i32>} : memref<512xi32, #tpu.memory_space<vmem>>, vector<16xi32>,
      %get3A_3276 = vector.shape_cast %get3A_3275 : vector<16xi32> to vector<16xi32>
      %mul3A_3277 = arith.constant 5 : i32
      %mul3A_3278 = vector.broadcast %mul3A_3277 : i32 to vector<16xi32>
      %mul3A_3279 = arith.muli %get3A_3273, %mul3A_3278 : vector<16xi32>
      %add3A_3280 = arith.addi %mul3A_3279, %get3A_3276 : vector<16xi32>
      %add3A_3281 = vector.broadcast %mul3A_4 : i32 to vector<16xi32>
      %add3A_3282 = arith.addi %add3A_3280, %add3A_3281 : vector<16xi32>
      %swap3A_3283 = arith.constant 3 : i32
      %swap3A_3284 = arith.index_cast %swap3A_3283 : i32 to index
      %swap3A_3285 = arith.constant 80 : index
      %swap3A_3286 = tpu.vector_load %arg10[%swap3A_3284, %swap3A_3285] {strides = array<i32>} : memref<4x128xi32, #tpu.memory_space<vmem>>, vector<1x16xi32>,
      %swap3A_3287 = vector.shape_cast %swap3A_3286 : vector<1x16xi32> to vector<16xi32>
      %swap3A_3288 = vector.shape_cast %add3A_3282 : vector<16xi32> to vector<1x16xi32>
      tpu.vector_store %arg10[%swap3A_3284, %swap3A_3285], %swap3A_3288 {strides = array<i32>} : memref<4x128xi32, #tpu.memory_space<vmem>>, vector<1x16xi32>,
      %get3A_3289 = arith.constant 480 : index
      %get3A_3290 = tpu.vector_load %arg6[%get3A_3289] {strides = array<i32>} : memref<512xi32, #tpu.memory_space<vmem>>, vector<16xi32>,
      %get3A_3291 = vector.shape_cast %get3A_3290 : vector<16xi32> to vector<16xi32>
      %get3A_3292 = arith.constant 480 : index
      %get3A_3293 = tpu.vector_load %arg8[%get3A_3292] {strides = array<i32>} : memref<512xi32, #tpu.memory_space<vmem>>, vector<16xi32>,
      %get3A_3294 = vector.shape_cast %get3A_3293 : vector<16xi32> to vector<16xi32>
      %mul3A_3295 = arith.constant 5 : i32
      %mul3A_3296 = vector.broadcast %mul3A_3295 : i32 to vector<16xi32>
      %mul3A_3297 = arith.muli %get3A_3291, %mul3A_3296 : vector<16xi32>
      %add3A_3298 = arith.addi %mul3A_3297, %get3A_3294 : vector<16xi32>
      %add3A_3299 = vector.broadcast %mul3A_4 : i32 to vector<16xi32>
      %add3A_3300 = arith.addi %add3A_3298, %add3A_3299 : vector<16xi32>
      %swap3A_3301 = arith.constant 3 : i32
      %swap3A_3302 = arith.index_cast %swap3A_3301 : i32 to index
      %swap3A_3303 = arith.constant 96 : index
      %swap3A_3304 = tpu.vector_load %arg10[%swap3A_3302, %swap3A_3303] {strides = array<i32>} : memref<4x128xi32, #tpu.memory_space<vmem>>, vector<1x16xi32>,
      %swap3A_3305 = vector.shape_cast %swap3A_3304 : vector<1x16xi32> to vector<16xi32>
      %swap3A_3306 = vector.shape_cast %add3A_3300 : vector<16xi32> to vector<1x16xi32>
      tpu.vector_store %arg10[%swap3A_3302, %swap3A_3303], %swap3A_3306 {strides = array<i32>} : memref<4x128xi32, #tpu.memory_space<vmem>>, vector<1x16xi32>,
      %get3A_3307 = arith.constant 496 : index
      %get3A_3308 = tpu.vector_load %arg6[%get3A_3307] {strides = array<i32>} : memref<512xi32, #tpu.memory_space<vmem>>, vector<16xi32>,
      %get3A_3309 = vector.shape_cast %get3A_3308 : vector<16xi32> to vector<16xi32>
      %get3A_3310 = arith.constant 496 : index
      %get3A_3311 = tpu.vector_load %arg8[%get3A_3310] {strides = array<i32>} : memref<512xi32, #tpu.memory_space<vmem>>, vector<16xi32>,
      %get3A_3312 = vector.shape_cast %get3A_3311 : vector<16xi32> to vector<16xi32>
      %mul3A_3313 = arith.constant 5 : i32
      %mul3A_3314 = vector.broadcast %mul3A_3313 : i32 to vector<16xi32>
      %mul3A_3315 = arith.muli %get3A_3309, %mul3A_3314 : vector<16xi32>
      %add3A_3316 = arith.addi %mul3A_3315, %get3A_3312 : vector<16xi32>
      %add3A_3317 = vector.broadcast %mul3A_4 : i32 to vector<16xi32>
      %add3A_3318 = arith.addi %add3A_3316, %add3A_3317 : vector<16xi32>
      %swap3A_3319 = arith.constant 3 : i32
      %swap3A_3320 = arith.index_cast %swap3A_3319 : i32 to index
      %swap3A_3321 = arith.constant 112 : index
      %swap3A_3322 = tpu.vector_load %arg10[%swap3A_3320, %swap3A_3321] {strides = array<i32>} : memref<4x128xi32, #tpu.memory_space<vmem>>, vector<1x16xi32>,
      %swap3A_3323 = vector.shape_cast %swap3A_3322 : vector<1x16xi32> to vector<16xi32>
      %swap3A_3324 = vector.shape_cast %add3A_3318 : vector<16xi32> to vector<1x16xi32>
      tpu.vector_store %arg10[%swap3A_3320, %swap3A_3321], %swap3A_3324 {strides = array<i32>} : memref<4x128xi32, #tpu.memory_space<vmem>>, vector<1x16xi32>,
      %dma_wait3A_3325 = arith.constant 0 : i32
      %dma_wait3A_3326 = arith.constant 0 : i32
      %dma_wait3A_3327 = tpu.memref_slice %arg5[%dma_wait3A_3325, %dma_wait3A_3326] : memref<3276800x64xf32, #tpu.memory_space<hbm>> -> memref<512x64xf32, #tpu.memory_space<hbm>>
      %dma_wait3A_3328 = arith.constant 0 : i32
      %dma_wait3A_3329 = arith.constant 0 : i32
      %dma_wait3A_3330 = tpu.memref_slice %arg5[%dma_wait3A_3328, %dma_wait3A_3329] : memref<3276800x64xf32, #tpu.memory_space<hbm>> -> memref<512x64xf32, #tpu.memory_space<hbm>>
      tpu.wait_dma2 semaphore(%arg19 : memref<!tpu.dma_semaphore, #tpu.memory_space<semaphore_mem>>) src(%arg12 : memref<512x64xf32, #tpu.memory_space<vmem>>) dst(%dma_wait3A_3330 : memref<512x64xf32, #tpu.memory_space<hbm>>)
      %dma_start3A_3331 = arith.constant 0 : i32
      %dma_start3A_3332 = arith.constant 0 : i32
      %dma_start3A_3333 = arith.constant 0 : i32
      %dma_start3A_3334 = tpu.memref_slice %arg12[%dma_start3A_3332, %dma_start3A_3333] : memref<512x64xf32, #tpu.memory_space<vmem>> -> memref<128x64xf32, #tpu.memory_space<vmem>>
      %dma_start3A_3335 = arith.constant 0 : i32
      %dma_start3A_3336 = tpu.memref_slice %arg10[%dma_start3A_3331, %dma_start3A_3335] : memref<4x128xi32, #tpu.memory_space<vmem>> -> memref<1x128xi32, #tpu.memory_space<vmem>>
      %dma_start3A_3337 = tpu.memref_squeeze %dma_start3A_3336 : memref<1x128xi32, #tpu.memory_space<vmem>> -> memref<128xi32, #tpu.memory_space<vmem>>
      %dma_start3A_3338 = arith.constant 0 : i32
      %dma_start3A_3339 = arith.constant 0 : i32
      %dma_start3A_3340 = tpu.memref_slice %arg14[%dma_start3A_3338, %dma_start3A_3339] : memref<2304x64xf32, #tpu.memory_space<vmem_shared>> -> memref<2304x64xf32, #tpu.memory_space<vmem_shared>>
      tpu.enqueue_indirect_dma source(%dma_start3A_3340 : memref<2304x64xf32, #tpu.memory_space<vmem_shared>>) target(%dma_start3A_3334 : memref<128x64xf32, #tpu.memory_space<vmem>>) offsets(%dma_start3A_3337 : memref<128xi32, #tpu.memory_space<vmem>>) semaphore(%arg17 : memref<!tpu.dma_semaphore, #tpu.memory_space<semaphore_mem>>)
      %dma_start3A_3341 = arith.constant 1 : i32
      %dma_start3A_3342 = arith.constant 128 : i32
      %dma_start3A_3343 = arith.constant 0 : i32
      %dma_start3A_3344 = tpu.memref_slice %arg12[%dma_start3A_3342, %dma_start3A_3343] : memref<512x64xf32, #tpu.memory_space<vmem>> -> memref<128x64xf32, #tpu.memory_space<vmem>>
      %dma_start3A_3345 = arith.constant 0 : i32
      %dma_start3A_3346 = tpu.memref_slice %arg10[%dma_start3A_3341, %dma_start3A_3345] : memref<4x128xi32, #tpu.memory_space<vmem>> -> memref<1x128xi32, #tpu.memory_space<vmem>>
      %dma_start3A_3347 = tpu.memref_squeeze %dma_start3A_3346 : memref<1x128xi32, #tpu.memory_space<vmem>> -> memref<128xi32, #tpu.memory_space<vmem>>
      %dma_start3A_3348 = arith.constant 0 : i32
      %dma_start3A_3349 = arith.constant 0 : i32
      %dma_start3A_3350 = tpu.memref_slice %arg14[%dma_start3A_3348, %dma_start3A_3349] : memref<2304x64xf32, #tpu.memory_space<vmem_shared>> -> memref<2304x64xf32, #tpu.memory_space<vmem_shared>>
      tpu.enqueue_indirect_dma source(%dma_start3A_3350 : memref<2304x64xf32, #tpu.memory_space<vmem_shared>>) target(%dma_start3A_3344 : memref<128x64xf32, #tpu.memory_space<vmem>>) offsets(%dma_start3A_3347 : memref<128xi32, #tpu.memory_space<vmem>>) semaphore(%arg17 : memref<!tpu.dma_semaphore, #tpu.memory_space<semaphore_mem>>)
      %dma_start3A_3351 = arith.constant 2 : i32
      %dma_start3A_3352 = arith.constant 256 : i32
      %dma_start3A_3353 = arith.constant 0 : i32
      %dma_start3A_3354 = tpu.memref_slice %arg12[%dma_start3A_3352, %dma_start3A_3353] : memref<512x64xf32, #tpu.memory_space<vmem>> -> memref<128x64xf32, #tpu.memory_space<vmem>>
      %dma_start3A_3355 = arith.constant 0 : i32
      %dma_start3A_3356 = tpu.memref_slice %arg10[%dma_start3A_3351, %dma_start3A_3355] : memref<4x128xi32, #tpu.memory_space<vmem>> -> memref<1x128xi32, #tpu.memory_space<vmem>>
      %dma_start3A_3357 = tpu.memref_squeeze %dma_start3A_3356 : memref<1x128xi32, #tpu.memory_space<vmem>> -> memref<128xi32, #tpu.memory_space<vmem>>
      %dma_start3A_3358 = arith.constant 0 : i32
      %dma_start3A_3359 = arith.constant 0 : i32
      %dma_start3A_3360 = tpu.memref_slice %arg14[%dma_start3A_3358, %dma_start3A_3359] : memref<2304x64xf32, #tpu.memory_space<vmem_shared>> -> memref<2304x64xf32, #tpu.memory_space<vmem_shared>>
      tpu.enqueue_indirect_dma source(%dma_start3A_3360 : memref<2304x64xf32, #tpu.memory_space<vmem_shared>>) target(%dma_start3A_3354 : memref<128x64xf32, #tpu.memory_space<vmem>>) offsets(%dma_start3A_3357 : memref<128xi32, #tpu.memory_space<vmem>>) semaphore(%arg17 : memref<!tpu.dma_semaphore, #tpu.memory_space<semaphore_mem>>)
      %dma_start3A_3361 = arith.constant 3 : i32
      %dma_start3A_3362 = arith.constant 384 : i32
      %dma_start3A_3363 = arith.constant 0 : i32
      %dma_start3A_3364 = tpu.memref_slice %arg12[%dma_start3A_3362, %dma_start3A_3363] : memref<512x64xf32, #tpu.memory_space<vmem>> -> memref<128x64xf32, #tpu.memory_space<vmem>>
      %dma_start3A_3365 = arith.constant 0 : i32
      %dma_start3A_3366 = tpu.memref_slice %arg10[%dma_start3A_3361, %dma_start3A_3365] : memref<4x128xi32, #tpu.memory_space<vmem>> -> memref<1x128xi32, #tpu.memory_space<vmem>>
      %dma_start3A_3367 = tpu.memref_squeeze %dma_start3A_3366 : memref<1x128xi32, #tpu.memory_space<vmem>> -> memref<128xi32, #tpu.memory_space<vmem>>
      %dma_start3A_3368 = arith.constant 0 : i32
      %dma_start3A_3369 = arith.constant 0 : i32
      %dma_start3A_3370 = tpu.memref_slice %arg14[%dma_start3A_3368, %dma_start3A_3369] : memref<2304x64xf32, #tpu.memory_space<vmem_shared>> -> memref<2304x64xf32, #tpu.memory_space<vmem_shared>>
      tpu.enqueue_indirect_dma source(%dma_start3A_3370 : memref<2304x64xf32, #tpu.memory_space<vmem_shared>>) target(%dma_start3A_3364 : memref<128x64xf32, #tpu.memory_space<vmem>>) offsets(%dma_start3A_3367 : memref<128xi32, #tpu.memory_space<vmem>>) semaphore(%arg17 : memref<!tpu.dma_semaphore, #tpu.memory_space<semaphore_mem>>)
      %add3A_3371 = arith.constant 2 : i32
      %add3A_3372 = arith.addi %mul3A_2738, %add3A_3371 : i32
      %mul3A_3373 = arith.constant 512 : i32
      %mul3A_3374 = arith.muli %add3A_3372, %mul3A_3373 : i32
      %add3A_3375 = arith.addi %mul3A_2, %mul3A_3374 : i32
      %dma_start3A_3376 = tpu.memref_slice %arg2[%add3A_3375] : memref<3276800xi32, #tpu.memory_space<hbm>> -> memref<512xi32, #tpu.memory_space<hbm>>
      %dma_start3A_3377 = tpu.memref_slice %arg2[%add3A_3375] : memref<3276800xi32, #tpu.memory_space<hbm>> -> memref<512xi32, #tpu.memory_space<hbm>>
      tpu.enqueue_dma source(%dma_start3A_3377 : memref<512xi32, #tpu.memory_space<hbm>>) target(%arg6 : memref<512xi32, #tpu.memory_space<vmem>>) target_semaphore(%arg15 : memref<!tpu.dma_semaphore, #tpu.memory_space<semaphore_mem>>)
      %dma_start3A_3378 = tpu.memref_slice %arg3[%add3A_3375] : memref<3276800xi32, #tpu.memory_space<hbm>> -> memref<512xi32, #tpu.memory_space<hbm>>
      %dma_start3A_3379 = tpu.memref_slice %arg3[%add3A_3375] : memref<3276800xi32, #tpu.memory_space<hbm>> -> memref<512xi32, #tpu.memory_space<hbm>>
      tpu.enqueue_dma source(%dma_start3A_3379 : memref<512xi32, #tpu.memory_space<hbm>>) target(%arg8 : memref<512xi32, #tpu.memory_space<vmem>>) target_semaphore(%arg15 : memref<!tpu.dma_semaphore, #tpu.memory_space<semaphore_mem>>)
      %dma_wait3A_3380 = arith.constant 0 : i32
      %dma_wait3A_3381 = tpu.memref_slice %arg2[%dma_wait3A_3380] : memref<3276800xi32, #tpu.memory_space<hbm>> -> memref<512xi32, #tpu.memory_space<hbm>>
      %dma_wait3A_3382 = arith.constant 0 : i32
      %dma_wait3A_3383 = tpu.memref_slice %arg2[%dma_wait3A_3382] : memref<3276800xi32, #tpu.memory_space<hbm>> -> memref<512xi32, #tpu.memory_space<hbm>>
      tpu.wait_dma2 semaphore(%arg16 : memref<!tpu.dma_semaphore, #tpu.memory_space<semaphore_mem>>) src(%dma_wait3A_3383 : memref<512xi32, #tpu.memory_space<hbm>>) dst(%arg7 : memref<512xi32, #tpu.memory_space<vmem>>)
      %dma_wait3A_3384 = arith.constant 0 : i32
      %dma_wait3A_3385 = tpu.memref_slice %arg3[%dma_wait3A_3384] : memref<3276800xi32, #tpu.memory_space<hbm>> -> memref<512xi32, #tpu.memory_space<hbm>>
      %dma_wait3A_3386 = arith.constant 0 : i32
      %dma_wait3A_3387 = tpu.memref_slice %arg3[%dma_wait3A_3386] : memref<3276800xi32, #tpu.memory_space<hbm>> -> memref<512xi32, #tpu.memory_space<hbm>>
      tpu.wait_dma2 semaphore(%arg16 : memref<!tpu.dma_semaphore, #tpu.memory_space<semaphore_mem>>) src(%dma_wait3A_3387 : memref<512xi32, #tpu.memory_space<hbm>>) dst(%arg9 : memref<512xi32, #tpu.memory_space<vmem>>)
      %get3A_3388 = arith.constant 0 : index
      %get3A_3389 = tpu.vector_load %arg7[%get3A_3388] {strides = array<i32>} : memref<512xi32, #tpu.memory_space<vmem>>, vector<16xi32>,
      %get3A_3390 = vector.shape_cast %get3A_3389 : vector<16xi32> to vector<16xi32>
      %get3A_3391 = arith.constant 0 : index
      %get3A_3392 = tpu.vector_load %arg9[%get3A_3391] {strides = array<i32>} : memref<512xi32, #tpu.memory_space<vmem>>, vector<16xi32>,
      %get3A_3393 = vector.shape_cast %get3A_3392 : vector<16xi32> to vector<16xi32>
      %mul3A_3394 = arith.constant 5 : i32
      %mul3A_3395 = vector.broadcast %mul3A_3394 : i32 to vector<16xi32>
      %mul3A_3396 = arith.muli %get3A_3390, %mul3A_3395 : vector<16xi32>
      %add3A_3397 = arith.addi %mul3A_3396, %get3A_3393 : vector<16xi32>
      %add3A_3398 = vector.broadcast %mul3A_4 : i32 to vector<16xi32>
      %add3A_3399 = arith.addi %add3A_3397, %add3A_3398 : vector<16xi32>
      %swap3A_3400 = arith.constant 0 : i32
      %swap3A_3401 = arith.index_cast %swap3A_3400 : i32 to index
      %swap3A_3402 = arith.constant 0 : index
      %swap3A_3403 = tpu.vector_load %arg11[%swap3A_3401, %swap3A_3402] {strides = array<i32>} : memref<4x128xi32, #tpu.memory_space<vmem>>, vector<1x16xi32>,
      %swap3A_3404 = vector.shape_cast %swap3A_3403 : vector<1x16xi32> to vector<16xi32>
      %swap3A_3405 = vector.shape_cast %add3A_3399 : vector<16xi32> to vector<1x16xi32>
      tpu.vector_store %arg11[%swap3A_3401, %swap3A_3402], %swap3A_3405 {strides = array<i32>} : memref<4x128xi32, #tpu.memory_space<vmem>>, vector<1x16xi32>,
      %get3A_3406 = arith.constant 16 : index
      %get3A_3407 = tpu.vector_load %arg7[%get3A_3406] {strides = array<i32>} : memref<512xi32, #tpu.memory_space<vmem>>, vector<16xi32>,
      %get3A_3408 = vector.shape_cast %get3A_3407 : vector<16xi32> to vector<16xi32>
      %get3A_3409 = arith.constant 16 : index
      %get3A_3410 = tpu.vector_load %arg9[%get3A_3409] {strides = array<i32>} : memref<512xi32, #tpu.memory_space<vmem>>, vector<16xi32>,
      %get3A_3411 = vector.shape_cast %get3A_3410 : vector<16xi32> to vector<16xi32>
      %mul3A_3412 = arith.constant 5 : i32
      %mul3A_3413 = vector.broadcast %mul3A_3412 : i32 to vector<16xi32>
      %mul3A_3414 = arith.muli %get3A_3408, %mul3A_3413 : vector<16xi32>
      %add3A_3415 = arith.addi %mul3A_3414, %get3A_3411 : vector<16xi32>
      %add3A_3416 = vector.broadcast %mul3A_4 : i32 to vector<16xi32>
      %add3A_3417 = arith.addi %add3A_3415, %add3A_3416 : vector<16xi32>
      %swap3A_3418 = arith.constant 0 : i32
      %swap3A_3419 = arith.index_cast %swap3A_3418 : i32 to index
      %swap3A_3420 = arith.constant 16 : index
      %swap3A_3421 = tpu.vector_load %arg11[%swap3A_3419, %swap3A_3420] {strides = array<i32>} : memref<4x128xi32, #tpu.memory_space<vmem>>, vector<1x16xi32>,
      %swap3A_3422 = vector.shape_cast %swap3A_3421 : vector<1x16xi32> to vector<16xi32>
      %swap3A_3423 = vector.shape_cast %add3A_3417 : vector<16xi32> to vector<1x16xi32>
      tpu.vector_store %arg11[%swap3A_3419, %swap3A_3420], %swap3A_3423 {strides = array<i32>} : memref<4x128xi32, #tpu.memory_space<vmem>>, vector<1x16xi32>,
      %get3A_3424 = arith.constant 32 : index
      %get3A_3425 = tpu.vector_load %arg7[%get3A_3424] {strides = array<i32>} : memref<512xi32, #tpu.memory_space<vmem>>, vector<16xi32>,
      %get3A_3426 = vector.shape_cast %get3A_3425 : vector<16xi32> to vector<16xi32>
      %get3A_3427 = arith.constant 32 : index
      %get3A_3428 = tpu.vector_load %arg9[%get3A_3427] {strides = array<i32>} : memref<512xi32, #tpu.memory_space<vmem>>, vector<16xi32>,
      %get3A_3429 = vector.shape_cast %get3A_3428 : vector<16xi32> to vector<16xi32>
      %mul3A_3430 = arith.constant 5 : i32
      %mul3A_3431 = vector.broadcast %mul3A_3430 : i32 to vector<16xi32>
      %mul3A_3432 = arith.muli %get3A_3426, %mul3A_3431 : vector<16xi32>
      %add3A_3433 = arith.addi %mul3A_3432, %get3A_3429 : vector<16xi32>
      %add3A_3434 = vector.broadcast %mul3A_4 : i32 to vector<16xi32>
      %add3A_3435 = arith.addi %add3A_3433, %add3A_3434 : vector<16xi32>
      %swap3A_3436 = arith.constant 0 : i32
      %swap3A_3437 = arith.index_cast %swap3A_3436 : i32 to index
      %swap3A_3438 = arith.constant 32 : index
      %swap3A_3439 = tpu.vector_load %arg11[%swap3A_3437, %swap3A_3438] {strides = array<i32>} : memref<4x128xi32, #tpu.memory_space<vmem>>, vector<1x16xi32>,
      %swap3A_3440 = vector.shape_cast %swap3A_3439 : vector<1x16xi32> to vector<16xi32>
      %swap3A_3441 = vector.shape_cast %add3A_3435 : vector<16xi32> to vector<1x16xi32>
      tpu.vector_store %arg11[%swap3A_3437, %swap3A_3438], %swap3A_3441 {strides = array<i32>} : memref<4x128xi32, #tpu.memory_space<vmem>>, vector<1x16xi32>,
      %get3A_3442 = arith.constant 48 : index
      %get3A_3443 = tpu.vector_load %arg7[%get3A_3442] {strides = array<i32>} : memref<512xi32, #tpu.memory_space<vmem>>, vector<16xi32>,
      %get3A_3444 = vector.shape_cast %get3A_3443 : vector<16xi32> to vector<16xi32>
      %get3A_3445 = arith.constant 48 : index
      %get3A_3446 = tpu.vector_load %arg9[%get3A_3445] {strides = array<i32>} : memref<512xi32, #tpu.memory_space<vmem>>, vector<16xi32>,
      %get3A_3447 = vector.shape_cast %get3A_3446 : vector<16xi32> to vector<16xi32>
      %mul3A_3448 = arith.constant 5 : i32
      %mul3A_3449 = vector.broadcast %mul3A_3448 : i32 to vector<16xi32>
      %mul3A_3450 = arith.muli %get3A_3444, %mul3A_3449 : vector<16xi32>
      %add3A_3451 = arith.addi %mul3A_3450, %get3A_3447 : vector<16xi32>
      %add3A_3452 = vector.broadcast %mul3A_4 : i32 to vector<16xi32>
      %add3A_3453 = arith.addi %add3A_3451, %add3A_3452 : vector<16xi32>
      %swap3A_3454 = arith.constant 0 : i32
      %swap3A_3455 = arith.index_cast %swap3A_3454 : i32 to index
      %swap3A_3456 = arith.constant 48 : index
      %swap3A_3457 = tpu.vector_load %arg11[%swap3A_3455, %swap3A_3456] {strides = array<i32>} : memref<4x128xi32, #tpu.memory_space<vmem>>, vector<1x16xi32>,
      %swap3A_3458 = vector.shape_cast %swap3A_3457 : vector<1x16xi32> to vector<16xi32>
      %swap3A_3459 = vector.shape_cast %add3A_3453 : vector<16xi32> to vector<1x16xi32>
      tpu.vector_store %arg11[%swap3A_3455, %swap3A_3456], %swap3A_3459 {strides = array<i32>} : memref<4x128xi32, #tpu.memory_space<vmem>>, vector<1x16xi32>,
      %get3A_3460 = arith.constant 64 : index
      %get3A_3461 = tpu.vector_load %arg7[%get3A_3460] {strides = array<i32>} : memref<512xi32, #tpu.memory_space<vmem>>, vector<16xi32>,
      %get3A_3462 = vector.shape_cast %get3A_3461 : vector<16xi32> to vector<16xi32>
      %get3A_3463 = arith.constant 64 : index
      %get3A_3464 = tpu.vector_load %arg9[%get3A_3463] {strides = array<i32>} : memref<512xi32, #tpu.memory_space<vmem>>, vector<16xi32>,
      %get3A_3465 = vector.shape_cast %get3A_3464 : vector<16xi32> to vector<16xi32>
      %mul3A_3466 = arith.constant 5 : i32
      %mul3A_3467 = vector.broadcast %mul3A_3466 : i32 to vector<16xi32>
      %mul3A_3468 = arith.muli %get3A_3462, %mul3A_3467 : vector<16xi32>
      %add3A_3469 = arith.addi %mul3A_3468, %get3A_3465 : vector<16xi32>
      %add3A_3470 = vector.broadcast %mul3A_4 : i32 to vector<16xi32>
      %add3A_3471 = arith.addi %add3A_3469, %add3A_3470 : vector<16xi32>
      %swap3A_3472 = arith.constant 0 : i32
      %swap3A_3473 = arith.index_cast %swap3A_3472 : i32 to index
      %swap3A_3474 = arith.constant 64 : index
      %swap3A_3475 = tpu.vector_load %arg11[%swap3A_3473, %swap3A_3474] {strides = array<i32>} : memref<4x128xi32, #tpu.memory_space<vmem>>, vector<1x16xi32>,
      %swap3A_3476 = vector.shape_cast %swap3A_3475 : vector<1x16xi32> to vector<16xi32>
      %swap3A_3477 = vector.shape_cast %add3A_3471 : vector<16xi32> to vector<1x16xi32>
      tpu.vector_store %arg11[%swap3A_3473, %swap3A_3474], %swap3A_3477 {strides = array<i32>} : memref<4x128xi32, #tpu.memory_space<vmem>>, vector<1x16xi32>,
      %get3A_3478 = arith.constant 80 : index
      %get3A_3479 = tpu.vector_load %arg7[%get3A_3478] {strides = array<i32>} : memref<512xi32, #tpu.memory_space<vmem>>, vector<16xi32>,
      %get3A_3480 = vector.shape_cast %get3A_3479 : vector<16xi32> to vector<16xi32>
      %get3A_3481 = arith.constant 80 : index
      %get3A_3482 = tpu.vector_load %arg9[%get3A_3481] {strides = array<i32>} : memref<512xi32, #tpu.memory_space<vmem>>, vector<16xi32>,
      %get3A_3483 = vector.shape_cast %get3A_3482 : vector<16xi32> to vector<16xi32>
      %mul3A_3484 = arith.constant 5 : i32
      %mul3A_3485 = vector.broadcast %mul3A_3484 : i32 to vector<16xi32>
      %mul3A_3486 = arith.muli %get3A_3480, %mul3A_3485 : vector<16xi32>
      %add3A_3487 = arith.addi %mul3A_3486, %get3A_3483 : vector<16xi32>
      %add3A_3488 = vector.broadcast %mul3A_4 : i32 to vector<16xi32>
      %add3A_3489 = arith.addi %add3A_3487, %add3A_3488 : vector<16xi32>
      %swap3A_3490 = arith.constant 0 : i32
      %swap3A_3491 = arith.index_cast %swap3A_3490 : i32 to index
      %swap3A_3492 = arith.constant 80 : index
      %swap3A_3493 = tpu.vector_load %arg11[%swap3A_3491, %swap3A_3492] {strides = array<i32>} : memref<4x128xi32, #tpu.memory_space<vmem>>, vector<1x16xi32>,
      %swap3A_3494 = vector.shape_cast %swap3A_3493 : vector<1x16xi32> to vector<16xi32>
      %swap3A_3495 = vector.shape_cast %add3A_3489 : vector<16xi32> to vector<1x16xi32>
      tpu.vector_store %arg11[%swap3A_3491, %swap3A_3492], %swap3A_3495 {strides = array<i32>} : memref<4x128xi32, #tpu.memory_space<vmem>>, vector<1x16xi32>,
      %get3A_3496 = arith.constant 96 : index
      %get3A_3497 = tpu.vector_load %arg7[%get3A_3496] {strides = array<i32>} : memref<512xi32, #tpu.memory_space<vmem>>, vector<16xi32>,
      %get3A_3498 = vector.shape_cast %get3A_3497 : vector<16xi32> to vector<16xi32>
      %get3A_3499 = arith.constant 96 : index
      %get3A_3500 = tpu.vector_load %arg9[%get3A_3499] {strides = array<i32>} : memref<512xi32, #tpu.memory_space<vmem>>, vector<16xi32>,
      %get3A_3501 = vector.shape_cast %get3A_3500 : vector<16xi32> to vector<16xi32>
      %mul3A_3502 = arith.constant 5 : i32
      %mul3A_3503 = vector.broadcast %mul3A_3502 : i32 to vector<16xi32>
      %mul3A_3504 = arith.muli %get3A_3498, %mul3A_3503 : vector<16xi32>
      %add3A_3505 = arith.addi %mul3A_3504, %get3A_3501 : vector<16xi32>
      %add3A_3506 = vector.broadcast %mul3A_4 : i32 to vector<16xi32>
      %add3A_3507 = arith.addi %add3A_3505, %add3A_3506 : vector<16xi32>
      %swap3A_3508 = arith.constant 0 : i32
      %swap3A_3509 = arith.index_cast %swap3A_3508 : i32 to index
      %swap3A_3510 = arith.constant 96 : index
      %swap3A_3511 = tpu.vector_load %arg11[%swap3A_3509, %swap3A_3510] {strides = array<i32>} : memref<4x128xi32, #tpu.memory_space<vmem>>, vector<1x16xi32>,
      %swap3A_3512 = vector.shape_cast %swap3A_3511 : vector<1x16xi32> to vector<16xi32>
      %swap3A_3513 = vector.shape_cast %add3A_3507 : vector<16xi32> to vector<1x16xi32>
      tpu.vector_store %arg11[%swap3A_3509, %swap3A_3510], %swap3A_3513 {strides = array<i32>} : memref<4x128xi32, #tpu.memory_space<vmem>>, vector<1x16xi32>,
      %get3A_3514 = arith.constant 112 : index
      %get3A_3515 = tpu.vector_load %arg7[%get3A_3514] {strides = array<i32>} : memref<512xi32, #tpu.memory_space<vmem>>, vector<16xi32>,
      %get3A_3516 = vector.shape_cast %get3A_3515 : vector<16xi32> to vector<16xi32>
      %get3A_3517 = arith.constant 112 : index
      %get3A_3518 = tpu.vector_load %arg9[%get3A_3517] {strides = array<i32>} : memref<512xi32, #tpu.memory_space<vmem>>, vector<16xi32>,
      %get3A_3519 = vector.shape_cast %get3A_3518 : vector<16xi32> to vector<16xi32>
      %mul3A_3520 = arith.constant 5 : i32
      %mul3A_3521 = vector.broadcast %mul3A_3520 : i32 to vector<16xi32>
      %mul3A_3522 = arith.muli %get3A_3516, %mul3A_3521 : vector<16xi32>
      %add3A_3523 = arith.addi %mul3A_3522, %get3A_3519 : vector<16xi32>
      %add3A_3524 = vector.broadcast %mul3A_4 : i32 to vector<16xi32>
      %add3A_3525 = arith.addi %add3A_3523, %add3A_3524 : vector<16xi32>
      %swap3A_3526 = arith.constant 0 : i32
      %swap3A_3527 = arith.index_cast %swap3A_3526 : i32 to index
      %swap3A_3528 = arith.constant 112 : index
      %swap3A_3529 = tpu.vector_load %arg11[%swap3A_3527, %swap3A_3528] {strides = array<i32>} : memref<4x128xi32, #tpu.memory_space<vmem>>, vector<1x16xi32>,
      %swap3A_3530 = vector.shape_cast %swap3A_3529 : vector<1x16xi32> to vector<16xi32>
      %swap3A_3531 = vector.shape_cast %add3A_3525 : vector<16xi32> to vector<1x16xi32>
      tpu.vector_store %arg11[%swap3A_3527, %swap3A_3528], %swap3A_3531 {strides = array<i32>} : memref<4x128xi32, #tpu.memory_space<vmem>>, vector<1x16xi32>,
      %get3A_3532 = arith.constant 128 : index
      %get3A_3533 = tpu.vector_load %arg7[%get3A_3532] {strides = array<i32>} : memref<512xi32, #tpu.memory_space<vmem>>, vector<16xi32>,
      %get3A_3534 = vector.shape_cast %get3A_3533 : vector<16xi32> to vector<16xi32>
      %get3A_3535 = arith.constant 128 : index
      %get3A_3536 = tpu.vector_load %arg9[%get3A_3535] {strides = array<i32>} : memref<512xi32, #tpu.memory_space<vmem>>, vector<16xi32>,
      %get3A_3537 = vector.shape_cast %get3A_3536 : vector<16xi32> to vector<16xi32>
      %mul3A_3538 = arith.constant 5 : i32
      %mul3A_3539 = vector.broadcast %mul3A_3538 : i32 to vector<16xi32>
      %mul3A_3540 = arith.muli %get3A_3534, %mul3A_3539 : vector<16xi32>
      %add3A_3541 = arith.addi %mul3A_3540, %get3A_3537 : vector<16xi32>
      %add3A_3542 = vector.broadcast %mul3A_4 : i32 to vector<16xi32>
      %add3A_3543 = arith.addi %add3A_3541, %add3A_3542 : vector<16xi32>
      %swap3A_3544 = arith.constant 1 : i32
      %swap3A_3545 = arith.index_cast %swap3A_3544 : i32 to index
      %swap3A_3546 = arith.constant 0 : index
      %swap3A_3547 = tpu.vector_load %arg11[%swap3A_3545, %swap3A_3546] {strides = array<i32>} : memref<4x128xi32, #tpu.memory_space<vmem>>, vector<1x16xi32>,
      %swap3A_3548 = vector.shape_cast %swap3A_3547 : vector<1x16xi32> to vector<16xi32>
      %swap3A_3549 = vector.shape_cast %add3A_3543 : vector<16xi32> to vector<1x16xi32>
      tpu.vector_store %arg11[%swap3A_3545, %swap3A_3546], %swap3A_3549 {strides = array<i32>} : memref<4x128xi32, #tpu.memory_space<vmem>>, vector<1x16xi32>,
      %get3A_3550 = arith.constant 144 : index
      %get3A_3551 = tpu.vector_load %arg7[%get3A_3550] {strides = array<i32>} : memref<512xi32, #tpu.memory_space<vmem>>, vector<16xi32>,
      %get3A_3552 = vector.shape_cast %get3A_3551 : vector<16xi32> to vector<16xi32>
      %get3A_3553 = arith.constant 144 : index
      %get3A_3554 = tpu.vector_load %arg9[%get3A_3553] {strides = array<i32>} : memref<512xi32, #tpu.memory_space<vmem>>, vector<16xi32>,
      %get3A_3555 = vector.shape_cast %get3A_3554 : vector<16xi32> to vector<16xi32>
      %mul3A_3556 = arith.constant 5 : i32
      %mul3A_3557 = vector.broadcast %mul3A_3556 : i32 to vector<16xi32>
      %mul3A_3558 = arith.muli %get3A_3552, %mul3A_3557 : vector<16xi32>
      %add3A_3559 = arith.addi %mul3A_3558, %get3A_3555 : vector<16xi32>
      %add3A_3560 = vector.broadcast %mul3A_4 : i32 to vector<16xi32>
      %add3A_3561 = arith.addi %add3A_3559, %add3A_3560 : vector<16xi32>
      %swap3A_3562 = arith.constant 1 : i32
      %swap3A_3563 = arith.index_cast %swap3A_3562 : i32 to index
      %swap3A_3564 = arith.constant 16 : index
      %swap3A_3565 = tpu.vector_load %arg11[%swap3A_3563, %swap3A_3564] {strides = array<i32>} : memref<4x128xi32, #tpu.memory_space<vmem>>, vector<1x16xi32>,
      %swap3A_3566 = vector.shape_cast %swap3A_3565 : vector<1x16xi32> to vector<16xi32>
      %swap3A_3567 = vector.shape_cast %add3A_3561 : vector<16xi32> to vector<1x16xi32>
      tpu.vector_store %arg11[%swap3A_3563, %swap3A_3564], %swap3A_3567 {strides = array<i32>} : memref<4x128xi32, #tpu.memory_space<vmem>>, vector<1x16xi32>,
      %get3A_3568 = arith.constant 160 : index
      %get3A_3569 = tpu.vector_load %arg7[%get3A_3568] {strides = array<i32>} : memref<512xi32, #tpu.memory_space<vmem>>, vector<16xi32>,
      %get3A_3570 = vector.shape_cast %get3A_3569 : vector<16xi32> to vector<16xi32>
      %get3A_3571 = arith.constant 160 : index
      %get3A_3572 = tpu.vector_load %arg9[%get3A_3571] {strides = array<i32>} : memref<512xi32, #tpu.memory_space<vmem>>, vector<16xi32>,
      %get3A_3573 = vector.shape_cast %get3A_3572 : vector<16xi32> to vector<16xi32>
      %mul3A_3574 = arith.constant 5 : i32
      %mul3A_3575 = vector.broadcast %mul3A_3574 : i32 to vector<16xi32>
      %mul3A_3576 = arith.muli %get3A_3570, %mul3A_3575 : vector<16xi32>
      %add3A_3577 = arith.addi %mul3A_3576, %get3A_3573 : vector<16xi32>
      %add3A_3578 = vector.broadcast %mul3A_4 : i32 to vector<16xi32>
      %add3A_3579 = arith.addi %add3A_3577, %add3A_3578 : vector<16xi32>
      %swap3A_3580 = arith.constant 1 : i32
      %swap3A_3581 = arith.index_cast %swap3A_3580 : i32 to index
      %swap3A_3582 = arith.constant 32 : index
      %swap3A_3583 = tpu.vector_load %arg11[%swap3A_3581, %swap3A_3582] {strides = array<i32>} : memref<4x128xi32, #tpu.memory_space<vmem>>, vector<1x16xi32>,
      %swap3A_3584 = vector.shape_cast %swap3A_3583 : vector<1x16xi32> to vector<16xi32>
      %swap3A_3585 = vector.shape_cast %add3A_3579 : vector<16xi32> to vector<1x16xi32>
      tpu.vector_store %arg11[%swap3A_3581, %swap3A_3582], %swap3A_3585 {strides = array<i32>} : memref<4x128xi32, #tpu.memory_space<vmem>>, vector<1x16xi32>,
      %get3A_3586 = arith.constant 176 : index
      %get3A_3587 = tpu.vector_load %arg7[%get3A_3586] {strides = array<i32>} : memref<512xi32, #tpu.memory_space<vmem>>, vector<16xi32>,
      %get3A_3588 = vector.shape_cast %get3A_3587 : vector<16xi32> to vector<16xi32>
      %get3A_3589 = arith.constant 176 : index
      %get3A_3590 = tpu.vector_load %arg9[%get3A_3589] {strides = array<i32>} : memref<512xi32, #tpu.memory_space<vmem>>, vector<16xi32>,
      %get3A_3591 = vector.shape_cast %get3A_3590 : vector<16xi32> to vector<16xi32>
      %mul3A_3592 = arith.constant 5 : i32
      %mul3A_3593 = vector.broadcast %mul3A_3592 : i32 to vector<16xi32>
      %mul3A_3594 = arith.muli %get3A_3588, %mul3A_3593 : vector<16xi32>
      %add3A_3595 = arith.addi %mul3A_3594, %get3A_3591 : vector<16xi32>
      %add3A_3596 = vector.broadcast %mul3A_4 : i32 to vector<16xi32>
      %add3A_3597 = arith.addi %add3A_3595, %add3A_3596 : vector<16xi32>
      %swap3A_3598 = arith.constant 1 : i32
      %swap3A_3599 = arith.index_cast %swap3A_3598 : i32 to index
      %swap3A_3600 = arith.constant 48 : index
      %swap3A_3601 = tpu.vector_load %arg11[%swap3A_3599, %swap3A_3600] {strides = array<i32>} : memref<4x128xi32, #tpu.memory_space<vmem>>, vector<1x16xi32>,
      %swap3A_3602 = vector.shape_cast %swap3A_3601 : vector<1x16xi32> to vector<16xi32>
      %swap3A_3603 = vector.shape_cast %add3A_3597 : vector<16xi32> to vector<1x16xi32>
      tpu.vector_store %arg11[%swap3A_3599, %swap3A_3600], %swap3A_3603 {strides = array<i32>} : memref<4x128xi32, #tpu.memory_space<vmem>>, vector<1x16xi32>,
      %get3A_3604 = arith.constant 192 : index
      %get3A_3605 = tpu.vector_load %arg7[%get3A_3604] {strides = array<i32>} : memref<512xi32, #tpu.memory_space<vmem>>, vector<16xi32>,
      %get3A_3606 = vector.shape_cast %get3A_3605 : vector<16xi32> to vector<16xi32>
      %get3A_3607 = arith.constant 192 : index
      %get3A_3608 = tpu.vector_load %arg9[%get3A_3607] {strides = array<i32>} : memref<512xi32, #tpu.memory_space<vmem>>, vector<16xi32>,
      %get3A_3609 = vector.shape_cast %get3A_3608 : vector<16xi32> to vector<16xi32>
      %mul3A_3610 = arith.constant 5 : i32
      %mul3A_3611 = vector.broadcast %mul3A_3610 : i32 to vector<16xi32>
      %mul3A_3612 = arith.muli %get3A_3606, %mul3A_3611 : vector<16xi32>
      %add3A_3613 = arith.addi %mul3A_3612, %get3A_3609 : vector<16xi32>
      %add3A_3614 = vector.broadcast %mul3A_4 : i32 to vector<16xi32>
      %add3A_3615 = arith.addi %add3A_3613, %add3A_3614 : vector<16xi32>
      %swap3A_3616 = arith.constant 1 : i32
      %swap3A_3617 = arith.index_cast %swap3A_3616 : i32 to index
      %swap3A_3618 = arith.constant 64 : index
      %swap3A_3619 = tpu.vector_load %arg11[%swap3A_3617, %swap3A_3618] {strides = array<i32>} : memref<4x128xi32, #tpu.memory_space<vmem>>, vector<1x16xi32>,
      %swap3A_3620 = vector.shape_cast %swap3A_3619 : vector<1x16xi32> to vector<16xi32>
      %swap3A_3621 = vector.shape_cast %add3A_3615 : vector<16xi32> to vector<1x16xi32>
      tpu.vector_store %arg11[%swap3A_3617, %swap3A_3618], %swap3A_3621 {strides = array<i32>} : memref<4x128xi32, #tpu.memory_space<vmem>>, vector<1x16xi32>,
      %get3A_3622 = arith.constant 208 : index
      %get3A_3623 = tpu.vector_load %arg7[%get3A_3622] {strides = array<i32>} : memref<512xi32, #tpu.memory_space<vmem>>, vector<16xi32>,
      %get3A_3624 = vector.shape_cast %get3A_3623 : vector<16xi32> to vector<16xi32>
      %get3A_3625 = arith.constant 208 : index
      %get3A_3626 = tpu.vector_load %arg9[%get3A_3625] {strides = array<i32>} : memref<512xi32, #tpu.memory_space<vmem>>, vector<16xi32>,
      %get3A_3627 = vector.shape_cast %get3A_3626 : vector<16xi32> to vector<16xi32>
      %mul3A_3628 = arith.constant 5 : i32
      %mul3A_3629 = vector.broadcast %mul3A_3628 : i32 to vector<16xi32>
      %mul3A_3630 = arith.muli %get3A_3624, %mul3A_3629 : vector<16xi32>
      %add3A_3631 = arith.addi %mul3A_3630, %get3A_3627 : vector<16xi32>
      %add3A_3632 = vector.broadcast %mul3A_4 : i32 to vector<16xi32>
      %add3A_3633 = arith.addi %add3A_3631, %add3A_3632 : vector<16xi32>
      %swap3A_3634 = arith.constant 1 : i32
      %swap3A_3635 = arith.index_cast %swap3A_3634 : i32 to index
      %swap3A_3636 = arith.constant 80 : index
      %swap3A_3637 = tpu.vector_load %arg11[%swap3A_3635, %swap3A_3636] {strides = array<i32>} : memref<4x128xi32, #tpu.memory_space<vmem>>, vector<1x16xi32>,
      %swap3A_3638 = vector.shape_cast %swap3A_3637 : vector<1x16xi32> to vector<16xi32>
      %swap3A_3639 = vector.shape_cast %add3A_3633 : vector<16xi32> to vector<1x16xi32>
      tpu.vector_store %arg11[%swap3A_3635, %swap3A_3636], %swap3A_3639 {strides = array<i32>} : memref<4x128xi32, #tpu.memory_space<vmem>>, vector<1x16xi32>,
      %get3A_3640 = arith.constant 224 : index
      %get3A_3641 = tpu.vector_load %arg7[%get3A_3640] {strides = array<i32>} : memref<512xi32, #tpu.memory_space<vmem>>, vector<16xi32>,
      %get3A_3642 = vector.shape_cast %get3A_3641 : vector<16xi32> to vector<16xi32>
      %get3A_3643 = arith.constant 224 : index
      %get3A_3644 = tpu.vector_load %arg9[%get3A_3643] {strides = array<i32>} : memref<512xi32, #tpu.memory_space<vmem>>, vector<16xi32>,
      %get3A_3645 = vector.shape_cast %get3A_3644 : vector<16xi32> to vector<16xi32>
      %mul3A_3646 = arith.constant 5 : i32
      %mul3A_3647 = vector.broadcast %mul3A_3646 : i32 to vector<16xi32>
      %mul3A_3648 = arith.muli %get3A_3642, %mul3A_3647 : vector<16xi32>
      %add3A_3649 = arith.addi %mul3A_3648, %get3A_3645 : vector<16xi32>
      %add3A_3650 = vector.broadcast %mul3A_4 : i32 to vector<16xi32>
      %add3A_3651 = arith.addi %add3A_3649, %add3A_3650 : vector<16xi32>
      %swap3A_3652 = arith.constant 1 : i32
      %swap3A_3653 = arith.index_cast %swap3A_3652 : i32 to index
      %swap3A_3654 = arith.constant 96 : index
      %swap3A_3655 = tpu.vector_load %arg11[%swap3A_3653, %swap3A_3654] {strides = array<i32>} : memref<4x128xi32, #tpu.memory_space<vmem>>, vector<1x16xi32>,
      %swap3A_3656 = vector.shape_cast %swap3A_3655 : vector<1x16xi32> to vector<16xi32>
      %swap3A_3657 = vector.shape_cast %add3A_3651 : vector<16xi32> to vector<1x16xi32>
      tpu.vector_store %arg11[%swap3A_3653, %swap3A_3654], %swap3A_3657 {strides = array<i32>} : memref<4x128xi32, #tpu.memory_space<vmem>>, vector<1x16xi32>,
      %get3A_3658 = arith.constant 240 : index
      %get3A_3659 = tpu.vector_load %arg7[%get3A_3658] {strides = array<i32>} : memref<512xi32, #tpu.memory_space<vmem>>, vector<16xi32>,
      %get3A_3660 = vector.shape_cast %get3A_3659 : vector<16xi32> to vector<16xi32>
      %get3A_3661 = arith.constant 240 : index
      %get3A_3662 = tpu.vector_load %arg9[%get3A_3661] {strides = array<i32>} : memref<512xi32, #tpu.memory_space<vmem>>, vector<16xi32>,
      %get3A_3663 = vector.shape_cast %get3A_3662 : vector<16xi32> to vector<16xi32>
      %mul3A_3664 = arith.constant 5 : i32
      %mul3A_3665 = vector.broadcast %mul3A_3664 : i32 to vector<16xi32>
      %mul3A_3666 = arith.muli %get3A_3660, %mul3A_3665 : vector<16xi32>
      %add3A_3667 = arith.addi %mul3A_3666, %get3A_3663 : vector<16xi32>
      %add3A_3668 = vector.broadcast %mul3A_4 : i32 to vector<16xi32>
      %add3A_3669 = arith.addi %add3A_3667, %add3A_3668 : vector<16xi32>
      %swap3A_3670 = arith.constant 1 : i32
      %swap3A_3671 = arith.index_cast %swap3A_3670 : i32 to index
      %swap3A_3672 = arith.constant 112 : index
      %swap3A_3673 = tpu.vector_load %arg11[%swap3A_3671, %swap3A_3672] {strides = array<i32>} : memref<4x128xi32, #tpu.memory_space<vmem>>, vector<1x16xi32>,
      %swap3A_3674 = vector.shape_cast %swap3A_3673 : vector<1x16xi32> to vector<16xi32>
      %swap3A_3675 = vector.shape_cast %add3A_3669 : vector<16xi32> to vector<1x16xi32>
      tpu.vector_store %arg11[%swap3A_3671, %swap3A_3672], %swap3A_3675 {strides = array<i32>} : memref<4x128xi32, #tpu.memory_space<vmem>>, vector<1x16xi32>,
      %get3A_3676 = arith.constant 256 : index
      %get3A_3677 = tpu.vector_load %arg7[%get3A_3676] {strides = array<i32>} : memref<512xi32, #tpu.memory_space<vmem>>, vector<16xi32>,
      %get3A_3678 = vector.shape_cast %get3A_3677 : vector<16xi32> to vector<16xi32>
      %get3A_3679 = arith.constant 256 : index
      %get3A_3680 = tpu.vector_load %arg9[%get3A_3679] {strides = array<i32>} : memref<512xi32, #tpu.memory_space<vmem>>, vector<16xi32>,
      %get3A_3681 = vector.shape_cast %get3A_3680 : vector<16xi32> to vector<16xi32>
      %mul3A_3682 = arith.constant 5 : i32
      %mul3A_3683 = vector.broadcast %mul3A_3682 : i32 to vector<16xi32>
      %mul3A_3684 = arith.muli %get3A_3678, %mul3A_3683 : vector<16xi32>
      %add3A_3685 = arith.addi %mul3A_3684, %get3A_3681 : vector<16xi32>
      %add3A_3686 = vector.broadcast %mul3A_4 : i32 to vector<16xi32>
      %add3A_3687 = arith.addi %add3A_3685, %add3A_3686 : vector<16xi32>
      %swap3A_3688 = arith.constant 2 : i32
      %swap3A_3689 = arith.index_cast %swap3A_3688 : i32 to index
      %swap3A_3690 = arith.constant 0 : index
      %swap3A_3691 = tpu.vector_load %arg11[%swap3A_3689, %swap3A_3690] {strides = array<i32>} : memref<4x128xi32, #tpu.memory_space<vmem>>, vector<1x16xi32>,
      %swap3A_3692 = vector.shape_cast %swap3A_3691 : vector<1x16xi32> to vector<16xi32>
      %swap3A_3693 = vector.shape_cast %add3A_3687 : vector<16xi32> to vector<1x16xi32>
      tpu.vector_store %arg11[%swap3A_3689, %swap3A_3690], %swap3A_3693 {strides = array<i32>} : memref<4x128xi32, #tpu.memory_space<vmem>>, vector<1x16xi32>,
      %get3A_3694 = arith.constant 272 : index
      %get3A_3695 = tpu.vector_load %arg7[%get3A_3694] {strides = array<i32>} : memref<512xi32, #tpu.memory_space<vmem>>, vector<16xi32>,
      %get3A_3696 = vector.shape_cast %get3A_3695 : vector<16xi32> to vector<16xi32>
      %get3A_3697 = arith.constant 272 : index
      %get3A_3698 = tpu.vector_load %arg9[%get3A_3697] {strides = array<i32>} : memref<512xi32, #tpu.memory_space<vmem>>, vector<16xi32>,
      %get3A_3699 = vector.shape_cast %get3A_3698 : vector<16xi32> to vector<16xi32>
      %mul3A_3700 = arith.constant 5 : i32
      %mul3A_3701 = vector.broadcast %mul3A_3700 : i32 to vector<16xi32>
      %mul3A_3702 = arith.muli %get3A_3696, %mul3A_3701 : vector<16xi32>
      %add3A_3703 = arith.addi %mul3A_3702, %get3A_3699 : vector<16xi32>
      %add3A_3704 = vector.broadcast %mul3A_4 : i32 to vector<16xi32>
      %add3A_3705 = arith.addi %add3A_3703, %add3A_3704 : vector<16xi32>
      %swap3A_3706 = arith.constant 2 : i32
      %swap3A_3707 = arith.index_cast %swap3A_3706 : i32 to index
      %swap3A_3708 = arith.constant 16 : index
      %swap3A_3709 = tpu.vector_load %arg11[%swap3A_3707, %swap3A_3708] {strides = array<i32>} : memref<4x128xi32, #tpu.memory_space<vmem>>, vector<1x16xi32>,
      %swap3A_3710 = vector.shape_cast %swap3A_3709 : vector<1x16xi32> to vector<16xi32>
      %swap3A_3711 = vector.shape_cast %add3A_3705 : vector<16xi32> to vector<1x16xi32>
      tpu.vector_store %arg11[%swap3A_3707, %swap3A_3708], %swap3A_3711 {strides = array<i32>} : memref<4x128xi32, #tpu.memory_space<vmem>>, vector<1x16xi32>,
      %get3A_3712 = arith.constant 288 : index
      %get3A_3713 = tpu.vector_load %arg7[%get3A_3712] {strides = array<i32>} : memref<512xi32, #tpu.memory_space<vmem>>, vector<16xi32>,
      %get3A_3714 = vector.shape_cast %get3A_3713 : vector<16xi32> to vector<16xi32>
      %get3A_3715 = arith.constant 288 : index
      %get3A_3716 = tpu.vector_load %arg9[%get3A_3715] {strides = array<i32>} : memref<512xi32, #tpu.memory_space<vmem>>, vector<16xi32>,
      %get3A_3717 = vector.shape_cast %get3A_3716 : vector<16xi32> to vector<16xi32>
      %mul3A_3718 = arith.constant 5 : i32
      %mul3A_3719 = vector.broadcast %mul3A_3718 : i32 to vector<16xi32>
      %mul3A_3720 = arith.muli %get3A_3714, %mul3A_3719 : vector<16xi32>
      %add3A_3721 = arith.addi %mul3A_3720, %get3A_3717 : vector<16xi32>
      %add3A_3722 = vector.broadcast %mul3A_4 : i32 to vector<16xi32>
      %add3A_3723 = arith.addi %add3A_3721, %add3A_3722 : vector<16xi32>
      %swap3A_3724 = arith.constant 2 : i32
      %swap3A_3725 = arith.index_cast %swap3A_3724 : i32 to index
      %swap3A_3726 = arith.constant 32 : index
      %swap3A_3727 = tpu.vector_load %arg11[%swap3A_3725, %swap3A_3726] {strides = array<i32>} : memref<4x128xi32, #tpu.memory_space<vmem>>, vector<1x16xi32>,
      %swap3A_3728 = vector.shape_cast %swap3A_3727 : vector<1x16xi32> to vector<16xi32>
      %swap3A_3729 = vector.shape_cast %add3A_3723 : vector<16xi32> to vector<1x16xi32>
      tpu.vector_store %arg11[%swap3A_3725, %swap3A_3726], %swap3A_3729 {strides = array<i32>} : memref<4x128xi32, #tpu.memory_space<vmem>>, vector<1x16xi32>,
      %get3A_3730 = arith.constant 304 : index
      %get3A_3731 = tpu.vector_load %arg7[%get3A_3730] {strides = array<i32>} : memref<512xi32, #tpu.memory_space<vmem>>, vector<16xi32>,
      %get3A_3732 = vector.shape_cast %get3A_3731 : vector<16xi32> to vector<16xi32>
      %get3A_3733 = arith.constant 304 : index
      %get3A_3734 = tpu.vector_load %arg9[%get3A_3733] {strides = array<i32>} : memref<512xi32, #tpu.memory_space<vmem>>, vector<16xi32>,
      %get3A_3735 = vector.shape_cast %get3A_3734 : vector<16xi32> to vector<16xi32>
      %mul3A_3736 = arith.constant 5 : i32
      %mul3A_3737 = vector.broadcast %mul3A_3736 : i32 to vector<16xi32>
      %mul3A_3738 = arith.muli %get3A_3732, %mul3A_3737 : vector<16xi32>
      %add3A_3739 = arith.addi %mul3A_3738, %get3A_3735 : vector<16xi32>
      %add3A_3740 = vector.broadcast %mul3A_4 : i32 to vector<16xi32>
      %add3A_3741 = arith.addi %add3A_3739, %add3A_3740 : vector<16xi32>
      %swap3A_3742 = arith.constant 2 : i32
      %swap3A_3743 = arith.index_cast %swap3A_3742 : i32 to index
      %swap3A_3744 = arith.constant 48 : index
      %swap3A_3745 = tpu.vector_load %arg11[%swap3A_3743, %swap3A_3744] {strides = array<i32>} : memref<4x128xi32, #tpu.memory_space<vmem>>, vector<1x16xi32>,
      %swap3A_3746 = vector.shape_cast %swap3A_3745 : vector<1x16xi32> to vector<16xi32>
      %swap3A_3747 = vector.shape_cast %add3A_3741 : vector<16xi32> to vector<1x16xi32>
      tpu.vector_store %arg11[%swap3A_3743, %swap3A_3744], %swap3A_3747 {strides = array<i32>} : memref<4x128xi32, #tpu.memory_space<vmem>>, vector<1x16xi32>,
      %get3A_3748 = arith.constant 320 : index
      %get3A_3749 = tpu.vector_load %arg7[%get3A_3748] {strides = array<i32>} : memref<512xi32, #tpu.memory_space<vmem>>, vector<16xi32>,
      %get3A_3750 = vector.shape_cast %get3A_3749 : vector<16xi32> to vector<16xi32>
      %get3A_3751 = arith.constant 320 : index
      %get3A_3752 = tpu.vector_load %arg9[%get3A_3751] {strides = array<i32>} : memref<512xi32, #tpu.memory_space<vmem>>, vector<16xi32>,
      %get3A_3753 = vector.shape_cast %get3A_3752 : vector<16xi32> to vector<16xi32>
      %mul3A_3754 = arith.constant 5 : i32
      %mul3A_3755 = vector.broadcast %mul3A_3754 : i32 to vector<16xi32>
      %mul3A_3756 = arith.muli %get3A_3750, %mul3A_3755 : vector<16xi32>
      %add3A_3757 = arith.addi %mul3A_3756, %get3A_3753 : vector<16xi32>
      %add3A_3758 = vector.broadcast %mul3A_4 : i32 to vector<16xi32>
      %add3A_3759 = arith.addi %add3A_3757, %add3A_3758 : vector<16xi32>
      %swap3A_3760 = arith.constant 2 : i32
      %swap3A_3761 = arith.index_cast %swap3A_3760 : i32 to index
      %swap3A_3762 = arith.constant 64 : index
      %swap3A_3763 = tpu.vector_load %arg11[%swap3A_3761, %swap3A_3762] {strides = array<i32>} : memref<4x128xi32, #tpu.memory_space<vmem>>, vector<1x16xi32>,
      %swap3A_3764 = vector.shape_cast %swap3A_3763 : vector<1x16xi32> to vector<16xi32>
      %swap3A_3765 = vector.shape_cast %add3A_3759 : vector<16xi32> to vector<1x16xi32>
      tpu.vector_store %arg11[%swap3A_3761, %swap3A_3762], %swap3A_3765 {strides = array<i32>} : memref<4x128xi32, #tpu.memory_space<vmem>>, vector<1x16xi32>,
      %get3A_3766 = arith.constant 336 : index
      %get3A_3767 = tpu.vector_load %arg7[%get3A_3766] {strides = array<i32>} : memref<512xi32, #tpu.memory_space<vmem>>, vector<16xi32>,
      %get3A_3768 = vector.shape_cast %get3A_3767 : vector<16xi32> to vector<16xi32>
      %get3A_3769 = arith.constant 336 : index
      %get3A_3770 = tpu.vector_load %arg9[%get3A_3769] {strides = array<i32>} : memref<512xi32, #tpu.memory_space<vmem>>, vector<16xi32>,
      %get3A_3771 = vector.shape_cast %get3A_3770 : vector<16xi32> to vector<16xi32>
      %mul3A_3772 = arith.constant 5 : i32
      %mul3A_3773 = vector.broadcast %mul3A_3772 : i32 to vector<16xi32>
      %mul3A_3774 = arith.muli %get3A_3768, %mul3A_3773 : vector<16xi32>
      %add3A_3775 = arith.addi %mul3A_3774, %get3A_3771 : vector<16xi32>
      %add3A_3776 = vector.broadcast %mul3A_4 : i32 to vector<16xi32>
      %add3A_3777 = arith.addi %add3A_3775, %add3A_3776 : vector<16xi32>
      %swap3A_3778 = arith.constant 2 : i32
      %swap3A_3779 = arith.index_cast %swap3A_3778 : i32 to index
      %swap3A_3780 = arith.constant 80 : index
      %swap3A_3781 = tpu.vector_load %arg11[%swap3A_3779, %swap3A_3780] {strides = array<i32>} : memref<4x128xi32, #tpu.memory_space<vmem>>, vector<1x16xi32>,
      %swap3A_3782 = vector.shape_cast %swap3A_3781 : vector<1x16xi32> to vector<16xi32>
      %swap3A_3783 = vector.shape_cast %add3A_3777 : vector<16xi32> to vector<1x16xi32>
      tpu.vector_store %arg11[%swap3A_3779, %swap3A_3780], %swap3A_3783 {strides = array<i32>} : memref<4x128xi32, #tpu.memory_space<vmem>>, vector<1x16xi32>,
      %get3A_3784 = arith.constant 352 : index
      %get3A_3785 = tpu.vector_load %arg7[%get3A_3784] {strides = array<i32>} : memref<512xi32, #tpu.memory_space<vmem>>, vector<16xi32>,
      %get3A_3786 = vector.shape_cast %get3A_3785 : vector<16xi32> to vector<16xi32>
      %get3A_3787 = arith.constant 352 : index
      %get3A_3788 = tpu.vector_load %arg9[%get3A_3787] {strides = array<i32>} : memref<512xi32, #tpu.memory_space<vmem>>, vector<16xi32>,
      %get3A_3789 = vector.shape_cast %get3A_3788 : vector<16xi32> to vector<16xi32>
      %mul3A_3790 = arith.constant 5 : i32
      %mul3A_3791 = vector.broadcast %mul3A_3790 : i32 to vector<16xi32>
      %mul3A_3792 = arith.muli %get3A_3786, %mul3A_3791 : vector<16xi32>
      %add3A_3793 = arith.addi %mul3A_3792, %get3A_3789 : vector<16xi32>
      %add3A_3794 = vector.broadcast %mul3A_4 : i32 to vector<16xi32>
      %add3A_3795 = arith.addi %add3A_3793, %add3A_3794 : vector<16xi32>
      %swap3A_3796 = arith.constant 2 : i32
      %swap3A_3797 = arith.index_cast %swap3A_3796 : i32 to index
      %swap3A_3798 = arith.constant 96 : index
      %swap3A_3799 = tpu.vector_load %arg11[%swap3A_3797, %swap3A_3798] {strides = array<i32>} : memref<4x128xi32, #tpu.memory_space<vmem>>, vector<1x16xi32>,
      %swap3A_3800 = vector.shape_cast %swap3A_3799 : vector<1x16xi32> to vector<16xi32>
      %swap3A_3801 = vector.shape_cast %add3A_3795 : vector<16xi32> to vector<1x16xi32>
      tpu.vector_store %arg11[%swap3A_3797, %swap3A_3798], %swap3A_3801 {strides = array<i32>} : memref<4x128xi32, #tpu.memory_space<vmem>>, vector<1x16xi32>,
      %get3A_3802 = arith.constant 368 : index
      %get3A_3803 = tpu.vector_load %arg7[%get3A_3802] {strides = array<i32>} : memref<512xi32, #tpu.memory_space<vmem>>, vector<16xi32>,
      %get3A_3804 = vector.shape_cast %get3A_3803 : vector<16xi32> to vector<16xi32>
      %get3A_3805 = arith.constant 368 : index
      %get3A_3806 = tpu.vector_load %arg9[%get3A_3805] {strides = array<i32>} : memref<512xi32, #tpu.memory_space<vmem>>, vector<16xi32>,
      %get3A_3807 = vector.shape_cast %get3A_3806 : vector<16xi32> to vector<16xi32>
      %mul3A_3808 = arith.constant 5 : i32
      %mul3A_3809 = vector.broadcast %mul3A_3808 : i32 to vector<16xi32>
      %mul3A_3810 = arith.muli %get3A_3804, %mul3A_3809 : vector<16xi32>
      %add3A_3811 = arith.addi %mul3A_3810, %get3A_3807 : vector<16xi32>
      %add3A_3812 = vector.broadcast %mul3A_4 : i32 to vector<16xi32>
      %add3A_3813 = arith.addi %add3A_3811, %add3A_3812 : vector<16xi32>
      %swap3A_3814 = arith.constant 2 : i32
      %swap3A_3815 = arith.index_cast %swap3A_3814 : i32 to index
      %swap3A_3816 = arith.constant 112 : index
      %swap3A_3817 = tpu.vector_load %arg11[%swap3A_3815, %swap3A_3816] {strides = array<i32>} : memref<4x128xi32, #tpu.memory_space<vmem>>, vector<1x16xi32>,
      %swap3A_3818 = vector.shape_cast %swap3A_3817 : vector<1x16xi32> to vector<16xi32>
      %swap3A_3819 = vector.shape_cast %add3A_3813 : vector<16xi32> to vector<1x16xi32>
      tpu.vector_store %arg11[%swap3A_3815, %swap3A_3816], %swap3A_3819 {strides = array<i32>} : memref<4x128xi32, #tpu.memory_space<vmem>>, vector<1x16xi32>,
      %get3A_3820 = arith.constant 384 : index
      %get3A_3821 = tpu.vector_load %arg7[%get3A_3820] {strides = array<i32>} : memref<512xi32, #tpu.memory_space<vmem>>, vector<16xi32>,
      %get3A_3822 = vector.shape_cast %get3A_3821 : vector<16xi32> to vector<16xi32>
      %get3A_3823 = arith.constant 384 : index
      %get3A_3824 = tpu.vector_load %arg9[%get3A_3823] {strides = array<i32>} : memref<512xi32, #tpu.memory_space<vmem>>, vector<16xi32>,
      %get3A_3825 = vector.shape_cast %get3A_3824 : vector<16xi32> to vector<16xi32>
      %mul3A_3826 = arith.constant 5 : i32
      %mul3A_3827 = vector.broadcast %mul3A_3826 : i32 to vector<16xi32>
      %mul3A_3828 = arith.muli %get3A_3822, %mul3A_3827 : vector<16xi32>
      %add3A_3829 = arith.addi %mul3A_3828, %get3A_3825 : vector<16xi32>
      %add3A_3830 = vector.broadcast %mul3A_4 : i32 to vector<16xi32>
      %add3A_3831 = arith.addi %add3A_3829, %add3A_3830 : vector<16xi32>
      %swap3A_3832 = arith.constant 3 : i32
      %swap3A_3833 = arith.index_cast %swap3A_3832 : i32 to index
      %swap3A_3834 = arith.constant 0 : index
      %swap3A_3835 = tpu.vector_load %arg11[%swap3A_3833, %swap3A_3834] {strides = array<i32>} : memref<4x128xi32, #tpu.memory_space<vmem>>, vector<1x16xi32>,
      %swap3A_3836 = vector.shape_cast %swap3A_3835 : vector<1x16xi32> to vector<16xi32>
      %swap3A_3837 = vector.shape_cast %add3A_3831 : vector<16xi32> to vector<1x16xi32>
      tpu.vector_store %arg11[%swap3A_3833, %swap3A_3834], %swap3A_3837 {strides = array<i32>} : memref<4x128xi32, #tpu.memory_space<vmem>>, vector<1x16xi32>,
      %get3A_3838 = arith.constant 400 : index
      %get3A_3839 = tpu.vector_load %arg7[%get3A_3838] {strides = array<i32>} : memref<512xi32, #tpu.memory_space<vmem>>, vector<16xi32>,
      %get3A_3840 = vector.shape_cast %get3A_3839 : vector<16xi32> to vector<16xi32>
      %get3A_3841 = arith.constant 400 : index
      %get3A_3842 = tpu.vector_load %arg9[%get3A_3841] {strides = array<i32>} : memref<512xi32, #tpu.memory_space<vmem>>, vector<16xi32>,
      %get3A_3843 = vector.shape_cast %get3A_3842 : vector<16xi32> to vector<16xi32>
      %mul3A_3844 = arith.constant 5 : i32
      %mul3A_3845 = vector.broadcast %mul3A_3844 : i32 to vector<16xi32>
      %mul3A_3846 = arith.muli %get3A_3840, %mul3A_3845 : vector<16xi32>
      %add3A_3847 = arith.addi %mul3A_3846, %get3A_3843 : vector<16xi32>
      %add3A_3848 = vector.broadcast %mul3A_4 : i32 to vector<16xi32>
      %add3A_3849 = arith.addi %add3A_3847, %add3A_3848 : vector<16xi32>
      %swap3A_3850 = arith.constant 3 : i32
      %swap3A_3851 = arith.index_cast %swap3A_3850 : i32 to index
      %swap3A_3852 = arith.constant 16 : index
      %swap3A_3853 = tpu.vector_load %arg11[%swap3A_3851, %swap3A_3852] {strides = array<i32>} : memref<4x128xi32, #tpu.memory_space<vmem>>, vector<1x16xi32>,
      %swap3A_3854 = vector.shape_cast %swap3A_3853 : vector<1x16xi32> to vector<16xi32>
      %swap3A_3855 = vector.shape_cast %add3A_3849 : vector<16xi32> to vector<1x16xi32>
      tpu.vector_store %arg11[%swap3A_3851, %swap3A_3852], %swap3A_3855 {strides = array<i32>} : memref<4x128xi32, #tpu.memory_space<vmem>>, vector<1x16xi32>,
      %get3A_3856 = arith.constant 416 : index
      %get3A_3857 = tpu.vector_load %arg7[%get3A_3856] {strides = array<i32>} : memref<512xi32, #tpu.memory_space<vmem>>, vector<16xi32>,
      %get3A_3858 = vector.shape_cast %get3A_3857 : vector<16xi32> to vector<16xi32>
      %get3A_3859 = arith.constant 416 : index
      %get3A_3860 = tpu.vector_load %arg9[%get3A_3859] {strides = array<i32>} : memref<512xi32, #tpu.memory_space<vmem>>, vector<16xi32>,
      %get3A_3861 = vector.shape_cast %get3A_3860 : vector<16xi32> to vector<16xi32>
      %mul3A_3862 = arith.constant 5 : i32
      %mul3A_3863 = vector.broadcast %mul3A_3862 : i32 to vector<16xi32>
      %mul3A_3864 = arith.muli %get3A_3858, %mul3A_3863 : vector<16xi32>
      %add3A_3865 = arith.addi %mul3A_3864, %get3A_3861 : vector<16xi32>
      %add3A_3866 = vector.broadcast %mul3A_4 : i32 to vector<16xi32>
      %add3A_3867 = arith.addi %add3A_3865, %add3A_3866 : vector<16xi32>
      %swap3A_3868 = arith.constant 3 : i32
      %swap3A_3869 = arith.index_cast %swap3A_3868 : i32 to index
      %swap3A_3870 = arith.constant 32 : index
      %swap3A_3871 = tpu.vector_load %arg11[%swap3A_3869, %swap3A_3870] {strides = array<i32>} : memref<4x128xi32, #tpu.memory_space<vmem>>, vector<1x16xi32>,
      %swap3A_3872 = vector.shape_cast %swap3A_3871 : vector<1x16xi32> to vector<16xi32>
      %swap3A_3873 = vector.shape_cast %add3A_3867 : vector<16xi32> to vector<1x16xi32>
      tpu.vector_store %arg11[%swap3A_3869, %swap3A_3870], %swap3A_3873 {strides = array<i32>} : memref<4x128xi32, #tpu.memory_space<vmem>>, vector<1x16xi32>,
      %get3A_3874 = arith.constant 432 : index
      %get3A_3875 = tpu.vector_load %arg7[%get3A_3874] {strides = array<i32>} : memref<512xi32, #tpu.memory_space<vmem>>, vector<16xi32>,
      %get3A_3876 = vector.shape_cast %get3A_3875 : vector<16xi32> to vector<16xi32>
      %get3A_3877 = arith.constant 432 : index
      %get3A_3878 = tpu.vector_load %arg9[%get3A_3877] {strides = array<i32>} : memref<512xi32, #tpu.memory_space<vmem>>, vector<16xi32>,
      %get3A_3879 = vector.shape_cast %get3A_3878 : vector<16xi32> to vector<16xi32>
      %mul3A_3880 = arith.constant 5 : i32
      %mul3A_3881 = vector.broadcast %mul3A_3880 : i32 to vector<16xi32>
      %mul3A_3882 = arith.muli %get3A_3876, %mul3A_3881 : vector<16xi32>
      %add3A_3883 = arith.addi %mul3A_3882, %get3A_3879 : vector<16xi32>
      %add3A_3884 = vector.broadcast %mul3A_4 : i32 to vector<16xi32>
      %add3A_3885 = arith.addi %add3A_3883, %add3A_3884 : vector<16xi32>
      %swap3A_3886 = arith.constant 3 : i32
      %swap3A_3887 = arith.index_cast %swap3A_3886 : i32 to index
      %swap3A_3888 = arith.constant 48 : index
      %swap3A_3889 = tpu.vector_load %arg11[%swap3A_3887, %swap3A_3888] {strides = array<i32>} : memref<4x128xi32, #tpu.memory_space<vmem>>, vector<1x16xi32>,
      %swap3A_3890 = vector.shape_cast %swap3A_3889 : vector<1x16xi32> to vector<16xi32>
      %swap3A_3891 = vector.shape_cast %add3A_3885 : vector<16xi32> to vector<1x16xi32>
      tpu.vector_store %arg11[%swap3A_3887, %swap3A_3888], %swap3A_3891 {strides = array<i32>} : memref<4x128xi32, #tpu.memory_space<vmem>>, vector<1x16xi32>,
      %get3A_3892 = arith.constant 448 : index
      %get3A_3893 = tpu.vector_load %arg7[%get3A_3892] {strides = array<i32>} : memref<512xi32, #tpu.memory_space<vmem>>, vector<16xi32>,
      %get3A_3894 = vector.shape_cast %get3A_3893 : vector<16xi32> to vector<16xi32>
      %get3A_3895 = arith.constant 448 : index
      %get3A_3896 = tpu.vector_load %arg9[%get3A_3895] {strides = array<i32>} : memref<512xi32, #tpu.memory_space<vmem>>, vector<16xi32>,
      %get3A_3897 = vector.shape_cast %get3A_3896 : vector<16xi32> to vector<16xi32>
      %mul3A_3898 = arith.constant 5 : i32
      %mul3A_3899 = vector.broadcast %mul3A_3898 : i32 to vector<16xi32>
      %mul3A_3900 = arith.muli %get3A_3894, %mul3A_3899 : vector<16xi32>
      %add3A_3901 = arith.addi %mul3A_3900, %get3A_3897 : vector<16xi32>
      %add3A_3902 = vector.broadcast %mul3A_4 : i32 to vector<16xi32>
      %add3A_3903 = arith.addi %add3A_3901, %add3A_3902 : vector<16xi32>
      %swap3A_3904 = arith.constant 3 : i32
      %swap3A_3905 = arith.index_cast %swap3A_3904 : i32 to index
      %swap3A_3906 = arith.constant 64 : index
      %swap3A_3907 = tpu.vector_load %arg11[%swap3A_3905, %swap3A_3906] {strides = array<i32>} : memref<4x128xi32, #tpu.memory_space<vmem>>, vector<1x16xi32>,
      %swap3A_3908 = vector.shape_cast %swap3A_3907 : vector<1x16xi32> to vector<16xi32>
      %swap3A_3909 = vector.shape_cast %add3A_3903 : vector<16xi32> to vector<1x16xi32>
      tpu.vector_store %arg11[%swap3A_3905, %swap3A_3906], %swap3A_3909 {strides = array<i32>} : memref<4x128xi32, #tpu.memory_space<vmem>>, vector<1x16xi32>,
      %get3A_3910 = arith.constant 464 : index
      %get3A_3911 = tpu.vector_load %arg7[%get3A_3910] {strides = array<i32>} : memref<512xi32, #tpu.memory_space<vmem>>, vector<16xi32>,
      %get3A_3912 = vector.shape_cast %get3A_3911 : vector<16xi32> to vector<16xi32>
      %get3A_3913 = arith.constant 464 : index
      %get3A_3914 = tpu.vector_load %arg9[%get3A_3913] {strides = array<i32>} : memref<512xi32, #tpu.memory_space<vmem>>, vector<16xi32>,
      %get3A_3915 = vector.shape_cast %get3A_3914 : vector<16xi32> to vector<16xi32>
      %mul3A_3916 = arith.constant 5 : i32
      %mul3A_3917 = vector.broadcast %mul3A_3916 : i32 to vector<16xi32>
      %mul3A_3918 = arith.muli %get3A_3912, %mul3A_3917 : vector<16xi32>
      %add3A_3919 = arith.addi %mul3A_3918, %get3A_3915 : vector<16xi32>
      %add3A_3920 = vector.broadcast %mul3A_4 : i32 to vector<16xi32>
      %add3A_3921 = arith.addi %add3A_3919, %add3A_3920 : vector<16xi32>
      %swap3A_3922 = arith.constant 3 : i32
      %swap3A_3923 = arith.index_cast %swap3A_3922 : i32 to index
      %swap3A_3924 = arith.constant 80 : index
      %swap3A_3925 = tpu.vector_load %arg11[%swap3A_3923, %swap3A_3924] {strides = array<i32>} : memref<4x128xi32, #tpu.memory_space<vmem>>, vector<1x16xi32>,
      %swap3A_3926 = vector.shape_cast %swap3A_3925 : vector<1x16xi32> to vector<16xi32>
      %swap3A_3927 = vector.shape_cast %add3A_3921 : vector<16xi32> to vector<1x16xi32>
      tpu.vector_store %arg11[%swap3A_3923, %swap3A_3924], %swap3A_3927 {strides = array<i32>} : memref<4x128xi32, #tpu.memory_space<vmem>>, vector<1x16xi32>,
      %get3A_3928 = arith.constant 480 : index
      %get3A_3929 = tpu.vector_load %arg7[%get3A_3928] {strides = array<i32>} : memref<512xi32, #tpu.memory_space<vmem>>, vector<16xi32>,
      %get3A_3930 = vector.shape_cast %get3A_3929 : vector<16xi32> to vector<16xi32>
      %get3A_3931 = arith.constant 480 : index
      %get3A_3932 = tpu.vector_load %arg9[%get3A_3931] {strides = array<i32>} : memref<512xi32, #tpu.memory_space<vmem>>, vector<16xi32>,
      %get3A_3933 = vector.shape_cast %get3A_3932 : vector<16xi32> to vector<16xi32>
      %mul3A_3934 = arith.constant 5 : i32
      %mul3A_3935 = vector.broadcast %mul3A_3934 : i32 to vector<16xi32>
      %mul3A_3936 = arith.muli %get3A_3930, %mul3A_3935 : vector<16xi32>
      %add3A_3937 = arith.addi %mul3A_3936, %get3A_3933 : vector<16xi32>
      %add3A_3938 = vector.broadcast %mul3A_4 : i32 to vector<16xi32>
      %add3A_3939 = arith.addi %add3A_3937, %add3A_3938 : vector<16xi32>
      %swap3A_3940 = arith.constant 3 : i32
      %swap3A_3941 = arith.index_cast %swap3A_3940 : i32 to index
      %swap3A_3942 = arith.constant 96 : index
      %swap3A_3943 = tpu.vector_load %arg11[%swap3A_3941, %swap3A_3942] {strides = array<i32>} : memref<4x128xi32, #tpu.memory_space<vmem>>, vector<1x16xi32>,
      %swap3A_3944 = vector.shape_cast %swap3A_3943 : vector<1x16xi32> to vector<16xi32>
      %swap3A_3945 = vector.shape_cast %add3A_3939 : vector<16xi32> to vector<1x16xi32>
      tpu.vector_store %arg11[%swap3A_3941, %swap3A_3942], %swap3A_3945 {strides = array<i32>} : memref<4x128xi32, #tpu.memory_space<vmem>>, vector<1x16xi32>,
      %get3A_3946 = arith.constant 496 : index
      %get3A_3947 = tpu.vector_load %arg7[%get3A_3946] {strides = array<i32>} : memref<512xi32, #tpu.memory_space<vmem>>, vector<16xi32>,
      %get3A_3948 = vector.shape_cast %get3A_3947 : vector<16xi32> to vector<16xi32>
      %get3A_3949 = arith.constant 496 : index
      %get3A_3950 = tpu.vector_load %arg9[%get3A_3949] {strides = array<i32>} : memref<512xi32, #tpu.memory_space<vmem>>, vector<16xi32>,
      %get3A_3951 = vector.shape_cast %get3A_3950 : vector<16xi32> to vector<16xi32>
      %mul3A_3952 = arith.constant 5 : i32
      %mul3A_3953 = vector.broadcast %mul3A_3952 : i32 to vector<16xi32>
      %mul3A_3954 = arith.muli %get3A_3948, %mul3A_3953 : vector<16xi32>
      %add3A_3955 = arith.addi %mul3A_3954, %get3A_3951 : vector<16xi32>
      %add3A_3956 = vector.broadcast %mul3A_4 : i32 to vector<16xi32>
      %add3A_3957 = arith.addi %add3A_3955, %add3A_3956 : vector<16xi32>
      %swap3A_3958 = arith.constant 3 : i32
      %swap3A_3959 = arith.index_cast %swap3A_3958 : i32 to index
      %swap3A_3960 = arith.constant 112 : index
      %swap3A_3961 = tpu.vector_load %arg11[%swap3A_3959, %swap3A_3960] {strides = array<i32>} : memref<4x128xi32, #tpu.memory_space<vmem>>, vector<1x16xi32>,
      %swap3A_3962 = vector.shape_cast %swap3A_3961 : vector<1x16xi32> to vector<16xi32>
      %swap3A_3963 = vector.shape_cast %add3A_3957 : vector<16xi32> to vector<1x16xi32>
      tpu.vector_store %arg11[%swap3A_3959, %swap3A_3960], %swap3A_3963 {strides = array<i32>} : memref<4x128xi32, #tpu.memory_space<vmem>>, vector<1x16xi32>,
      %dma_wait3A_3964 = arith.constant 0 : i32
      %dma_wait3A_3965 = arith.constant 0 : i32
      %dma_wait3A_3966 = tpu.memref_slice %arg5[%dma_wait3A_3964, %dma_wait3A_3965] : memref<3276800x64xf32, #tpu.memory_space<hbm>> -> memref<512x64xf32, #tpu.memory_space<hbm>>
      %dma_wait3A_3967 = arith.constant 0 : i32
      %dma_wait3A_3968 = arith.constant 0 : i32
      %dma_wait3A_3969 = tpu.memref_slice %arg5[%dma_wait3A_3967, %dma_wait3A_3968] : memref<3276800x64xf32, #tpu.memory_space<hbm>> -> memref<512x64xf32, #tpu.memory_space<hbm>>
      tpu.wait_dma2 semaphore(%arg20 : memref<!tpu.dma_semaphore, #tpu.memory_space<semaphore_mem>>) src(%arg13 : memref<512x64xf32, #tpu.memory_space<vmem>>) dst(%dma_wait3A_3969 : memref<512x64xf32, #tpu.memory_space<hbm>>)
      %dma_start3A_3970 = arith.constant 0 : i32
      %dma_start3A_3971 = arith.constant 0 : i32
      %dma_start3A_3972 = arith.constant 0 : i32
      %dma_start3A_3973 = tpu.memref_slice %arg13[%dma_start3A_3971, %dma_start3A_3972] : memref<512x64xf32, #tpu.memory_space<vmem>> -> memref<128x64xf32, #tpu.memory_space<vmem>>
      %dma_start3A_3974 = arith.constant 0 : i32
      %dma_start3A_3975 = tpu.memref_slice %arg11[%dma_start3A_3970, %dma_start3A_3974] : memref<4x128xi32, #tpu.memory_space<vmem>> -> memref<1x128xi32, #tpu.memory_space<vmem>>
      %dma_start3A_3976 = tpu.memref_squeeze %dma_start3A_3975 : memref<1x128xi32, #tpu.memory_space<vmem>> -> memref<128xi32, #tpu.memory_space<vmem>>
      %dma_start3A_3977 = arith.constant 0 : i32
      %dma_start3A_3978 = arith.constant 0 : i32
      %dma_start3A_3979 = tpu.memref_slice %arg14[%dma_start3A_3977, %dma_start3A_3978] : memref<2304x64xf32, #tpu.memory_space<vmem_shared>> -> memref<2304x64xf32, #tpu.memory_space<vmem_shared>>
      tpu.enqueue_indirect_dma source(%dma_start3A_3979 : memref<2304x64xf32, #tpu.memory_space<vmem_shared>>) target(%dma_start3A_3973 : memref<128x64xf32, #tpu.memory_space<vmem>>) offsets(%dma_start3A_3976 : memref<128xi32, #tpu.memory_space<vmem>>) semaphore(%arg18 : memref<!tpu.dma_semaphore, #tpu.memory_space<semaphore_mem>>)
      %dma_start3A_3980 = arith.constant 1 : i32
      %dma_start3A_3981 = arith.constant 128 : i32
      %dma_start3A_3982 = arith.constant 0 : i32
      %dma_start3A_3983 = tpu.memref_slice %arg13[%dma_start3A_3981, %dma_start3A_3982] : memref<512x64xf32, #tpu.memory_space<vmem>> -> memref<128x64xf32, #tpu.memory_space<vmem>>
      %dma_start3A_3984 = arith.constant 0 : i32
      %dma_start3A_3985 = tpu.memref_slice %arg11[%dma_start3A_3980, %dma_start3A_3984] : memref<4x128xi32, #tpu.memory_space<vmem>> -> memref<1x128xi32, #tpu.memory_space<vmem>>
      %dma_start3A_3986 = tpu.memref_squeeze %dma_start3A_3985 : memref<1x128xi32, #tpu.memory_space<vmem>> -> memref<128xi32, #tpu.memory_space<vmem>>
      %dma_start3A_3987 = arith.constant 0 : i32
      %dma_start3A_3988 = arith.constant 0 : i32
      %dma_start3A_3989 = tpu.memref_slice %arg14[%dma_start3A_3987, %dma_start3A_3988] : memref<2304x64xf32, #tpu.memory_space<vmem_shared>> -> memref<2304x64xf32, #tpu.memory_space<vmem_shared>>
      tpu.enqueue_indirect_dma source(%dma_start3A_3989 : memref<2304x64xf32, #tpu.memory_space<vmem_shared>>) target(%dma_start3A_3983 : memref<128x64xf32, #tpu.memory_space<vmem>>) offsets(%dma_start3A_3986 : memref<128xi32, #tpu.memory_space<vmem>>) semaphore(%arg18 : memref<!tpu.dma_semaphore, #tpu.memory_space<semaphore_mem>>)
      %dma_start3A_3990 = arith.constant 2 : i32
      %dma_start3A_3991 = arith.constant 256 : i32
      %dma_start3A_3992 = arith.constant 0 : i32
      %dma_start3A_3993 = tpu.memref_slice %arg13[%dma_start3A_3991, %dma_start3A_3992] : memref<512x64xf32, #tpu.memory_space<vmem>> -> memref<128x64xf32, #tpu.memory_space<vmem>>
      %dma_start3A_3994 = arith.constant 0 : i32
      %dma_start3A_3995 = tpu.memref_slice %arg11[%dma_start3A_3990, %dma_start3A_3994] : memref<4x128xi32, #tpu.memory_space<vmem>> -> memref<1x128xi32, #tpu.memory_space<vmem>>
      %dma_start3A_3996 = tpu.memref_squeeze %dma_start3A_3995 : memref<1x128xi32, #tpu.memory_space<vmem>> -> memref<128xi32, #tpu.memory_space<vmem>>
      %dma_start3A_3997 = arith.constant 0 : i32
      %dma_start3A_3998 = arith.constant 0 : i32
      %dma_start3A_3999 = tpu.memref_slice %arg14[%dma_start3A_3997, %dma_start3A_3998] : memref<2304x64xf32, #tpu.memory_space<vmem_shared>> -> memref<2304x64xf32, #tpu.memory_space<vmem_shared>>
      tpu.enqueue_indirect_dma source(%dma_start3A_3999 : memref<2304x64xf32, #tpu.memory_space<vmem_shared>>) target(%dma_start3A_3993 : memref<128x64xf32, #tpu.memory_space<vmem>>) offsets(%dma_start3A_3996 : memref<128xi32, #tpu.memory_space<vmem>>) semaphore(%arg18 : memref<!tpu.dma_semaphore, #tpu.memory_space<semaphore_mem>>)
      %dma_start3A_4000 = arith.constant 3 : i32
      %dma_start3A_4001 = arith.constant 384 : i32
      %dma_start3A_4002 = arith.constant 0 : i32
      %dma_start3A_4003 = tpu.memref_slice %arg13[%dma_start3A_4001, %dma_start3A_4002] : memref<512x64xf32, #tpu.memory_space<vmem>> -> memref<128x64xf32, #tpu.memory_space<vmem>>
      %dma_start3A_4004 = arith.constant 0 : i32
      %dma_start3A_4005 = tpu.memref_slice %arg11[%dma_start3A_4000, %dma_start3A_4004] : memref<4x128xi32, #tpu.memory_space<vmem>> -> memref<1x128xi32, #tpu.memory_space<vmem>>
      %dma_start3A_4006 = tpu.memref_squeeze %dma_start3A_4005 : memref<1x128xi32, #tpu.memory_space<vmem>> -> memref<128xi32, #tpu.memory_space<vmem>>
      %dma_start3A_4007 = arith.constant 0 : i32
      %dma_start3A_4008 = arith.constant 0 : i32
      %dma_start3A_4009 = tpu.memref_slice %arg14[%dma_start3A_4007, %dma_start3A_4008] : memref<2304x64xf32, #tpu.memory_space<vmem_shared>> -> memref<2304x64xf32, #tpu.memory_space<vmem_shared>>
      tpu.enqueue_indirect_dma source(%dma_start3A_4009 : memref<2304x64xf32, #tpu.memory_space<vmem_shared>>) target(%dma_start3A_4003 : memref<128x64xf32, #tpu.memory_space<vmem>>) offsets(%dma_start3A_4006 : memref<128xi32, #tpu.memory_space<vmem>>) semaphore(%arg18 : memref<!tpu.dma_semaphore, #tpu.memory_space<semaphore_mem>>)
      %add3A_4010 = arith.constant 2 : i32
      %add3A_4011 = arith.addi %add3A_2740, %add3A_4010 : i32
      %mul3A_4012 = arith.constant 512 : i32
      %mul3A_4013 = arith.muli %add3A_4011, %mul3A_4012 : i32
      %add3A_4014 = arith.addi %mul3A_2, %mul3A_4013 : i32
      %dma_start3A_4015 = tpu.memref_slice %arg2[%add3A_4014] : memref<3276800xi32, #tpu.memory_space<hbm>> -> memref<512xi32, #tpu.memory_space<hbm>>
      %dma_start3A_4016 = tpu.memref_slice %arg2[%add3A_4014] : memref<3276800xi32, #tpu.memory_space<hbm>> -> memref<512xi32, #tpu.memory_space<hbm>>
      tpu.enqueue_dma source(%dma_start3A_4016 : memref<512xi32, #tpu.memory_space<hbm>>) target(%arg7 : memref<512xi32, #tpu.memory_space<vmem>>) target_semaphore(%arg16 : memref<!tpu.dma_semaphore, #tpu.memory_space<semaphore_mem>>)
      %dma_start3A_4017 = tpu.memref_slice %arg3[%add3A_4014] : memref<3276800xi32, #tpu.memory_space<hbm>> -> memref<512xi32, #tpu.memory_space<hbm>>
      %dma_start3A_4018 = tpu.memref_slice %arg3[%add3A_4014] : memref<3276800xi32, #tpu.memory_space<hbm>> -> memref<512xi32, #tpu.memory_space<hbm>>
      tpu.enqueue_dma source(%dma_start3A_4018 : memref<512xi32, #tpu.memory_space<hbm>>) target(%arg9 : memref<512xi32, #tpu.memory_space<vmem>>) target_semaphore(%arg16 : memref<!tpu.dma_semaphore, #tpu.memory_space<semaphore_mem>>)
      %add3A_4019 = arith.constant 1 : i32
      %add3A_4020 = arith.addi %mul3A_2738, %add3A_4019 : i32
      %dma_wait3A_4021 = arith.constant 0 : i32
      %dma_wait3A_4022 = arith.constant 0 : i32
      %dma_wait3A_4023 = arith.constant 0 : i32
      %dma_wait3A_4024 = tpu.memref_slice %arg12[%dma_wait3A_4022, %dma_wait3A_4023] : memref<512x64xf32, #tpu.memory_space<vmem>> -> memref<128x64xf32, #tpu.memory_space<vmem>>
      %dma_wait3A_4025 = arith.constant 0 : i32
      %dma_wait3A_4026 = tpu.memref_slice %arg10[%dma_wait3A_4021, %dma_wait3A_4025] : memref<4x128xi32, #tpu.memory_space<vmem>> -> memref<1x128xi32, #tpu.memory_space<vmem>>
      %dma_wait3A_4027 = tpu.memref_squeeze %dma_wait3A_4026 : memref<1x128xi32, #tpu.memory_space<vmem>> -> memref<128xi32, #tpu.memory_space<vmem>>
      %dma_wait3A_4028 = arith.constant 0 : i32
      %dma_wait3A_4029 = arith.constant 0 : i32
      %dma_wait3A_4030 = tpu.memref_slice %arg14[%dma_wait3A_4028, %dma_wait3A_4029] : memref<2304x64xf32, #tpu.memory_space<vmem_shared>> -> memref<2304x64xf32, #tpu.memory_space<vmem_shared>>
      tpu.wait_indirect_dma semaphore(%arg17 : memref<!tpu.dma_semaphore, #tpu.memory_space<semaphore_mem>>) src(%dma_wait3A_4030 : memref<2304x64xf32, #tpu.memory_space<vmem_shared>>) dst(%dma_wait3A_4024 : memref<128x64xf32, #tpu.memory_space<vmem>>)
      %dma_wait3A_4031 = arith.constant 1 : i32
      %dma_wait3A_4032 = arith.constant 128 : i32
      %dma_wait3A_4033 = arith.constant 0 : i32
      %dma_wait3A_4034 = tpu.memref_slice %arg12[%dma_wait3A_4032, %dma_wait3A_4033] : memref<512x64xf32, #tpu.memory_space<vmem>> -> memref<128x64xf32, #tpu.memory_space<vmem>>
      %dma_wait3A_4035 = arith.constant 0 : i32
      %dma_wait3A_4036 = tpu.memref_slice %arg10[%dma_wait3A_4031, %dma_wait3A_4035] : memref<4x128xi32, #tpu.memory_space<vmem>> -> memref<1x128xi32, #tpu.memory_space<vmem>>
      %dma_wait3A_4037 = tpu.memref_squeeze %dma_wait3A_4036 : memref<1x128xi32, #tpu.memory_space<vmem>> -> memref<128xi32, #tpu.memory_space<vmem>>
      %dma_wait3A_4038 = arith.constant 0 : i32
      %dma_wait3A_4039 = arith.constant 0 : i32
      %dma_wait3A_4040 = tpu.memref_slice %arg14[%dma_wait3A_4038, %dma_wait3A_4039] : memref<2304x64xf32, #tpu.memory_space<vmem_shared>> -> memref<2304x64xf32, #tpu.memory_space<vmem_shared>>
      tpu.wait_indirect_dma semaphore(%arg17 : memref<!tpu.dma_semaphore, #tpu.memory_space<semaphore_mem>>) src(%dma_wait3A_4040 : memref<2304x64xf32, #tpu.memory_space<vmem_shared>>) dst(%dma_wait3A_4034 : memref<128x64xf32, #tpu.memory_space<vmem>>)
      %dma_wait3A_4041 = arith.constant 2 : i32
      %dma_wait3A_4042 = arith.constant 256 : i32
      %dma_wait3A_4043 = arith.constant 0 : i32
      %dma_wait3A_4044 = tpu.memref_slice %arg12[%dma_wait3A_4042, %dma_wait3A_4043] : memref<512x64xf32, #tpu.memory_space<vmem>> -> memref<128x64xf32, #tpu.memory_space<vmem>>
      %dma_wait3A_4045 = arith.constant 0 : i32
      %dma_wait3A_4046 = tpu.memref_slice %arg10[%dma_wait3A_4041, %dma_wait3A_4045] : memref<4x128xi32, #tpu.memory_space<vmem>> -> memref<1x128xi32, #tpu.memory_space<vmem>>
      %dma_wait3A_4047 = tpu.memref_squeeze %dma_wait3A_4046 : memref<1x128xi32, #tpu.memory_space<vmem>> -> memref<128xi32, #tpu.memory_space<vmem>>
      %dma_wait3A_4048 = arith.constant 0 : i32
      %dma_wait3A_4049 = arith.constant 0 : i32
      %dma_wait3A_4050 = tpu.memref_slice %arg14[%dma_wait3A_4048, %dma_wait3A_4049] : memref<2304x64xf32, #tpu.memory_space<vmem_shared>> -> memref<2304x64xf32, #tpu.memory_space<vmem_shared>>
      tpu.wait_indirect_dma semaphore(%arg17 : memref<!tpu.dma_semaphore, #tpu.memory_space<semaphore_mem>>) src(%dma_wait3A_4050 : memref<2304x64xf32, #tpu.memory_space<vmem_shared>>) dst(%dma_wait3A_4044 : memref<128x64xf32, #tpu.memory_space<vmem>>)
      %dma_wait3A_4051 = arith.constant 3 : i32
      %dma_wait3A_4052 = arith.constant 384 : i32
      %dma_wait3A_4053 = arith.constant 0 : i32
      %dma_wait3A_4054 = tpu.memref_slice %arg12[%dma_wait3A_4052, %dma_wait3A_4053] : memref<512x64xf32, #tpu.memory_space<vmem>> -> memref<128x64xf32, #tpu.memory_space<vmem>>
      %dma_wait3A_4055 = arith.constant 0 : i32
      %dma_wait3A_4056 = tpu.memref_slice %arg10[%dma_wait3A_4051, %dma_wait3A_4055] : memref<4x128xi32, #tpu.memory_space<vmem>> -> memref<1x128xi32, #tpu.memory_space<vmem>>
      %dma_wait3A_4057 = tpu.memref_squeeze %dma_wait3A_4056 : memref<1x128xi32, #tpu.memory_space<vmem>> -> memref<128xi32, #tpu.memory_space<vmem>>
      %dma_wait3A_4058 = arith.constant 0 : i32
      %dma_wait3A_4059 = arith.constant 0 : i32
      %dma_wait3A_4060 = tpu.memref_slice %arg14[%dma_wait3A_4058, %dma_wait3A_4059] : memref<2304x64xf32, #tpu.memory_space<vmem_shared>> -> memref<2304x64xf32, #tpu.memory_space<vmem_shared>>
      tpu.wait_indirect_dma semaphore(%arg17 : memref<!tpu.dma_semaphore, #tpu.memory_space<semaphore_mem>>) src(%dma_wait3A_4060 : memref<2304x64xf32, #tpu.memory_space<vmem_shared>>) dst(%dma_wait3A_4054 : memref<128x64xf32, #tpu.memory_space<vmem>>)
      %mul3A_4061 = arith.constant 512 : i32
      %mul3A_4062 = arith.muli %mul3A_2738, %mul3A_4061 : i32
      %add3A_4063 = arith.addi %mul3A_2, %mul3A_4062 : i32
      %dma_start3A_4064 = arith.constant 0 : i32
      %dma_start3A_4065 = tpu.memref_slice %arg5[%add3A_4063, %dma_start3A_4064] : memref<3276800x64xf32, #tpu.memory_space<hbm>> -> memref<512x64xf32, #tpu.memory_space<hbm>>
      %dma_start3A_4066 = arith.constant 0 : i32
      %dma_start3A_4067 = tpu.memref_slice %arg5[%add3A_4063, %dma_start3A_4066] : memref<3276800x64xf32, #tpu.memory_space<hbm>> -> memref<512x64xf32, #tpu.memory_space<hbm>>
      tpu.enqueue_dma source(%arg12 : memref<512x64xf32, #tpu.memory_space<vmem>>) target(%dma_start3A_4067 : memref<512x64xf32, #tpu.memory_space<hbm>>) target_semaphore(%arg19 : memref<!tpu.dma_semaphore, #tpu.memory_space<semaphore_mem>>)
      %dma_wait3A_4068 = arith.constant 0 : i32
      %dma_wait3A_4069 = arith.constant 0 : i32
      %dma_wait3A_4070 = arith.constant 0 : i32
      %dma_wait3A_4071 = tpu.memref_slice %arg13[%dma_wait3A_4069, %dma_wait3A_4070] : memref<512x64xf32, #tpu.memory_space<vmem>> -> memref<128x64xf32, #tpu.memory_space<vmem>>
      %dma_wait3A_4072 = arith.constant 0 : i32
      %dma_wait3A_4073 = tpu.memref_slice %arg11[%dma_wait3A_4068, %dma_wait3A_4072] : memref<4x128xi32, #tpu.memory_space<vmem>> -> memref<1x128xi32, #tpu.memory_space<vmem>>
      %dma_wait3A_4074 = tpu.memref_squeeze %dma_wait3A_4073 : memref<1x128xi32, #tpu.memory_space<vmem>> -> memref<128xi32, #tpu.memory_space<vmem>>
      %dma_wait3A_4075 = arith.constant 0 : i32
      %dma_wait3A_4076 = arith.constant 0 : i32
      %dma_wait3A_4077 = tpu.memref_slice %arg14[%dma_wait3A_4075, %dma_wait3A_4076] : memref<2304x64xf32, #tpu.memory_space<vmem_shared>> -> memref<2304x64xf32, #tpu.memory_space<vmem_shared>>
      tpu.wait_indirect_dma semaphore(%arg18 : memref<!tpu.dma_semaphore, #tpu.memory_space<semaphore_mem>>) src(%dma_wait3A_4077 : memref<2304x64xf32, #tpu.memory_space<vmem_shared>>) dst(%dma_wait3A_4071 : memref<128x64xf32, #tpu.memory_space<vmem>>)
      %dma_wait3A_4078 = arith.constant 1 : i32
      %dma_wait3A_4079 = arith.constant 128 : i32
      %dma_wait3A_4080 = arith.constant 0 : i32
      %dma_wait3A_4081 = tpu.memref_slice %arg13[%dma_wait3A_4079, %dma_wait3A_4080] : memref<512x64xf32, #tpu.memory_space<vmem>> -> memref<128x64xf32, #tpu.memory_space<vmem>>
      %dma_wait3A_4082 = arith.constant 0 : i32
      %dma_wait3A_4083 = tpu.memref_slice %arg11[%dma_wait3A_4078, %dma_wait3A_4082] : memref<4x128xi32, #tpu.memory_space<vmem>> -> memref<1x128xi32, #tpu.memory_space<vmem>>
      %dma_wait3A_4084 = tpu.memref_squeeze %dma_wait3A_4083 : memref<1x128xi32, #tpu.memory_space<vmem>> -> memref<128xi32, #tpu.memory_space<vmem>>
      %dma_wait3A_4085 = arith.constant 0 : i32
      %dma_wait3A_4086 = arith.constant 0 : i32
      %dma_wait3A_4087 = tpu.memref_slice %arg14[%dma_wait3A_4085, %dma_wait3A_4086] : memref<2304x64xf32, #tpu.memory_space<vmem_shared>> -> memref<2304x64xf32, #tpu.memory_space<vmem_shared>>
      tpu.wait_indirect_dma semaphore(%arg18 : memref<!tpu.dma_semaphore, #tpu.memory_space<semaphore_mem>>) src(%dma_wait3A_4087 : memref<2304x64xf32, #tpu.memory_space<vmem_shared>>) dst(%dma_wait3A_4081 : memref<128x64xf32, #tpu.memory_space<vmem>>)
      %dma_wait3A_4088 = arith.constant 2 : i32
      %dma_wait3A_4089 = arith.constant 256 : i32
      %dma_wait3A_4090 = arith.constant 0 : i32
      %dma_wait3A_4091 = tpu.memref_slice %arg13[%dma_wait3A_4089, %dma_wait3A_4090] : memref<512x64xf32, #tpu.memory_space<vmem>> -> memref<128x64xf32, #tpu.memory_space<vmem>>
      %dma_wait3A_4092 = arith.constant 0 : i32
      %dma_wait3A_4093 = tpu.memref_slice %arg11[%dma_wait3A_4088, %dma_wait3A_4092] : memref<4x128xi32, #tpu.memory_space<vmem>> -> memref<1x128xi32, #tpu.memory_space<vmem>>
      %dma_wait3A_4094 = tpu.memref_squeeze %dma_wait3A_4093 : memref<1x128xi32, #tpu.memory_space<vmem>> -> memref<128xi32, #tpu.memory_space<vmem>>
      %dma_wait3A_4095 = arith.constant 0 : i32
      %dma_wait3A_4096 = arith.constant 0 : i32
      %dma_wait3A_4097 = tpu.memref_slice %arg14[%dma_wait3A_4095, %dma_wait3A_4096] : memref<2304x64xf32, #tpu.memory_space<vmem_shared>> -> memref<2304x64xf32, #tpu.memory_space<vmem_shared>>
      tpu.wait_indirect_dma semaphore(%arg18 : memref<!tpu.dma_semaphore, #tpu.memory_space<semaphore_mem>>) src(%dma_wait3A_4097 : memref<2304x64xf32, #tpu.memory_space<vmem_shared>>) dst(%dma_wait3A_4091 : memref<128x64xf32, #tpu.memory_space<vmem>>)
      %dma_wait3A_4098 = arith.constant 3 : i32
      %dma_wait3A_4099 = arith.constant 384 : i32
      %dma_wait3A_4100 = arith.constant 0 : i32
      %dma_wait3A_4101 = tpu.memref_slice %arg13[%dma_wait3A_4099, %dma_wait3A_4100] : memref<512x64xf32, #tpu.memory_space<vmem>> -> memref<128x64xf32, #tpu.memory_space<vmem>>
      %dma_wait3A_4102 = arith.constant 0 : i32
      %dma_wait3A_4103 = tpu.memref_slice %arg11[%dma_wait3A_4098, %dma_wait3A_4102] : memref<4x128xi32, #tpu.memory_space<vmem>> -> memref<1x128xi32, #tpu.memory_space<vmem>>
      %dma_wait3A_4104 = tpu.memref_squeeze %dma_wait3A_4103 : memref<1x128xi32, #tpu.memory_space<vmem>> -> memref<128xi32, #tpu.memory_space<vmem>>
      %dma_wait3A_4105 = arith.constant 0 : i32
      %dma_wait3A_4106 = arith.constant 0 : i32
      %dma_wait3A_4107 = tpu.memref_slice %arg14[%dma_wait3A_4105, %dma_wait3A_4106] : memref<2304x64xf32, #tpu.memory_space<vmem_shared>> -> memref<2304x64xf32, #tpu.memory_space<vmem_shared>>
      tpu.wait_indirect_dma semaphore(%arg18 : memref<!tpu.dma_semaphore, #tpu.memory_space<semaphore_mem>>) src(%dma_wait3A_4107 : memref<2304x64xf32, #tpu.memory_space<vmem_shared>>) dst(%dma_wait3A_4101 : memref<128x64xf32, #tpu.memory_space<vmem>>)
      %mul3A_4108 = arith.constant 512 : i32
      %mul3A_4109 = arith.muli %add3A_4020, %mul3A_4108 : i32
      %add3A_4110 = arith.addi %mul3A_2, %mul3A_4109 : i32
      %dma_start3A_4111 = arith.constant 0 : i32
      %dma_start3A_4112 = tpu.memref_slice %arg5[%add3A_4110, %dma_start3A_4111] : memref<3276800x64xf32, #tpu.memory_space<hbm>> -> memref<512x64xf32, #tpu.memory_space<hbm>>
      %dma_start3A_4113 = arith.constant 0 : i32
      %dma_start3A_4114 = tpu.memref_slice %arg5[%add3A_4110, %dma_start3A_4113] : memref<3276800x64xf32, #tpu.memory_space<hbm>> -> memref<512x64xf32, #tpu.memory_space<hbm>>
      tpu.enqueue_dma source(%arg13 : memref<512x64xf32, #tpu.memory_space<vmem>>) target(%dma_start3A_4114 : memref<512x64xf32, #tpu.memory_space<hbm>>) target_semaphore(%arg20 : memref<!tpu.dma_semaphore, #tpu.memory_space<semaphore_mem>>)
    }
    %scan3A_1371 = arith.constant 98 : i32
    %dma_wait3A_1372 = arith.constant 0 : i32
    %dma_wait3A_1373 = tpu.memref_slice %arg2[%dma_wait3A_1372] : memref<3276800xi32, #tpu.memory_space<hbm>> -> memref<512xi32, #tpu.memory_space<hbm>>
    %dma_wait3A_1374 = arith.constant 0 : i32
    %dma_wait3A_1375 = tpu.memref_slice %arg2[%dma_wait3A_1374] : memref<3276800xi32, #tpu.memory_space<hbm>> -> memref<512xi32, #tpu.memory_space<hbm>>
    tpu.wait_dma2 semaphore(%arg15 : memref<!tpu.dma_semaphore, #tpu.memory_space<semaphore_mem>>) src(%dma_wait3A_1375 : memref<512xi32, #tpu.memory_space<hbm>>) dst(%arg6 : memref<512xi32, #tpu.memory_space<vmem>>)
    %dma_wait3A_1376 = arith.constant 0 : i32
    %dma_wait3A_1377 = tpu.memref_slice %arg3[%dma_wait3A_1376] : memref<3276800xi32, #tpu.memory_space<hbm>> -> memref<512xi32, #tpu.memory_space<hbm>>
    %dma_wait3A_1378 = arith.constant 0 : i32
    %dma_wait3A_1379 = tpu.memref_slice %arg3[%dma_wait3A_1378] : memref<3276800xi32, #tpu.memory_space<hbm>> -> memref<512xi32, #tpu.memory_space<hbm>>
    tpu.wait_dma2 semaphore(%arg15 : memref<!tpu.dma_semaphore, #tpu.memory_space<semaphore_mem>>) src(%dma_wait3A_1379 : memref<512xi32, #tpu.memory_space<hbm>>) dst(%arg8 : memref<512xi32, #tpu.memory_space<vmem>>)
    %get3A_1380 = arith.constant 0 : index
    %get3A_1381 = tpu.vector_load %arg6[%get3A_1380] {strides = array<i32>} : memref<512xi32, #tpu.memory_space<vmem>>, vector<16xi32>,
    %get3A_1382 = vector.shape_cast %get3A_1381 : vector<16xi32> to vector<16xi32>
    %get3A_1383 = arith.constant 0 : index
    %get3A_1384 = tpu.vector_load %arg8[%get3A_1383] {strides = array<i32>} : memref<512xi32, #tpu.memory_space<vmem>>, vector<16xi32>,
    %get3A_1385 = vector.shape_cast %get3A_1384 : vector<16xi32> to vector<16xi32>
    %mul3A_1386 = arith.constant 5 : i32
    %mul3A_1387 = vector.broadcast %mul3A_1386 : i32 to vector<16xi32>
    %mul3A_1388 = arith.muli %get3A_1382, %mul3A_1387 : vector<16xi32>
    %add3A_1389 = arith.addi %mul3A_1388, %get3A_1385 : vector<16xi32>
    %add3A_1390 = vector.broadcast %mul3A_4 : i32 to vector<16xi32>
    %add3A_1391 = arith.addi %add3A_1389, %add3A_1390 : vector<16xi32>
    %swap3A_1392 = arith.constant 0 : i32
    %swap3A_1393 = arith.index_cast %swap3A_1392 : i32 to index
    %swap3A_1394 = arith.constant 0 : index
    %swap3A_1395 = tpu.vector_load %arg10[%swap3A_1393, %swap3A_1394] {strides = array<i32>} : memref<4x128xi32, #tpu.memory_space<vmem>>, vector<1x16xi32>,
    %swap3A_1396 = vector.shape_cast %swap3A_1395 : vector<1x16xi32> to vector<16xi32>
    %swap3A_1397 = vector.shape_cast %add3A_1391 : vector<16xi32> to vector<1x16xi32>
    tpu.vector_store %arg10[%swap3A_1393, %swap3A_1394], %swap3A_1397 {strides = array<i32>} : memref<4x128xi32, #tpu.memory_space<vmem>>, vector<1x16xi32>,
    %get3A_1398 = arith.constant 16 : index
    %get3A_1399 = tpu.vector_load %arg6[%get3A_1398] {strides = array<i32>} : memref<512xi32, #tpu.memory_space<vmem>>, vector<16xi32>,
    %get3A_1400 = vector.shape_cast %get3A_1399 : vector<16xi32> to vector<16xi32>
    %get3A_1401 = arith.constant 16 : index
    %get3A_1402 = tpu.vector_load %arg8[%get3A_1401] {strides = array<i32>} : memref<512xi32, #tpu.memory_space<vmem>>, vector<16xi32>,
    %get3A_1403 = vector.shape_cast %get3A_1402 : vector<16xi32> to vector<16xi32>
    %mul3A_1404 = arith.constant 5 : i32
    %mul3A_1405 = vector.broadcast %mul3A_1404 : i32 to vector<16xi32>
    %mul3A_1406 = arith.muli %get3A_1400, %mul3A_1405 : vector<16xi32>
    %add3A_1407 = arith.addi %mul3A_1406, %get3A_1403 : vector<16xi32>
    %add3A_1408 = vector.broadcast %mul3A_4 : i32 to vector<16xi32>
    %add3A_1409 = arith.addi %add3A_1407, %add3A_1408 : vector<16xi32>
    %swap3A_1410 = arith.constant 0 : i32
    %swap3A_1411 = arith.index_cast %swap3A_1410 : i32 to index
    %swap3A_1412 = arith.constant 16 : index
    %swap3A_1413 = tpu.vector_load %arg10[%swap3A_1411, %swap3A_1412] {strides = array<i32>} : memref<4x128xi32, #tpu.memory_space<vmem>>, vector<1x16xi32>,
    %swap3A_1414 = vector.shape_cast %swap3A_1413 : vector<1x16xi32> to vector<16xi32>
    %swap3A_1415 = vector.shape_cast %add3A_1409 : vector<16xi32> to vector<1x16xi32>
    tpu.vector_store %arg10[%swap3A_1411, %swap3A_1412], %swap3A_1415 {strides = array<i32>} : memref<4x128xi32, #tpu.memory_space<vmem>>, vector<1x16xi32>,
    %get3A_1416 = arith.constant 32 : index
    %get3A_1417 = tpu.vector_load %arg6[%get3A_1416] {strides = array<i32>} : memref<512xi32, #tpu.memory_space<vmem>>, vector<16xi32>,
    %get3A_1418 = vector.shape_cast %get3A_1417 : vector<16xi32> to vector<16xi32>
    %get3A_1419 = arith.constant 32 : index
    %get3A_1420 = tpu.vector_load %arg8[%get3A_1419] {strides = array<i32>} : memref<512xi32, #tpu.memory_space<vmem>>, vector<16xi32>,
    %get3A_1421 = vector.shape_cast %get3A_1420 : vector<16xi32> to vector<16xi32>
    %mul3A_1422 = arith.constant 5 : i32
    %mul3A_1423 = vector.broadcast %mul3A_1422 : i32 to vector<16xi32>
    %mul3A_1424 = arith.muli %get3A_1418, %mul3A_1423 : vector<16xi32>
    %add3A_1425 = arith.addi %mul3A_1424, %get3A_1421 : vector<16xi32>
    %add3A_1426 = vector.broadcast %mul3A_4 : i32 to vector<16xi32>
    %add3A_1427 = arith.addi %add3A_1425, %add3A_1426 : vector<16xi32>
    %swap3A_1428 = arith.constant 0 : i32
    %swap3A_1429 = arith.index_cast %swap3A_1428 : i32 to index
    %swap3A_1430 = arith.constant 32 : index
    %swap3A_1431 = tpu.vector_load %arg10[%swap3A_1429, %swap3A_1430] {strides = array<i32>} : memref<4x128xi32, #tpu.memory_space<vmem>>, vector<1x16xi32>,
    %swap3A_1432 = vector.shape_cast %swap3A_1431 : vector<1x16xi32> to vector<16xi32>
    %swap3A_1433 = vector.shape_cast %add3A_1427 : vector<16xi32> to vector<1x16xi32>
    tpu.vector_store %arg10[%swap3A_1429, %swap3A_1430], %swap3A_1433 {strides = array<i32>} : memref<4x128xi32, #tpu.memory_space<vmem>>, vector<1x16xi32>,
    %get3A_1434 = arith.constant 48 : index
    %get3A_1435 = tpu.vector_load %arg6[%get3A_1434] {strides = array<i32>} : memref<512xi32, #tpu.memory_space<vmem>>, vector<16xi32>,
    %get3A_1436 = vector.shape_cast %get3A_1435 : vector<16xi32> to vector<16xi32>
    %get3A_1437 = arith.constant 48 : index
    %get3A_1438 = tpu.vector_load %arg8[%get3A_1437] {strides = array<i32>} : memref<512xi32, #tpu.memory_space<vmem>>, vector<16xi32>,
    %get3A_1439 = vector.shape_cast %get3A_1438 : vector<16xi32> to vector<16xi32>
    %mul3A_1440 = arith.constant 5 : i32
    %mul3A_1441 = vector.broadcast %mul3A_1440 : i32 to vector<16xi32>
    %mul3A_1442 = arith.muli %get3A_1436, %mul3A_1441 : vector<16xi32>
    %add3A_1443 = arith.addi %mul3A_1442, %get3A_1439 : vector<16xi32>
    %add3A_1444 = vector.broadcast %mul3A_4 : i32 to vector<16xi32>
    %add3A_1445 = arith.addi %add3A_1443, %add3A_1444 : vector<16xi32>
    %swap3A_1446 = arith.constant 0 : i32
    %swap3A_1447 = arith.index_cast %swap3A_1446 : i32 to index
    %swap3A_1448 = arith.constant 48 : index
    %swap3A_1449 = tpu.vector_load %arg10[%swap3A_1447, %swap3A_1448] {strides = array<i32>} : memref<4x128xi32, #tpu.memory_space<vmem>>, vector<1x16xi32>,
    %swap3A_1450 = vector.shape_cast %swap3A_1449 : vector<1x16xi32> to vector<16xi32>
    %swap3A_1451 = vector.shape_cast %add3A_1445 : vector<16xi32> to vector<1x16xi32>
    tpu.vector_store %arg10[%swap3A_1447, %swap3A_1448], %swap3A_1451 {strides = array<i32>} : memref<4x128xi32, #tpu.memory_space<vmem>>, vector<1x16xi32>,
    %get3A_1452 = arith.constant 64 : index
    %get3A_1453 = tpu.vector_load %arg6[%get3A_1452] {strides = array<i32>} : memref<512xi32, #tpu.memory_space<vmem>>, vector<16xi32>,
    %get3A_1454 = vector.shape_cast %get3A_1453 : vector<16xi32> to vector<16xi32>
    %get3A_1455 = arith.constant 64 : index
    %get3A_1456 = tpu.vector_load %arg8[%get3A_1455] {strides = array<i32>} : memref<512xi32, #tpu.memory_space<vmem>>, vector<16xi32>,
    %get3A_1457 = vector.shape_cast %get3A_1456 : vector<16xi32> to vector<16xi32>
    %mul3A_1458 = arith.constant 5 : i32
    %mul3A_1459 = vector.broadcast %mul3A_1458 : i32 to vector<16xi32>
    %mul3A_1460 = arith.muli %get3A_1454, %mul3A_1459 : vector<16xi32>
    %add3A_1461 = arith.addi %mul3A_1460, %get3A_1457 : vector<16xi32>
    %add3A_1462 = vector.broadcast %mul3A_4 : i32 to vector<16xi32>
    %add3A_1463 = arith.addi %add3A_1461, %add3A_1462 : vector<16xi32>
    %swap3A_1464 = arith.constant 0 : i32
    %swap3A_1465 = arith.index_cast %swap3A_1464 : i32 to index
    %swap3A_1466 = arith.constant 64 : index
    %swap3A_1467 = tpu.vector_load %arg10[%swap3A_1465, %swap3A_1466] {strides = array<i32>} : memref<4x128xi32, #tpu.memory_space<vmem>>, vector<1x16xi32>,
    %swap3A_1468 = vector.shape_cast %swap3A_1467 : vector<1x16xi32> to vector<16xi32>
    %swap3A_1469 = vector.shape_cast %add3A_1463 : vector<16xi32> to vector<1x16xi32>
    tpu.vector_store %arg10[%swap3A_1465, %swap3A_1466], %swap3A_1469 {strides = array<i32>} : memref<4x128xi32, #tpu.memory_space<vmem>>, vector<1x16xi32>,
    %get3A_1470 = arith.constant 80 : index
    %get3A_1471 = tpu.vector_load %arg6[%get3A_1470] {strides = array<i32>} : memref<512xi32, #tpu.memory_space<vmem>>, vector<16xi32>,
    %get3A_1472 = vector.shape_cast %get3A_1471 : vector<16xi32> to vector<16xi32>
    %get3A_1473 = arith.constant 80 : index
    %get3A_1474 = tpu.vector_load %arg8[%get3A_1473] {strides = array<i32>} : memref<512xi32, #tpu.memory_space<vmem>>, vector<16xi32>,
    %get3A_1475 = vector.shape_cast %get3A_1474 : vector<16xi32> to vector<16xi32>
    %mul3A_1476 = arith.constant 5 : i32
    %mul3A_1477 = vector.broadcast %mul3A_1476 : i32 to vector<16xi32>
    %mul3A_1478 = arith.muli %get3A_1472, %mul3A_1477 : vector<16xi32>
    %add3A_1479 = arith.addi %mul3A_1478, %get3A_1475 : vector<16xi32>
    %add3A_1480 = vector.broadcast %mul3A_4 : i32 to vector<16xi32>
    %add3A_1481 = arith.addi %add3A_1479, %add3A_1480 : vector<16xi32>
    %swap3A_1482 = arith.constant 0 : i32
    %swap3A_1483 = arith.index_cast %swap3A_1482 : i32 to index
    %swap3A_1484 = arith.constant 80 : index
    %swap3A_1485 = tpu.vector_load %arg10[%swap3A_1483, %swap3A_1484] {strides = array<i32>} : memref<4x128xi32, #tpu.memory_space<vmem>>, vector<1x16xi32>,
    %swap3A_1486 = vector.shape_cast %swap3A_1485 : vector<1x16xi32> to vector<16xi32>
    %swap3A_1487 = vector.shape_cast %add3A_1481 : vector<16xi32> to vector<1x16xi32>
    tpu.vector_store %arg10[%swap3A_1483, %swap3A_1484], %swap3A_1487 {strides = array<i32>} : memref<4x128xi32, #tpu.memory_space<vmem>>, vector<1x16xi32>,
    %get3A_1488 = arith.constant 96 : index
    %get3A_1489 = tpu.vector_load %arg6[%get3A_1488] {strides = array<i32>} : memref<512xi32, #tpu.memory_space<vmem>>, vector<16xi32>,
    %get3A_1490 = vector.shape_cast %get3A_1489 : vector<16xi32> to vector<16xi32>
    %get3A_1491 = arith.constant 96 : index
    %get3A_1492 = tpu.vector_load %arg8[%get3A_1491] {strides = array<i32>} : memref<512xi32, #tpu.memory_space<vmem>>, vector<16xi32>,
    %get3A_1493 = vector.shape_cast %get3A_1492 : vector<16xi32> to vector<16xi32>
    %mul3A_1494 = arith.constant 5 : i32
    %mul3A_1495 = vector.broadcast %mul3A_1494 : i32 to vector<16xi32>
    %mul3A_1496 = arith.muli %get3A_1490, %mul3A_1495 : vector<16xi32>
    %add3A_1497 = arith.addi %mul3A_1496, %get3A_1493 : vector<16xi32>
    %add3A_1498 = vector.broadcast %mul3A_4 : i32 to vector<16xi32>
    %add3A_1499 = arith.addi %add3A_1497, %add3A_1498 : vector<16xi32>
    %swap3A_1500 = arith.constant 0 : i32
    %swap3A_1501 = arith.index_cast %swap3A_1500 : i32 to index
    %swap3A_1502 = arith.constant 96 : index
    %swap3A_1503 = tpu.vector_load %arg10[%swap3A_1501, %swap3A_1502] {strides = array<i32>} : memref<4x128xi32, #tpu.memory_space<vmem>>, vector<1x16xi32>,
    %swap3A_1504 = vector.shape_cast %swap3A_1503 : vector<1x16xi32> to vector<16xi32>
    %swap3A_1505 = vector.shape_cast %add3A_1499 : vector<16xi32> to vector<1x16xi32>
    tpu.vector_store %arg10[%swap3A_1501, %swap3A_1502], %swap3A_1505 {strides = array<i32>} : memref<4x128xi32, #tpu.memory_space<vmem>>, vector<1x16xi32>,
    %get3A_1506 = arith.constant 112 : index
    %get3A_1507 = tpu.vector_load %arg6[%get3A_1506] {strides = array<i32>} : memref<512xi32, #tpu.memory_space<vmem>>, vector<16xi32>,
    %get3A_1508 = vector.shape_cast %get3A_1507 : vector<16xi32> to vector<16xi32>
    %get3A_1509 = arith.constant 112 : index
    %get3A_1510 = tpu.vector_load %arg8[%get3A_1509] {strides = array<i32>} : memref<512xi32, #tpu.memory_space<vmem>>, vector<16xi32>,
    %get3A_1511 = vector.shape_cast %get3A_1510 : vector<16xi32> to vector<16xi32>
    %mul3A_1512 = arith.constant 5 : i32
    %mul3A_1513 = vector.broadcast %mul3A_1512 : i32 to vector<16xi32>
    %mul3A_1514 = arith.muli %get3A_1508, %mul3A_1513 : vector<16xi32>
    %add3A_1515 = arith.addi %mul3A_1514, %get3A_1511 : vector<16xi32>
    %add3A_1516 = vector.broadcast %mul3A_4 : i32 to vector<16xi32>
    %add3A_1517 = arith.addi %add3A_1515, %add3A_1516 : vector<16xi32>
    %swap3A_1518 = arith.constant 0 : i32
    %swap3A_1519 = arith.index_cast %swap3A_1518 : i32 to index
    %swap3A_1520 = arith.constant 112 : index
    %swap3A_1521 = tpu.vector_load %arg10[%swap3A_1519, %swap3A_1520] {strides = array<i32>} : memref<4x128xi32, #tpu.memory_space<vmem>>, vector<1x16xi32>,
    %swap3A_1522 = vector.shape_cast %swap3A_1521 : vector<1x16xi32> to vector<16xi32>
    %swap3A_1523 = vector.shape_cast %add3A_1517 : vector<16xi32> to vector<1x16xi32>
    tpu.vector_store %arg10[%swap3A_1519, %swap3A_1520], %swap3A_1523 {strides = array<i32>} : memref<4x128xi32, #tpu.memory_space<vmem>>, vector<1x16xi32>,
    %get3A_1524 = arith.constant 128 : index
    %get3A_1525 = tpu.vector_load %arg6[%get3A_1524] {strides = array<i32>} : memref<512xi32, #tpu.memory_space<vmem>>, vector<16xi32>,
    %get3A_1526 = vector.shape_cast %get3A_1525 : vector<16xi32> to vector<16xi32>
    %get3A_1527 = arith.constant 128 : index
    %get3A_1528 = tpu.vector_load %arg8[%get3A_1527] {strides = array<i32>} : memref<512xi32, #tpu.memory_space<vmem>>, vector<16xi32>,
    %get3A_1529 = vector.shape_cast %get3A_1528 : vector<16xi32> to vector<16xi32>
    %mul3A_1530 = arith.constant 5 : i32
    %mul3A_1531 = vector.broadcast %mul3A_1530 : i32 to vector<16xi32>
    %mul3A_1532 = arith.muli %get3A_1526, %mul3A_1531 : vector<16xi32>
    %add3A_1533 = arith.addi %mul3A_1532, %get3A_1529 : vector<16xi32>
    %add3A_1534 = vector.broadcast %mul3A_4 : i32 to vector<16xi32>
    %add3A_1535 = arith.addi %add3A_1533, %add3A_1534 : vector<16xi32>
    %swap3A_1536 = arith.constant 1 : i32
    %swap3A_1537 = arith.index_cast %swap3A_1536 : i32 to index
    %swap3A_1538 = arith.constant 0 : index
    %swap3A_1539 = tpu.vector_load %arg10[%swap3A_1537, %swap3A_1538] {strides = array<i32>} : memref<4x128xi32, #tpu.memory_space<vmem>>, vector<1x16xi32>,
    %swap3A_1540 = vector.shape_cast %swap3A_1539 : vector<1x16xi32> to vector<16xi32>
    %swap3A_1541 = vector.shape_cast %add3A_1535 : vector<16xi32> to vector<1x16xi32>
    tpu.vector_store %arg10[%swap3A_1537, %swap3A_1538], %swap3A_1541 {strides = array<i32>} : memref<4x128xi32, #tpu.memory_space<vmem>>, vector<1x16xi32>,
    %get3A_1542 = arith.constant 144 : index
    %get3A_1543 = tpu.vector_load %arg6[%get3A_1542] {strides = array<i32>} : memref<512xi32, #tpu.memory_space<vmem>>, vector<16xi32>,
    %get3A_1544 = vector.shape_cast %get3A_1543 : vector<16xi32> to vector<16xi32>
    %get3A_1545 = arith.constant 144 : index
    %get3A_1546 = tpu.vector_load %arg8[%get3A_1545] {strides = array<i32>} : memref<512xi32, #tpu.memory_space<vmem>>, vector<16xi32>,
    %get3A_1547 = vector.shape_cast %get3A_1546 : vector<16xi32> to vector<16xi32>
    %mul3A_1548 = arith.constant 5 : i32
    %mul3A_1549 = vector.broadcast %mul3A_1548 : i32 to vector<16xi32>
    %mul3A_1550 = arith.muli %get3A_1544, %mul3A_1549 : vector<16xi32>
    %add3A_1551 = arith.addi %mul3A_1550, %get3A_1547 : vector<16xi32>
    %add3A_1552 = vector.broadcast %mul3A_4 : i32 to vector<16xi32>
    %add3A_1553 = arith.addi %add3A_1551, %add3A_1552 : vector<16xi32>
    %swap3A_1554 = arith.constant 1 : i32
    %swap3A_1555 = arith.index_cast %swap3A_1554 : i32 to index
    %swap3A_1556 = arith.constant 16 : index
    %swap3A_1557 = tpu.vector_load %arg10[%swap3A_1555, %swap3A_1556] {strides = array<i32>} : memref<4x128xi32, #tpu.memory_space<vmem>>, vector<1x16xi32>,
    %swap3A_1558 = vector.shape_cast %swap3A_1557 : vector<1x16xi32> to vector<16xi32>
    %swap3A_1559 = vector.shape_cast %add3A_1553 : vector<16xi32> to vector<1x16xi32>
    tpu.vector_store %arg10[%swap3A_1555, %swap3A_1556], %swap3A_1559 {strides = array<i32>} : memref<4x128xi32, #tpu.memory_space<vmem>>, vector<1x16xi32>,
    %get3A_1560 = arith.constant 160 : index
    %get3A_1561 = tpu.vector_load %arg6[%get3A_1560] {strides = array<i32>} : memref<512xi32, #tpu.memory_space<vmem>>, vector<16xi32>,
    %get3A_1562 = vector.shape_cast %get3A_1561 : vector<16xi32> to vector<16xi32>
    %get3A_1563 = arith.constant 160 : index
    %get3A_1564 = tpu.vector_load %arg8[%get3A_1563] {strides = array<i32>} : memref<512xi32, #tpu.memory_space<vmem>>, vector<16xi32>,
    %get3A_1565 = vector.shape_cast %get3A_1564 : vector<16xi32> to vector<16xi32>
    %mul3A_1566 = arith.constant 5 : i32
    %mul3A_1567 = vector.broadcast %mul3A_1566 : i32 to vector<16xi32>
    %mul3A_1568 = arith.muli %get3A_1562, %mul3A_1567 : vector<16xi32>
    %add3A_1569 = arith.addi %mul3A_1568, %get3A_1565 : vector<16xi32>
    %add3A_1570 = vector.broadcast %mul3A_4 : i32 to vector<16xi32>
    %add3A_1571 = arith.addi %add3A_1569, %add3A_1570 : vector<16xi32>
    %swap3A_1572 = arith.constant 1 : i32
    %swap3A_1573 = arith.index_cast %swap3A_1572 : i32 to index
    %swap3A_1574 = arith.constant 32 : index
    %swap3A_1575 = tpu.vector_load %arg10[%swap3A_1573, %swap3A_1574] {strides = array<i32>} : memref<4x128xi32, #tpu.memory_space<vmem>>, vector<1x16xi32>,
    %swap3A_1576 = vector.shape_cast %swap3A_1575 : vector<1x16xi32> to vector<16xi32>
    %swap3A_1577 = vector.shape_cast %add3A_1571 : vector<16xi32> to vector<1x16xi32>
    tpu.vector_store %arg10[%swap3A_1573, %swap3A_1574], %swap3A_1577 {strides = array<i32>} : memref<4x128xi32, #tpu.memory_space<vmem>>, vector<1x16xi32>,
    %get3A_1578 = arith.constant 176 : index
    %get3A_1579 = tpu.vector_load %arg6[%get3A_1578] {strides = array<i32>} : memref<512xi32, #tpu.memory_space<vmem>>, vector<16xi32>,
    %get3A_1580 = vector.shape_cast %get3A_1579 : vector<16xi32> to vector<16xi32>
    %get3A_1581 = arith.constant 176 : index
    %get3A_1582 = tpu.vector_load %arg8[%get3A_1581] {strides = array<i32>} : memref<512xi32, #tpu.memory_space<vmem>>, vector<16xi32>,
    %get3A_1583 = vector.shape_cast %get3A_1582 : vector<16xi32> to vector<16xi32>
    %mul3A_1584 = arith.constant 5 : i32
    %mul3A_1585 = vector.broadcast %mul3A_1584 : i32 to vector<16xi32>
    %mul3A_1586 = arith.muli %get3A_1580, %mul3A_1585 : vector<16xi32>
    %add3A_1587 = arith.addi %mul3A_1586, %get3A_1583 : vector<16xi32>
    %add3A_1588 = vector.broadcast %mul3A_4 : i32 to vector<16xi32>
    %add3A_1589 = arith.addi %add3A_1587, %add3A_1588 : vector<16xi32>
    %swap3A_1590 = arith.constant 1 : i32
    %swap3A_1591 = arith.index_cast %swap3A_1590 : i32 to index
    %swap3A_1592 = arith.constant 48 : index
    %swap3A_1593 = tpu.vector_load %arg10[%swap3A_1591, %swap3A_1592] {strides = array<i32>} : memref<4x128xi32, #tpu.memory_space<vmem>>, vector<1x16xi32>,
    %swap3A_1594 = vector.shape_cast %swap3A_1593 : vector<1x16xi32> to vector<16xi32>
    %swap3A_1595 = vector.shape_cast %add3A_1589 : vector<16xi32> to vector<1x16xi32>
    tpu.vector_store %arg10[%swap3A_1591, %swap3A_1592], %swap3A_1595 {strides = array<i32>} : memref<4x128xi32, #tpu.memory_space<vmem>>, vector<1x16xi32>,
    %get3A_1596 = arith.constant 192 : index
    %get3A_1597 = tpu.vector_load %arg6[%get3A_1596] {strides = array<i32>} : memref<512xi32, #tpu.memory_space<vmem>>, vector<16xi32>,
    %get3A_1598 = vector.shape_cast %get3A_1597 : vector<16xi32> to vector<16xi32>
    %get3A_1599 = arith.constant 192 : index
    %get3A_1600 = tpu.vector_load %arg8[%get3A_1599] {strides = array<i32>} : memref<512xi32, #tpu.memory_space<vmem>>, vector<16xi32>,
    %get3A_1601 = vector.shape_cast %get3A_1600 : vector<16xi32> to vector<16xi32>
    %mul3A_1602 = arith.constant 5 : i32
    %mul3A_1603 = vector.broadcast %mul3A_1602 : i32 to vector<16xi32>
    %mul3A_1604 = arith.muli %get3A_1598, %mul3A_1603 : vector<16xi32>
    %add3A_1605 = arith.addi %mul3A_1604, %get3A_1601 : vector<16xi32>
    %add3A_1606 = vector.broadcast %mul3A_4 : i32 to vector<16xi32>
    %add3A_1607 = arith.addi %add3A_1605, %add3A_1606 : vector<16xi32>
    %swap3A_1608 = arith.constant 1 : i32
    %swap3A_1609 = arith.index_cast %swap3A_1608 : i32 to index
    %swap3A_1610 = arith.constant 64 : index
    %swap3A_1611 = tpu.vector_load %arg10[%swap3A_1609, %swap3A_1610] {strides = array<i32>} : memref<4x128xi32, #tpu.memory_space<vmem>>, vector<1x16xi32>,
    %swap3A_1612 = vector.shape_cast %swap3A_1611 : vector<1x16xi32> to vector<16xi32>
    %swap3A_1613 = vector.shape_cast %add3A_1607 : vector<16xi32> to vector<1x16xi32>
    tpu.vector_store %arg10[%swap3A_1609, %swap3A_1610], %swap3A_1613 {strides = array<i32>} : memref<4x128xi32, #tpu.memory_space<vmem>>, vector<1x16xi32>,
    %get3A_1614 = arith.constant 208 : index
    %get3A_1615 = tpu.vector_load %arg6[%get3A_1614] {strides = array<i32>} : memref<512xi32, #tpu.memory_space<vmem>>, vector<16xi32>,
    %get3A_1616 = vector.shape_cast %get3A_1615 : vector<16xi32> to vector<16xi32>
    %get3A_1617 = arith.constant 208 : index
    %get3A_1618 = tpu.vector_load %arg8[%get3A_1617] {strides = array<i32>} : memref<512xi32, #tpu.memory_space<vmem>>, vector<16xi32>,
    %get3A_1619 = vector.shape_cast %get3A_1618 : vector<16xi32> to vector<16xi32>
    %mul3A_1620 = arith.constant 5 : i32
    %mul3A_1621 = vector.broadcast %mul3A_1620 : i32 to vector<16xi32>
    %mul3A_1622 = arith.muli %get3A_1616, %mul3A_1621 : vector<16xi32>
    %add3A_1623 = arith.addi %mul3A_1622, %get3A_1619 : vector<16xi32>
    %add3A_1624 = vector.broadcast %mul3A_4 : i32 to vector<16xi32>
    %add3A_1625 = arith.addi %add3A_1623, %add3A_1624 : vector<16xi32>
    %swap3A_1626 = arith.constant 1 : i32
    %swap3A_1627 = arith.index_cast %swap3A_1626 : i32 to index
    %swap3A_1628 = arith.constant 80 : index
    %swap3A_1629 = tpu.vector_load %arg10[%swap3A_1627, %swap3A_1628] {strides = array<i32>} : memref<4x128xi32, #tpu.memory_space<vmem>>, vector<1x16xi32>,
    %swap3A_1630 = vector.shape_cast %swap3A_1629 : vector<1x16xi32> to vector<16xi32>
    %swap3A_1631 = vector.shape_cast %add3A_1625 : vector<16xi32> to vector<1x16xi32>
    tpu.vector_store %arg10[%swap3A_1627, %swap3A_1628], %swap3A_1631 {strides = array<i32>} : memref<4x128xi32, #tpu.memory_space<vmem>>, vector<1x16xi32>,
    %get3A_1632 = arith.constant 224 : index
    %get3A_1633 = tpu.vector_load %arg6[%get3A_1632] {strides = array<i32>} : memref<512xi32, #tpu.memory_space<vmem>>, vector<16xi32>,
    %get3A_1634 = vector.shape_cast %get3A_1633 : vector<16xi32> to vector<16xi32>
    %get3A_1635 = arith.constant 224 : index
    %get3A_1636 = tpu.vector_load %arg8[%get3A_1635] {strides = array<i32>} : memref<512xi32, #tpu.memory_space<vmem>>, vector<16xi32>,
    %get3A_1637 = vector.shape_cast %get3A_1636 : vector<16xi32> to vector<16xi32>
    %mul3A_1638 = arith.constant 5 : i32
    %mul3A_1639 = vector.broadcast %mul3A_1638 : i32 to vector<16xi32>
    %mul3A_1640 = arith.muli %get3A_1634, %mul3A_1639 : vector<16xi32>
    %add3A_1641 = arith.addi %mul3A_1640, %get3A_1637 : vector<16xi32>
    %add3A_1642 = vector.broadcast %mul3A_4 : i32 to vector<16xi32>
    %add3A_1643 = arith.addi %add3A_1641, %add3A_1642 : vector<16xi32>
    %swap3A_1644 = arith.constant 1 : i32
    %swap3A_1645 = arith.index_cast %swap3A_1644 : i32 to index
    %swap3A_1646 = arith.constant 96 : index
    %swap3A_1647 = tpu.vector_load %arg10[%swap3A_1645, %swap3A_1646] {strides = array<i32>} : memref<4x128xi32, #tpu.memory_space<vmem>>, vector<1x16xi32>,
    %swap3A_1648 = vector.shape_cast %swap3A_1647 : vector<1x16xi32> to vector<16xi32>
    %swap3A_1649 = vector.shape_cast %add3A_1643 : vector<16xi32> to vector<1x16xi32>
    tpu.vector_store %arg10[%swap3A_1645, %swap3A_1646], %swap3A_1649 {strides = array<i32>} : memref<4x128xi32, #tpu.memory_space<vmem>>, vector<1x16xi32>,
    %get3A_1650 = arith.constant 240 : index
    %get3A_1651 = tpu.vector_load %arg6[%get3A_1650] {strides = array<i32>} : memref<512xi32, #tpu.memory_space<vmem>>, vector<16xi32>,
    %get3A_1652 = vector.shape_cast %get3A_1651 : vector<16xi32> to vector<16xi32>
    %get3A_1653 = arith.constant 240 : index
    %get3A_1654 = tpu.vector_load %arg8[%get3A_1653] {strides = array<i32>} : memref<512xi32, #tpu.memory_space<vmem>>, vector<16xi32>,
    %get3A_1655 = vector.shape_cast %get3A_1654 : vector<16xi32> to vector<16xi32>
    %mul3A_1656 = arith.constant 5 : i32
    %mul3A_1657 = vector.broadcast %mul3A_1656 : i32 to vector<16xi32>
    %mul3A_1658 = arith.muli %get3A_1652, %mul3A_1657 : vector<16xi32>
    %add3A_1659 = arith.addi %mul3A_1658, %get3A_1655 : vector<16xi32>
    %add3A_1660 = vector.broadcast %mul3A_4 : i32 to vector<16xi32>
    %add3A_1661 = arith.addi %add3A_1659, %add3A_1660 : vector<16xi32>
    %swap3A_1662 = arith.constant 1 : i32
    %swap3A_1663 = arith.index_cast %swap3A_1662 : i32 to index
    %swap3A_1664 = arith.constant 112 : index
    %swap3A_1665 = tpu.vector_load %arg10[%swap3A_1663, %swap3A_1664] {strides = array<i32>} : memref<4x128xi32, #tpu.memory_space<vmem>>, vector<1x16xi32>,
    %swap3A_1666 = vector.shape_cast %swap3A_1665 : vector<1x16xi32> to vector<16xi32>
    %swap3A_1667 = vector.shape_cast %add3A_1661 : vector<16xi32> to vector<1x16xi32>
    tpu.vector_store %arg10[%swap3A_1663, %swap3A_1664], %swap3A_1667 {strides = array<i32>} : memref<4x128xi32, #tpu.memory_space<vmem>>, vector<1x16xi32>,
    %get3A_1668 = arith.constant 256 : index
    %get3A_1669 = tpu.vector_load %arg6[%get3A_1668] {strides = array<i32>} : memref<512xi32, #tpu.memory_space<vmem>>, vector<16xi32>,
    %get3A_1670 = vector.shape_cast %get3A_1669 : vector<16xi32> to vector<16xi32>
    %get3A_1671 = arith.constant 256 : index
    %get3A_1672 = tpu.vector_load %arg8[%get3A_1671] {strides = array<i32>} : memref<512xi32, #tpu.memory_space<vmem>>, vector<16xi32>,
    %get3A_1673 = vector.shape_cast %get3A_1672 : vector<16xi32> to vector<16xi32>
    %mul3A_1674 = arith.constant 5 : i32
    %mul3A_1675 = vector.broadcast %mul3A_1674 : i32 to vector<16xi32>
    %mul3A_1676 = arith.muli %get3A_1670, %mul3A_1675 : vector<16xi32>
    %add3A_1677 = arith.addi %mul3A_1676, %get3A_1673 : vector<16xi32>
    %add3A_1678 = vector.broadcast %mul3A_4 : i32 to vector<16xi32>
    %add3A_1679 = arith.addi %add3A_1677, %add3A_1678 : vector<16xi32>
    %swap3A_1680 = arith.constant 2 : i32
    %swap3A_1681 = arith.index_cast %swap3A_1680 : i32 to index
    %swap3A_1682 = arith.constant 0 : index
    %swap3A_1683 = tpu.vector_load %arg10[%swap3A_1681, %swap3A_1682] {strides = array<i32>} : memref<4x128xi32, #tpu.memory_space<vmem>>, vector<1x16xi32>,
    %swap3A_1684 = vector.shape_cast %swap3A_1683 : vector<1x16xi32> to vector<16xi32>
    %swap3A_1685 = vector.shape_cast %add3A_1679 : vector<16xi32> to vector<1x16xi32>
    tpu.vector_store %arg10[%swap3A_1681, %swap3A_1682], %swap3A_1685 {strides = array<i32>} : memref<4x128xi32, #tpu.memory_space<vmem>>, vector<1x16xi32>,
    %get3A_1686 = arith.constant 272 : index
    %get3A_1687 = tpu.vector_load %arg6[%get3A_1686] {strides = array<i32>} : memref<512xi32, #tpu.memory_space<vmem>>, vector<16xi32>,
    %get3A_1688 = vector.shape_cast %get3A_1687 : vector<16xi32> to vector<16xi32>
    %get3A_1689 = arith.constant 272 : index
    %get3A_1690 = tpu.vector_load %arg8[%get3A_1689] {strides = array<i32>} : memref<512xi32, #tpu.memory_space<vmem>>, vector<16xi32>,
    %get3A_1691 = vector.shape_cast %get3A_1690 : vector<16xi32> to vector<16xi32>
    %mul3A_1692 = arith.constant 5 : i32
    %mul3A_1693 = vector.broadcast %mul3A_1692 : i32 to vector<16xi32>
    %mul3A_1694 = arith.muli %get3A_1688, %mul3A_1693 : vector<16xi32>
    %add3A_1695 = arith.addi %mul3A_1694, %get3A_1691 : vector<16xi32>
    %add3A_1696 = vector.broadcast %mul3A_4 : i32 to vector<16xi32>
    %add3A_1697 = arith.addi %add3A_1695, %add3A_1696 : vector<16xi32>
    %swap3A_1698 = arith.constant 2 : i32
    %swap3A_1699 = arith.index_cast %swap3A_1698 : i32 to index
    %swap3A_1700 = arith.constant 16 : index
    %swap3A_1701 = tpu.vector_load %arg10[%swap3A_1699, %swap3A_1700] {strides = array<i32>} : memref<4x128xi32, #tpu.memory_space<vmem>>, vector<1x16xi32>,
    %swap3A_1702 = vector.shape_cast %swap3A_1701 : vector<1x16xi32> to vector<16xi32>
    %swap3A_1703 = vector.shape_cast %add3A_1697 : vector<16xi32> to vector<1x16xi32>
    tpu.vector_store %arg10[%swap3A_1699, %swap3A_1700], %swap3A_1703 {strides = array<i32>} : memref<4x128xi32, #tpu.memory_space<vmem>>, vector<1x16xi32>,
    %get3A_1704 = arith.constant 288 : index
    %get3A_1705 = tpu.vector_load %arg6[%get3A_1704] {strides = array<i32>} : memref<512xi32, #tpu.memory_space<vmem>>, vector<16xi32>,
    %get3A_1706 = vector.shape_cast %get3A_1705 : vector<16xi32> to vector<16xi32>
    %get3A_1707 = arith.constant 288 : index
    %get3A_1708 = tpu.vector_load %arg8[%get3A_1707] {strides = array<i32>} : memref<512xi32, #tpu.memory_space<vmem>>, vector<16xi32>,
    %get3A_1709 = vector.shape_cast %get3A_1708 : vector<16xi32> to vector<16xi32>
    %mul3A_1710 = arith.constant 5 : i32
    %mul3A_1711 = vector.broadcast %mul3A_1710 : i32 to vector<16xi32>
    %mul3A_1712 = arith.muli %get3A_1706, %mul3A_1711 : vector<16xi32>
    %add3A_1713 = arith.addi %mul3A_1712, %get3A_1709 : vector<16xi32>
    %add3A_1714 = vector.broadcast %mul3A_4 : i32 to vector<16xi32>
    %add3A_1715 = arith.addi %add3A_1713, %add3A_1714 : vector<16xi32>
    %swap3A_1716 = arith.constant 2 : i32
    %swap3A_1717 = arith.index_cast %swap3A_1716 : i32 to index
    %swap3A_1718 = arith.constant 32 : index
    %swap3A_1719 = tpu.vector_load %arg10[%swap3A_1717, %swap3A_1718] {strides = array<i32>} : memref<4x128xi32, #tpu.memory_space<vmem>>, vector<1x16xi32>,
    %swap3A_1720 = vector.shape_cast %swap3A_1719 : vector<1x16xi32> to vector<16xi32>
    %swap3A_1721 = vector.shape_cast %add3A_1715 : vector<16xi32> to vector<1x16xi32>
    tpu.vector_store %arg10[%swap3A_1717, %swap3A_1718], %swap3A_1721 {strides = array<i32>} : memref<4x128xi32, #tpu.memory_space<vmem>>, vector<1x16xi32>,
    %get3A_1722 = arith.constant 304 : index
    %get3A_1723 = tpu.vector_load %arg6[%get3A_1722] {strides = array<i32>} : memref<512xi32, #tpu.memory_space<vmem>>, vector<16xi32>,
    %get3A_1724 = vector.shape_cast %get3A_1723 : vector<16xi32> to vector<16xi32>
    %get3A_1725 = arith.constant 304 : index
    %get3A_1726 = tpu.vector_load %arg8[%get3A_1725] {strides = array<i32>} : memref<512xi32, #tpu.memory_space<vmem>>, vector<16xi32>,
    %get3A_1727 = vector.shape_cast %get3A_1726 : vector<16xi32> to vector<16xi32>
    %mul3A_1728 = arith.constant 5 : i32
    %mul3A_1729 = vector.broadcast %mul3A_1728 : i32 to vector<16xi32>
    %mul3A_1730 = arith.muli %get3A_1724, %mul3A_1729 : vector<16xi32>
    %add3A_1731 = arith.addi %mul3A_1730, %get3A_1727 : vector<16xi32>
    %add3A_1732 = vector.broadcast %mul3A_4 : i32 to vector<16xi32>
    %add3A_1733 = arith.addi %add3A_1731, %add3A_1732 : vector<16xi32>
    %swap3A_1734 = arith.constant 2 : i32
    %swap3A_1735 = arith.index_cast %swap3A_1734 : i32 to index
    %swap3A_1736 = arith.constant 48 : index
    %swap3A_1737 = tpu.vector_load %arg10[%swap3A_1735, %swap3A_1736] {strides = array<i32>} : memref<4x128xi32, #tpu.memory_space<vmem>>, vector<1x16xi32>,
    %swap3A_1738 = vector.shape_cast %swap3A_1737 : vector<1x16xi32> to vector<16xi32>
    %swap3A_1739 = vector.shape_cast %add3A_1733 : vector<16xi32> to vector<1x16xi32>
    tpu.vector_store %arg10[%swap3A_1735, %swap3A_1736], %swap3A_1739 {strides = array<i32>} : memref<4x128xi32, #tpu.memory_space<vmem>>, vector<1x16xi32>,
    %get3A_1740 = arith.constant 320 : index
    %get3A_1741 = tpu.vector_load %arg6[%get3A_1740] {strides = array<i32>} : memref<512xi32, #tpu.memory_space<vmem>>, vector<16xi32>,
    %get3A_1742 = vector.shape_cast %get3A_1741 : vector<16xi32> to vector<16xi32>
    %get3A_1743 = arith.constant 320 : index
    %get3A_1744 = tpu.vector_load %arg8[%get3A_1743] {strides = array<i32>} : memref<512xi32, #tpu.memory_space<vmem>>, vector<16xi32>,
    %get3A_1745 = vector.shape_cast %get3A_1744 : vector<16xi32> to vector<16xi32>
    %mul3A_1746 = arith.constant 5 : i32
    %mul3A_1747 = vector.broadcast %mul3A_1746 : i32 to vector<16xi32>
    %mul3A_1748 = arith.muli %get3A_1742, %mul3A_1747 : vector<16xi32>
    %add3A_1749 = arith.addi %mul3A_1748, %get3A_1745 : vector<16xi32>
    %add3A_1750 = vector.broadcast %mul3A_4 : i32 to vector<16xi32>
    %add3A_1751 = arith.addi %add3A_1749, %add3A_1750 : vector<16xi32>
    %swap3A_1752 = arith.constant 2 : i32
    %swap3A_1753 = arith.index_cast %swap3A_1752 : i32 to index
    %swap3A_1754 = arith.constant 64 : index
    %swap3A_1755 = tpu.vector_load %arg10[%swap3A_1753, %swap3A_1754] {strides = array<i32>} : memref<4x128xi32, #tpu.memory_space<vmem>>, vector<1x16xi32>,
    %swap3A_1756 = vector.shape_cast %swap3A_1755 : vector<1x16xi32> to vector<16xi32>
    %swap3A_1757 = vector.shape_cast %add3A_1751 : vector<16xi32> to vector<1x16xi32>
    tpu.vector_store %arg10[%swap3A_1753, %swap3A_1754], %swap3A_1757 {strides = array<i32>} : memref<4x128xi32, #tpu.memory_space<vmem>>, vector<1x16xi32>,
    %get3A_1758 = arith.constant 336 : index
    %get3A_1759 = tpu.vector_load %arg6[%get3A_1758] {strides = array<i32>} : memref<512xi32, #tpu.memory_space<vmem>>, vector<16xi32>,
    %get3A_1760 = vector.shape_cast %get3A_1759 : vector<16xi32> to vector<16xi32>
    %get3A_1761 = arith.constant 336 : index
    %get3A_1762 = tpu.vector_load %arg8[%get3A_1761] {strides = array<i32>} : memref<512xi32, #tpu.memory_space<vmem>>, vector<16xi32>,
    %get3A_1763 = vector.shape_cast %get3A_1762 : vector<16xi32> to vector<16xi32>
    %mul3A_1764 = arith.constant 5 : i32
    %mul3A_1765 = vector.broadcast %mul3A_1764 : i32 to vector<16xi32>
    %mul3A_1766 = arith.muli %get3A_1760, %mul3A_1765 : vector<16xi32>
    %add3A_1767 = arith.addi %mul3A_1766, %get3A_1763 : vector<16xi32>
    %add3A_1768 = vector.broadcast %mul3A_4 : i32 to vector<16xi32>
    %add3A_1769 = arith.addi %add3A_1767, %add3A_1768 : vector<16xi32>
    %swap3A_1770 = arith.constant 2 : i32
    %swap3A_1771 = arith.index_cast %swap3A_1770 : i32 to index
    %swap3A_1772 = arith.constant 80 : index
    %swap3A_1773 = tpu.vector_load %arg10[%swap3A_1771, %swap3A_1772] {strides = array<i32>} : memref<4x128xi32, #tpu.memory_space<vmem>>, vector<1x16xi32>,
    %swap3A_1774 = vector.shape_cast %swap3A_1773 : vector<1x16xi32> to vector<16xi32>
    %swap3A_1775 = vector.shape_cast %add3A_1769 : vector<16xi32> to vector<1x16xi32>
    tpu.vector_store %arg10[%swap3A_1771, %swap3A_1772], %swap3A_1775 {strides = array<i32>} : memref<4x128xi32, #tpu.memory_space<vmem>>, vector<1x16xi32>,
    %get3A_1776 = arith.constant 352 : index
    %get3A_1777 = tpu.vector_load %arg6[%get3A_1776] {strides = array<i32>} : memref<512xi32, #tpu.memory_space<vmem>>, vector<16xi32>,
    %get3A_1778 = vector.shape_cast %get3A_1777 : vector<16xi32> to vector<16xi32>
    %get3A_1779 = arith.constant 352 : index
    %get3A_1780 = tpu.vector_load %arg8[%get3A_1779] {strides = array<i32>} : memref<512xi32, #tpu.memory_space<vmem>>, vector<16xi32>,
    %get3A_1781 = vector.shape_cast %get3A_1780 : vector<16xi32> to vector<16xi32>
    %mul3A_1782 = arith.constant 5 : i32
    %mul3A_1783 = vector.broadcast %mul3A_1782 : i32 to vector<16xi32>
    %mul3A_1784 = arith.muli %get3A_1778, %mul3A_1783 : vector<16xi32>
    %add3A_1785 = arith.addi %mul3A_1784, %get3A_1781 : vector<16xi32>
    %add3A_1786 = vector.broadcast %mul3A_4 : i32 to vector<16xi32>
    %add3A_1787 = arith.addi %add3A_1785, %add3A_1786 : vector<16xi32>
    %swap3A_1788 = arith.constant 2 : i32
    %swap3A_1789 = arith.index_cast %swap3A_1788 : i32 to index
    %swap3A_1790 = arith.constant 96 : index
    %swap3A_1791 = tpu.vector_load %arg10[%swap3A_1789, %swap3A_1790] {strides = array<i32>} : memref<4x128xi32, #tpu.memory_space<vmem>>, vector<1x16xi32>,
    %swap3A_1792 = vector.shape_cast %swap3A_1791 : vector<1x16xi32> to vector<16xi32>
    %swap3A_1793 = vector.shape_cast %add3A_1787 : vector<16xi32> to vector<1x16xi32>
    tpu.vector_store %arg10[%swap3A_1789, %swap3A_1790], %swap3A_1793 {strides = array<i32>} : memref<4x128xi32, #tpu.memory_space<vmem>>, vector<1x16xi32>,
    %get3A_1794 = arith.constant 368 : index
    %get3A_1795 = tpu.vector_load %arg6[%get3A_1794] {strides = array<i32>} : memref<512xi32, #tpu.memory_space<vmem>>, vector<16xi32>,
    %get3A_1796 = vector.shape_cast %get3A_1795 : vector<16xi32> to vector<16xi32>
    %get3A_1797 = arith.constant 368 : index
    %get3A_1798 = tpu.vector_load %arg8[%get3A_1797] {strides = array<i32>} : memref<512xi32, #tpu.memory_space<vmem>>, vector<16xi32>,
    %get3A_1799 = vector.shape_cast %get3A_1798 : vector<16xi32> to vector<16xi32>
    %mul3A_1800 = arith.constant 5 : i32
    %mul3A_1801 = vector.broadcast %mul3A_1800 : i32 to vector<16xi32>
    %mul3A_1802 = arith.muli %get3A_1796, %mul3A_1801 : vector<16xi32>
    %add3A_1803 = arith.addi %mul3A_1802, %get3A_1799 : vector<16xi32>
    %add3A_1804 = vector.broadcast %mul3A_4 : i32 to vector<16xi32>
    %add3A_1805 = arith.addi %add3A_1803, %add3A_1804 : vector<16xi32>
    %swap3A_1806 = arith.constant 2 : i32
    %swap3A_1807 = arith.index_cast %swap3A_1806 : i32 to index
    %swap3A_1808 = arith.constant 112 : index
    %swap3A_1809 = tpu.vector_load %arg10[%swap3A_1807, %swap3A_1808] {strides = array<i32>} : memref<4x128xi32, #tpu.memory_space<vmem>>, vector<1x16xi32>,
    %swap3A_1810 = vector.shape_cast %swap3A_1809 : vector<1x16xi32> to vector<16xi32>
    %swap3A_1811 = vector.shape_cast %add3A_1805 : vector<16xi32> to vector<1x16xi32>
    tpu.vector_store %arg10[%swap3A_1807, %swap3A_1808], %swap3A_1811 {strides = array<i32>} : memref<4x128xi32, #tpu.memory_space<vmem>>, vector<1x16xi32>,
    %get3A_1812 = arith.constant 384 : index
    %get3A_1813 = tpu.vector_load %arg6[%get3A_1812] {strides = array<i32>} : memref<512xi32, #tpu.memory_space<vmem>>, vector<16xi32>,
    %get3A_1814 = vector.shape_cast %get3A_1813 : vector<16xi32> to vector<16xi32>
    %get3A_1815 = arith.constant 384 : index
    %get3A_1816 = tpu.vector_load %arg8[%get3A_1815] {strides = array<i32>} : memref<512xi32, #tpu.memory_space<vmem>>, vector<16xi32>,
    %get3A_1817 = vector.shape_cast %get3A_1816 : vector<16xi32> to vector<16xi32>
    %mul3A_1818 = arith.constant 5 : i32
    %mul3A_1819 = vector.broadcast %mul3A_1818 : i32 to vector<16xi32>
    %mul3A_1820 = arith.muli %get3A_1814, %mul3A_1819 : vector<16xi32>
    %add3A_1821 = arith.addi %mul3A_1820, %get3A_1817 : vector<16xi32>
    %add3A_1822 = vector.broadcast %mul3A_4 : i32 to vector<16xi32>
    %add3A_1823 = arith.addi %add3A_1821, %add3A_1822 : vector<16xi32>
    %swap3A_1824 = arith.constant 3 : i32
    %swap3A_1825 = arith.index_cast %swap3A_1824 : i32 to index
    %swap3A_1826 = arith.constant 0 : index
    %swap3A_1827 = tpu.vector_load %arg10[%swap3A_1825, %swap3A_1826] {strides = array<i32>} : memref<4x128xi32, #tpu.memory_space<vmem>>, vector<1x16xi32>,
    %swap3A_1828 = vector.shape_cast %swap3A_1827 : vector<1x16xi32> to vector<16xi32>
    %swap3A_1829 = vector.shape_cast %add3A_1823 : vector<16xi32> to vector<1x16xi32>
    tpu.vector_store %arg10[%swap3A_1825, %swap3A_1826], %swap3A_1829 {strides = array<i32>} : memref<4x128xi32, #tpu.memory_space<vmem>>, vector<1x16xi32>,
    %get3A_1830 = arith.constant 400 : index
    %get3A_1831 = tpu.vector_load %arg6[%get3A_1830] {strides = array<i32>} : memref<512xi32, #tpu.memory_space<vmem>>, vector<16xi32>,
    %get3A_1832 = vector.shape_cast %get3A_1831 : vector<16xi32> to vector<16xi32>
    %get3A_1833 = arith.constant 400 : index
    %get3A_1834 = tpu.vector_load %arg8[%get3A_1833] {strides = array<i32>} : memref<512xi32, #tpu.memory_space<vmem>>, vector<16xi32>,
    %get3A_1835 = vector.shape_cast %get3A_1834 : vector<16xi32> to vector<16xi32>
    %mul3A_1836 = arith.constant 5 : i32
    %mul3A_1837 = vector.broadcast %mul3A_1836 : i32 to vector<16xi32>
    %mul3A_1838 = arith.muli %get3A_1832, %mul3A_1837 : vector<16xi32>
    %add3A_1839 = arith.addi %mul3A_1838, %get3A_1835 : vector<16xi32>
    %add3A_1840 = vector.broadcast %mul3A_4 : i32 to vector<16xi32>
    %add3A_1841 = arith.addi %add3A_1839, %add3A_1840 : vector<16xi32>
    %swap3A_1842 = arith.constant 3 : i32
    %swap3A_1843 = arith.index_cast %swap3A_1842 : i32 to index
    %swap3A_1844 = arith.constant 16 : index
    %swap3A_1845 = tpu.vector_load %arg10[%swap3A_1843, %swap3A_1844] {strides = array<i32>} : memref<4x128xi32, #tpu.memory_space<vmem>>, vector<1x16xi32>,
    %swap3A_1846 = vector.shape_cast %swap3A_1845 : vector<1x16xi32> to vector<16xi32>
    %swap3A_1847 = vector.shape_cast %add3A_1841 : vector<16xi32> to vector<1x16xi32>
    tpu.vector_store %arg10[%swap3A_1843, %swap3A_1844], %swap3A_1847 {strides = array<i32>} : memref<4x128xi32, #tpu.memory_space<vmem>>, vector<1x16xi32>,
    %get3A_1848 = arith.constant 416 : index
    %get3A_1849 = tpu.vector_load %arg6[%get3A_1848] {strides = array<i32>} : memref<512xi32, #tpu.memory_space<vmem>>, vector<16xi32>,
    %get3A_1850 = vector.shape_cast %get3A_1849 : vector<16xi32> to vector<16xi32>
    %get3A_1851 = arith.constant 416 : index
    %get3A_1852 = tpu.vector_load %arg8[%get3A_1851] {strides = array<i32>} : memref<512xi32, #tpu.memory_space<vmem>>, vector<16xi32>,
    %get3A_1853 = vector.shape_cast %get3A_1852 : vector<16xi32> to vector<16xi32>
    %mul3A_1854 = arith.constant 5 : i32
    %mul3A_1855 = vector.broadcast %mul3A_1854 : i32 to vector<16xi32>
    %mul3A_1856 = arith.muli %get3A_1850, %mul3A_1855 : vector<16xi32>
    %add3A_1857 = arith.addi %mul3A_1856, %get3A_1853 : vector<16xi32>
    %add3A_1858 = vector.broadcast %mul3A_4 : i32 to vector<16xi32>
    %add3A_1859 = arith.addi %add3A_1857, %add3A_1858 : vector<16xi32>
    %swap3A_1860 = arith.constant 3 : i32
    %swap3A_1861 = arith.index_cast %swap3A_1860 : i32 to index
    %swap3A_1862 = arith.constant 32 : index
    %swap3A_1863 = tpu.vector_load %arg10[%swap3A_1861, %swap3A_1862] {strides = array<i32>} : memref<4x128xi32, #tpu.memory_space<vmem>>, vector<1x16xi32>,
    %swap3A_1864 = vector.shape_cast %swap3A_1863 : vector<1x16xi32> to vector<16xi32>
    %swap3A_1865 = vector.shape_cast %add3A_1859 : vector<16xi32> to vector<1x16xi32>
    tpu.vector_store %arg10[%swap3A_1861, %swap3A_1862], %swap3A_1865 {strides = array<i32>} : memref<4x128xi32, #tpu.memory_space<vmem>>, vector<1x16xi32>,
    %get3A_1866 = arith.constant 432 : index
    %get3A_1867 = tpu.vector_load %arg6[%get3A_1866] {strides = array<i32>} : memref<512xi32, #tpu.memory_space<vmem>>, vector<16xi32>,
    %get3A_1868 = vector.shape_cast %get3A_1867 : vector<16xi32> to vector<16xi32>
    %get3A_1869 = arith.constant 432 : index
    %get3A_1870 = tpu.vector_load %arg8[%get3A_1869] {strides = array<i32>} : memref<512xi32, #tpu.memory_space<vmem>>, vector<16xi32>,
    %get3A_1871 = vector.shape_cast %get3A_1870 : vector<16xi32> to vector<16xi32>
    %mul3A_1872 = arith.constant 5 : i32
    %mul3A_1873 = vector.broadcast %mul3A_1872 : i32 to vector<16xi32>
    %mul3A_1874 = arith.muli %get3A_1868, %mul3A_1873 : vector<16xi32>
    %add3A_1875 = arith.addi %mul3A_1874, %get3A_1871 : vector<16xi32>
    %add3A_1876 = vector.broadcast %mul3A_4 : i32 to vector<16xi32>
    %add3A_1877 = arith.addi %add3A_1875, %add3A_1876 : vector<16xi32>
    %swap3A_1878 = arith.constant 3 : i32
    %swap3A_1879 = arith.index_cast %swap3A_1878 : i32 to index
    %swap3A_1880 = arith.constant 48 : index
    %swap3A_1881 = tpu.vector_load %arg10[%swap3A_1879, %swap3A_1880] {strides = array<i32>} : memref<4x128xi32, #tpu.memory_space<vmem>>, vector<1x16xi32>,
    %swap3A_1882 = vector.shape_cast %swap3A_1881 : vector<1x16xi32> to vector<16xi32>
    %swap3A_1883 = vector.shape_cast %add3A_1877 : vector<16xi32> to vector<1x16xi32>
    tpu.vector_store %arg10[%swap3A_1879, %swap3A_1880], %swap3A_1883 {strides = array<i32>} : memref<4x128xi32, #tpu.memory_space<vmem>>, vector<1x16xi32>,
    %get3A_1884 = arith.constant 448 : index
    %get3A_1885 = tpu.vector_load %arg6[%get3A_1884] {strides = array<i32>} : memref<512xi32, #tpu.memory_space<vmem>>, vector<16xi32>,
    %get3A_1886 = vector.shape_cast %get3A_1885 : vector<16xi32> to vector<16xi32>
    %get3A_1887 = arith.constant 448 : index
    %get3A_1888 = tpu.vector_load %arg8[%get3A_1887] {strides = array<i32>} : memref<512xi32, #tpu.memory_space<vmem>>, vector<16xi32>,
    %get3A_1889 = vector.shape_cast %get3A_1888 : vector<16xi32> to vector<16xi32>
    %mul3A_1890 = arith.constant 5 : i32
    %mul3A_1891 = vector.broadcast %mul3A_1890 : i32 to vector<16xi32>
    %mul3A_1892 = arith.muli %get3A_1886, %mul3A_1891 : vector<16xi32>
    %add3A_1893 = arith.addi %mul3A_1892, %get3A_1889 : vector<16xi32>
    %add3A_1894 = vector.broadcast %mul3A_4 : i32 to vector<16xi32>
    %add3A_1895 = arith.addi %add3A_1893, %add3A_1894 : vector<16xi32>
    %swap3A_1896 = arith.constant 3 : i32
    %swap3A_1897 = arith.index_cast %swap3A_1896 : i32 to index
    %swap3A_1898 = arith.constant 64 : index
    %swap3A_1899 = tpu.vector_load %arg10[%swap3A_1897, %swap3A_1898] {strides = array<i32>} : memref<4x128xi32, #tpu.memory_space<vmem>>, vector<1x16xi32>,
    %swap3A_1900 = vector.shape_cast %swap3A_1899 : vector<1x16xi32> to vector<16xi32>
    %swap3A_1901 = vector.shape_cast %add3A_1895 : vector<16xi32> to vector<1x16xi32>
    tpu.vector_store %arg10[%swap3A_1897, %swap3A_1898], %swap3A_1901 {strides = array<i32>} : memref<4x128xi32, #tpu.memory_space<vmem>>, vector<1x16xi32>,
    %get3A_1902 = arith.constant 464 : index
    %get3A_1903 = tpu.vector_load %arg6[%get3A_1902] {strides = array<i32>} : memref<512xi32, #tpu.memory_space<vmem>>, vector<16xi32>,
    %get3A_1904 = vector.shape_cast %get3A_1903 : vector<16xi32> to vector<16xi32>
    %get3A_1905 = arith.constant 464 : index
    %get3A_1906 = tpu.vector_load %arg8[%get3A_1905] {strides = array<i32>} : memref<512xi32, #tpu.memory_space<vmem>>, vector<16xi32>,
    %get3A_1907 = vector.shape_cast %get3A_1906 : vector<16xi32> to vector<16xi32>
    %mul3A_1908 = arith.constant 5 : i32
    %mul3A_1909 = vector.broadcast %mul3A_1908 : i32 to vector<16xi32>
    %mul3A_1910 = arith.muli %get3A_1904, %mul3A_1909 : vector<16xi32>
    %add3A_1911 = arith.addi %mul3A_1910, %get3A_1907 : vector<16xi32>
    %add3A_1912 = vector.broadcast %mul3A_4 : i32 to vector<16xi32>
    %add3A_1913 = arith.addi %add3A_1911, %add3A_1912 : vector<16xi32>
    %swap3A_1914 = arith.constant 3 : i32
    %swap3A_1915 = arith.index_cast %swap3A_1914 : i32 to index
    %swap3A_1916 = arith.constant 80 : index
    %swap3A_1917 = tpu.vector_load %arg10[%swap3A_1915, %swap3A_1916] {strides = array<i32>} : memref<4x128xi32, #tpu.memory_space<vmem>>, vector<1x16xi32>,
    %swap3A_1918 = vector.shape_cast %swap3A_1917 : vector<1x16xi32> to vector<16xi32>
    %swap3A_1919 = vector.shape_cast %add3A_1913 : vector<16xi32> to vector<1x16xi32>
    tpu.vector_store %arg10[%swap3A_1915, %swap3A_1916], %swap3A_1919 {strides = array<i32>} : memref<4x128xi32, #tpu.memory_space<vmem>>, vector<1x16xi32>,
    %get3A_1920 = arith.constant 480 : index
    %get3A_1921 = tpu.vector_load %arg6[%get3A_1920] {strides = array<i32>} : memref<512xi32, #tpu.memory_space<vmem>>, vector<16xi32>,
    %get3A_1922 = vector.shape_cast %get3A_1921 : vector<16xi32> to vector<16xi32>
    %get3A_1923 = arith.constant 480 : index
    %get3A_1924 = tpu.vector_load %arg8[%get3A_1923] {strides = array<i32>} : memref<512xi32, #tpu.memory_space<vmem>>, vector<16xi32>,
    %get3A_1925 = vector.shape_cast %get3A_1924 : vector<16xi32> to vector<16xi32>
    %mul3A_1926 = arith.constant 5 : i32
    %mul3A_1927 = vector.broadcast %mul3A_1926 : i32 to vector<16xi32>
    %mul3A_1928 = arith.muli %get3A_1922, %mul3A_1927 : vector<16xi32>
    %add3A_1929 = arith.addi %mul3A_1928, %get3A_1925 : vector<16xi32>
    %add3A_1930 = vector.broadcast %mul3A_4 : i32 to vector<16xi32>
    %add3A_1931 = arith.addi %add3A_1929, %add3A_1930 : vector<16xi32>
    %swap3A_1932 = arith.constant 3 : i32
    %swap3A_1933 = arith.index_cast %swap3A_1932 : i32 to index
    %swap3A_1934 = arith.constant 96 : index
    %swap3A_1935 = tpu.vector_load %arg10[%swap3A_1933, %swap3A_1934] {strides = array<i32>} : memref<4x128xi32, #tpu.memory_space<vmem>>, vector<1x16xi32>,
    %swap3A_1936 = vector.shape_cast %swap3A_1935 : vector<1x16xi32> to vector<16xi32>
    %swap3A_1937 = vector.shape_cast %add3A_1931 : vector<16xi32> to vector<1x16xi32>
    tpu.vector_store %arg10[%swap3A_1933, %swap3A_1934], %swap3A_1937 {strides = array<i32>} : memref<4x128xi32, #tpu.memory_space<vmem>>, vector<1x16xi32>,
    %get3A_1938 = arith.constant 496 : index
    %get3A_1939 = tpu.vector_load %arg6[%get3A_1938] {strides = array<i32>} : memref<512xi32, #tpu.memory_space<vmem>>, vector<16xi32>,
    %get3A_1940 = vector.shape_cast %get3A_1939 : vector<16xi32> to vector<16xi32>
    %get3A_1941 = arith.constant 496 : index
    %get3A_1942 = tpu.vector_load %arg8[%get3A_1941] {strides = array<i32>} : memref<512xi32, #tpu.memory_space<vmem>>, vector<16xi32>,
    %get3A_1943 = vector.shape_cast %get3A_1942 : vector<16xi32> to vector<16xi32>
    %mul3A_1944 = arith.constant 5 : i32
    %mul3A_1945 = vector.broadcast %mul3A_1944 : i32 to vector<16xi32>
    %mul3A_1946 = arith.muli %get3A_1940, %mul3A_1945 : vector<16xi32>
    %add3A_1947 = arith.addi %mul3A_1946, %get3A_1943 : vector<16xi32>
    %add3A_1948 = vector.broadcast %mul3A_4 : i32 to vector<16xi32>
    %add3A_1949 = arith.addi %add3A_1947, %add3A_1948 : vector<16xi32>
    %swap3A_1950 = arith.constant 3 : i32
    %swap3A_1951 = arith.index_cast %swap3A_1950 : i32 to index
    %swap3A_1952 = arith.constant 112 : index
    %swap3A_1953 = tpu.vector_load %arg10[%swap3A_1951, %swap3A_1952] {strides = array<i32>} : memref<4x128xi32, #tpu.memory_space<vmem>>, vector<1x16xi32>,
    %swap3A_1954 = vector.shape_cast %swap3A_1953 : vector<1x16xi32> to vector<16xi32>
    %swap3A_1955 = vector.shape_cast %add3A_1949 : vector<16xi32> to vector<1x16xi32>
    tpu.vector_store %arg10[%swap3A_1951, %swap3A_1952], %swap3A_1955 {strides = array<i32>} : memref<4x128xi32, #tpu.memory_space<vmem>>, vector<1x16xi32>,
    %dma_wait3A_1956 = arith.constant 0 : i32
    %dma_wait3A_1957 = arith.constant 0 : i32
    %dma_wait3A_1958 = tpu.memref_slice %arg5[%dma_wait3A_1956, %dma_wait3A_1957] : memref<3276800x64xf32, #tpu.memory_space<hbm>> -> memref<512x64xf32, #tpu.memory_space<hbm>>
    %dma_wait3A_1959 = arith.constant 0 : i32
    %dma_wait3A_1960 = arith.constant 0 : i32
    %dma_wait3A_1961 = tpu.memref_slice %arg5[%dma_wait3A_1959, %dma_wait3A_1960] : memref<3276800x64xf32, #tpu.memory_space<hbm>> -> memref<512x64xf32, #tpu.memory_space<hbm>>
    tpu.wait_dma2 semaphore(%arg19 : memref<!tpu.dma_semaphore, #tpu.memory_space<semaphore_mem>>) src(%arg12 : memref<512x64xf32, #tpu.memory_space<vmem>>) dst(%dma_wait3A_1961 : memref<512x64xf32, #tpu.memory_space<hbm>>)
    %dma_start3A_1962 = arith.constant 0 : i32
    %dma_start3A_1963 = arith.constant 0 : i32
    %dma_start3A_1964 = arith.constant 0 : i32
    %dma_start3A_1965 = tpu.memref_slice %arg12[%dma_start3A_1963, %dma_start3A_1964] : memref<512x64xf32, #tpu.memory_space<vmem>> -> memref<128x64xf32, #tpu.memory_space<vmem>>
    %dma_start3A_1966 = arith.constant 0 : i32
    %dma_start3A_1967 = tpu.memref_slice %arg10[%dma_start3A_1962, %dma_start3A_1966] : memref<4x128xi32, #tpu.memory_space<vmem>> -> memref<1x128xi32, #tpu.memory_space<vmem>>
    %dma_start3A_1968 = tpu.memref_squeeze %dma_start3A_1967 : memref<1x128xi32, #tpu.memory_space<vmem>> -> memref<128xi32, #tpu.memory_space<vmem>>
    %dma_start3A_1969 = arith.constant 0 : i32
    %dma_start3A_1970 = arith.constant 0 : i32
    %dma_start3A_1971 = tpu.memref_slice %arg14[%dma_start3A_1969, %dma_start3A_1970] : memref<2304x64xf32, #tpu.memory_space<vmem_shared>> -> memref<2304x64xf32, #tpu.memory_space<vmem_shared>>
    tpu.enqueue_indirect_dma source(%dma_start3A_1971 : memref<2304x64xf32, #tpu.memory_space<vmem_shared>>) target(%dma_start3A_1965 : memref<128x64xf32, #tpu.memory_space<vmem>>) offsets(%dma_start3A_1968 : memref<128xi32, #tpu.memory_space<vmem>>) semaphore(%arg17 : memref<!tpu.dma_semaphore, #tpu.memory_space<semaphore_mem>>)
    %dma_start3A_1972 = arith.constant 1 : i32
    %dma_start3A_1973 = arith.constant 128 : i32
    %dma_start3A_1974 = arith.constant 0 : i32
    %dma_start3A_1975 = tpu.memref_slice %arg12[%dma_start3A_1973, %dma_start3A_1974] : memref<512x64xf32, #tpu.memory_space<vmem>> -> memref<128x64xf32, #tpu.memory_space<vmem>>
    %dma_start3A_1976 = arith.constant 0 : i32
    %dma_start3A_1977 = tpu.memref_slice %arg10[%dma_start3A_1972, %dma_start3A_1976] : memref<4x128xi32, #tpu.memory_space<vmem>> -> memref<1x128xi32, #tpu.memory_space<vmem>>
    %dma_start3A_1978 = tpu.memref_squeeze %dma_start3A_1977 : memref<1x128xi32, #tpu.memory_space<vmem>> -> memref<128xi32, #tpu.memory_space<vmem>>
    %dma_start3A_1979 = arith.constant 0 : i32
    %dma_start3A_1980 = arith.constant 0 : i32
    %dma_start3A_1981 = tpu.memref_slice %arg14[%dma_start3A_1979, %dma_start3A_1980] : memref<2304x64xf32, #tpu.memory_space<vmem_shared>> -> memref<2304x64xf32, #tpu.memory_space<vmem_shared>>
    tpu.enqueue_indirect_dma source(%dma_start3A_1981 : memref<2304x64xf32, #tpu.memory_space<vmem_shared>>) target(%dma_start3A_1975 : memref<128x64xf32, #tpu.memory_space<vmem>>) offsets(%dma_start3A_1978 : memref<128xi32, #tpu.memory_space<vmem>>) semaphore(%arg17 : memref<!tpu.dma_semaphore, #tpu.memory_space<semaphore_mem>>)
    %dma_start3A_1982 = arith.constant 2 : i32
    %dma_start3A_1983 = arith.constant 256 : i32
    %dma_start3A_1984 = arith.constant 0 : i32
    %dma_start3A_1985 = tpu.memref_slice %arg12[%dma_start3A_1983, %dma_start3A_1984] : memref<512x64xf32, #tpu.memory_space<vmem>> -> memref<128x64xf32, #tpu.memory_space<vmem>>
    %dma_start3A_1986 = arith.constant 0 : i32
    %dma_start3A_1987 = tpu.memref_slice %arg10[%dma_start3A_1982, %dma_start3A_1986] : memref<4x128xi32, #tpu.memory_space<vmem>> -> memref<1x128xi32, #tpu.memory_space<vmem>>
    %dma_start3A_1988 = tpu.memref_squeeze %dma_start3A_1987 : memref<1x128xi32, #tpu.memory_space<vmem>> -> memref<128xi32, #tpu.memory_space<vmem>>
    %dma_start3A_1989 = arith.constant 0 : i32
    %dma_start3A_1990 = arith.constant 0 : i32
    %dma_start3A_1991 = tpu.memref_slice %arg14[%dma_start3A_1989, %dma_start3A_1990] : memref<2304x64xf32, #tpu.memory_space<vmem_shared>> -> memref<2304x64xf32, #tpu.memory_space<vmem_shared>>
    tpu.enqueue_indirect_dma source(%dma_start3A_1991 : memref<2304x64xf32, #tpu.memory_space<vmem_shared>>) target(%dma_start3A_1985 : memref<128x64xf32, #tpu.memory_space<vmem>>) offsets(%dma_start3A_1988 : memref<128xi32, #tpu.memory_space<vmem>>) semaphore(%arg17 : memref<!tpu.dma_semaphore, #tpu.memory_space<semaphore_mem>>)
    %dma_start3A_1992 = arith.constant 3 : i32
    %dma_start3A_1993 = arith.constant 384 : i32
    %dma_start3A_1994 = arith.constant 0 : i32
    %dma_start3A_1995 = tpu.memref_slice %arg12[%dma_start3A_1993, %dma_start3A_1994] : memref<512x64xf32, #tpu.memory_space<vmem>> -> memref<128x64xf32, #tpu.memory_space<vmem>>
    %dma_start3A_1996 = arith.constant 0 : i32
    %dma_start3A_1997 = tpu.memref_slice %arg10[%dma_start3A_1992, %dma_start3A_1996] : memref<4x128xi32, #tpu.memory_space<vmem>> -> memref<1x128xi32, #tpu.memory_space<vmem>>
    %dma_start3A_1998 = tpu.memref_squeeze %dma_start3A_1997 : memref<1x128xi32, #tpu.memory_space<vmem>> -> memref<128xi32, #tpu.memory_space<vmem>>
    %dma_start3A_1999 = arith.constant 0 : i32
    %dma_start3A_2000 = arith.constant 0 : i32
    %dma_start3A_2001 = tpu.memref_slice %arg14[%dma_start3A_1999, %dma_start3A_2000] : memref<2304x64xf32, #tpu.memory_space<vmem_shared>> -> memref<2304x64xf32, #tpu.memory_space<vmem_shared>>
    tpu.enqueue_indirect_dma source(%dma_start3A_2001 : memref<2304x64xf32, #tpu.memory_space<vmem_shared>>) target(%dma_start3A_1995 : memref<128x64xf32, #tpu.memory_space<vmem>>) offsets(%dma_start3A_1998 : memref<128xi32, #tpu.memory_space<vmem>>) semaphore(%arg17 : memref<!tpu.dma_semaphore, #tpu.memory_space<semaphore_mem>>)
    %dma_wait3A_2002 = arith.constant 0 : i32
    %dma_wait3A_2003 = tpu.memref_slice %arg2[%dma_wait3A_2002] : memref<3276800xi32, #tpu.memory_space<hbm>> -> memref<512xi32, #tpu.memory_space<hbm>>
    %dma_wait3A_2004 = arith.constant 0 : i32
    %dma_wait3A_2005 = tpu.memref_slice %arg2[%dma_wait3A_2004] : memref<3276800xi32, #tpu.memory_space<hbm>> -> memref<512xi32, #tpu.memory_space<hbm>>
    tpu.wait_dma2 semaphore(%arg16 : memref<!tpu.dma_semaphore, #tpu.memory_space<semaphore_mem>>) src(%dma_wait3A_2005 : memref<512xi32, #tpu.memory_space<hbm>>) dst(%arg7 : memref<512xi32, #tpu.memory_space<vmem>>)
    %dma_wait3A_2006 = arith.constant 0 : i32
    %dma_wait3A_2007 = tpu.memref_slice %arg3[%dma_wait3A_2006] : memref<3276800xi32, #tpu.memory_space<hbm>> -> memref<512xi32, #tpu.memory_space<hbm>>
    %dma_wait3A_2008 = arith.constant 0 : i32
    %dma_wait3A_2009 = tpu.memref_slice %arg3[%dma_wait3A_2008] : memref<3276800xi32, #tpu.memory_space<hbm>> -> memref<512xi32, #tpu.memory_space<hbm>>
    tpu.wait_dma2 semaphore(%arg16 : memref<!tpu.dma_semaphore, #tpu.memory_space<semaphore_mem>>) src(%dma_wait3A_2009 : memref<512xi32, #tpu.memory_space<hbm>>) dst(%arg9 : memref<512xi32, #tpu.memory_space<vmem>>)
    %get3A_2010 = arith.constant 0 : index
    %get3A_2011 = tpu.vector_load %arg7[%get3A_2010] {strides = array<i32>} : memref<512xi32, #tpu.memory_space<vmem>>, vector<16xi32>,
    %get3A_2012 = vector.shape_cast %get3A_2011 : vector<16xi32> to vector<16xi32>
    %get3A_2013 = arith.constant 0 : index
    %get3A_2014 = tpu.vector_load %arg9[%get3A_2013] {strides = array<i32>} : memref<512xi32, #tpu.memory_space<vmem>>, vector<16xi32>,
    %get3A_2015 = vector.shape_cast %get3A_2014 : vector<16xi32> to vector<16xi32>
    %mul3A_2016 = arith.constant 5 : i32
    %mul3A_2017 = vector.broadcast %mul3A_2016 : i32 to vector<16xi32>
    %mul3A_2018 = arith.muli %get3A_2012, %mul3A_2017 : vector<16xi32>
    %add3A_2019 = arith.addi %mul3A_2018, %get3A_2015 : vector<16xi32>
    %add3A_2020 = vector.broadcast %mul3A_4 : i32 to vector<16xi32>
    %add3A_2021 = arith.addi %add3A_2019, %add3A_2020 : vector<16xi32>
    %swap3A_2022 = arith.constant 0 : i32
    %swap3A_2023 = arith.index_cast %swap3A_2022 : i32 to index
    %swap3A_2024 = arith.constant 0 : index
    %swap3A_2025 = tpu.vector_load %arg11[%swap3A_2023, %swap3A_2024] {strides = array<i32>} : memref<4x128xi32, #tpu.memory_space<vmem>>, vector<1x16xi32>,
    %swap3A_2026 = vector.shape_cast %swap3A_2025 : vector<1x16xi32> to vector<16xi32>
    %swap3A_2027 = vector.shape_cast %add3A_2021 : vector<16xi32> to vector<1x16xi32>
    tpu.vector_store %arg11[%swap3A_2023, %swap3A_2024], %swap3A_2027 {strides = array<i32>} : memref<4x128xi32, #tpu.memory_space<vmem>>, vector<1x16xi32>,
    %get3A_2028 = arith.constant 16 : index
    %get3A_2029 = tpu.vector_load %arg7[%get3A_2028] {strides = array<i32>} : memref<512xi32, #tpu.memory_space<vmem>>, vector<16xi32>,
    %get3A_2030 = vector.shape_cast %get3A_2029 : vector<16xi32> to vector<16xi32>
    %get3A_2031 = arith.constant 16 : index
    %get3A_2032 = tpu.vector_load %arg9[%get3A_2031] {strides = array<i32>} : memref<512xi32, #tpu.memory_space<vmem>>, vector<16xi32>,
    %get3A_2033 = vector.shape_cast %get3A_2032 : vector<16xi32> to vector<16xi32>
    %mul3A_2034 = arith.constant 5 : i32
    %mul3A_2035 = vector.broadcast %mul3A_2034 : i32 to vector<16xi32>
    %mul3A_2036 = arith.muli %get3A_2030, %mul3A_2035 : vector<16xi32>
    %add3A_2037 = arith.addi %mul3A_2036, %get3A_2033 : vector<16xi32>
    %add3A_2038 = vector.broadcast %mul3A_4 : i32 to vector<16xi32>
    %add3A_2039 = arith.addi %add3A_2037, %add3A_2038 : vector<16xi32>
    %swap3A_2040 = arith.constant 0 : i32
    %swap3A_2041 = arith.index_cast %swap3A_2040 : i32 to index
    %swap3A_2042 = arith.constant 16 : index
    %swap3A_2043 = tpu.vector_load %arg11[%swap3A_2041, %swap3A_2042] {strides = array<i32>} : memref<4x128xi32, #tpu.memory_space<vmem>>, vector<1x16xi32>,
    %swap3A_2044 = vector.shape_cast %swap3A_2043 : vector<1x16xi32> to vector<16xi32>
    %swap3A_2045 = vector.shape_cast %add3A_2039 : vector<16xi32> to vector<1x16xi32>
    tpu.vector_store %arg11[%swap3A_2041, %swap3A_2042], %swap3A_2045 {strides = array<i32>} : memref<4x128xi32, #tpu.memory_space<vmem>>, vector<1x16xi32>,
    %get3A_2046 = arith.constant 32 : index
    %get3A_2047 = tpu.vector_load %arg7[%get3A_2046] {strides = array<i32>} : memref<512xi32, #tpu.memory_space<vmem>>, vector<16xi32>,
    %get3A_2048 = vector.shape_cast %get3A_2047 : vector<16xi32> to vector<16xi32>
    %get3A_2049 = arith.constant 32 : index
    %get3A_2050 = tpu.vector_load %arg9[%get3A_2049] {strides = array<i32>} : memref<512xi32, #tpu.memory_space<vmem>>, vector<16xi32>,
    %get3A_2051 = vector.shape_cast %get3A_2050 : vector<16xi32> to vector<16xi32>
    %mul3A_2052 = arith.constant 5 : i32
    %mul3A_2053 = vector.broadcast %mul3A_2052 : i32 to vector<16xi32>
    %mul3A_2054 = arith.muli %get3A_2048, %mul3A_2053 : vector<16xi32>
    %add3A_2055 = arith.addi %mul3A_2054, %get3A_2051 : vector<16xi32>
    %add3A_2056 = vector.broadcast %mul3A_4 : i32 to vector<16xi32>
    %add3A_2057 = arith.addi %add3A_2055, %add3A_2056 : vector<16xi32>
    %swap3A_2058 = arith.constant 0 : i32
    %swap3A_2059 = arith.index_cast %swap3A_2058 : i32 to index
    %swap3A_2060 = arith.constant 32 : index
    %swap3A_2061 = tpu.vector_load %arg11[%swap3A_2059, %swap3A_2060] {strides = array<i32>} : memref<4x128xi32, #tpu.memory_space<vmem>>, vector<1x16xi32>,
    %swap3A_2062 = vector.shape_cast %swap3A_2061 : vector<1x16xi32> to vector<16xi32>
    %swap3A_2063 = vector.shape_cast %add3A_2057 : vector<16xi32> to vector<1x16xi32>
    tpu.vector_store %arg11[%swap3A_2059, %swap3A_2060], %swap3A_2063 {strides = array<i32>} : memref<4x128xi32, #tpu.memory_space<vmem>>, vector<1x16xi32>,
    %get3A_2064 = arith.constant 48 : index
    %get3A_2065 = tpu.vector_load %arg7[%get3A_2064] {strides = array<i32>} : memref<512xi32, #tpu.memory_space<vmem>>, vector<16xi32>,
    %get3A_2066 = vector.shape_cast %get3A_2065 : vector<16xi32> to vector<16xi32>
    %get3A_2067 = arith.constant 48 : index
    %get3A_2068 = tpu.vector_load %arg9[%get3A_2067] {strides = array<i32>} : memref<512xi32, #tpu.memory_space<vmem>>, vector<16xi32>,
    %get3A_2069 = vector.shape_cast %get3A_2068 : vector<16xi32> to vector<16xi32>
    %mul3A_2070 = arith.constant 5 : i32
    %mul3A_2071 = vector.broadcast %mul3A_2070 : i32 to vector<16xi32>
    %mul3A_2072 = arith.muli %get3A_2066, %mul3A_2071 : vector<16xi32>
    %add3A_2073 = arith.addi %mul3A_2072, %get3A_2069 : vector<16xi32>
    %add3A_2074 = vector.broadcast %mul3A_4 : i32 to vector<16xi32>
    %add3A_2075 = arith.addi %add3A_2073, %add3A_2074 : vector<16xi32>
    %swap3A_2076 = arith.constant 0 : i32
    %swap3A_2077 = arith.index_cast %swap3A_2076 : i32 to index
    %swap3A_2078 = arith.constant 48 : index
    %swap3A_2079 = tpu.vector_load %arg11[%swap3A_2077, %swap3A_2078] {strides = array<i32>} : memref<4x128xi32, #tpu.memory_space<vmem>>, vector<1x16xi32>,
    %swap3A_2080 = vector.shape_cast %swap3A_2079 : vector<1x16xi32> to vector<16xi32>
    %swap3A_2081 = vector.shape_cast %add3A_2075 : vector<16xi32> to vector<1x16xi32>
    tpu.vector_store %arg11[%swap3A_2077, %swap3A_2078], %swap3A_2081 {strides = array<i32>} : memref<4x128xi32, #tpu.memory_space<vmem>>, vector<1x16xi32>,
    %get3A_2082 = arith.constant 64 : index
    %get3A_2083 = tpu.vector_load %arg7[%get3A_2082] {strides = array<i32>} : memref<512xi32, #tpu.memory_space<vmem>>, vector<16xi32>,
    %get3A_2084 = vector.shape_cast %get3A_2083 : vector<16xi32> to vector<16xi32>
    %get3A_2085 = arith.constant 64 : index
    %get3A_2086 = tpu.vector_load %arg9[%get3A_2085] {strides = array<i32>} : memref<512xi32, #tpu.memory_space<vmem>>, vector<16xi32>,
    %get3A_2087 = vector.shape_cast %get3A_2086 : vector<16xi32> to vector<16xi32>
    %mul3A_2088 = arith.constant 5 : i32
    %mul3A_2089 = vector.broadcast %mul3A_2088 : i32 to vector<16xi32>
    %mul3A_2090 = arith.muli %get3A_2084, %mul3A_2089 : vector<16xi32>
    %add3A_2091 = arith.addi %mul3A_2090, %get3A_2087 : vector<16xi32>
    %add3A_2092 = vector.broadcast %mul3A_4 : i32 to vector<16xi32>
    %add3A_2093 = arith.addi %add3A_2091, %add3A_2092 : vector<16xi32>
    %swap3A_2094 = arith.constant 0 : i32
    %swap3A_2095 = arith.index_cast %swap3A_2094 : i32 to index
    %swap3A_2096 = arith.constant 64 : index
    %swap3A_2097 = tpu.vector_load %arg11[%swap3A_2095, %swap3A_2096] {strides = array<i32>} : memref<4x128xi32, #tpu.memory_space<vmem>>, vector<1x16xi32>,
    %swap3A_2098 = vector.shape_cast %swap3A_2097 : vector<1x16xi32> to vector<16xi32>
    %swap3A_2099 = vector.shape_cast %add3A_2093 : vector<16xi32> to vector<1x16xi32>
    tpu.vector_store %arg11[%swap3A_2095, %swap3A_2096], %swap3A_2099 {strides = array<i32>} : memref<4x128xi32, #tpu.memory_space<vmem>>, vector<1x16xi32>,
    %get3A_2100 = arith.constant 80 : index
    %get3A_2101 = tpu.vector_load %arg7[%get3A_2100] {strides = array<i32>} : memref<512xi32, #tpu.memory_space<vmem>>, vector<16xi32>,
    %get3A_2102 = vector.shape_cast %get3A_2101 : vector<16xi32> to vector<16xi32>
    %get3A_2103 = arith.constant 80 : index
    %get3A_2104 = tpu.vector_load %arg9[%get3A_2103] {strides = array<i32>} : memref<512xi32, #tpu.memory_space<vmem>>, vector<16xi32>,
    %get3A_2105 = vector.shape_cast %get3A_2104 : vector<16xi32> to vector<16xi32>
    %mul3A_2106 = arith.constant 5 : i32
    %mul3A_2107 = vector.broadcast %mul3A_2106 : i32 to vector<16xi32>
    %mul3A_2108 = arith.muli %get3A_2102, %mul3A_2107 : vector<16xi32>
    %add3A_2109 = arith.addi %mul3A_2108, %get3A_2105 : vector<16xi32>
    %add3A_2110 = vector.broadcast %mul3A_4 : i32 to vector<16xi32>
    %add3A_2111 = arith.addi %add3A_2109, %add3A_2110 : vector<16xi32>
    %swap3A_2112 = arith.constant 0 : i32
    %swap3A_2113 = arith.index_cast %swap3A_2112 : i32 to index
    %swap3A_2114 = arith.constant 80 : index
    %swap3A_2115 = tpu.vector_load %arg11[%swap3A_2113, %swap3A_2114] {strides = array<i32>} : memref<4x128xi32, #tpu.memory_space<vmem>>, vector<1x16xi32>,
    %swap3A_2116 = vector.shape_cast %swap3A_2115 : vector<1x16xi32> to vector<16xi32>
    %swap3A_2117 = vector.shape_cast %add3A_2111 : vector<16xi32> to vector<1x16xi32>
    tpu.vector_store %arg11[%swap3A_2113, %swap3A_2114], %swap3A_2117 {strides = array<i32>} : memref<4x128xi32, #tpu.memory_space<vmem>>, vector<1x16xi32>,
    %get3A_2118 = arith.constant 96 : index
    %get3A_2119 = tpu.vector_load %arg7[%get3A_2118] {strides = array<i32>} : memref<512xi32, #tpu.memory_space<vmem>>, vector<16xi32>,
    %get3A_2120 = vector.shape_cast %get3A_2119 : vector<16xi32> to vector<16xi32>
    %get3A_2121 = arith.constant 96 : index
    %get3A_2122 = tpu.vector_load %arg9[%get3A_2121] {strides = array<i32>} : memref<512xi32, #tpu.memory_space<vmem>>, vector<16xi32>,
    %get3A_2123 = vector.shape_cast %get3A_2122 : vector<16xi32> to vector<16xi32>
    %mul3A_2124 = arith.constant 5 : i32
    %mul3A_2125 = vector.broadcast %mul3A_2124 : i32 to vector<16xi32>
    %mul3A_2126 = arith.muli %get3A_2120, %mul3A_2125 : vector<16xi32>
    %add3A_2127 = arith.addi %mul3A_2126, %get3A_2123 : vector<16xi32>
    %add3A_2128 = vector.broadcast %mul3A_4 : i32 to vector<16xi32>
    %add3A_2129 = arith.addi %add3A_2127, %add3A_2128 : vector<16xi32>
    %swap3A_2130 = arith.constant 0 : i32
    %swap3A_2131 = arith.index_cast %swap3A_2130 : i32 to index
    %swap3A_2132 = arith.constant 96 : index
    %swap3A_2133 = tpu.vector_load %arg11[%swap3A_2131, %swap3A_2132] {strides = array<i32>} : memref<4x128xi32, #tpu.memory_space<vmem>>, vector<1x16xi32>,
    %swap3A_2134 = vector.shape_cast %swap3A_2133 : vector<1x16xi32> to vector<16xi32>
    %swap3A_2135 = vector.shape_cast %add3A_2129 : vector<16xi32> to vector<1x16xi32>
    tpu.vector_store %arg11[%swap3A_2131, %swap3A_2132], %swap3A_2135 {strides = array<i32>} : memref<4x128xi32, #tpu.memory_space<vmem>>, vector<1x16xi32>,
    %get3A_2136 = arith.constant 112 : index
    %get3A_2137 = tpu.vector_load %arg7[%get3A_2136] {strides = array<i32>} : memref<512xi32, #tpu.memory_space<vmem>>, vector<16xi32>,
    %get3A_2138 = vector.shape_cast %get3A_2137 : vector<16xi32> to vector<16xi32>
    %get3A_2139 = arith.constant 112 : index
    %get3A_2140 = tpu.vector_load %arg9[%get3A_2139] {strides = array<i32>} : memref<512xi32, #tpu.memory_space<vmem>>, vector<16xi32>,
    %get3A_2141 = vector.shape_cast %get3A_2140 : vector<16xi32> to vector<16xi32>
    %mul3A_2142 = arith.constant 5 : i32
    %mul3A_2143 = vector.broadcast %mul3A_2142 : i32 to vector<16xi32>
    %mul3A_2144 = arith.muli %get3A_2138, %mul3A_2143 : vector<16xi32>
    %add3A_2145 = arith.addi %mul3A_2144, %get3A_2141 : vector<16xi32>
    %add3A_2146 = vector.broadcast %mul3A_4 : i32 to vector<16xi32>
    %add3A_2147 = arith.addi %add3A_2145, %add3A_2146 : vector<16xi32>
    %swap3A_2148 = arith.constant 0 : i32
    %swap3A_2149 = arith.index_cast %swap3A_2148 : i32 to index
    %swap3A_2150 = arith.constant 112 : index
    %swap3A_2151 = tpu.vector_load %arg11[%swap3A_2149, %swap3A_2150] {strides = array<i32>} : memref<4x128xi32, #tpu.memory_space<vmem>>, vector<1x16xi32>,
    %swap3A_2152 = vector.shape_cast %swap3A_2151 : vector<1x16xi32> to vector<16xi32>
    %swap3A_2153 = vector.shape_cast %add3A_2147 : vector<16xi32> to vector<1x16xi32>
    tpu.vector_store %arg11[%swap3A_2149, %swap3A_2150], %swap3A_2153 {strides = array<i32>} : memref<4x128xi32, #tpu.memory_space<vmem>>, vector<1x16xi32>,
    %get3A_2154 = arith.constant 128 : index
    %get3A_2155 = tpu.vector_load %arg7[%get3A_2154] {strides = array<i32>} : memref<512xi32, #tpu.memory_space<vmem>>, vector<16xi32>,
    %get3A_2156 = vector.shape_cast %get3A_2155 : vector<16xi32> to vector<16xi32>
    %get3A_2157 = arith.constant 128 : index
    %get3A_2158 = tpu.vector_load %arg9[%get3A_2157] {strides = array<i32>} : memref<512xi32, #tpu.memory_space<vmem>>, vector<16xi32>,
    %get3A_2159 = vector.shape_cast %get3A_2158 : vector<16xi32> to vector<16xi32>
    %mul3A_2160 = arith.constant 5 : i32
    %mul3A_2161 = vector.broadcast %mul3A_2160 : i32 to vector<16xi32>
    %mul3A_2162 = arith.muli %get3A_2156, %mul3A_2161 : vector<16xi32>
    %add3A_2163 = arith.addi %mul3A_2162, %get3A_2159 : vector<16xi32>
    %add3A_2164 = vector.broadcast %mul3A_4 : i32 to vector<16xi32>
    %add3A_2165 = arith.addi %add3A_2163, %add3A_2164 : vector<16xi32>
    %swap3A_2166 = arith.constant 1 : i32
    %swap3A_2167 = arith.index_cast %swap3A_2166 : i32 to index
    %swap3A_2168 = arith.constant 0 : index
    %swap3A_2169 = tpu.vector_load %arg11[%swap3A_2167, %swap3A_2168] {strides = array<i32>} : memref<4x128xi32, #tpu.memory_space<vmem>>, vector<1x16xi32>,
    %swap3A_2170 = vector.shape_cast %swap3A_2169 : vector<1x16xi32> to vector<16xi32>
    %swap3A_2171 = vector.shape_cast %add3A_2165 : vector<16xi32> to vector<1x16xi32>
    tpu.vector_store %arg11[%swap3A_2167, %swap3A_2168], %swap3A_2171 {strides = array<i32>} : memref<4x128xi32, #tpu.memory_space<vmem>>, vector<1x16xi32>,
    %get3A_2172 = arith.constant 144 : index
    %get3A_2173 = tpu.vector_load %arg7[%get3A_2172] {strides = array<i32>} : memref<512xi32, #tpu.memory_space<vmem>>, vector<16xi32>,
    %get3A_2174 = vector.shape_cast %get3A_2173 : vector<16xi32> to vector<16xi32>
    %get3A_2175 = arith.constant 144 : index
    %get3A_2176 = tpu.vector_load %arg9[%get3A_2175] {strides = array<i32>} : memref<512xi32, #tpu.memory_space<vmem>>, vector<16xi32>,
    %get3A_2177 = vector.shape_cast %get3A_2176 : vector<16xi32> to vector<16xi32>
    %mul3A_2178 = arith.constant 5 : i32
    %mul3A_2179 = vector.broadcast %mul3A_2178 : i32 to vector<16xi32>
    %mul3A_2180 = arith.muli %get3A_2174, %mul3A_2179 : vector<16xi32>
    %add3A_2181 = arith.addi %mul3A_2180, %get3A_2177 : vector<16xi32>
    %add3A_2182 = vector.broadcast %mul3A_4 : i32 to vector<16xi32>
    %add3A_2183 = arith.addi %add3A_2181, %add3A_2182 : vector<16xi32>
    %swap3A_2184 = arith.constant 1 : i32
    %swap3A_2185 = arith.index_cast %swap3A_2184 : i32 to index
    %swap3A_2186 = arith.constant 16 : index
    %swap3A_2187 = tpu.vector_load %arg11[%swap3A_2185, %swap3A_2186] {strides = array<i32>} : memref<4x128xi32, #tpu.memory_space<vmem>>, vector<1x16xi32>,
    %swap3A_2188 = vector.shape_cast %swap3A_2187 : vector<1x16xi32> to vector<16xi32>
    %swap3A_2189 = vector.shape_cast %add3A_2183 : vector<16xi32> to vector<1x16xi32>
    tpu.vector_store %arg11[%swap3A_2185, %swap3A_2186], %swap3A_2189 {strides = array<i32>} : memref<4x128xi32, #tpu.memory_space<vmem>>, vector<1x16xi32>,
    %get3A_2190 = arith.constant 160 : index
    %get3A_2191 = tpu.vector_load %arg7[%get3A_2190] {strides = array<i32>} : memref<512xi32, #tpu.memory_space<vmem>>, vector<16xi32>,
    %get3A_2192 = vector.shape_cast %get3A_2191 : vector<16xi32> to vector<16xi32>
    %get3A_2193 = arith.constant 160 : index
    %get3A_2194 = tpu.vector_load %arg9[%get3A_2193] {strides = array<i32>} : memref<512xi32, #tpu.memory_space<vmem>>, vector<16xi32>,
    %get3A_2195 = vector.shape_cast %get3A_2194 : vector<16xi32> to vector<16xi32>
    %mul3A_2196 = arith.constant 5 : i32
    %mul3A_2197 = vector.broadcast %mul3A_2196 : i32 to vector<16xi32>
    %mul3A_2198 = arith.muli %get3A_2192, %mul3A_2197 : vector<16xi32>
    %add3A_2199 = arith.addi %mul3A_2198, %get3A_2195 : vector<16xi32>
    %add3A_2200 = vector.broadcast %mul3A_4 : i32 to vector<16xi32>
    %add3A_2201 = arith.addi %add3A_2199, %add3A_2200 : vector<16xi32>
    %swap3A_2202 = arith.constant 1 : i32
    %swap3A_2203 = arith.index_cast %swap3A_2202 : i32 to index
    %swap3A_2204 = arith.constant 32 : index
    %swap3A_2205 = tpu.vector_load %arg11[%swap3A_2203, %swap3A_2204] {strides = array<i32>} : memref<4x128xi32, #tpu.memory_space<vmem>>, vector<1x16xi32>,
    %swap3A_2206 = vector.shape_cast %swap3A_2205 : vector<1x16xi32> to vector<16xi32>
    %swap3A_2207 = vector.shape_cast %add3A_2201 : vector<16xi32> to vector<1x16xi32>
    tpu.vector_store %arg11[%swap3A_2203, %swap3A_2204], %swap3A_2207 {strides = array<i32>} : memref<4x128xi32, #tpu.memory_space<vmem>>, vector<1x16xi32>,
    %get3A_2208 = arith.constant 176 : index
    %get3A_2209 = tpu.vector_load %arg7[%get3A_2208] {strides = array<i32>} : memref<512xi32, #tpu.memory_space<vmem>>, vector<16xi32>,
    %get3A_2210 = vector.shape_cast %get3A_2209 : vector<16xi32> to vector<16xi32>
    %get3A_2211 = arith.constant 176 : index
    %get3A_2212 = tpu.vector_load %arg9[%get3A_2211] {strides = array<i32>} : memref<512xi32, #tpu.memory_space<vmem>>, vector<16xi32>,
    %get3A_2213 = vector.shape_cast %get3A_2212 : vector<16xi32> to vector<16xi32>
    %mul3A_2214 = arith.constant 5 : i32
    %mul3A_2215 = vector.broadcast %mul3A_2214 : i32 to vector<16xi32>
    %mul3A_2216 = arith.muli %get3A_2210, %mul3A_2215 : vector<16xi32>
    %add3A_2217 = arith.addi %mul3A_2216, %get3A_2213 : vector<16xi32>
    %add3A_2218 = vector.broadcast %mul3A_4 : i32 to vector<16xi32>
    %add3A_2219 = arith.addi %add3A_2217, %add3A_2218 : vector<16xi32>
    %swap3A_2220 = arith.constant 1 : i32
    %swap3A_2221 = arith.index_cast %swap3A_2220 : i32 to index
    %swap3A_2222 = arith.constant 48 : index
    %swap3A_2223 = tpu.vector_load %arg11[%swap3A_2221, %swap3A_2222] {strides = array<i32>} : memref<4x128xi32, #tpu.memory_space<vmem>>, vector<1x16xi32>,
    %swap3A_2224 = vector.shape_cast %swap3A_2223 : vector<1x16xi32> to vector<16xi32>
    %swap3A_2225 = vector.shape_cast %add3A_2219 : vector<16xi32> to vector<1x16xi32>
    tpu.vector_store %arg11[%swap3A_2221, %swap3A_2222], %swap3A_2225 {strides = array<i32>} : memref<4x128xi32, #tpu.memory_space<vmem>>, vector<1x16xi32>,
    %get3A_2226 = arith.constant 192 : index
    %get3A_2227 = tpu.vector_load %arg7[%get3A_2226] {strides = array<i32>} : memref<512xi32, #tpu.memory_space<vmem>>, vector<16xi32>,
    %get3A_2228 = vector.shape_cast %get3A_2227 : vector<16xi32> to vector<16xi32>
    %get3A_2229 = arith.constant 192 : index
    %get3A_2230 = tpu.vector_load %arg9[%get3A_2229] {strides = array<i32>} : memref<512xi32, #tpu.memory_space<vmem>>, vector<16xi32>,
    %get3A_2231 = vector.shape_cast %get3A_2230 : vector<16xi32> to vector<16xi32>
    %mul3A_2232 = arith.constant 5 : i32
    %mul3A_2233 = vector.broadcast %mul3A_2232 : i32 to vector<16xi32>
    %mul3A_2234 = arith.muli %get3A_2228, %mul3A_2233 : vector<16xi32>
    %add3A_2235 = arith.addi %mul3A_2234, %get3A_2231 : vector<16xi32>
    %add3A_2236 = vector.broadcast %mul3A_4 : i32 to vector<16xi32>
    %add3A_2237 = arith.addi %add3A_2235, %add3A_2236 : vector<16xi32>
    %swap3A_2238 = arith.constant 1 : i32
    %swap3A_2239 = arith.index_cast %swap3A_2238 : i32 to index
    %swap3A_2240 = arith.constant 64 : index
    %swap3A_2241 = tpu.vector_load %arg11[%swap3A_2239, %swap3A_2240] {strides = array<i32>} : memref<4x128xi32, #tpu.memory_space<vmem>>, vector<1x16xi32>,
    %swap3A_2242 = vector.shape_cast %swap3A_2241 : vector<1x16xi32> to vector<16xi32>
    %swap3A_2243 = vector.shape_cast %add3A_2237 : vector<16xi32> to vector<1x16xi32>
    tpu.vector_store %arg11[%swap3A_2239, %swap3A_2240], %swap3A_2243 {strides = array<i32>} : memref<4x128xi32, #tpu.memory_space<vmem>>, vector<1x16xi32>,
    %get3A_2244 = arith.constant 208 : index
    %get3A_2245 = tpu.vector_load %arg7[%get3A_2244] {strides = array<i32>} : memref<512xi32, #tpu.memory_space<vmem>>, vector<16xi32>,
    %get3A_2246 = vector.shape_cast %get3A_2245 : vector<16xi32> to vector<16xi32>
    %get3A_2247 = arith.constant 208 : index
    %get3A_2248 = tpu.vector_load %arg9[%get3A_2247] {strides = array<i32>} : memref<512xi32, #tpu.memory_space<vmem>>, vector<16xi32>,
    %get3A_2249 = vector.shape_cast %get3A_2248 : vector<16xi32> to vector<16xi32>
    %mul3A_2250 = arith.constant 5 : i32
    %mul3A_2251 = vector.broadcast %mul3A_2250 : i32 to vector<16xi32>
    %mul3A_2252 = arith.muli %get3A_2246, %mul3A_2251 : vector<16xi32>
    %add3A_2253 = arith.addi %mul3A_2252, %get3A_2249 : vector<16xi32>
    %add3A_2254 = vector.broadcast %mul3A_4 : i32 to vector<16xi32>
    %add3A_2255 = arith.addi %add3A_2253, %add3A_2254 : vector<16xi32>
    %swap3A_2256 = arith.constant 1 : i32
    %swap3A_2257 = arith.index_cast %swap3A_2256 : i32 to index
    %swap3A_2258 = arith.constant 80 : index
    %swap3A_2259 = tpu.vector_load %arg11[%swap3A_2257, %swap3A_2258] {strides = array<i32>} : memref<4x128xi32, #tpu.memory_space<vmem>>, vector<1x16xi32>,
    %swap3A_2260 = vector.shape_cast %swap3A_2259 : vector<1x16xi32> to vector<16xi32>
    %swap3A_2261 = vector.shape_cast %add3A_2255 : vector<16xi32> to vector<1x16xi32>
    tpu.vector_store %arg11[%swap3A_2257, %swap3A_2258], %swap3A_2261 {strides = array<i32>} : memref<4x128xi32, #tpu.memory_space<vmem>>, vector<1x16xi32>,
    %get3A_2262 = arith.constant 224 : index
    %get3A_2263 = tpu.vector_load %arg7[%get3A_2262] {strides = array<i32>} : memref<512xi32, #tpu.memory_space<vmem>>, vector<16xi32>,
    %get3A_2264 = vector.shape_cast %get3A_2263 : vector<16xi32> to vector<16xi32>
    %get3A_2265 = arith.constant 224 : index
    %get3A_2266 = tpu.vector_load %arg9[%get3A_2265] {strides = array<i32>} : memref<512xi32, #tpu.memory_space<vmem>>, vector<16xi32>,
    %get3A_2267 = vector.shape_cast %get3A_2266 : vector<16xi32> to vector<16xi32>
    %mul3A_2268 = arith.constant 5 : i32
    %mul3A_2269 = vector.broadcast %mul3A_2268 : i32 to vector<16xi32>
    %mul3A_2270 = arith.muli %get3A_2264, %mul3A_2269 : vector<16xi32>
    %add3A_2271 = arith.addi %mul3A_2270, %get3A_2267 : vector<16xi32>
    %add3A_2272 = vector.broadcast %mul3A_4 : i32 to vector<16xi32>
    %add3A_2273 = arith.addi %add3A_2271, %add3A_2272 : vector<16xi32>
    %swap3A_2274 = arith.constant 1 : i32
    %swap3A_2275 = arith.index_cast %swap3A_2274 : i32 to index
    %swap3A_2276 = arith.constant 96 : index
    %swap3A_2277 = tpu.vector_load %arg11[%swap3A_2275, %swap3A_2276] {strides = array<i32>} : memref<4x128xi32, #tpu.memory_space<vmem>>, vector<1x16xi32>,
    %swap3A_2278 = vector.shape_cast %swap3A_2277 : vector<1x16xi32> to vector<16xi32>
    %swap3A_2279 = vector.shape_cast %add3A_2273 : vector<16xi32> to vector<1x16xi32>
    tpu.vector_store %arg11[%swap3A_2275, %swap3A_2276], %swap3A_2279 {strides = array<i32>} : memref<4x128xi32, #tpu.memory_space<vmem>>, vector<1x16xi32>,
    %get3A_2280 = arith.constant 240 : index
    %get3A_2281 = tpu.vector_load %arg7[%get3A_2280] {strides = array<i32>} : memref<512xi32, #tpu.memory_space<vmem>>, vector<16xi32>,
    %get3A_2282 = vector.shape_cast %get3A_2281 : vector<16xi32> to vector<16xi32>
    %get3A_2283 = arith.constant 240 : index
    %get3A_2284 = tpu.vector_load %arg9[%get3A_2283] {strides = array<i32>} : memref<512xi32, #tpu.memory_space<vmem>>, vector<16xi32>,
    %get3A_2285 = vector.shape_cast %get3A_2284 : vector<16xi32> to vector<16xi32>
    %mul3A_2286 = arith.constant 5 : i32
    %mul3A_2287 = vector.broadcast %mul3A_2286 : i32 to vector<16xi32>
    %mul3A_2288 = arith.muli %get3A_2282, %mul3A_2287 : vector<16xi32>
    %add3A_2289 = arith.addi %mul3A_2288, %get3A_2285 : vector<16xi32>
    %add3A_2290 = vector.broadcast %mul3A_4 : i32 to vector<16xi32>
    %add3A_2291 = arith.addi %add3A_2289, %add3A_2290 : vector<16xi32>
    %swap3A_2292 = arith.constant 1 : i32
    %swap3A_2293 = arith.index_cast %swap3A_2292 : i32 to index
    %swap3A_2294 = arith.constant 112 : index
    %swap3A_2295 = tpu.vector_load %arg11[%swap3A_2293, %swap3A_2294] {strides = array<i32>} : memref<4x128xi32, #tpu.memory_space<vmem>>, vector<1x16xi32>,
    %swap3A_2296 = vector.shape_cast %swap3A_2295 : vector<1x16xi32> to vector<16xi32>
    %swap3A_2297 = vector.shape_cast %add3A_2291 : vector<16xi32> to vector<1x16xi32>
    tpu.vector_store %arg11[%swap3A_2293, %swap3A_2294], %swap3A_2297 {strides = array<i32>} : memref<4x128xi32, #tpu.memory_space<vmem>>, vector<1x16xi32>,
    %get3A_2298 = arith.constant 256 : index
    %get3A_2299 = tpu.vector_load %arg7[%get3A_2298] {strides = array<i32>} : memref<512xi32, #tpu.memory_space<vmem>>, vector<16xi32>,
    %get3A_2300 = vector.shape_cast %get3A_2299 : vector<16xi32> to vector<16xi32>
    %get3A_2301 = arith.constant 256 : index
    %get3A_2302 = tpu.vector_load %arg9[%get3A_2301] {strides = array<i32>} : memref<512xi32, #tpu.memory_space<vmem>>, vector<16xi32>,
    %get3A_2303 = vector.shape_cast %get3A_2302 : vector<16xi32> to vector<16xi32>
    %mul3A_2304 = arith.constant 5 : i32
    %mul3A_2305 = vector.broadcast %mul3A_2304 : i32 to vector<16xi32>
    %mul3A_2306 = arith.muli %get3A_2300, %mul3A_2305 : vector<16xi32>
    %add3A_2307 = arith.addi %mul3A_2306, %get3A_2303 : vector<16xi32>
    %add3A_2308 = vector.broadcast %mul3A_4 : i32 to vector<16xi32>
    %add3A_2309 = arith.addi %add3A_2307, %add3A_2308 : vector<16xi32>
    %swap3A_2310 = arith.constant 2 : i32
    %swap3A_2311 = arith.index_cast %swap3A_2310 : i32 to index
    %swap3A_2312 = arith.constant 0 : index
    %swap3A_2313 = tpu.vector_load %arg11[%swap3A_2311, %swap3A_2312] {strides = array<i32>} : memref<4x128xi32, #tpu.memory_space<vmem>>, vector<1x16xi32>,
    %swap3A_2314 = vector.shape_cast %swap3A_2313 : vector<1x16xi32> to vector<16xi32>
    %swap3A_2315 = vector.shape_cast %add3A_2309 : vector<16xi32> to vector<1x16xi32>
    tpu.vector_store %arg11[%swap3A_2311, %swap3A_2312], %swap3A_2315 {strides = array<i32>} : memref<4x128xi32, #tpu.memory_space<vmem>>, vector<1x16xi32>,
    %get3A_2316 = arith.constant 272 : index
    %get3A_2317 = tpu.vector_load %arg7[%get3A_2316] {strides = array<i32>} : memref<512xi32, #tpu.memory_space<vmem>>, vector<16xi32>,
    %get3A_2318 = vector.shape_cast %get3A_2317 : vector<16xi32> to vector<16xi32>
    %get3A_2319 = arith.constant 272 : index
    %get3A_2320 = tpu.vector_load %arg9[%get3A_2319] {strides = array<i32>} : memref<512xi32, #tpu.memory_space<vmem>>, vector<16xi32>,
    %get3A_2321 = vector.shape_cast %get3A_2320 : vector<16xi32> to vector<16xi32>
    %mul3A_2322 = arith.constant 5 : i32
    %mul3A_2323 = vector.broadcast %mul3A_2322 : i32 to vector<16xi32>
    %mul3A_2324 = arith.muli %get3A_2318, %mul3A_2323 : vector<16xi32>
    %add3A_2325 = arith.addi %mul3A_2324, %get3A_2321 : vector<16xi32>
    %add3A_2326 = vector.broadcast %mul3A_4 : i32 to vector<16xi32>
    %add3A_2327 = arith.addi %add3A_2325, %add3A_2326 : vector<16xi32>
    %swap3A_2328 = arith.constant 2 : i32
    %swap3A_2329 = arith.index_cast %swap3A_2328 : i32 to index
    %swap3A_2330 = arith.constant 16 : index
    %swap3A_2331 = tpu.vector_load %arg11[%swap3A_2329, %swap3A_2330] {strides = array<i32>} : memref<4x128xi32, #tpu.memory_space<vmem>>, vector<1x16xi32>,
    %swap3A_2332 = vector.shape_cast %swap3A_2331 : vector<1x16xi32> to vector<16xi32>
    %swap3A_2333 = vector.shape_cast %add3A_2327 : vector<16xi32> to vector<1x16xi32>
    tpu.vector_store %arg11[%swap3A_2329, %swap3A_2330], %swap3A_2333 {strides = array<i32>} : memref<4x128xi32, #tpu.memory_space<vmem>>, vector<1x16xi32>,
    %get3A_2334 = arith.constant 288 : index
    %get3A_2335 = tpu.vector_load %arg7[%get3A_2334] {strides = array<i32>} : memref<512xi32, #tpu.memory_space<vmem>>, vector<16xi32>,
    %get3A_2336 = vector.shape_cast %get3A_2335 : vector<16xi32> to vector<16xi32>
    %get3A_2337 = arith.constant 288 : index
    %get3A_2338 = tpu.vector_load %arg9[%get3A_2337] {strides = array<i32>} : memref<512xi32, #tpu.memory_space<vmem>>, vector<16xi32>,
    %get3A_2339 = vector.shape_cast %get3A_2338 : vector<16xi32> to vector<16xi32>
    %mul3A_2340 = arith.constant 5 : i32
    %mul3A_2341 = vector.broadcast %mul3A_2340 : i32 to vector<16xi32>
    %mul3A_2342 = arith.muli %get3A_2336, %mul3A_2341 : vector<16xi32>
    %add3A_2343 = arith.addi %mul3A_2342, %get3A_2339 : vector<16xi32>
    %add3A_2344 = vector.broadcast %mul3A_4 : i32 to vector<16xi32>
    %add3A_2345 = arith.addi %add3A_2343, %add3A_2344 : vector<16xi32>
    %swap3A_2346 = arith.constant 2 : i32
    %swap3A_2347 = arith.index_cast %swap3A_2346 : i32 to index
    %swap3A_2348 = arith.constant 32 : index
    %swap3A_2349 = tpu.vector_load %arg11[%swap3A_2347, %swap3A_2348] {strides = array<i32>} : memref<4x128xi32, #tpu.memory_space<vmem>>, vector<1x16xi32>,
    %swap3A_2350 = vector.shape_cast %swap3A_2349 : vector<1x16xi32> to vector<16xi32>
    %swap3A_2351 = vector.shape_cast %add3A_2345 : vector<16xi32> to vector<1x16xi32>
    tpu.vector_store %arg11[%swap3A_2347, %swap3A_2348], %swap3A_2351 {strides = array<i32>} : memref<4x128xi32, #tpu.memory_space<vmem>>, vector<1x16xi32>,
    %get3A_2352 = arith.constant 304 : index
    %get3A_2353 = tpu.vector_load %arg7[%get3A_2352] {strides = array<i32>} : memref<512xi32, #tpu.memory_space<vmem>>, vector<16xi32>,
    %get3A_2354 = vector.shape_cast %get3A_2353 : vector<16xi32> to vector<16xi32>
    %get3A_2355 = arith.constant 304 : index
    %get3A_2356 = tpu.vector_load %arg9[%get3A_2355] {strides = array<i32>} : memref<512xi32, #tpu.memory_space<vmem>>, vector<16xi32>,
    %get3A_2357 = vector.shape_cast %get3A_2356 : vector<16xi32> to vector<16xi32>
    %mul3A_2358 = arith.constant 5 : i32
    %mul3A_2359 = vector.broadcast %mul3A_2358 : i32 to vector<16xi32>
    %mul3A_2360 = arith.muli %get3A_2354, %mul3A_2359 : vector<16xi32>
    %add3A_2361 = arith.addi %mul3A_2360, %get3A_2357 : vector<16xi32>
    %add3A_2362 = vector.broadcast %mul3A_4 : i32 to vector<16xi32>
    %add3A_2363 = arith.addi %add3A_2361, %add3A_2362 : vector<16xi32>
    %swap3A_2364 = arith.constant 2 : i32
    %swap3A_2365 = arith.index_cast %swap3A_2364 : i32 to index
    %swap3A_2366 = arith.constant 48 : index
    %swap3A_2367 = tpu.vector_load %arg11[%swap3A_2365, %swap3A_2366] {strides = array<i32>} : memref<4x128xi32, #tpu.memory_space<vmem>>, vector<1x16xi32>,
    %swap3A_2368 = vector.shape_cast %swap3A_2367 : vector<1x16xi32> to vector<16xi32>
    %swap3A_2369 = vector.shape_cast %add3A_2363 : vector<16xi32> to vector<1x16xi32>
    tpu.vector_store %arg11[%swap3A_2365, %swap3A_2366], %swap3A_2369 {strides = array<i32>} : memref<4x128xi32, #tpu.memory_space<vmem>>, vector<1x16xi32>,
    %get3A_2370 = arith.constant 320 : index
    %get3A_2371 = tpu.vector_load %arg7[%get3A_2370] {strides = array<i32>} : memref<512xi32, #tpu.memory_space<vmem>>, vector<16xi32>,
    %get3A_2372 = vector.shape_cast %get3A_2371 : vector<16xi32> to vector<16xi32>
    %get3A_2373 = arith.constant 320 : index
    %get3A_2374 = tpu.vector_load %arg9[%get3A_2373] {strides = array<i32>} : memref<512xi32, #tpu.memory_space<vmem>>, vector<16xi32>,
    %get3A_2375 = vector.shape_cast %get3A_2374 : vector<16xi32> to vector<16xi32>
    %mul3A_2376 = arith.constant 5 : i32
    %mul3A_2377 = vector.broadcast %mul3A_2376 : i32 to vector<16xi32>
    %mul3A_2378 = arith.muli %get3A_2372, %mul3A_2377 : vector<16xi32>
    %add3A_2379 = arith.addi %mul3A_2378, %get3A_2375 : vector<16xi32>
    %add3A_2380 = vector.broadcast %mul3A_4 : i32 to vector<16xi32>
    %add3A_2381 = arith.addi %add3A_2379, %add3A_2380 : vector<16xi32>
    %swap3A_2382 = arith.constant 2 : i32
    %swap3A_2383 = arith.index_cast %swap3A_2382 : i32 to index
    %swap3A_2384 = arith.constant 64 : index
    %swap3A_2385 = tpu.vector_load %arg11[%swap3A_2383, %swap3A_2384] {strides = array<i32>} : memref<4x128xi32, #tpu.memory_space<vmem>>, vector<1x16xi32>,
    %swap3A_2386 = vector.shape_cast %swap3A_2385 : vector<1x16xi32> to vector<16xi32>
    %swap3A_2387 = vector.shape_cast %add3A_2381 : vector<16xi32> to vector<1x16xi32>
    tpu.vector_store %arg11[%swap3A_2383, %swap3A_2384], %swap3A_2387 {strides = array<i32>} : memref<4x128xi32, #tpu.memory_space<vmem>>, vector<1x16xi32>,
    %get3A_2388 = arith.constant 336 : index
    %get3A_2389 = tpu.vector_load %arg7[%get3A_2388] {strides = array<i32>} : memref<512xi32, #tpu.memory_space<vmem>>, vector<16xi32>,
    %get3A_2390 = vector.shape_cast %get3A_2389 : vector<16xi32> to vector<16xi32>
    %get3A_2391 = arith.constant 336 : index
    %get3A_2392 = tpu.vector_load %arg9[%get3A_2391] {strides = array<i32>} : memref<512xi32, #tpu.memory_space<vmem>>, vector<16xi32>,
    %get3A_2393 = vector.shape_cast %get3A_2392 : vector<16xi32> to vector<16xi32>
    %mul3A_2394 = arith.constant 5 : i32
    %mul3A_2395 = vector.broadcast %mul3A_2394 : i32 to vector<16xi32>
    %mul3A_2396 = arith.muli %get3A_2390, %mul3A_2395 : vector<16xi32>
    %add3A_2397 = arith.addi %mul3A_2396, %get3A_2393 : vector<16xi32>
    %add3A_2398 = vector.broadcast %mul3A_4 : i32 to vector<16xi32>
    %add3A_2399 = arith.addi %add3A_2397, %add3A_2398 : vector<16xi32>
    %swap3A_2400 = arith.constant 2 : i32
    %swap3A_2401 = arith.index_cast %swap3A_2400 : i32 to index
    %swap3A_2402 = arith.constant 80 : index
    %swap3A_2403 = tpu.vector_load %arg11[%swap3A_2401, %swap3A_2402] {strides = array<i32>} : memref<4x128xi32, #tpu.memory_space<vmem>>, vector<1x16xi32>,
    %swap3A_2404 = vector.shape_cast %swap3A_2403 : vector<1x16xi32> to vector<16xi32>
    %swap3A_2405 = vector.shape_cast %add3A_2399 : vector<16xi32> to vector<1x16xi32>
    tpu.vector_store %arg11[%swap3A_2401, %swap3A_2402], %swap3A_2405 {strides = array<i32>} : memref<4x128xi32, #tpu.memory_space<vmem>>, vector<1x16xi32>,
    %get3A_2406 = arith.constant 352 : index
    %get3A_2407 = tpu.vector_load %arg7[%get3A_2406] {strides = array<i32>} : memref<512xi32, #tpu.memory_space<vmem>>, vector<16xi32>,
    %get3A_2408 = vector.shape_cast %get3A_2407 : vector<16xi32> to vector<16xi32>
    %get3A_2409 = arith.constant 352 : index
    %get3A_2410 = tpu.vector_load %arg9[%get3A_2409] {strides = array<i32>} : memref<512xi32, #tpu.memory_space<vmem>>, vector<16xi32>,
    %get3A_2411 = vector.shape_cast %get3A_2410 : vector<16xi32> to vector<16xi32>
    %mul3A_2412 = arith.constant 5 : i32
    %mul3A_2413 = vector.broadcast %mul3A_2412 : i32 to vector<16xi32>
    %mul3A_2414 = arith.muli %get3A_2408, %mul3A_2413 : vector<16xi32>
    %add3A_2415 = arith.addi %mul3A_2414, %get3A_2411 : vector<16xi32>
    %add3A_2416 = vector.broadcast %mul3A_4 : i32 to vector<16xi32>
    %add3A_2417 = arith.addi %add3A_2415, %add3A_2416 : vector<16xi32>
    %swap3A_2418 = arith.constant 2 : i32
    %swap3A_2419 = arith.index_cast %swap3A_2418 : i32 to index
    %swap3A_2420 = arith.constant 96 : index
    %swap3A_2421 = tpu.vector_load %arg11[%swap3A_2419, %swap3A_2420] {strides = array<i32>} : memref<4x128xi32, #tpu.memory_space<vmem>>, vector<1x16xi32>,
    %swap3A_2422 = vector.shape_cast %swap3A_2421 : vector<1x16xi32> to vector<16xi32>
    %swap3A_2423 = vector.shape_cast %add3A_2417 : vector<16xi32> to vector<1x16xi32>
    tpu.vector_store %arg11[%swap3A_2419, %swap3A_2420], %swap3A_2423 {strides = array<i32>} : memref<4x128xi32, #tpu.memory_space<vmem>>, vector<1x16xi32>,
    %get3A_2424 = arith.constant 368 : index
    %get3A_2425 = tpu.vector_load %arg7[%get3A_2424] {strides = array<i32>} : memref<512xi32, #tpu.memory_space<vmem>>, vector<16xi32>,
    %get3A_2426 = vector.shape_cast %get3A_2425 : vector<16xi32> to vector<16xi32>
    %get3A_2427 = arith.constant 368 : index
    %get3A_2428 = tpu.vector_load %arg9[%get3A_2427] {strides = array<i32>} : memref<512xi32, #tpu.memory_space<vmem>>, vector<16xi32>,
    %get3A_2429 = vector.shape_cast %get3A_2428 : vector<16xi32> to vector<16xi32>
    %mul3A_2430 = arith.constant 5 : i32
    %mul3A_2431 = vector.broadcast %mul3A_2430 : i32 to vector<16xi32>
    %mul3A_2432 = arith.muli %get3A_2426, %mul3A_2431 : vector<16xi32>
    %add3A_2433 = arith.addi %mul3A_2432, %get3A_2429 : vector<16xi32>
    %add3A_2434 = vector.broadcast %mul3A_4 : i32 to vector<16xi32>
    %add3A_2435 = arith.addi %add3A_2433, %add3A_2434 : vector<16xi32>
    %swap3A_2436 = arith.constant 2 : i32
    %swap3A_2437 = arith.index_cast %swap3A_2436 : i32 to index
    %swap3A_2438 = arith.constant 112 : index
    %swap3A_2439 = tpu.vector_load %arg11[%swap3A_2437, %swap3A_2438] {strides = array<i32>} : memref<4x128xi32, #tpu.memory_space<vmem>>, vector<1x16xi32>,
    %swap3A_2440 = vector.shape_cast %swap3A_2439 : vector<1x16xi32> to vector<16xi32>
    %swap3A_2441 = vector.shape_cast %add3A_2435 : vector<16xi32> to vector<1x16xi32>
    tpu.vector_store %arg11[%swap3A_2437, %swap3A_2438], %swap3A_2441 {strides = array<i32>} : memref<4x128xi32, #tpu.memory_space<vmem>>, vector<1x16xi32>,
    %get3A_2442 = arith.constant 384 : index
    %get3A_2443 = tpu.vector_load %arg7[%get3A_2442] {strides = array<i32>} : memref<512xi32, #tpu.memory_space<vmem>>, vector<16xi32>,
    %get3A_2444 = vector.shape_cast %get3A_2443 : vector<16xi32> to vector<16xi32>
    %get3A_2445 = arith.constant 384 : index
    %get3A_2446 = tpu.vector_load %arg9[%get3A_2445] {strides = array<i32>} : memref<512xi32, #tpu.memory_space<vmem>>, vector<16xi32>,
    %get3A_2447 = vector.shape_cast %get3A_2446 : vector<16xi32> to vector<16xi32>
    %mul3A_2448 = arith.constant 5 : i32
    %mul3A_2449 = vector.broadcast %mul3A_2448 : i32 to vector<16xi32>
    %mul3A_2450 = arith.muli %get3A_2444, %mul3A_2449 : vector<16xi32>
    %add3A_2451 = arith.addi %mul3A_2450, %get3A_2447 : vector<16xi32>
    %add3A_2452 = vector.broadcast %mul3A_4 : i32 to vector<16xi32>
    %add3A_2453 = arith.addi %add3A_2451, %add3A_2452 : vector<16xi32>
    %swap3A_2454 = arith.constant 3 : i32
    %swap3A_2455 = arith.index_cast %swap3A_2454 : i32 to index
    %swap3A_2456 = arith.constant 0 : index
    %swap3A_2457 = tpu.vector_load %arg11[%swap3A_2455, %swap3A_2456] {strides = array<i32>} : memref<4x128xi32, #tpu.memory_space<vmem>>, vector<1x16xi32>,
    %swap3A_2458 = vector.shape_cast %swap3A_2457 : vector<1x16xi32> to vector<16xi32>
    %swap3A_2459 = vector.shape_cast %add3A_2453 : vector<16xi32> to vector<1x16xi32>
    tpu.vector_store %arg11[%swap3A_2455, %swap3A_2456], %swap3A_2459 {strides = array<i32>} : memref<4x128xi32, #tpu.memory_space<vmem>>, vector<1x16xi32>,
    %get3A_2460 = arith.constant 400 : index
    %get3A_2461 = tpu.vector_load %arg7[%get3A_2460] {strides = array<i32>} : memref<512xi32, #tpu.memory_space<vmem>>, vector<16xi32>,
    %get3A_2462 = vector.shape_cast %get3A_2461 : vector<16xi32> to vector<16xi32>
    %get3A_2463 = arith.constant 400 : index
    %get3A_2464 = tpu.vector_load %arg9[%get3A_2463] {strides = array<i32>} : memref<512xi32, #tpu.memory_space<vmem>>, vector<16xi32>,
    %get3A_2465 = vector.shape_cast %get3A_2464 : vector<16xi32> to vector<16xi32>
    %mul3A_2466 = arith.constant 5 : i32
    %mul3A_2467 = vector.broadcast %mul3A_2466 : i32 to vector<16xi32>
    %mul3A_2468 = arith.muli %get3A_2462, %mul3A_2467 : vector<16xi32>
    %add3A_2469 = arith.addi %mul3A_2468, %get3A_2465 : vector<16xi32>
    %add3A_2470 = vector.broadcast %mul3A_4 : i32 to vector<16xi32>
    %add3A_2471 = arith.addi %add3A_2469, %add3A_2470 : vector<16xi32>
    %swap3A_2472 = arith.constant 3 : i32
    %swap3A_2473 = arith.index_cast %swap3A_2472 : i32 to index
    %swap3A_2474 = arith.constant 16 : index
    %swap3A_2475 = tpu.vector_load %arg11[%swap3A_2473, %swap3A_2474] {strides = array<i32>} : memref<4x128xi32, #tpu.memory_space<vmem>>, vector<1x16xi32>,
    %swap3A_2476 = vector.shape_cast %swap3A_2475 : vector<1x16xi32> to vector<16xi32>
    %swap3A_2477 = vector.shape_cast %add3A_2471 : vector<16xi32> to vector<1x16xi32>
    tpu.vector_store %arg11[%swap3A_2473, %swap3A_2474], %swap3A_2477 {strides = array<i32>} : memref<4x128xi32, #tpu.memory_space<vmem>>, vector<1x16xi32>,
    %get3A_2478 = arith.constant 416 : index
    %get3A_2479 = tpu.vector_load %arg7[%get3A_2478] {strides = array<i32>} : memref<512xi32, #tpu.memory_space<vmem>>, vector<16xi32>,
    %get3A_2480 = vector.shape_cast %get3A_2479 : vector<16xi32> to vector<16xi32>
    %get3A_2481 = arith.constant 416 : index
    %get3A_2482 = tpu.vector_load %arg9[%get3A_2481] {strides = array<i32>} : memref<512xi32, #tpu.memory_space<vmem>>, vector<16xi32>,
    %get3A_2483 = vector.shape_cast %get3A_2482 : vector<16xi32> to vector<16xi32>
    %mul3A_2484 = arith.constant 5 : i32
    %mul3A_2485 = vector.broadcast %mul3A_2484 : i32 to vector<16xi32>
    %mul3A_2486 = arith.muli %get3A_2480, %mul3A_2485 : vector<16xi32>
    %add3A_2487 = arith.addi %mul3A_2486, %get3A_2483 : vector<16xi32>
    %add3A_2488 = vector.broadcast %mul3A_4 : i32 to vector<16xi32>
    %add3A_2489 = arith.addi %add3A_2487, %add3A_2488 : vector<16xi32>
    %swap3A_2490 = arith.constant 3 : i32
    %swap3A_2491 = arith.index_cast %swap3A_2490 : i32 to index
    %swap3A_2492 = arith.constant 32 : index
    %swap3A_2493 = tpu.vector_load %arg11[%swap3A_2491, %swap3A_2492] {strides = array<i32>} : memref<4x128xi32, #tpu.memory_space<vmem>>, vector<1x16xi32>,
    %swap3A_2494 = vector.shape_cast %swap3A_2493 : vector<1x16xi32> to vector<16xi32>
    %swap3A_2495 = vector.shape_cast %add3A_2489 : vector<16xi32> to vector<1x16xi32>
    tpu.vector_store %arg11[%swap3A_2491, %swap3A_2492], %swap3A_2495 {strides = array<i32>} : memref<4x128xi32, #tpu.memory_space<vmem>>, vector<1x16xi32>,
    %get3A_2496 = arith.constant 432 : index
    %get3A_2497 = tpu.vector_load %arg7[%get3A_2496] {strides = array<i32>} : memref<512xi32, #tpu.memory_space<vmem>>, vector<16xi32>,
    %get3A_2498 = vector.shape_cast %get3A_2497 : vector<16xi32> to vector<16xi32>
    %get3A_2499 = arith.constant 432 : index
    %get3A_2500 = tpu.vector_load %arg9[%get3A_2499] {strides = array<i32>} : memref<512xi32, #tpu.memory_space<vmem>>, vector<16xi32>,
    %get3A_2501 = vector.shape_cast %get3A_2500 : vector<16xi32> to vector<16xi32>
    %mul3A_2502 = arith.constant 5 : i32
    %mul3A_2503 = vector.broadcast %mul3A_2502 : i32 to vector<16xi32>
    %mul3A_2504 = arith.muli %get3A_2498, %mul3A_2503 : vector<16xi32>
    %add3A_2505 = arith.addi %mul3A_2504, %get3A_2501 : vector<16xi32>
    %add3A_2506 = vector.broadcast %mul3A_4 : i32 to vector<16xi32>
    %add3A_2507 = arith.addi %add3A_2505, %add3A_2506 : vector<16xi32>
    %swap3A_2508 = arith.constant 3 : i32
    %swap3A_2509 = arith.index_cast %swap3A_2508 : i32 to index
    %swap3A_2510 = arith.constant 48 : index
    %swap3A_2511 = tpu.vector_load %arg11[%swap3A_2509, %swap3A_2510] {strides = array<i32>} : memref<4x128xi32, #tpu.memory_space<vmem>>, vector<1x16xi32>,
    %swap3A_2512 = vector.shape_cast %swap3A_2511 : vector<1x16xi32> to vector<16xi32>
    %swap3A_2513 = vector.shape_cast %add3A_2507 : vector<16xi32> to vector<1x16xi32>
    tpu.vector_store %arg11[%swap3A_2509, %swap3A_2510], %swap3A_2513 {strides = array<i32>} : memref<4x128xi32, #tpu.memory_space<vmem>>, vector<1x16xi32>,
    %get3A_2514 = arith.constant 448 : index
    %get3A_2515 = tpu.vector_load %arg7[%get3A_2514] {strides = array<i32>} : memref<512xi32, #tpu.memory_space<vmem>>, vector<16xi32>,
    %get3A_2516 = vector.shape_cast %get3A_2515 : vector<16xi32> to vector<16xi32>
    %get3A_2517 = arith.constant 448 : index
    %get3A_2518 = tpu.vector_load %arg9[%get3A_2517] {strides = array<i32>} : memref<512xi32, #tpu.memory_space<vmem>>, vector<16xi32>,
    %get3A_2519 = vector.shape_cast %get3A_2518 : vector<16xi32> to vector<16xi32>
    %mul3A_2520 = arith.constant 5 : i32
    %mul3A_2521 = vector.broadcast %mul3A_2520 : i32 to vector<16xi32>
    %mul3A_2522 = arith.muli %get3A_2516, %mul3A_2521 : vector<16xi32>
    %add3A_2523 = arith.addi %mul3A_2522, %get3A_2519 : vector<16xi32>
    %add3A_2524 = vector.broadcast %mul3A_4 : i32 to vector<16xi32>
    %add3A_2525 = arith.addi %add3A_2523, %add3A_2524 : vector<16xi32>
    %swap3A_2526 = arith.constant 3 : i32
    %swap3A_2527 = arith.index_cast %swap3A_2526 : i32 to index
    %swap3A_2528 = arith.constant 64 : index
    %swap3A_2529 = tpu.vector_load %arg11[%swap3A_2527, %swap3A_2528] {strides = array<i32>} : memref<4x128xi32, #tpu.memory_space<vmem>>, vector<1x16xi32>,
    %swap3A_2530 = vector.shape_cast %swap3A_2529 : vector<1x16xi32> to vector<16xi32>
    %swap3A_2531 = vector.shape_cast %add3A_2525 : vector<16xi32> to vector<1x16xi32>
    tpu.vector_store %arg11[%swap3A_2527, %swap3A_2528], %swap3A_2531 {strides = array<i32>} : memref<4x128xi32, #tpu.memory_space<vmem>>, vector<1x16xi32>,
    %get3A_2532 = arith.constant 464 : index
    %get3A_2533 = tpu.vector_load %arg7[%get3A_2532] {strides = array<i32>} : memref<512xi32, #tpu.memory_space<vmem>>, vector<16xi32>,
    %get3A_2534 = vector.shape_cast %get3A_2533 : vector<16xi32> to vector<16xi32>
    %get3A_2535 = arith.constant 464 : index
    %get3A_2536 = tpu.vector_load %arg9[%get3A_2535] {strides = array<i32>} : memref<512xi32, #tpu.memory_space<vmem>>, vector<16xi32>,
    %get3A_2537 = vector.shape_cast %get3A_2536 : vector<16xi32> to vector<16xi32>
    %mul3A_2538 = arith.constant 5 : i32
    %mul3A_2539 = vector.broadcast %mul3A_2538 : i32 to vector<16xi32>
    %mul3A_2540 = arith.muli %get3A_2534, %mul3A_2539 : vector<16xi32>
    %add3A_2541 = arith.addi %mul3A_2540, %get3A_2537 : vector<16xi32>
    %add3A_2542 = vector.broadcast %mul3A_4 : i32 to vector<16xi32>
    %add3A_2543 = arith.addi %add3A_2541, %add3A_2542 : vector<16xi32>
    %swap3A_2544 = arith.constant 3 : i32
    %swap3A_2545 = arith.index_cast %swap3A_2544 : i32 to index
    %swap3A_2546 = arith.constant 80 : index
    %swap3A_2547 = tpu.vector_load %arg11[%swap3A_2545, %swap3A_2546] {strides = array<i32>} : memref<4x128xi32, #tpu.memory_space<vmem>>, vector<1x16xi32>,
    %swap3A_2548 = vector.shape_cast %swap3A_2547 : vector<1x16xi32> to vector<16xi32>
    %swap3A_2549 = vector.shape_cast %add3A_2543 : vector<16xi32> to vector<1x16xi32>
    tpu.vector_store %arg11[%swap3A_2545, %swap3A_2546], %swap3A_2549 {strides = array<i32>} : memref<4x128xi32, #tpu.memory_space<vmem>>, vector<1x16xi32>,
    %get3A_2550 = arith.constant 480 : index
    %get3A_2551 = tpu.vector_load %arg7[%get3A_2550] {strides = array<i32>} : memref<512xi32, #tpu.memory_space<vmem>>, vector<16xi32>,
    %get3A_2552 = vector.shape_cast %get3A_2551 : vector<16xi32> to vector<16xi32>
    %get3A_2553 = arith.constant 480 : index
    %get3A_2554 = tpu.vector_load %arg9[%get3A_2553] {strides = array<i32>} : memref<512xi32, #tpu.memory_space<vmem>>, vector<16xi32>,
    %get3A_2555 = vector.shape_cast %get3A_2554 : vector<16xi32> to vector<16xi32>
    %mul3A_2556 = arith.constant 5 : i32
    %mul3A_2557 = vector.broadcast %mul3A_2556 : i32 to vector<16xi32>
    %mul3A_2558 = arith.muli %get3A_2552, %mul3A_2557 : vector<16xi32>
    %add3A_2559 = arith.addi %mul3A_2558, %get3A_2555 : vector<16xi32>
    %add3A_2560 = vector.broadcast %mul3A_4 : i32 to vector<16xi32>
    %add3A_2561 = arith.addi %add3A_2559, %add3A_2560 : vector<16xi32>
    %swap3A_2562 = arith.constant 3 : i32
    %swap3A_2563 = arith.index_cast %swap3A_2562 : i32 to index
    %swap3A_2564 = arith.constant 96 : index
    %swap3A_2565 = tpu.vector_load %arg11[%swap3A_2563, %swap3A_2564] {strides = array<i32>} : memref<4x128xi32, #tpu.memory_space<vmem>>, vector<1x16xi32>,
    %swap3A_2566 = vector.shape_cast %swap3A_2565 : vector<1x16xi32> to vector<16xi32>
    %swap3A_2567 = vector.shape_cast %add3A_2561 : vector<16xi32> to vector<1x16xi32>
    tpu.vector_store %arg11[%swap3A_2563, %swap3A_2564], %swap3A_2567 {strides = array<i32>} : memref<4x128xi32, #tpu.memory_space<vmem>>, vector<1x16xi32>,
    %get3A_2568 = arith.constant 496 : index
    %get3A_2569 = tpu.vector_load %arg7[%get3A_2568] {strides = array<i32>} : memref<512xi32, #tpu.memory_space<vmem>>, vector<16xi32>,
    %get3A_2570 = vector.shape_cast %get3A_2569 : vector<16xi32> to vector<16xi32>
    %get3A_2571 = arith.constant 496 : index
    %get3A_2572 = tpu.vector_load %arg9[%get3A_2571] {strides = array<i32>} : memref<512xi32, #tpu.memory_space<vmem>>, vector<16xi32>,
    %get3A_2573 = vector.shape_cast %get3A_2572 : vector<16xi32> to vector<16xi32>
    %mul3A_2574 = arith.constant 5 : i32
    %mul3A_2575 = vector.broadcast %mul3A_2574 : i32 to vector<16xi32>
    %mul3A_2576 = arith.muli %get3A_2570, %mul3A_2575 : vector<16xi32>
    %add3A_2577 = arith.addi %mul3A_2576, %get3A_2573 : vector<16xi32>
    %add3A_2578 = vector.broadcast %mul3A_4 : i32 to vector<16xi32>
    %add3A_2579 = arith.addi %add3A_2577, %add3A_2578 : vector<16xi32>
    %swap3A_2580 = arith.constant 3 : i32
    %swap3A_2581 = arith.index_cast %swap3A_2580 : i32 to index
    %swap3A_2582 = arith.constant 112 : index
    %swap3A_2583 = tpu.vector_load %arg11[%swap3A_2581, %swap3A_2582] {strides = array<i32>} : memref<4x128xi32, #tpu.memory_space<vmem>>, vector<1x16xi32>,
    %swap3A_2584 = vector.shape_cast %swap3A_2583 : vector<1x16xi32> to vector<16xi32>
    %swap3A_2585 = vector.shape_cast %add3A_2579 : vector<16xi32> to vector<1x16xi32>
    tpu.vector_store %arg11[%swap3A_2581, %swap3A_2582], %swap3A_2585 {strides = array<i32>} : memref<4x128xi32, #tpu.memory_space<vmem>>, vector<1x16xi32>,
    %dma_wait3A_2586 = arith.constant 0 : i32
    %dma_wait3A_2587 = arith.constant 0 : i32
    %dma_wait3A_2588 = tpu.memref_slice %arg5[%dma_wait3A_2586, %dma_wait3A_2587] : memref<3276800x64xf32, #tpu.memory_space<hbm>> -> memref<512x64xf32, #tpu.memory_space<hbm>>
    %dma_wait3A_2589 = arith.constant 0 : i32
    %dma_wait3A_2590 = arith.constant 0 : i32
    %dma_wait3A_2591 = tpu.memref_slice %arg5[%dma_wait3A_2589, %dma_wait3A_2590] : memref<3276800x64xf32, #tpu.memory_space<hbm>> -> memref<512x64xf32, #tpu.memory_space<hbm>>
    tpu.wait_dma2 semaphore(%arg20 : memref<!tpu.dma_semaphore, #tpu.memory_space<semaphore_mem>>) src(%arg13 : memref<512x64xf32, #tpu.memory_space<vmem>>) dst(%dma_wait3A_2591 : memref<512x64xf32, #tpu.memory_space<hbm>>)
    %dma_start3A_2592 = arith.constant 0 : i32
    %dma_start3A_2593 = arith.constant 0 : i32
    %dma_start3A_2594 = arith.constant 0 : i32
    %dma_start3A_2595 = tpu.memref_slice %arg13[%dma_start3A_2593, %dma_start3A_2594] : memref<512x64xf32, #tpu.memory_space<vmem>> -> memref<128x64xf32, #tpu.memory_space<vmem>>
    %dma_start3A_2596 = arith.constant 0 : i32
    %dma_start3A_2597 = tpu.memref_slice %arg11[%dma_start3A_2592, %dma_start3A_2596] : memref<4x128xi32, #tpu.memory_space<vmem>> -> memref<1x128xi32, #tpu.memory_space<vmem>>
    %dma_start3A_2598 = tpu.memref_squeeze %dma_start3A_2597 : memref<1x128xi32, #tpu.memory_space<vmem>> -> memref<128xi32, #tpu.memory_space<vmem>>
    %dma_start3A_2599 = arith.constant 0 : i32
    %dma_start3A_2600 = arith.constant 0 : i32
    %dma_start3A_2601 = tpu.memref_slice %arg14[%dma_start3A_2599, %dma_start3A_2600] : memref<2304x64xf32, #tpu.memory_space<vmem_shared>> -> memref<2304x64xf32, #tpu.memory_space<vmem_shared>>
    tpu.enqueue_indirect_dma source(%dma_start3A_2601 : memref<2304x64xf32, #tpu.memory_space<vmem_shared>>) target(%dma_start3A_2595 : memref<128x64xf32, #tpu.memory_space<vmem>>) offsets(%dma_start3A_2598 : memref<128xi32, #tpu.memory_space<vmem>>) semaphore(%arg18 : memref<!tpu.dma_semaphore, #tpu.memory_space<semaphore_mem>>)
    %dma_start3A_2602 = arith.constant 1 : i32
    %dma_start3A_2603 = arith.constant 128 : i32
    %dma_start3A_2604 = arith.constant 0 : i32
    %dma_start3A_2605 = tpu.memref_slice %arg13[%dma_start3A_2603, %dma_start3A_2604] : memref<512x64xf32, #tpu.memory_space<vmem>> -> memref<128x64xf32, #tpu.memory_space<vmem>>
    %dma_start3A_2606 = arith.constant 0 : i32
    %dma_start3A_2607 = tpu.memref_slice %arg11[%dma_start3A_2602, %dma_start3A_2606] : memref<4x128xi32, #tpu.memory_space<vmem>> -> memref<1x128xi32, #tpu.memory_space<vmem>>
    %dma_start3A_2608 = tpu.memref_squeeze %dma_start3A_2607 : memref<1x128xi32, #tpu.memory_space<vmem>> -> memref<128xi32, #tpu.memory_space<vmem>>
    %dma_start3A_2609 = arith.constant 0 : i32
    %dma_start3A_2610 = arith.constant 0 : i32
    %dma_start3A_2611 = tpu.memref_slice %arg14[%dma_start3A_2609, %dma_start3A_2610] : memref<2304x64xf32, #tpu.memory_space<vmem_shared>> -> memref<2304x64xf32, #tpu.memory_space<vmem_shared>>
    tpu.enqueue_indirect_dma source(%dma_start3A_2611 : memref<2304x64xf32, #tpu.memory_space<vmem_shared>>) target(%dma_start3A_2605 : memref<128x64xf32, #tpu.memory_space<vmem>>) offsets(%dma_start3A_2608 : memref<128xi32, #tpu.memory_space<vmem>>) semaphore(%arg18 : memref<!tpu.dma_semaphore, #tpu.memory_space<semaphore_mem>>)
    %dma_start3A_2612 = arith.constant 2 : i32
    %dma_start3A_2613 = arith.constant 256 : i32
    %dma_start3A_2614 = arith.constant 0 : i32
    %dma_start3A_2615 = tpu.memref_slice %arg13[%dma_start3A_2613, %dma_start3A_2614] : memref<512x64xf32, #tpu.memory_space<vmem>> -> memref<128x64xf32, #tpu.memory_space<vmem>>
    %dma_start3A_2616 = arith.constant 0 : i32
    %dma_start3A_2617 = tpu.memref_slice %arg11[%dma_start3A_2612, %dma_start3A_2616] : memref<4x128xi32, #tpu.memory_space<vmem>> -> memref<1x128xi32, #tpu.memory_space<vmem>>
    %dma_start3A_2618 = tpu.memref_squeeze %dma_start3A_2617 : memref<1x128xi32, #tpu.memory_space<vmem>> -> memref<128xi32, #tpu.memory_space<vmem>>
    %dma_start3A_2619 = arith.constant 0 : i32
    %dma_start3A_2620 = arith.constant 0 : i32
    %dma_start3A_2621 = tpu.memref_slice %arg14[%dma_start3A_2619, %dma_start3A_2620] : memref<2304x64xf32, #tpu.memory_space<vmem_shared>> -> memref<2304x64xf32, #tpu.memory_space<vmem_shared>>
    tpu.enqueue_indirect_dma source(%dma_start3A_2621 : memref<2304x64xf32, #tpu.memory_space<vmem_shared>>) target(%dma_start3A_2615 : memref<128x64xf32, #tpu.memory_space<vmem>>) offsets(%dma_start3A_2618 : memref<128xi32, #tpu.memory_space<vmem>>) semaphore(%arg18 : memref<!tpu.dma_semaphore, #tpu.memory_space<semaphore_mem>>)
    %dma_start3A_2622 = arith.constant 3 : i32
    %dma_start3A_2623 = arith.constant 384 : i32
    %dma_start3A_2624 = arith.constant 0 : i32
    %dma_start3A_2625 = tpu.memref_slice %arg13[%dma_start3A_2623, %dma_start3A_2624] : memref<512x64xf32, #tpu.memory_space<vmem>> -> memref<128x64xf32, #tpu.memory_space<vmem>>
    %dma_start3A_2626 = arith.constant 0 : i32
    %dma_start3A_2627 = tpu.memref_slice %arg11[%dma_start3A_2622, %dma_start3A_2626] : memref<4x128xi32, #tpu.memory_space<vmem>> -> memref<1x128xi32, #tpu.memory_space<vmem>>
    %dma_start3A_2628 = tpu.memref_squeeze %dma_start3A_2627 : memref<1x128xi32, #tpu.memory_space<vmem>> -> memref<128xi32, #tpu.memory_space<vmem>>
    %dma_start3A_2629 = arith.constant 0 : i32
    %dma_start3A_2630 = arith.constant 0 : i32
    %dma_start3A_2631 = tpu.memref_slice %arg14[%dma_start3A_2629, %dma_start3A_2630] : memref<2304x64xf32, #tpu.memory_space<vmem_shared>> -> memref<2304x64xf32, #tpu.memory_space<vmem_shared>>
    tpu.enqueue_indirect_dma source(%dma_start3A_2631 : memref<2304x64xf32, #tpu.memory_space<vmem_shared>>) target(%dma_start3A_2625 : memref<128x64xf32, #tpu.memory_space<vmem>>) offsets(%dma_start3A_2628 : memref<128xi32, #tpu.memory_space<vmem>>) semaphore(%arg18 : memref<!tpu.dma_semaphore, #tpu.memory_space<semaphore_mem>>)
    %dma_wait3A_2632 = arith.constant 0 : i32
    %dma_wait3A_2633 = arith.constant 0 : i32
    %dma_wait3A_2634 = arith.constant 0 : i32
    %dma_wait3A_2635 = tpu.memref_slice %arg12[%dma_wait3A_2633, %dma_wait3A_2634] : memref<512x64xf32, #tpu.memory_space<vmem>> -> memref<128x64xf32, #tpu.memory_space<vmem>>
    %dma_wait3A_2636 = arith.constant 0 : i32
    %dma_wait3A_2637 = tpu.memref_slice %arg10[%dma_wait3A_2632, %dma_wait3A_2636] : memref<4x128xi32, #tpu.memory_space<vmem>> -> memref<1x128xi32, #tpu.memory_space<vmem>>
    %dma_wait3A_2638 = tpu.memref_squeeze %dma_wait3A_2637 : memref<1x128xi32, #tpu.memory_space<vmem>> -> memref<128xi32, #tpu.memory_space<vmem>>
    %dma_wait3A_2639 = arith.constant 0 : i32
    %dma_wait3A_2640 = arith.constant 0 : i32
    %dma_wait3A_2641 = tpu.memref_slice %arg14[%dma_wait3A_2639, %dma_wait3A_2640] : memref<2304x64xf32, #tpu.memory_space<vmem_shared>> -> memref<2304x64xf32, #tpu.memory_space<vmem_shared>>
    tpu.wait_indirect_dma semaphore(%arg17 : memref<!tpu.dma_semaphore, #tpu.memory_space<semaphore_mem>>) src(%dma_wait3A_2641 : memref<2304x64xf32, #tpu.memory_space<vmem_shared>>) dst(%dma_wait3A_2635 : memref<128x64xf32, #tpu.memory_space<vmem>>)
    %dma_wait3A_2642 = arith.constant 1 : i32
    %dma_wait3A_2643 = arith.constant 128 : i32
    %dma_wait3A_2644 = arith.constant 0 : i32
    %dma_wait3A_2645 = tpu.memref_slice %arg12[%dma_wait3A_2643, %dma_wait3A_2644] : memref<512x64xf32, #tpu.memory_space<vmem>> -> memref<128x64xf32, #tpu.memory_space<vmem>>
    %dma_wait3A_2646 = arith.constant 0 : i32
    %dma_wait3A_2647 = tpu.memref_slice %arg10[%dma_wait3A_2642, %dma_wait3A_2646] : memref<4x128xi32, #tpu.memory_space<vmem>> -> memref<1x128xi32, #tpu.memory_space<vmem>>
    %dma_wait3A_2648 = tpu.memref_squeeze %dma_wait3A_2647 : memref<1x128xi32, #tpu.memory_space<vmem>> -> memref<128xi32, #tpu.memory_space<vmem>>
    %dma_wait3A_2649 = arith.constant 0 : i32
    %dma_wait3A_2650 = arith.constant 0 : i32
    %dma_wait3A_2651 = tpu.memref_slice %arg14[%dma_wait3A_2649, %dma_wait3A_2650] : memref<2304x64xf32, #tpu.memory_space<vmem_shared>> -> memref<2304x64xf32, #tpu.memory_space<vmem_shared>>
    tpu.wait_indirect_dma semaphore(%arg17 : memref<!tpu.dma_semaphore, #tpu.memory_space<semaphore_mem>>) src(%dma_wait3A_2651 : memref<2304x64xf32, #tpu.memory_space<vmem_shared>>) dst(%dma_wait3A_2645 : memref<128x64xf32, #tpu.memory_space<vmem>>)
    %dma_wait3A_2652 = arith.constant 2 : i32
    %dma_wait3A_2653 = arith.constant 256 : i32
    %dma_wait3A_2654 = arith.constant 0 : i32
    %dma_wait3A_2655 = tpu.memref_slice %arg12[%dma_wait3A_2653, %dma_wait3A_2654] : memref<512x64xf32, #tpu.memory_space<vmem>> -> memref<128x64xf32, #tpu.memory_space<vmem>>
    %dma_wait3A_2656 = arith.constant 0 : i32
    %dma_wait3A_2657 = tpu.memref_slice %arg10[%dma_wait3A_2652, %dma_wait3A_2656] : memref<4x128xi32, #tpu.memory_space<vmem>> -> memref<1x128xi32, #tpu.memory_space<vmem>>
    %dma_wait3A_2658 = tpu.memref_squeeze %dma_wait3A_2657 : memref<1x128xi32, #tpu.memory_space<vmem>> -> memref<128xi32, #tpu.memory_space<vmem>>
    %dma_wait3A_2659 = arith.constant 0 : i32
    %dma_wait3A_2660 = arith.constant 0 : i32
    %dma_wait3A_2661 = tpu.memref_slice %arg14[%dma_wait3A_2659, %dma_wait3A_2660] : memref<2304x64xf32, #tpu.memory_space<vmem_shared>> -> memref<2304x64xf32, #tpu.memory_space<vmem_shared>>
    tpu.wait_indirect_dma semaphore(%arg17 : memref<!tpu.dma_semaphore, #tpu.memory_space<semaphore_mem>>) src(%dma_wait3A_2661 : memref<2304x64xf32, #tpu.memory_space<vmem_shared>>) dst(%dma_wait3A_2655 : memref<128x64xf32, #tpu.memory_space<vmem>>)
    %dma_wait3A_2662 = arith.constant 3 : i32
    %dma_wait3A_2663 = arith.constant 384 : i32
    %dma_wait3A_2664 = arith.constant 0 : i32
    %dma_wait3A_2665 = tpu.memref_slice %arg12[%dma_wait3A_2663, %dma_wait3A_2664] : memref<512x64xf32, #tpu.memory_space<vmem>> -> memref<128x64xf32, #tpu.memory_space<vmem>>
    %dma_wait3A_2666 = arith.constant 0 : i32
    %dma_wait3A_2667 = tpu.memref_slice %arg10[%dma_wait3A_2662, %dma_wait3A_2666] : memref<4x128xi32, #tpu.memory_space<vmem>> -> memref<1x128xi32, #tpu.memory_space<vmem>>
    %dma_wait3A_2668 = tpu.memref_squeeze %dma_wait3A_2667 : memref<1x128xi32, #tpu.memory_space<vmem>> -> memref<128xi32, #tpu.memory_space<vmem>>
    %dma_wait3A_2669 = arith.constant 0 : i32
    %dma_wait3A_2670 = arith.constant 0 : i32
    %dma_wait3A_2671 = tpu.memref_slice %arg14[%dma_wait3A_2669, %dma_wait3A_2670] : memref<2304x64xf32, #tpu.memory_space<vmem_shared>> -> memref<2304x64xf32, #tpu.memory_space<vmem_shared>>
    tpu.wait_indirect_dma semaphore(%arg17 : memref<!tpu.dma_semaphore, #tpu.memory_space<semaphore_mem>>) src(%dma_wait3A_2671 : memref<2304x64xf32, #tpu.memory_space<vmem_shared>>) dst(%dma_wait3A_2665 : memref<128x64xf32, #tpu.memory_space<vmem>>)
    %add3A_2672 = arith.constant 101376 : i32
    %add3A_2673 = arith.addi %mul3A_2, %add3A_2672 : i32
    %dma_start3A_2674 = arith.constant 0 : i32
    %dma_start3A_2675 = tpu.memref_slice %arg5[%add3A_2673, %dma_start3A_2674] : memref<3276800x64xf32, #tpu.memory_space<hbm>> -> memref<512x64xf32, #tpu.memory_space<hbm>>
    %dma_start3A_2676 = arith.constant 0 : i32
    %dma_start3A_2677 = tpu.memref_slice %arg5[%add3A_2673, %dma_start3A_2676] : memref<3276800x64xf32, #tpu.memory_space<hbm>> -> memref<512x64xf32, #tpu.memory_space<hbm>>
    tpu.enqueue_dma source(%arg12 : memref<512x64xf32, #tpu.memory_space<vmem>>) target(%dma_start3A_2677 : memref<512x64xf32, #tpu.memory_space<hbm>>) target_semaphore(%arg19 : memref<!tpu.dma_semaphore, #tpu.memory_space<semaphore_mem>>)
    %dma_wait3A_2678 = arith.constant 0 : i32
    %dma_wait3A_2679 = arith.constant 0 : i32
    %dma_wait3A_2680 = arith.constant 0 : i32
    %dma_wait3A_2681 = tpu.memref_slice %arg13[%dma_wait3A_2679, %dma_wait3A_2680] : memref<512x64xf32, #tpu.memory_space<vmem>> -> memref<128x64xf32, #tpu.memory_space<vmem>>
    %dma_wait3A_2682 = arith.constant 0 : i32
    %dma_wait3A_2683 = tpu.memref_slice %arg11[%dma_wait3A_2678, %dma_wait3A_2682] : memref<4x128xi32, #tpu.memory_space<vmem>> -> memref<1x128xi32, #tpu.memory_space<vmem>>
    %dma_wait3A_2684 = tpu.memref_squeeze %dma_wait3A_2683 : memref<1x128xi32, #tpu.memory_space<vmem>> -> memref<128xi32, #tpu.memory_space<vmem>>
    %dma_wait3A_2685 = arith.constant 0 : i32
    %dma_wait3A_2686 = arith.constant 0 : i32
    %dma_wait3A_2687 = tpu.memref_slice %arg14[%dma_wait3A_2685, %dma_wait3A_2686] : memref<2304x64xf32, #tpu.memory_space<vmem_shared>> -> memref<2304x64xf32, #tpu.memory_space<vmem_shared>>
    tpu.wait_indirect_dma semaphore(%arg18 : memref<!tpu.dma_semaphore, #tpu.memory_space<semaphore_mem>>) src(%dma_wait3A_2687 : memref<2304x64xf32, #tpu.memory_space<vmem_shared>>) dst(%dma_wait3A_2681 : memref<128x64xf32, #tpu.memory_space<vmem>>)
    %dma_wait3A_2688 = arith.constant 1 : i32
    %dma_wait3A_2689 = arith.constant 128 : i32
    %dma_wait3A_2690 = arith.constant 0 : i32
    %dma_wait3A_2691 = tpu.memref_slice %arg13[%dma_wait3A_2689, %dma_wait3A_2690] : memref<512x64xf32, #tpu.memory_space<vmem>> -> memref<128x64xf32, #tpu.memory_space<vmem>>
    %dma_wait3A_2692 = arith.constant 0 : i32
    %dma_wait3A_2693 = tpu.memref_slice %arg11[%dma_wait3A_2688, %dma_wait3A_2692] : memref<4x128xi32, #tpu.memory_space<vmem>> -> memref<1x128xi32, #tpu.memory_space<vmem>>
    %dma_wait3A_2694 = tpu.memref_squeeze %dma_wait3A_2693 : memref<1x128xi32, #tpu.memory_space<vmem>> -> memref<128xi32, #tpu.memory_space<vmem>>
    %dma_wait3A_2695 = arith.constant 0 : i32
    %dma_wait3A_2696 = arith.constant 0 : i32
    %dma_wait3A_2697 = tpu.memref_slice %arg14[%dma_wait3A_2695, %dma_wait3A_2696] : memref<2304x64xf32, #tpu.memory_space<vmem_shared>> -> memref<2304x64xf32, #tpu.memory_space<vmem_shared>>
    tpu.wait_indirect_dma semaphore(%arg18 : memref<!tpu.dma_semaphore, #tpu.memory_space<semaphore_mem>>) src(%dma_wait3A_2697 : memref<2304x64xf32, #tpu.memory_space<vmem_shared>>) dst(%dma_wait3A_2691 : memref<128x64xf32, #tpu.memory_space<vmem>>)
    %dma_wait3A_2698 = arith.constant 2 : i32
    %dma_wait3A_2699 = arith.constant 256 : i32
    %dma_wait3A_2700 = arith.constant 0 : i32
    %dma_wait3A_2701 = tpu.memref_slice %arg13[%dma_wait3A_2699, %dma_wait3A_2700] : memref<512x64xf32, #tpu.memory_space<vmem>> -> memref<128x64xf32, #tpu.memory_space<vmem>>
    %dma_wait3A_2702 = arith.constant 0 : i32
    %dma_wait3A_2703 = tpu.memref_slice %arg11[%dma_wait3A_2698, %dma_wait3A_2702] : memref<4x128xi32, #tpu.memory_space<vmem>> -> memref<1x128xi32, #tpu.memory_space<vmem>>
    %dma_wait3A_2704 = tpu.memref_squeeze %dma_wait3A_2703 : memref<1x128xi32, #tpu.memory_space<vmem>> -> memref<128xi32, #tpu.memory_space<vmem>>
    %dma_wait3A_2705 = arith.constant 0 : i32
    %dma_wait3A_2706 = arith.constant 0 : i32
    %dma_wait3A_2707 = tpu.memref_slice %arg14[%dma_wait3A_2705, %dma_wait3A_2706] : memref<2304x64xf32, #tpu.memory_space<vmem_shared>> -> memref<2304x64xf32, #tpu.memory_space<vmem_shared>>
    tpu.wait_indirect_dma semaphore(%arg18 : memref<!tpu.dma_semaphore, #tpu.memory_space<semaphore_mem>>) src(%dma_wait3A_2707 : memref<2304x64xf32, #tpu.memory_space<vmem_shared>>) dst(%dma_wait3A_2701 : memref<128x64xf32, #tpu.memory_space<vmem>>)
    %dma_wait3A_2708 = arith.constant 3 : i32
    %dma_wait3A_2709 = arith.constant 384 : i32
    %dma_wait3A_2710 = arith.constant 0 : i32
    %dma_wait3A_2711 = tpu.memref_slice %arg13[%dma_wait3A_2709, %dma_wait3A_2710] : memref<512x64xf32, #tpu.memory_space<vmem>> -> memref<128x64xf32, #tpu.memory_space<vmem>>
    %dma_wait3A_2712 = arith.constant 0 : i32
    %dma_wait3A_2713 = tpu.memref_slice %arg11[%dma_wait3A_2708, %dma_wait3A_2712] : memref<4x128xi32, #tpu.memory_space<vmem>> -> memref<1x128xi32, #tpu.memory_space<vmem>>
    %dma_wait3A_2714 = tpu.memref_squeeze %dma_wait3A_2713 : memref<1x128xi32, #tpu.memory_space<vmem>> -> memref<128xi32, #tpu.memory_space<vmem>>
    %dma_wait3A_2715 = arith.constant 0 : i32
    %dma_wait3A_2716 = arith.constant 0 : i32
    %dma_wait3A_2717 = tpu.memref_slice %arg14[%dma_wait3A_2715, %dma_wait3A_2716] : memref<2304x64xf32, #tpu.memory_space<vmem_shared>> -> memref<2304x64xf32, #tpu.memory_space<vmem_shared>>
    tpu.wait_indirect_dma semaphore(%arg18 : memref<!tpu.dma_semaphore, #tpu.memory_space<semaphore_mem>>) src(%dma_wait3A_2717 : memref<2304x64xf32, #tpu.memory_space<vmem_shared>>) dst(%dma_wait3A_2711 : memref<128x64xf32, #tpu.memory_space<vmem>>)
    %add3A_2718 = arith.constant 101888 : i32
    %add3A_2719 = arith.addi %mul3A_2, %add3A_2718 : i32
    %dma_start3A_2720 = arith.constant 0 : i32
    %dma_start3A_2721 = tpu.memref_slice %arg5[%add3A_2719, %dma_start3A_2720] : memref<3276800x64xf32, #tpu.memory_space<hbm>> -> memref<512x64xf32, #tpu.memory_space<hbm>>
    %dma_start3A_2722 = arith.constant 0 : i32
    %dma_start3A_2723 = tpu.memref_slice %arg5[%add3A_2719, %dma_start3A_2722] : memref<3276800x64xf32, #tpu.memory_space<hbm>> -> memref<512x64xf32, #tpu.memory_space<hbm>>
    tpu.enqueue_dma source(%arg13 : memref<512x64xf32, #tpu.memory_space<vmem>>) target(%dma_start3A_2723 : memref<512x64xf32, #tpu.memory_space<hbm>>) target_semaphore(%arg20 : memref<!tpu.dma_semaphore, #tpu.memory_space<semaphore_mem>>)
    %dma_wait3A_2724 = arith.constant 0 : i32
    %dma_wait3A_2725 = arith.constant 0 : i32
    %dma_wait3A_2726 = tpu.memref_slice %arg5[%dma_wait3A_2724, %dma_wait3A_2725] : memref<3276800x64xf32, #tpu.memory_space<hbm>> -> memref<512x64xf32, #tpu.memory_space<hbm>>
    %dma_wait3A_2727 = arith.constant 0 : i32
    %dma_wait3A_2728 = arith.constant 0 : i32
    %dma_wait3A_2729 = tpu.memref_slice %arg5[%dma_wait3A_2727, %dma_wait3A_2728] : memref<3276800x64xf32, #tpu.memory_space<hbm>> -> memref<512x64xf32, #tpu.memory_space<hbm>>
    tpu.wait_dma2 semaphore(%arg19 : memref<!tpu.dma_semaphore, #tpu.memory_space<semaphore_mem>>) src(%arg12 : memref<512x64xf32, #tpu.memory_space<vmem>>) dst(%dma_wait3A_2729 : memref<512x64xf32, #tpu.memory_space<hbm>>)
    %dma_wait3A_2730 = arith.constant 0 : i32
    %dma_wait3A_2731 = arith.constant 0 : i32
    %dma_wait3A_2732 = tpu.memref_slice %arg5[%dma_wait3A_2730, %dma_wait3A_2731] : memref<3276800x64xf32, #tpu.memory_space<hbm>> -> memref<512x64xf32, #tpu.memory_space<hbm>>
    %dma_wait3A_2733 = arith.constant 0 : i32
    %dma_wait3A_2734 = arith.constant 0 : i32
    %dma_wait3A_2735 = tpu.memref_slice %arg5[%dma_wait3A_2733, %dma_wait3A_2734] : memref<3276800x64xf32, #tpu.memory_space<hbm>> -> memref<512x64xf32, #tpu.memory_space<hbm>>
    tpu.wait_dma2 semaphore(%arg20 : memref<!tpu.dma_semaphore, #tpu.memory_space<semaphore_mem>>) src(%arg13 : memref<512x64xf32, #tpu.memory_space<vmem>>) dst(%dma_wait3A_2735 : memref<512x64xf32, #tpu.memory_space<hbm>>)
    return
  }
}

</mosaic_0001>

<sc_bundles>
// kernel: kernel.3.cloned.1.call-start
scs
__scs_entry_jumppad:
0x0: {  	(pc) =	sbr.rel $0x88, $3  }
0x1: {  	(tag) =	ssettag $0x0;
	lr =	simm.s32 $0x1  }
0x2: {  	[smem:$0x3F9D] =	sst lr;
	_ =	strace $0xD0000000  }
0x3: {  	_ = 	snop  }
0x4: {  	_ = 	snop  }
0x5: {  	_ = 	snop  }
0x6: {  	_ = 	snop  }
0x7: {  	_ = 	snop  }
__scs_overlays_trampoline_lowered:
0x8: {  	[smem:$0x3FAC] =	sst s0  }
0x9: {  	[smem:$0x3FAD] =	sst s1  }
0xa: {  	[smem:$0x3FAE] =	sst s2  }
0xb: {  	[smem:$0x3FAF] =	sst s3  }
0xc: {  	[smem:$0x3FB0] =	sst s4  }
0xd: {  	[smem:$0x3FB1] =	sst s5  }
0xe: {  	[smem:$0x3FB2] =	sst s6  }
0xf: {  	[smem:$0x3FB3] =	sst s7  }
0x10: {  	[smem:$0x3FB4] =	sst s8  }
0x11: {  	[smem:$0x3FB5] =	sst s9;
	s0 =	simm.s32 @!p0 $0x0  }
0x12: {  	s1 =	sld [smem:$0x3F9B];
	s0 =	simm.s32 @p0 $0x1  }
0x13: {  	[smem:$0x3FB6] =	sst s0;
	s0 =	simm.s32 @!p1 $0x0  }
0x14: {  	s2 =	sld [smem:$0x3F9A];
	s0 =	simm.s32 @p1 $0x1  }
0x15: {  	[smem:$0x3FB7] =	sst s0;
	s0 =	simm.s32 @!p2 $0x0  }
0x16: {  	s3 =	sld [smem:$0x3FDB];
	s0 =	simm.s32 @p2 $0x1  }
0x17: {  	s4 =	simm.s32 $0x1BF5;
	[smem:$0x3FB9] =	sst s0  }
0x18: {  	s0 =	sld [smem:$0x3F9C];
	_ =	swait.ge [sflag:s4], $0x0  }
0x19: {  	s7 =	sld [smem:$0x3F9D]  }
0x1a: {  	s8 =	sadd.s32 $0xFFFFE003, lr  }
0x1b: {  	s9 =	sadd.s32 $0xFFFFFEF7, lr;
	s5 =	simm.s32 $0xFFFFFFFF;
	p2 =	slt.u32 s8, $0xFFFFF086  }
0x1c: {  	p1 =	slt.u32 s9, $0xF7A;
	s5 =	simm.s32 @!p2 $0x0  }
0x1d: {  	s5 =	simm.s32 @p1 $0x1;
	p0 =	seq.s32 s7, s2  }
0x1e: {  	s7 =	smul.u32 @!p0 $0xF7A, s2;
	p2 =	seq.s32 @!p0 s5, $0x0  }
0x1f: {  	s9 =	smul.u32 $0xF7A, s1;
	s8 =	simm.s32 @!p0 $0x1BF5;
	p2 =	por !p2, p0  }
0x20: {  	[sflag:s8] =	ssyncset.s32 @!p0 $0xFFFFF086;
	s6 =	sadd.s32 @!p0 s3, s7;
	s7 =	simm.s32 @!p0 $0x108  }
0x21: {  	s3 =	sadd.s32 s3, s9;
	s6 =	sadd.s32 @!p0 $0x88, s6;
	s7 =	simm.s32 @p2 $0x1082  }
0x22: {  	[simem:s7], [sflag:s8] =	dma.local @!p0 [hbm:s6], $0xF7A  }
0x23: {  	s9 =	sor.u32 $0xD0000000, s2;
	s6 =	simm.s32 $0x108;
	_ =	swait.ge @!p0 [sflag:s8], $0x0  }
0x24: {  	s3 =	sadd.s32 $0x88, s3;
	s6 =	simm.s32 @!p1 $0x1082;
	[sflag:s4] =	ssyncset.s32 $0xFFFFF086  }
0x25: {  	[simem:s6], [sflag:s4] =	dma.local [hbm:s3], $0xF7A  }
0x26: {  	[smem:$0x3F9D] =	sst s1;
	(tag) =	ssettag s2;
	_ =	strace s9  }
0x27: {  	s1 =	sld [smem:$0x3FAD]  }
0x28: {  	s2 =	sld [smem:$0x3FAE]  }
0x29: {  	s4 =	sld [smem:$0x3FB0]  }
0x2a: {  	p0 =	seq.s32 s5, $0x0;
	s5 =	sld [smem:$0x3FB1]  }
0x2b: {  	s6 =	sld [smem:$0x3FB2]  }
0x2c: {  	s7 =	sld [smem:$0x3FB3]  }
0x2d: {  	s3 =	simm.s32 $0x108;
	s8 =	sld [smem:$0x3FB4]  }
0x2e: {  	s3 =	simm.s32 @!p0 $0x1082;
	s9 =	sld [smem:$0x3FB5]  }
0x2f: {  	lr =	sadd.s32 s0, s3;
	s0 =	sld [smem:$0x3FAC]  }
0x30: {  	s3 =	sld [smem:$0x3FAF]  }
0x31: {  	[smem:$0x3FB8] =	sst s10  }
0x32: {  	s10 =	sld [smem:$0x3FB6];
	_ =	sdelay $0x3  }
0x33: {  	p0 =	seq.s32 s10, $0x1;
	s10 =	sld [smem:$0x3FB8];
	_ =	sdelay $0x3  }
0x34: {  	[smem:$0x3FB8] =	sst s10  }
0x35: {  	s10 =	sld [smem:$0x3FB7];
	_ =	sdelay $0x3  }
0x36: {  	p1 =	seq.s32 s10, $0x1;
	s10 =	sld [smem:$0x3FB8];
	_ =	sdelay $0x3  }
0x37: {  	[smem:$0x3FB8] =	sst s10  }
0x38: {  	s10 =	sld [smem:$0x3FB9]  }
0x39: {  	_ = 	snop;
	(pc) =	sbr.ind lr, $3  }
0x3a: {  	_ = 	snop  }
0x3b: {  	_ = 	snop  }
0x3c: {  	p2 =	seq.s32 s10, $0x1;
	s10 =	sld [smem:$0x3FB8]  }
0x3d: {  	_ =	shalt  }
0x3e: {  	_ =	shalt  }
0x3f: {  	_ =	shalt  }
0x40: {  	_ =	shalt  }
0x41: {  	_ =	shalt  }
0x42: {  	_ =	shalt  }
0x43: {  	_ =	shalt  }
0x44: {  	_ =	shalt  }
0x45: {  	_ =	shalt  }
0x46: {  	_ =	shalt  }
0x47: {  	_ =	shalt  }
0x48: {  	_ =	shalt  }
0x49: {  	_ =	shalt  }
0x4a: {  	_ =	shalt  }
0x4b: {  	_ =	shalt  }
0x4c: {  	_ =	shalt  }
0x4d: {  	_ =	shalt  }
0x4e: {  	_ =	shalt  }
0x4f: {  	_ =	shalt  }
0x50: {  	_ =	shalt  }
0x51: {  	_ =	shalt  }
0x52: {  	_ =	shalt  }
0x53: {  	_ =	shalt  }
0x54: {  	_ =	shalt  }
0x55: {  	_ =	shalt  }
0x56: {  	_ =	shalt  }
0x57: {  	_ =	shalt  }
0x58: {  	_ =	shalt  }
0x59: {  	_ =	shalt  }
0x5a: {  	_ =	shalt  }
0x5b: {  	_ =	shalt  }
0x5c: {  	_ =	shalt  }
0x5d: {  	_ =	shalt  }
0x5e: {  	_ =	shalt  }
0x5f: {  	_ =	shalt  }
0x60: {  	_ =	shalt  }
0x61: {  	_ =	shalt  }
0x62: {  	_ =	shalt  }
0x63: {  	_ =	shalt  }
0x64: {  	_ =	shalt  }
0x65: {  	_ =	shalt  }
0x66: {  	_ =	shalt  }
0x67: {  	_ =	shalt  }
0x68: {  	_ =	shalt  }
0x69: {  	_ =	shalt  }
0x6a: {  	_ =	shalt  }
0x6b: {  	_ =	shalt  }
0x6c: {  	_ =	shalt  }
0x6d: {  	_ =	shalt  }
0x6e: {  	_ =	shalt  }
0x6f: {  	_ =	shalt  }
0x70: {  	_ =	shalt  }
0x71: {  	_ =	shalt  }
0x72: {  	_ =	shalt  }
0x73: {  	_ =	shalt  }
0x74: {  	_ =	shalt  }
0x75: {  	_ =	shalt  }
0x76: {  	_ =	shalt  }
0x77: {  	_ =	shalt  }
0x78: {  	_ =	shalt  }
0x79: {  	_ =	shalt  }
0x7a: {  	_ =	shalt  }
0x7b: {  	_ =	shalt  }
0x7c: {  	_ =	shalt  }
0x7d: {  	_ =	shalt  }
0x7e: {  	_ =	shalt  }
0x7f: {  	_ =	shalt  }
0x80: {  	_ =	shalt  }
0x81: {  	_ =	shalt  }
0x82: {  	_ =	shalt  }
0x83: {  	_ =	shalt  }
0x84: {  	_ =	shalt  }
0x85: {  	_ =	shalt  }
0x86: {  	_ =	shalt  }
0x87: {  	_ =	shalt  }
.Lfunc_end0:
.L_simem_size_0:
called_computation.1_lowered:
.L_overlay_start_0:
0x88: {  	s2 =	sld [smem:$0x3FD9]  }
0x89: {  	s3 =	sld [smem:$0x3FFE];
	_ =	sdelay $0x1  }
0x8a: {  	s1 =	srdreg.scid  }
0x8b: {  	s0 =	sand.u32 $0x1, s1  }
0x8c: {  	s17 =	sshll.u32 s0, $0xA;
	s2 =	sadd.s32 s3, s2  }
0x8d: {  	s2 =	sadd.s32 s2, s17  }
0x8e: {  	[smem:$0x3FC4] =	sst s2  }
0x8f: {  	_ = 	snop  }
0x90: {  	s2 =	sld [smem:$0x3FD0];
	(tm) =	ssettm $0x1  }
0x91: {  	s18 =	sld [smem:$0x3FFB];
	_ =	sdelay $0x3  }
0x92: {  	_ =	strace s18  }
0x93: {  	s3 =	sld [smem:$0x3FFC];
	_ =	sdelay $0x3  }
0x94: {  	_ =	strace s3  }
0x95: {  	s3 =	sld [smem:$0x3FFD];
	_ =	sdelay $0x3  }
0x96: {  	_ =	strace s3  }
0x97: {  	_ =	strace $0x8FFFFFFF  }
0x98: {  	s19 =	sld [smem:$0x3FDB];
	_ =	sdelay $0x1  }
0x99: {  	s4 =	simm.s32 $_scs_section_size  }
0x9a: {  	s5 =	simm.s32 $_size__tile_overlayer_lowered;
	s6 =	simm.s32 $_tile_overlayer_lowered  }
0x9b: {  	s22 =	simm.s32 $0x1BFF;
	s21 =	sshll.u32 s6, $0x1;
	s3 =	sadd.s32 s4, s19  }
0x9c: {  	s7 =	simm.s32 $0x0;
	s20 =	sshll.u32 s5, $0x1;
	s5 =	sadd.s32 s21, s3  }
0x9d: {  	[timem:s7], [sflag:s22] =	dma.local [hbm:s5], s20  }
0x9e: {  	_ =	swait.ge [sflag:s22], s20  }
0x9f: {  	s4 =	ssub.s32 $0x0, s20;
	[sflag:s22] =	ssyncset.done $0x0  }
0xa0: {  	[sflag:s22] =	ssyncadd.s32 s4;
	_ =	sdelay $0x1  }
0xa1: {  	s23 =	simm.s32 $0x1B8B  }
0xa2: {  	_ =	swait.ge [sflag:s23], $0x1  }
0xa3: {  	[sflag:s23] =	ssyncset.done $0x0  }
0xa4: {  	s25 =	simm.s32 $0x1B8E;
	s24 =	sld [smem:$0x3FFE];
	[sflag:s23] =	ssyncadd.s32 $0xFFFFFFFF  }
0xa5: {  	s26 =	simm.s32 $execute0_lowered;
	[smem:$0x3FD2] =	sst s25  }
0xa6: {  	s5 =	sshll.u32 s26, $0x1;
	_ =	strace $0x80000046;
	[dreg:$0x1] =	wrdreg $0xFFFFFFFF  }
0xa7: {  	s28 =	simm.s32 $_size_execute0_lowered;
	s3 =	sadd.s32 s3, s5;
	[dreg:$0x0] =	wrdreg $0x0  }
0xa8: {  	s5 =	sshll.u32 s28, $0x1;
	[dreg:$0x2] =	wrdreg s3  }
0xa9: {  	[dreg:$0x3] =	wrdreg s5  }
0xaa: {  	[dreg:$0x4] =	wrdreg $0xC0  }
0xab: {  	_ =	task [dreg:s7], $0x5FFFF  }
0xac: {  	[dreg:$0x1] =	wrdreg $0xFFFFFFFF  }
0xad: {  	[dreg:$0x0] =	wrdreg $0x60  }
0xae: {  	[dreg:$0x2] =	wrdreg s24  }
0xaf: {  	[dreg:$0x3] =	wrdreg s2  }
0xb0: {  	[dreg:$0x4] =	wrdreg $0x10C000  }
0xb1: {  	[dreg:$0x5] =	wrdreg $0x9  }
0xb2: {  	_ =	task.clear_ibuf [dreg:s7], $0x6FFFF;
	_ =	strace $0x90000046  }
0xb3: {  	s29 =	simm.s32 $0x9;
	_ =	strace $0x80000048  }
0xb4: {  	_ =	swait.ge [sflag:s29], $0x1  }
0xb5: {  	[sflag:s29] =	ssyncadd.s32 $0xFFFFFFFF  }
0xb6: {  	_ =	strace $0x90000048  }
0xb7: {  	_ =	sfence  }
0xb8: {  	s30 =	sld [smem:$0x0];
	_ =	sdelay $0x2  }
0xb9: {  	s31 =	sshll.u32 s1, $0xD;
	s1 =	sshrl.u32 s1, $0x2  }
0xba: {  	s3 =	sand.u32 $0x4000, s31;
	s1 =	sadd.s32 s1, s30  }
0xbb: {  	s0 =	sor.u32 s3, s0;
	s1 =	sshll.u32 s1, $0x11  }
0xbc: {  	s0 =	sor.u32 s1, s0  }
0xbd: {  	s0 =	sadd.s32 $0x8F2B, s0  }
0xbe: {  	[sflag:s0] =	ssyncadd.remote.s32 $0x1  }
0xbf: {  	_ =	sfence.sel $0xFFFF  }
0xc0: {  	[dreg:$0x0] =	wrdreg $0xFFFFFFFF;
	(pc) =	sbr.abs _section_cstart, $3  }
0xc1: {  	[dreg:$0x1] =	wrdreg $0xFFFFFFFF  }
0xc2: {  	_ =	task.clear_ibuf [dreg:s7], $0x2FFFF;
	_ =	strace $0x9FFFFFFF  }
0xc3: {  	(tm) =	ssettm $0x7FFFFFFF  }
tec
execute0_lowered:
.L_overlay_start_1:
0x0: {  	(tag) =	ssettag $0x1  }
0x1: {  	s0 =	rddreg [dreg:$0x0]  }
0x2: {  	s3 =	rddreg [dreg:$0x1]  }
0x3: {  	s1 =	rddreg [dreg:$0x2]  }
0x4: {  	s4 =	srdreg.scid;
	s5 =	stileid.u32  }
0x5: {  	s2 =	simm.s32 $0x0;
	s28 =	simm.s32 $0x2C00;
	s29 =	simm.s32 $0x900  }
0x6: {  	s30 =	simm.s32 $0x4C00;
	s31 =	simm.s32 $0x980;
	s26 =	smul.u32 $0x32000, s5  }
0x7: {  	s4 =	sand.u32 $0x1, s4;
	s6 =	sshll.u32 s5, $0x1;
	s16 =	smul.u32 $0xC80000, s5  }
0x8: {  	[smem:$0x7FF] =	sst s2;
	s9 =	sadd.s32 $0x6000, s0;
	s15 =	smul.u32 $0x19000, s4  }
0x9: {  	s6 =	sor.u32 s4, s6;
	s7 =	ssub.s32 $0x2, s4;
	s4 =	smul.u32 $0x640000, s4  }
0xa: {  	s10 =	sadd.s32 $0x6A000, s0;
	s0 =	sadd.s32 $0x1800, s0;
	s8 =	smul.u32 $0x19000, s6  }
0xb: {  	p0 =	sne.s32 s5, $0x0;
	s5 =	simm.s32 $0x8C00;
	s14 =	smul.u32 $0x48, s6  }
0xc: {  	_ =	strace $0x80000047;
	s11 =	sshrl.u32 s7, $0x1;
	s24 =	smul.u32 $0xC8000, s6  }
0xd: {  	[dreg:$0x8] =	wrdreg s0;
	s6 =	smul.u32 $0x640000, s6;
	s0 =	ssub.s32 s7, s11  }
0xe: {  	s4 =	sadd.s32 s4, s16;
	s19 =	sor.u32 $0x200, s8;
	s8 =	sshrl.u32 s8, $0x3  }
0xf: {  	s6 =	sshrl.u32 s6, $0x3;
	s0 =	smax.u32 s0, $0x1;
	v0 =	vmov s14;
	s14 =	simm.s32 $0x5  }
0x10: {  	s20 =	sshrl.u32 s19, $0x3;
	s12 =	sadd.s32 s9, s8;
	[dreg:$0x15] =	wrdreg s0  }
0x11: {  	s21 =	sadd.s32 s10, s8;
	s23 =	sor.u32 $0x80, s8;
	[dreg:$0x9] =	wrdreg s12  }
0x12: {  	s8 =	sor.u32 $0xC0, s8;
	[dreg:$0xa] =	wrdreg s21;
	s22 =	sadd.s32 s9, s20  }
0x13: {  	s7 =	sshll.u32 s19, $0x3;
	s11 =	sadd.s32 s10, s20;
	[dreg:$0xb] =	wrdreg s22  }
0x14: {  	s6 =	sadd.s32 s3, s6;
	s13 =	sadd.s32 s9, s23;
	[dreg:$0xc] =	wrdreg s11  }
0x15: {  	s25 =	sadd.s32 s9, s8;
	s8 =	sadd.s32 s10, s8;
	[dreg:$0xd] =	wrdreg s13  }
0x16: {  	s7 =	sadd.s32 s3, s7;
	s17 =	sadd.s32 $0xC6000, s6;
	[dreg:$0xf] =	wrdreg s25  }
0x17: {  	s6 =	sadd.s32 $0xC7000, s6;
	s20 =	sor.u32 $0x10000, s4;
	[dreg:$0x10] =	wrdreg s8  }
0x18: {  	s12 =	simm.s32 $0x3;
	s11 =	sadd.s32 s10, s23;
	[dreg:$0x12] =	wrdreg s7  }
0x19: {  	s13 =	sadd.s32 s3, s24;
	s8 =	sadd.s32 s15, s26;
	[dreg:$0x13] =	wrdreg s17  }
0x1a: {  	[dreg:$0x14] =	wrdreg s6;
	s0 =	sshrl.u32 s20, $0x3;
	s20 =	simm.s32 $0x200  }
0x1b: {  	s6 =	simm.s32 $0xA80;
	s7 =	simm.s32 $0xAC00;
	[dreg:$0xe] =	wrdreg s11  }
0x1c: {  	s15 =	simm.s32 $0x6;
	s17 =	simm.s32 $0x0;
	[dreg:$0x11] =	wrdreg s13  }
0x1d: {  	s18 =	sor.u32 $0xA00, s8;
	s22 =	sor.u32 $0x800, s8;
	s0 =	sadd.s32 s0, s3  }
0x1e: {  	s24 =	sshll.u32 s8, $0x3;
	s8 =	simm.s32 $0xB00;
	s11 =	simm.s32 $0xEC00  }
0x1f: {  	s13 =	simm.s32 $0x4;
	s19 =	sshrl.u32 s18, $0x3;
	[dreg:$0x16] =	wrdreg s0  }
0x20: {  	s4 =	sshrl.u32 s22, $0x3;
	s3 =	sadd.s32 s24, s3;
	s22 =	simm.s32 $0x1  }
0x21: {  	s0 =	simm.s32 $0x6C00;
	s24 =	simm.s32 $0x200;
	s21 =	sadd.s32 s19, s10  }
0x22: {  	s23 =	sadd.s32 s19, s9;
	s25 =	sadd.s32 s4, s10;
	[dreg:$0x4] =	wrdreg s21  }
0x23: {  	s26 =	sadd.s32 s4, s9;
	s3 =	sadd.s32 $0x3000, s3;
	[dreg:$0x5] =	wrdreg s23  }
0x24: {  	s19 =	simm.s32 $0x400;
	s4 =	simm.s32 $0xA00;
	[dreg:$0x6] =	wrdreg s25  }
0x25: {  	s9 =	simm.s32 $0xCC00;
	s10 =	simm.s32 $0xB80;
	[dreg:$0x17] =	wrdreg s3  }
0x26: {  	[dreg:$0x7] =	wrdreg s26;
	s21 =	simm.s32 $0x600;
	s23 =	simm.s32 $0x80  }
0x27: {  	s25 =	simm.s32 $0xC00;
	s3 =	simm.s32 $0x2;
	s26 =	simm.s32 $0x600  }
.LBB2_1:
0x28: {  	[dreg:$0x18] =	wrdreg s17  }
0x29: {  	s16 =	sshrl.u32 @!p0 s1, $0x3;
	s17 =	simm.s32 @!p0 $0x1C07;
	s18 =	rddreg [dreg:$0x8]  }
0x2a: {  	[spmem:s16], [sflag:s17] =	dma.local @!p0 [hbm:s18], $0x4800  }
0x2b: {  	s16 =	simm.s32 @!p0 $0x7  }
0x2c: {  	_ =	swait.ge @!p0 [sflag:s16], $0x4800  }
0x2d: {  	[sflag:s16] =	ssyncset.done @!p0 $0x0  }
0x2e: {  	[sflag:s16] =	ssyncadd.s32 @!p0 $0xFFFFB800  }
0x2f: {  	[bflag:$0x0] =	sbarrier.arrive $0xFFFF  }
0x30: {  	s18 =	rddreg [dreg:$0x9]  }
0x31: {  	[tilespmem:s2], [sflag:$0x1] =	stream.linear.gather [hbm4b:s18+s2], $0x200, $0x38;
	[tilespmem:$0x13000] =	vst v63  }
0x32: {  	s17 =	rddreg [dreg:$0xa]  }
0x33: {  	[tilespmem:s19], [sflag:$0x1] =	stream.linear.gather [hbm4b:s17+s2], $0x200, $0x38;
	[tilespmem:$0x13000] =	vst v63  }
0x34: {  	s18 =	rddreg [dreg:$0xb]  }
0x35: {  	[tilespmem:s20], [sflag:$0x2] =	stream.linear.gather [hbm4b:s18+s2], $0x200, $0x38;
	[tilespmem:$0x13000] =	vst v63  }
0x36: {  	s17 =	rddreg [dreg:$0xc]  }
0x37: {  	[tilespmem:s21], [sflag:$0x2] =	stream.linear.gather [hbm4b:s17+s2], $0x200, $0x38;
	[tilespmem:$0x13000] =	vst v63  }
0x38: {  	_ =	swait.ge [sflag:s22], $0x200  }
0x39: {  	[sflag:s22] =	ssyncset.done $0x0  }
0x3a: {  	[sflag:s22] =	ssyncadd.s32 $0xFFFFFE00  }
0x3b: {  	_ =	swait.ge [sflag:s22], $0x200  }
0x3c: {  	[sflag:s22] =	ssyncset.done $0x0  }
0x3d: {  	[sflag:s22] =	ssyncadd.s32 $0xFFFFFE00  }
0x3e: {  	v1 =	vld [tilespmem:$0x0]  }
0x3f: {  	v2 =	vld [tilespmem:$0x400]  }
0x40: {  	v3 =	vld [tilespmem:$0x10]  }
0x41: {  	v4 =	vld [tilespmem:$0x410]  }
0x42: {  	v5 =	vld [tilespmem:$0x20]  }
0x43: {  	v6 =	vld [tilespmem:$0x420]  }
0x44: {  	v7 =	vld [tilespmem:$0x30]  }
0x45: {  	v8 =	vld [tilespmem:$0x430]  }
0x46: {  	v9 =	vld [tilespmem:$0x40]  }
0x47: {  	v10 =	vld [tilespmem:$0x440]  }
0x48: {  	v11 =	vld [tilespmem:$0x50]  }
0x49: {  	v12 =	vld [tilespmem:$0x450]  }
0x4a: {  	v13 =	vld [tilespmem:$0x60]  }
0x4b: {  	v14 =	vld [tilespmem:$0x460]  }
0x4c: {  	v15 =	vld [tilespmem:$0x70]  }
0x4d: {  	v16 =	vld [tilespmem:$0x470]  }
0x4e: {  	v17 =	vld [tilespmem:$0x80]  }
0x4f: {  	v18 =	vld [tilespmem:$0x480]  }
0x50: {  	v19 =	vld [tilespmem:$0x90]  }
0x51: {  	v20 =	vld [tilespmem:$0x490]  }
0x52: {  	v21 =	vld [tilespmem:$0xA0]  }
0x53: {  	v22 =	vld [tilespmem:$0x4A0]  }
0x54: {  	v23 =	vld [tilespmem:$0xB0]  }
0x55: {  	v24 =	vld [tilespmem:$0x4B0]  }
0x56: {  	v25 =	vld [tilespmem:$0xC0]  }
0x57: {  	v26 =	vld [tilespmem:$0x4C0]  }
0x58: {  	v27 =	vld [tilespmem:$0xD0]  }
0x59: {  	v28 =	vld [tilespmem:$0x4D0]  }
0x5a: {  	v29 =	vld [tilespmem:$0xE0]  }
0x5b: {  	v30 =	vld [tilespmem:$0x4E0]  }
0x5c: {  	v31 =	vld [tilespmem:$0xF0]  }
0x5d: {  	v32 =	vld [tilespmem:$0x4F0]  }
0x5e: {  	v33 =	vld [tilespmem:$0x100]  }
0x5f: {  	v34 =	vld [tilespmem:$0x500]  }
0x60: {  	v35 =	vld [tilespmem:$0x110]  }
0x61: {  	v36 =	vld [tilespmem:$0x510]  }
0x62: {  	v37 =	vld [tilespmem:$0x120];
	v1 =	vmul.u32 $0x5, v1  }
0x63: {  	v38 =	vld [tilespmem:$0x520];
	v2 =	vadd.s32 v0, v2;
	v3 =	vmul.u32 $0x5, v3  }
0x64: {  	v50 =	vld [tilespmem:$0x130];
	v49 =	vmul.u32 $0x5, v5;
	v1 =	vadd.s32 v1, v2;
	v2 =	vadd.s32 v0, v4  }
0x65: {  	v51 =	vld [tilespmem:$0x530];
	[tilespmem:$0x800] =	vst v1;
	v1 =	vadd.s32 v3, v2;
	v2 =	vadd.s32 v0, v6;
	v3 =	vmul.u32 $0x5, v7  }
0x66: {  	v53 =	vld [tilespmem:$0x140];
	v52 =	vmul.u32 $0x5, v9;
	[tilespmem:$0x810] =	vst v1;
	v1 =	vadd.s32 v49, v2;
	v2 =	vadd.s32 v0, v8  }
0x67: {  	v54 =	vld [tilespmem:$0x540];
	[tilespmem:$0x820] =	vst v1;
	v1 =	vadd.s32 v3, v2;
	v2 =	vadd.s32 v0, v10;
	v3 =	vmul.u32 $0x5, v11  }
0x68: {  	v56 =	vld [tilespmem:$0x150];
	v55 =	vmul.u32 $0x5, v13;
	[tilespmem:$0x830] =	vst v1;
	v1 =	vadd.s32 v52, v2;
	v2 =	vadd.s32 v0, v12  }
0x69: {  	v57 =	vld [tilespmem:$0x550];
	[tilespmem:$0x840] =	vst v1;
	v1 =	vadd.s32 v3, v2;
	v2 =	vadd.s32 v0, v14;
	v3 =	vmul.u32 $0x5, v15  }
0x6a: {  	v59 =	vld [tilespmem:$0x160];
	v58 =	vmul.u32 $0x5, v17;
	[tilespmem:$0x850] =	vst v1;
	v1 =	vadd.s32 v55, v2;
	v2 =	vadd.s32 v0, v16  }
0x6b: {  	v60 =	vld [tilespmem:$0x560];
	[tilespmem:$0x860] =	vst v1;
	v1 =	vadd.s32 v3, v2;
	v2 =	vadd.s32 v0, v18;
	v3 =	vmul.u32 $0x5, v19  }
0x6c: {  	v62 =	vld [tilespmem:$0x170];
	v61 =	vmul.u32 $0x5, v21;
	[tilespmem:$0x870] =	vst v1;
	v1 =	vadd.s32 v58, v2;
	v2 =	vadd.s32 v0, v20  }
0x6d: {  	v63 =	vld [tilespmem:$0x570];
	[tilespmem:$0x880] =	vst v1;
	v1 =	vadd.s32 v3, v2;
	v2 =	vadd.s32 v0, v22;
	v3 =	vmul.u32 $0x5, v23  }
0x6e: {  	v39 =	vld [tilespmem:$0x1D0];
	v23 =	vmul.u32 $0x5, v25;
	[tilespmem:$0x890] =	vst v1;
	v1 =	vadd.s32 v61, v2;
	v2 =	vadd.s32 v0, v24  }
0x6f: {  	v40 =	vld [tilespmem:$0x5D0];
	[tilespmem:$0x8A0] =	vst v1;
	v1 =	vadd.s32 v3, v2;
	v2 =	vadd.s32 v0, v26;
	v3 =	vmul.u32 $0x5, v27  }
0x70: {  	v42 =	vld [tilespmem:$0x1E0];
	v26 =	vmul.u32 $0x5, v29;
	[tilespmem:$0x8B0] =	vst v1;
	v1 =	vadd.s32 v23, v2;
	v2 =	vadd.s32 v0, v28  }
0x71: {  	v25 =	vld [tilespmem:$0x580];
	[tilespmem:$0x8C0] =	vst v1;
	v1 =	vadd.s32 v3, v2;
	v2 =	vadd.s32 v0, v30;
	v3 =	vmul.u32 $0x5, v31  }
0x72: {  	v24 =	vld [tilespmem:$0x180];
	v29 =	vmul.u32 $0x5, v33;
	[tilespmem:$0x8D0] =	vst v1;
	v1 =	vadd.s32 v26, v2;
	v2 =	vadd.s32 v0, v32  }
0x73: {  	v27 =	vld [tilespmem:$0x190];
	[tilespmem:$0x8E0] =	vst v1;
	v1 =	vadd.s32 v3, v2;
	v2 =	vadd.s32 v0, v34;
	v3 =	vmul.u32 $0x5, v35  }
0x74: {  	v33 =	vld [tilespmem:$0x1B0];
	v32 =	vmul.u32 $0x5, v37;
	[tilespmem:$0x8F0] =	vst v1;
	v1 =	vadd.s32 v29, v2;
	v2 =	vadd.s32 v0, v36  }
0x75: {  	v28 =	vld [tilespmem:$0x590];
	[tilespmem:$0x900] =	vst v1;
	v1 =	vadd.s32 v3, v2;
	v2 =	vadd.s32 v0, v38;
	v3 =	vmul.u32 $0x5, v50  }
0x76: {  	v30 =	vld [tilespmem:$0x1A0];
	v35 =	vmul.u32 $0x5, v53;
	[tilespmem:$0x910] =	vst v1;
	v1 =	vadd.s32 v32, v2;
	v2 =	vadd.s32 v0, v51  }
0x77: {  	v31 =	vld [tilespmem:$0x5A0];
	[tilespmem:$0x920] =	vst v1;
	v1 =	vadd.s32 v3, v2;
	v2 =	vadd.s32 v0, v54;
	v3 =	vmul.u32 $0x5, v56  }
0x78: {  	v34 =	vld [tilespmem:$0x5B0];
	v38 =	vmul.u32 $0x5, v59;
	[tilespmem:$0x930] =	vst v1;
	v1 =	vadd.s32 v35, v2;
	v2 =	vadd.s32 v0, v57  }
0x79: {  	v36 =	vld [tilespmem:$0x1C0];
	[tilespmem:$0x940] =	vst v1;
	v1 =	vadd.s32 v3, v2;
	v2 =	vadd.s32 v0, v60;
	v3 =	vmul.u32 $0x5, v62  }
0x7a: {  	v37 =	vld [tilespmem:$0x5C0];
	v41 =	vmul.u32 $0x5, v24;
	[tilespmem:$0x950] =	vst v1;
	v1 =	vadd.s32 v38, v2;
	v2 =	vadd.s32 v0, v63  }
0x7b: {  	v43 =	vld [tilespmem:$0x5E0];
	[tilespmem:$0x960] =	vst v1;
	v1 =	vadd.s32 v3, v2;
	v2 =	vadd.s32 v0, v25;
	v3 =	vmul.u32 $0x5, v27  }
0x7c: {  	v45 =	vld [tilespmem:$0x1F0];
	v44 =	vmul.u32 $0x5, v30;
	[tilespmem:$0x970] =	vst v1;
	v1 =	vadd.s32 v41, v2;
	v2 =	vadd.s32 v0, v28  }
0x7d: {  	v46 =	vld [tilespmem:$0x5F0];
	[tilespmem:$0x980] =	vst v1;
	v1 =	vadd.s32 v3, v2;
	v2 =	vadd.s32 v0, v31;
	v3 =	vmul.u32 $0x5, v33  }
0x7e: {  	v47 =	vmul.u32 $0x5, v36;
	[tilespmem:$0x990] =	vst v1;
	v1 =	vadd.s32 v44, v2;
	v2 =	vadd.s32 v0, v34  }
0x7f: {  	[tilespmem:$0x9A0] =	vst v1;
	v1 =	vadd.s32 v3, v2;
	v2 =	vadd.s32 v0, v37;
	v3 =	vmul.u32 $0x5, v39  }
0x80: {  	v48 =	vmul.u32 $0x5, v42;
	[tilespmem:$0x9B0] =	vst v1;
	v1 =	vadd.s32 v47, v2;
	v2 =	vadd.s32 v0, v40  }
0x81: {  	[tilespmem:$0x9C0] =	vst v1;
	v1 =	vadd.s32 v3, v2;
	v2 =	vadd.s32 v0, v43;
	v3 =	vmul.u32 $0x5, v45  }
0x82: {  	[tilespmem:$0x9D0] =	vst v1;
	v1 =	vadd.s32 v48, v2;
	v2 =	vadd.s32 v0, v46  }
0x83: {  	[tilespmem:$0x9E0] =	vst v1;
	v1 =	vadd.s32 v3, v2  }
0x84: {  	s18 =	simm.s32 $0x800;
	[tilespmem:$0x9F0] =	vst v1  }
0x85: {  	[tilespmem:s25], [sflag:$0x3] =	stream.indirect.gather [spmem:s1], $0x40, s18, s23, $0xb8;
	[tilespmem:$0x13000] =	vst v63  }
0x86: {  	s17 =	simm.s32 $0x880  }
0x87: {  	[tilespmem:s28], [sflag:$0x3] =	stream.indirect.gather [spmem:s1], $0x40, s17, s23, $0xb8;
	[tilespmem:$0x13000] =	vst v63  }
0x88: {  	_ = 	snop  }
0x89: {  	[tilespmem:s30], [sflag:$0x3] =	stream.indirect.gather [spmem:s1], $0x40, s29, s23, $0xb8;
	[tilespmem:$0x13000] =	vst v63  }
0x8a: {  	_ = 	snop  }
0x8b: {  	[tilespmem:s0], [sflag:$0x3] =	stream.indirect.gather [spmem:s1], $0x40, s31, s23, $0xb8;
	[tilespmem:$0x13000] =	vst v63  }
0x8c: {  	s18 =	rddreg [dreg:$0xd]  }
0x8d: {  	[tilespmem:s2], [sflag:$0x1] =	stream.linear.gather [hbm4b:s18+s2], $0x200, $0x38;
	[tilespmem:$0x13000] =	vst v63  }
0x8e: {  	s17 =	rddreg [dreg:$0xe]  }
0x8f: {  	[tilespmem:s19], [sflag:$0x1] =	stream.linear.gather [hbm4b:s17+s2], $0x200, $0x38;
	[tilespmem:$0x13000] =	vst v63  }
0x90: {  	_ =	swait.ge [sflag:s3], $0x200  }
0x91: {  	[sflag:s3] =	ssyncset.done $0x0  }
0x92: {  	[sflag:s3] =	ssyncadd.s32 $0xFFFFFE00  }
0x93: {  	_ =	swait.ge [sflag:s3], $0x200  }
0x94: {  	[sflag:s3] =	ssyncset.done $0x0  }
0x95: {  	[sflag:s3] =	ssyncadd.s32 $0xFFFFFE00  }
0x96: {  	v1 =	vld [tilespmem:$0x200]  }
0x97: {  	v2 =	vld [tilespmem:$0x600]  }
0x98: {  	v3 =	vld [tilespmem:$0x210]  }
0x99: {  	v49 =	vld [tilespmem:$0x610]  }
0x9a: {  	v50 =	vld [tilespmem:$0x220]  }
0x9b: {  	v6 =	vld [tilespmem:$0x620]  }
0x9c: {  	v51 =	vld [tilespmem:$0x230]  }
0x9d: {  	v52 =	vld [tilespmem:$0x630]  }
0x9e: {  	v53 =	vld [tilespmem:$0x240]  }
0x9f: {  	v10 =	vld [tilespmem:$0x640]  }
0xa0: {  	v54 =	vld [tilespmem:$0x250]  }
0xa1: {  	v55 =	vld [tilespmem:$0x650]  }
0xa2: {  	v56 =	vld [tilespmem:$0x260]  }
0xa3: {  	v14 =	vld [tilespmem:$0x660]  }
0xa4: {  	v57 =	vld [tilespmem:$0x270]  }
0xa5: {  	v58 =	vld [tilespmem:$0x670]  }
0xa6: {  	v59 =	vld [tilespmem:$0x280]  }
0xa7: {  	v18 =	vld [tilespmem:$0x680]  }
0xa8: {  	v60 =	vld [tilespmem:$0x290]  }
0xa9: {  	v61 =	vld [tilespmem:$0x690]  }
0xaa: {  	v62 =	vld [tilespmem:$0x2A0]  }
0xab: {  	v22 =	vld [tilespmem:$0x6A0]  }
0xac: {  	v63 =	vld [tilespmem:$0x2B0]  }
0xad: {  	v24 =	vld [tilespmem:$0x6B0]  }
0xae: {  	v25 =	vld [tilespmem:$0x2C0]  }
0xaf: {  	v26 =	vld [tilespmem:$0x6C0]  }
0xb0: {  	v40 =	vld [tilespmem:$0x2D0]  }
0xb1: {  	v41 =	vld [tilespmem:$0x6D0]  }
0xb2: {  	v42 =	vld [tilespmem:$0x2E0]  }
0xb3: {  	v30 =	vld [tilespmem:$0x6E0]  }
0xb4: {  	v43 =	vld [tilespmem:$0x2F0]  }
0xb5: {  	v44 =	vld [tilespmem:$0x6F0]  }
0xb6: {  	v45 =	vld [tilespmem:$0x300]  }
0xb7: {  	v34 =	vld [tilespmem:$0x700]  }
0xb8: {  	v46 =	vld [tilespmem:$0x310]  }
0xb9: {  	v47 =	vld [tilespmem:$0x710]  }
0xba: {  	v48 =	vld [tilespmem:$0x320];
	v1 =	vmul.u32 $0x5, v1  }
0xbb: {  	v38 =	vld [tilespmem:$0x720];
	v2 =	vadd.s32 v0, v2;
	v3 =	vmul.u32 $0x5, v3  }
0xbc: {  	v39 =	vld [tilespmem:$0x380];
	v1 =	vadd.s32 v1, v2;
	v2 =	vadd.s32 v0, v49;
	v49 =	vmul.u32 $0x5, v50  }
0xbd: {  	v50 =	vld [tilespmem:$0x330];
	[tilespmem:$0xA00] =	vst v1;
	v1 =	vadd.s32 v3, v2;
	v2 =	vadd.s32 v0, v6;
	v3 =	vmul.u32 $0x5, v51  }
0xbe: {  	v51 =	vld [tilespmem:$0x730];
	[tilespmem:$0xA10] =	vst v1;
	v1 =	vadd.s32 v49, v2;
	v2 =	vadd.s32 v0, v52;
	v52 =	vmul.u32 $0x5, v53  }
0xbf: {  	v53 =	vld [tilespmem:$0x340];
	[tilespmem:$0xA20] =	vst v1;
	v1 =	vadd.s32 v3, v2;
	v2 =	vadd.s32 v0, v10;
	v3 =	vmul.u32 $0x5, v54  }
0xc0: {  	v49 =	vld [tilespmem:$0x7B0];
	[tilespmem:$0xA30] =	vst v1;
	v1 =	vadd.s32 v52, v2;
	v2 =	vadd.s32 v0, v55;
	v55 =	vmul.u32 $0x5, v56  }
0xc1: {  	v54 =	vld [tilespmem:$0x740];
	[tilespmem:$0xA40] =	vst v1;
	v1 =	vadd.s32 v3, v2;
	v2 =	vadd.s32 v0, v14;
	v3 =	vmul.u32 $0x5, v57  }
0xc2: {  	v56 =	vld [tilespmem:$0x350];
	[tilespmem:$0xA50] =	vst v1;
	v1 =	vadd.s32 v55, v2;
	v2 =	vadd.s32 v0, v58;
	v58 =	vmul.u32 $0x5, v59  }
0xc3: {  	v52 =	vld [tilespmem:$0x7C0];
	[tilespmem:$0xA60] =	vst v1;
	v1 =	vadd.s32 v3, v2;
	v2 =	vadd.s32 v0, v18;
	v3 =	vmul.u32 $0x5, v60  }
0xc4: {  	v57 =	vld [tilespmem:$0x750];
	[tilespmem:$0xA70] =	vst v1;
	v1 =	vadd.s32 v58, v2;
	v2 =	vadd.s32 v0, v61;
	v61 =	vmul.u32 $0x5, v62  }
0xc5: {  	v59 =	vld [tilespmem:$0x360];
	[tilespmem:$0xA80] =	vst v1;
	v1 =	vadd.s32 v3, v2;
	v2 =	vadd.s32 v0, v22;
	v3 =	vmul.u32 $0x5, v63  }
0xc6: {  	v25 =	vmul.u32 $0x5, v25;
	v55 =	vld [tilespmem:$0x7D0];
	[tilespmem:$0xA90] =	vst v1;
	v1 =	vadd.s32 v61, v2;
	v2 =	vadd.s32 v0, v24  }
0xc7: {  	v60 =	vld [tilespmem:$0x760];
	[tilespmem:$0xAA0] =	vst v1;
	v1 =	vadd.s32 v3, v2;
	v2 =	vadd.s32 v0, v26;
	v3 =	vmul.u32 $0x5, v40  }
0xc8: {  	v62 =	vld [tilespmem:$0x370];
	[tilespmem:$0xAB0] =	vst v1;
	v1 =	vadd.s32 v25, v2;
	v2 =	vadd.s32 v0, v41;
	v41 =	vmul.u32 $0x5, v42  }
0xc9: {  	v58 =	vld [tilespmem:$0x7E0];
	[tilespmem:$0xAC0] =	vst v1;
	v1 =	vadd.s32 v3, v2;
	v2 =	vadd.s32 v0, v30;
	v3 =	vmul.u32 $0x5, v43  }
0xca: {  	v63 =	vld [tilespmem:$0x770];
	[tilespmem:$0xAD0] =	vst v1;
	v1 =	vadd.s32 v41, v2;
	v2 =	vadd.s32 v0, v44;
	v44 =	vmul.u32 $0x5, v45  }
0xcb: {  	v40 =	vld [tilespmem:$0x780];
	[tilespmem:$0xAE0] =	vst v1;
	v1 =	vadd.s32 v3, v2;
	v2 =	vadd.s32 v0, v34;
	v3 =	vmul.u32 $0x5, v46  }
0xcc: {  	v42 =	vld [tilespmem:$0x390];
	[tilespmem:$0xAF0] =	vst v1;
	v1 =	vadd.s32 v44, v2;
	v2 =	vadd.s32 v0, v47;
	v47 =	vmul.u32 $0x5, v48  }
0xcd: {  	v43 =	vld [tilespmem:$0x790];
	[tilespmem:$0xB00] =	vst v1;
	v1 =	vadd.s32 v3, v2;
	v2 =	vadd.s32 v0, v38;
	v3 =	vmul.u32 $0x5, v50  }
0xce: {  	v45 =	vld [tilespmem:$0x3A0];
	v50 =	vmul.u32 $0x5, v53;
	[tilespmem:$0xB10] =	vst v1;
	v1 =	vadd.s32 v47, v2;
	v2 =	vadd.s32 v0, v51  }
0xcf: {  	v46 =	vld [tilespmem:$0x7A0];
	[tilespmem:$0xB20] =	vst v1;
	v1 =	vadd.s32 v3, v2;
	v2 =	vadd.s32 v0, v54;
	v3 =	vmul.u32 $0x5, v56  }
0xd0: {  	v48 =	vld [tilespmem:$0x3B0];
	v53 =	vmul.u32 $0x5, v59;
	[tilespmem:$0xB30] =	vst v1;
	v1 =	vadd.s32 v50, v2;
	v2 =	vadd.s32 v0, v57  }
0xd1: {  	v51 =	vld [tilespmem:$0x3C0];
	[tilespmem:$0xB40] =	vst v1;
	v1 =	vadd.s32 v3, v2;
	v2 =	vadd.s32 v0, v60;
	v3 =	vmul.u32 $0x5, v62  }
0xd2: {  	v54 =	vld [tilespmem:$0x3D0];
	v56 =	vmul.u32 $0x5, v39;
	[tilespmem:$0xB50] =	vst v1;
	v1 =	vadd.s32 v53, v2;
	v2 =	vadd.s32 v0, v63  }
0xd3: {  	v57 =	vld [tilespmem:$0x3E0];
	[tilespmem:$0xB60] =	vst v1;
	v1 =	vadd.s32 v3, v2;
	v2 =	vadd.s32 v0, v40;
	v3 =	vmul.u32 $0x5, v42  }
0xd4: {  	v59 =	vmul.u32 $0x5, v45;
	v60 =	vld [tilespmem:$0x3F0];
	[tilespmem:$0xB70] =	vst v1;
	v1 =	vadd.s32 v56, v2;
	v2 =	vadd.s32 v0, v43  }
0xd5: {  	v61 =	vld [tilespmem:$0x7F0];
	[tilespmem:$0xB80] =	vst v1;
	v1 =	vadd.s32 v3, v2;
	v2 =	vadd.s32 v0, v46;
	v3 =	vmul.u32 $0x5, v48  }
0xd6: {  	v62 =	vmul.u32 $0x5, v51;
	[tilespmem:$0xB90] =	vst v1;
	v1 =	vadd.s32 v59, v2;
	v2 =	vadd.s32 v0, v49  }
0xd7: {  	[tilespmem:$0xBA0] =	vst v1;
	v1 =	vadd.s32 v3, v2;
	v2 =	vadd.s32 v0, v52;
	v3 =	vmul.u32 $0x5, v54  }
0xd8: {  	v63 =	vmul.u32 $0x5, v57;
	[tilespmem:$0xBB0] =	vst v1;
	v1 =	vadd.s32 v62, v2;
	v2 =	vadd.s32 v0, v55  }
0xd9: {  	[tilespmem:$0xBC0] =	vst v1;
	v1 =	vadd.s32 v3, v2;
	v2 =	vadd.s32 v0, v58;
	v3 =	vmul.u32 $0x5, v60  }
0xda: {  	[tilespmem:$0xBD0] =	vst v1;
	v1 =	vadd.s32 v63, v2;
	v2 =	vadd.s32 v0, v61  }
0xdb: {  	[tilespmem:$0xBE0] =	vst v1;
	v1 =	vadd.s32 v3, v2  }
0xdc: {  	[tilespmem:$0xBF0] =	vst v1  }
0xdd: {  	[tilespmem:s5], [sflag:$0x4] =	stream.indirect.gather [spmem:s1], $0x40, s4, s23, $0xb8;
	[tilespmem:$0x13000] =	vst v63  }
0xde: {  	_ = 	snop  }
0xdf: {  	[tilespmem:s7], [sflag:$0x4] =	stream.indirect.gather [spmem:s1], $0x40, s6, s23, $0xb8;
	[tilespmem:$0x13000] =	vst v63  }
0xe0: {  	_ = 	snop  }
0xe1: {  	[tilespmem:s9], [sflag:$0x4] =	stream.indirect.gather [spmem:s1], $0x40, s8, s23, $0xb8;
	[tilespmem:$0x13000] =	vst v63  }
0xe2: {  	_ = 	snop  }
0xe3: {  	[tilespmem:s11], [sflag:$0x4] =	stream.indirect.gather [spmem:s1], $0x40, s10, s23, $0xb8;
	[tilespmem:$0x13000] =	vst v63  }
0xe4: {  	s18 =	rddreg [dreg:$0xf]  }
0xe5: {  	[tilespmem:s20], [sflag:$0x2] =	stream.linear.gather [hbm4b:s18+s2], $0x200, $0x38;
	[tilespmem:$0x13000] =	vst v63  }
0xe6: {  	s19 =	rddreg [dreg:$0x10]  }
0xe7: {  	[tilespmem:s21], [sflag:$0x2] =	stream.linear.gather [hbm4b:s19+s2], $0x200, $0x38;
	[tilespmem:$0x13000] =	vst v63  }
0xe8: {  	_ =	swait.ge [sflag:s12], $0x2000  }
0xe9: {  	[sflag:s12] =	ssyncset.done $0x0  }
0xea: {  	[sflag:s12] =	ssyncadd.s32 $0xFFFFE000  }
0xeb: {  	_ =	swait.ge [sflag:s12], $0x2000  }
0xec: {  	[sflag:s12] =	ssyncset.done $0x0  }
0xed: {  	[sflag:s12] =	ssyncadd.s32 $0xFFFFE000  }
0xee: {  	_ =	swait.ge [sflag:s12], $0x2000  }
0xef: {  	[sflag:s12] =	ssyncset.done $0x0  }
0xf0: {  	[sflag:s12] =	ssyncadd.s32 $0xFFFFE000  }
0xf1: {  	_ =	swait.ge [sflag:s12], $0x2000  }
0xf2: {  	[sflag:s12] =	ssyncset.done $0x0  }
0xf3: {  	s20 =	rddreg [dreg:$0x11];
	[sflag:s12] =	ssyncadd.s32 $0xFFFFE000  }
0xf4: {  	[hbm4b:s20+s2] =	stream.linear.scatter [tilespmem:s25], [sflag:$0x5], $0x8000, $0x38;
	[tilespmem:$0x13000] =	vst v63  }
0xf5: {  	_ =	swait.ge [sflag:s13], $0x2000  }
0xf6: {  	[sflag:s13] =	ssyncset.done $0x0  }
0xf7: {  	[sflag:s13] =	ssyncadd.s32 $0xFFFFE000  }
0xf8: {  	_ =	swait.ge [sflag:s13], $0x2000  }
0xf9: {  	[sflag:s13] =	ssyncset.done $0x0  }
0xfa: {  	[sflag:s13] =	ssyncadd.s32 $0xFFFFE000  }
0xfb: {  	_ =	swait.ge [sflag:s13], $0x2000  }
0xfc: {  	[sflag:s13] =	ssyncset.done $0x0  }
0xfd: {  	[sflag:s13] =	ssyncadd.s32 $0xFFFFE000  }
0xfe: {  	_ =	swait.ge [sflag:s13], $0x2000  }
0xff: {  	[sflag:s13] =	ssyncset.done $0x0;
	s21 =	rddreg [dreg:$0x12]  }
0x100: {  	s18 =	rddreg [dreg:$0x17];
	[sflag:s13] =	ssyncadd.s32 $0xFFFFE000  }
0x101: {  	[hbm4b:s21+s2] =	stream.linear.scatter [tilespmem:s5], [sflag:$0x6], $0x8000, $0x38;
	[tilespmem:$0x13000] =	vst v63  }
0x102: {  	s17 =	simm.s32 $0x0;
	s16 =	rddreg [dreg:$0x16];
	s21 =	simm.s32 $0x400  }
.LBB2_2:
0x103: {  	_ =	swait.ge [sflag:s22], $0x200  }
0x104: {  	[sflag:s22] =	ssyncset.done $0x0  }
0x105: {  	[sflag:s22] =	ssyncadd.s32 $0xFFFFFE00  }
0x106: {  	_ =	swait.ge [sflag:s22], $0x200  }
0x107: {  	[sflag:s22] =	ssyncset.done $0x0  }
0x108: {  	[sflag:s22] =	ssyncadd.s32 $0xFFFFFE00  }
0x109: {  	v1 =	vld [tilespmem:$0x0]  }
0x10a: {  	v2 =	vld [tilespmem:$0x400]  }
0x10b: {  	v3 =	vld [tilespmem:$0x10]  }
0x10c: {  	v4 =	vld [tilespmem:$0x410]  }
0x10d: {  	v5 =	vld [tilespmem:$0x20]  }
0x10e: {  	v6 =	vld [tilespmem:$0x420]  }
0x10f: {  	v7 =	vld [tilespmem:$0x30]  }
0x110: {  	v8 =	vld [tilespmem:$0x430]  }
0x111: {  	v9 =	vld [tilespmem:$0x40]  }
0x112: {  	v10 =	vld [tilespmem:$0x440]  }
0x113: {  	v11 =	vld [tilespmem:$0x50]  }
0x114: {  	v12 =	vld [tilespmem:$0x450]  }
0x115: {  	v13 =	vld [tilespmem:$0x60]  }
0x116: {  	v14 =	vld [tilespmem:$0x460]  }
0x117: {  	v15 =	vld [tilespmem:$0x70]  }
0x118: {  	v16 =	vld [tilespmem:$0x470]  }
0x119: {  	v17 =	vld [tilespmem:$0x80]  }
0x11a: {  	v18 =	vld [tilespmem:$0x480]  }
0x11b: {  	v19 =	vld [tilespmem:$0x90]  }
0x11c: {  	v20 =	vld [tilespmem:$0x490]  }
0x11d: {  	v21 =	vld [tilespmem:$0xA0]  }
0x11e: {  	v22 =	vld [tilespmem:$0x4A0]  }
0x11f: {  	v23 =	vld [tilespmem:$0xB0]  }
0x120: {  	v24 =	vld [tilespmem:$0x4B0]  }
0x121: {  	v25 =	vld [tilespmem:$0xC0]  }
0x122: {  	v26 =	vld [tilespmem:$0x4C0]  }
0x123: {  	v27 =	vld [tilespmem:$0xD0]  }
0x124: {  	v28 =	vld [tilespmem:$0x4D0]  }
0x125: {  	v29 =	vld [tilespmem:$0xE0]  }
0x126: {  	v30 =	vld [tilespmem:$0x4E0]  }
0x127: {  	v31 =	vld [tilespmem:$0xF0]  }
0x128: {  	v32 =	vld [tilespmem:$0x4F0]  }
0x129: {  	v33 =	vld [tilespmem:$0x100]  }
0x12a: {  	v34 =	vld [tilespmem:$0x500]  }
0x12b: {  	v35 =	vld [tilespmem:$0x110]  }
0x12c: {  	v36 =	vld [tilespmem:$0x510]  }
0x12d: {  	v37 =	vld [tilespmem:$0x120];
	v1 =	vmul.u32 $0x5, v1  }
0x12e: {  	v38 =	vld [tilespmem:$0x520];
	v2 =	vadd.s32 v0, v2;
	v3 =	vmul.u32 $0x5, v3  }
0x12f: {  	v50 =	vld [tilespmem:$0x130];
	v49 =	vmul.u32 $0x5, v5;
	v1 =	vadd.s32 v1, v2;
	v2 =	vadd.s32 v0, v4  }
0x130: {  	v51 =	vld [tilespmem:$0x530];
	[tilespmem:$0x800] =	vst v1;
	v1 =	vadd.s32 v3, v2;
	v2 =	vadd.s32 v0, v6;
	v3 =	vmul.u32 $0x5, v7  }
0x131: {  	v53 =	vld [tilespmem:$0x140];
	v52 =	vmul.u32 $0x5, v9;
	[tilespmem:$0x810] =	vst v1;
	v1 =	vadd.s32 v49, v2;
	v2 =	vadd.s32 v0, v8  }
0x132: {  	v54 =	vld [tilespmem:$0x540];
	[tilespmem:$0x820] =	vst v1;
	v1 =	vadd.s32 v3, v2;
	v2 =	vadd.s32 v0, v10;
	v3 =	vmul.u32 $0x5, v11  }
0x133: {  	v56 =	vld [tilespmem:$0x150];
	v55 =	vmul.u32 $0x5, v13;
	[tilespmem:$0x830] =	vst v1;
	v1 =	vadd.s32 v52, v2;
	v2 =	vadd.s32 v0, v12  }
0x134: {  	v57 =	vld [tilespmem:$0x550];
	[tilespmem:$0x840] =	vst v1;
	v1 =	vadd.s32 v3, v2;
	v2 =	vadd.s32 v0, v14;
	v3 =	vmul.u32 $0x5, v15  }
0x135: {  	v59 =	vld [tilespmem:$0x160];
	v58 =	vmul.u32 $0x5, v17;
	[tilespmem:$0x850] =	vst v1;
	v1 =	vadd.s32 v55, v2;
	v2 =	vadd.s32 v0, v16  }
0x136: {  	v60 =	vld [tilespmem:$0x560];
	[tilespmem:$0x860] =	vst v1;
	v1 =	vadd.s32 v3, v2;
	v2 =	vadd.s32 v0, v18;
	v3 =	vmul.u32 $0x5, v19  }
0x137: {  	v62 =	vld [tilespmem:$0x170];
	v61 =	vmul.u32 $0x5, v21;
	[tilespmem:$0x870] =	vst v1;
	v1 =	vadd.s32 v58, v2;
	v2 =	vadd.s32 v0, v20  }
0x138: {  	v63 =	vld [tilespmem:$0x570];
	[tilespmem:$0x880] =	vst v1;
	v1 =	vadd.s32 v3, v2;
	v2 =	vadd.s32 v0, v22;
	v3 =	vmul.u32 $0x5, v23  }
0x139: {  	v39 =	vld [tilespmem:$0x1D0];
	v23 =	vmul.u32 $0x5, v25;
	[tilespmem:$0x890] =	vst v1;
	v1 =	vadd.s32 v61, v2;
	v2 =	vadd.s32 v0, v24  }
0x13a: {  	v40 =	vld [tilespmem:$0x5D0];
	[tilespmem:$0x8A0] =	vst v1;
	v1 =	vadd.s32 v3, v2;
	v2 =	vadd.s32 v0, v26;
	v3 =	vmul.u32 $0x5, v27  }
0x13b: {  	v42 =	vld [tilespmem:$0x1E0];
	v26 =	vmul.u32 $0x5, v29;
	[tilespmem:$0x8B0] =	vst v1;
	v1 =	vadd.s32 v23, v2;
	v2 =	vadd.s32 v0, v28  }
0x13c: {  	v25 =	vld [tilespmem:$0x580];
	[tilespmem:$0x8C0] =	vst v1;
	v1 =	vadd.s32 v3, v2;
	v2 =	vadd.s32 v0, v30;
	v3 =	vmul.u32 $0x5, v31  }
0x13d: {  	v24 =	vld [tilespmem:$0x180];
	v29 =	vmul.u32 $0x5, v33;
	[tilespmem:$0x8D0] =	vst v1;
	v1 =	vadd.s32 v26, v2;
	v2 =	vadd.s32 v0, v32  }
0x13e: {  	v27 =	vld [tilespmem:$0x190];
	[tilespmem:$0x8E0] =	vst v1;
	v1 =	vadd.s32 v3, v2;
	v2 =	vadd.s32 v0, v34;
	v3 =	vmul.u32 $0x5, v35  }
0x13f: {  	v33 =	vld [tilespmem:$0x1B0];
	v32 =	vmul.u32 $0x5, v37;
	[tilespmem:$0x8F0] =	vst v1;
	v1 =	vadd.s32 v29, v2;
	v2 =	vadd.s32 v0, v36  }
0x140: {  	v28 =	vld [tilespmem:$0x590];
	[tilespmem:$0x900] =	vst v1;
	v1 =	vadd.s32 v3, v2;
	v2 =	vadd.s32 v0, v38;
	v3 =	vmul.u32 $0x5, v50  }
0x141: {  	v30 =	vld [tilespmem:$0x1A0];
	v35 =	vmul.u32 $0x5, v53;
	[tilespmem:$0x910] =	vst v1;
	v1 =	vadd.s32 v32, v2;
	v2 =	vadd.s32 v0, v51  }
0x142: {  	v31 =	vld [tilespmem:$0x5A0];
	[tilespmem:$0x920] =	vst v1;
	v1 =	vadd.s32 v3, v2;
	v2 =	vadd.s32 v0, v54;
	v3 =	vmul.u32 $0x5, v56  }
0x143: {  	v34 =	vld [tilespmem:$0x5B0];
	v38 =	vmul.u32 $0x5, v59;
	[tilespmem:$0x930] =	vst v1;
	v1 =	vadd.s32 v35, v2;
	v2 =	vadd.s32 v0, v57  }
0x144: {  	v36 =	vld [tilespmem:$0x1C0];
	[tilespmem:$0x940] =	vst v1;
	v1 =	vadd.s32 v3, v2;
	v2 =	vadd.s32 v0, v60;
	v3 =	vmul.u32 $0x5, v62  }
0x145: {  	v37 =	vld [tilespmem:$0x5C0];
	v41 =	vmul.u32 $0x5, v24;
	[tilespmem:$0x950] =	vst v1;
	v1 =	vadd.s32 v38, v2;
	v2 =	vadd.s32 v0, v63  }
0x146: {  	v43 =	vld [tilespmem:$0x5E0];
	[tilespmem:$0x960] =	vst v1;
	v1 =	vadd.s32 v3, v2;
	v2 =	vadd.s32 v0, v25;
	v3 =	vmul.u32 $0x5, v27  }
0x147: {  	v45 =	vld [tilespmem:$0x1F0];
	v44 =	vmul.u32 $0x5, v30;
	[tilespmem:$0x970] =	vst v1;
	v1 =	vadd.s32 v41, v2;
	v2 =	vadd.s32 v0, v28  }
0x148: {  	v46 =	vld [tilespmem:$0x5F0];
	[tilespmem:$0x980] =	vst v1;
	v1 =	vadd.s32 v3, v2;
	v2 =	vadd.s32 v0, v31;
	v3 =	vmul.u32 $0x5, v33  }
0x149: {  	v47 =	vmul.u32 $0x5, v36;
	[tilespmem:$0x990] =	vst v1;
	v1 =	vadd.s32 v44, v2;
	v2 =	vadd.s32 v0, v34  }
0x14a: {  	[tilespmem:$0x9A0] =	vst v1;
	v1 =	vadd.s32 v3, v2;
	v2 =	vadd.s32 v0, v37;
	v3 =	vmul.u32 $0x5, v39  }
0x14b: {  	v48 =	vmul.u32 $0x5, v42;
	[tilespmem:$0x9B0] =	vst v1;
	v1 =	vadd.s32 v47, v2;
	v2 =	vadd.s32 v0, v40  }
0x14c: {  	[tilespmem:$0x9C0] =	vst v1;
	v1 =	vadd.s32 v3, v2;
	v2 =	vadd.s32 v0, v43;
	v3 =	vmul.u32 $0x5, v45  }
0x14d: {  	[tilespmem:$0x9D0] =	vst v1;
	v1 =	vadd.s32 v48, v2;
	v2 =	vadd.s32 v0, v46  }
0x14e: {  	[tilespmem:$0x9E0] =	vst v1;
	v1 =	vadd.s32 v3, v2  }
0x14f: {  	[tilespmem:$0x9F0] =	vst v1  }
0x150: {  	_ =	swait.ge [sflag:s14], $0x8000  }
0x151: {  	[sflag:s14] =	ssyncset.done $0x0  }
0x152: {  	s19 =	simm.s32 $0x800;
	[sflag:s14] =	ssyncadd.s32 $0xFFFF8000  }
0x153: {  	[tilespmem:s25], [sflag:$0x3] =	stream.indirect.gather [spmem:s1], $0x40, s19, s23, $0xb8;
	[tilespmem:$0x13000] =	vst v63  }
0x154: {  	s20 =	simm.s32 $0x880  }
0x155: {  	[tilespmem:s28], [sflag:$0x3] =	stream.indirect.gather [spmem:s1], $0x40, s20, s23, $0xb8;
	[tilespmem:$0x13000] =	vst v63  }
0x156: {  	_ = 	snop  }
0x157: {  	[tilespmem:s30], [sflag:$0x3] =	stream.indirect.gather [spmem:s1], $0x40, s29, s23, $0xb8;
	[tilespmem:$0x13000] =	vst v63  }
0x158: {  	s19 =	rddreg [dreg:$0x7]  }
0x159: {  	[tilespmem:s0], [sflag:$0x3] =	stream.indirect.gather [spmem:s1], $0x40, s31, s23, $0xb8;
	[tilespmem:$0x13000] =	vst v63  }
0x15a: {  	s19 =	sadd.s32 s17, s19;
	s20 =	rddreg [dreg:$0x6]  }
0x15b: {  	[tilespmem:s2], [sflag:$0x1] =	stream.linear.gather [hbm4b:s19+s2], $0x200, $0x38;
	[tilespmem:$0x13000] =	vst v63  }
0x15c: {  	s20 =	sadd.s32 s17, s20  }
0x15d: {  	[tilespmem:s21], [sflag:$0x1] =	stream.linear.gather [hbm4b:s20+s2], $0x200, $0x38;
	[tilespmem:$0x13000] =	vst v63  }
0x15e: {  	_ =	swait.ge [sflag:s3], $0x200  }
0x15f: {  	[sflag:s3] =	ssyncset.done $0x0  }
0x160: {  	[sflag:s3] =	ssyncadd.s32 $0xFFFFFE00  }
0x161: {  	_ =	swait.ge [sflag:s3], $0x200  }
0x162: {  	[sflag:s3] =	ssyncset.done $0x0  }
0x163: {  	[sflag:s3] =	ssyncadd.s32 $0xFFFFFE00  }
0x164: {  	v1 =	vld [tilespmem:$0x200]  }
0x165: {  	v2 =	vld [tilespmem:$0x600]  }
0x166: {  	v3 =	vld [tilespmem:$0x210]  }
0x167: {  	v49 =	vld [tilespmem:$0x610]  }
0x168: {  	v50 =	vld [tilespmem:$0x220]  }
0x169: {  	v6 =	vld [tilespmem:$0x620]  }
0x16a: {  	v51 =	vld [tilespmem:$0x230]  }
0x16b: {  	v52 =	vld [tilespmem:$0x630]  }
0x16c: {  	v53 =	vld [tilespmem:$0x240]  }
0x16d: {  	v10 =	vld [tilespmem:$0x640]  }
0x16e: {  	v54 =	vld [tilespmem:$0x250]  }
0x16f: {  	v55 =	vld [tilespmem:$0x650]  }
0x170: {  	v56 =	vld [tilespmem:$0x260]  }
0x171: {  	v14 =	vld [tilespmem:$0x660]  }
0x172: {  	v57 =	vld [tilespmem:$0x270]  }
0x173: {  	v58 =	vld [tilespmem:$0x670]  }
0x174: {  	v59 =	vld [tilespmem:$0x280]  }
0x175: {  	v18 =	vld [tilespmem:$0x680]  }
0x176: {  	v60 =	vld [tilespmem:$0x290]  }
0x177: {  	v61 =	vld [tilespmem:$0x690]  }
0x178: {  	v62 =	vld [tilespmem:$0x2A0]  }
0x179: {  	v22 =	vld [tilespmem:$0x6A0]  }
0x17a: {  	v63 =	vld [tilespmem:$0x2B0]  }
0x17b: {  	v24 =	vld [tilespmem:$0x6B0]  }
0x17c: {  	v25 =	vld [tilespmem:$0x2C0]  }
0x17d: {  	v26 =	vld [tilespmem:$0x6C0]  }
0x17e: {  	v40 =	vld [tilespmem:$0x2D0]  }
0x17f: {  	v41 =	vld [tilespmem:$0x6D0]  }
0x180: {  	v42 =	vld [tilespmem:$0x2E0]  }
0x181: {  	v30 =	vld [tilespmem:$0x6E0]  }
0x182: {  	v43 =	vld [tilespmem:$0x2F0]  }
0x183: {  	v44 =	vld [tilespmem:$0x6F0]  }
0x184: {  	v45 =	vld [tilespmem:$0x300]  }
0x185: {  	v34 =	vld [tilespmem:$0x700]  }
0x186: {  	v46 =	vld [tilespmem:$0x310]  }
0x187: {  	v47 =	vld [tilespmem:$0x710]  }
0x188: {  	v48 =	vld [tilespmem:$0x320];
	v1 =	vmul.u32 $0x5, v1  }
0x189: {  	v38 =	vld [tilespmem:$0x720];
	v2 =	vadd.s32 v0, v2;
	v3 =	vmul.u32 $0x5, v3  }
0x18a: {  	v39 =	vld [tilespmem:$0x380];
	v1 =	vadd.s32 v1, v2;
	v2 =	vadd.s32 v0, v49;
	v49 =	vmul.u32 $0x5, v50  }
0x18b: {  	v50 =	vld [tilespmem:$0x330];
	[tilespmem:$0xA00] =	vst v1;
	v1 =	vadd.s32 v3, v2;
	v2 =	vadd.s32 v0, v6;
	v3 =	vmul.u32 $0x5, v51  }
0x18c: {  	v51 =	vld [tilespmem:$0x730];
	[tilespmem:$0xA10] =	vst v1;
	v1 =	vadd.s32 v49, v2;
	v2 =	vadd.s32 v0, v52;
	v52 =	vmul.u32 $0x5, v53  }
0x18d: {  	v53 =	vld [tilespmem:$0x340];
	[tilespmem:$0xA20] =	vst v1;
	v1 =	vadd.s32 v3, v2;
	v2 =	vadd.s32 v0, v10;
	v3 =	vmul.u32 $0x5, v54  }
0x18e: {  	v49 =	vld [tilespmem:$0x7B0];
	[tilespmem:$0xA30] =	vst v1;
	v1 =	vadd.s32 v52, v2;
	v2 =	vadd.s32 v0, v55;
	v55 =	vmul.u32 $0x5, v56  }
0x18f: {  	v54 =	vld [tilespmem:$0x740];
	[tilespmem:$0xA40] =	vst v1;
	v1 =	vadd.s32 v3, v2;
	v2 =	vadd.s32 v0, v14;
	v3 =	vmul.u32 $0x5, v57  }
0x190: {  	v56 =	vld [tilespmem:$0x350];
	[tilespmem:$0xA50] =	vst v1;
	v1 =	vadd.s32 v55, v2;
	v2 =	vadd.s32 v0, v58;
	v58 =	vmul.u32 $0x5, v59  }
0x191: {  	v52 =	vld [tilespmem:$0x7C0];
	[tilespmem:$0xA60] =	vst v1;
	v1 =	vadd.s32 v3, v2;
	v2 =	vadd.s32 v0, v18;
	v3 =	vmul.u32 $0x5, v60  }
0x192: {  	v57 =	vld [tilespmem:$0x750];
	[tilespmem:$0xA70] =	vst v1;
	v1 =	vadd.s32 v58, v2;
	v2 =	vadd.s32 v0, v61;
	v61 =	vmul.u32 $0x5, v62  }
0x193: {  	v59 =	vld [tilespmem:$0x360];
	[tilespmem:$0xA80] =	vst v1;
	v1 =	vadd.s32 v3, v2;
	v2 =	vadd.s32 v0, v22;
	v3 =	vmul.u32 $0x5, v63  }
0x194: {  	v25 =	vmul.u32 $0x5, v25;
	v55 =	vld [tilespmem:$0x7D0];
	[tilespmem:$0xA90] =	vst v1;
	v1 =	vadd.s32 v61, v2;
	v2 =	vadd.s32 v0, v24  }
0x195: {  	v60 =	vld [tilespmem:$0x760];
	[tilespmem:$0xAA0] =	vst v1;
	v1 =	vadd.s32 v3, v2;
	v2 =	vadd.s32 v0, v26;
	v3 =	vmul.u32 $0x5, v40  }
0x196: {  	v62 =	vld [tilespmem:$0x370];
	[tilespmem:$0xAB0] =	vst v1;
	v1 =	vadd.s32 v25, v2;
	v2 =	vadd.s32 v0, v41;
	v41 =	vmul.u32 $0x5, v42  }
0x197: {  	v58 =	vld [tilespmem:$0x7E0];
	[tilespmem:$0xAC0] =	vst v1;
	v1 =	vadd.s32 v3, v2;
	v2 =	vadd.s32 v0, v30;
	v3 =	vmul.u32 $0x5, v43  }
0x198: {  	v63 =	vld [tilespmem:$0x770];
	[tilespmem:$0xAD0] =	vst v1;
	v1 =	vadd.s32 v41, v2;
	v2 =	vadd.s32 v0, v44;
	v44 =	vmul.u32 $0x5, v45  }
0x199: {  	v40 =	vld [tilespmem:$0x780];
	[tilespmem:$0xAE0] =	vst v1;
	v1 =	vadd.s32 v3, v2;
	v2 =	vadd.s32 v0, v34;
	v3 =	vmul.u32 $0x5, v46  }
0x19a: {  	v42 =	vld [tilespmem:$0x390];
	[tilespmem:$0xAF0] =	vst v1;
	v1 =	vadd.s32 v44, v2;
	v2 =	vadd.s32 v0, v47;
	v47 =	vmul.u32 $0x5, v48  }
0x19b: {  	v43 =	vld [tilespmem:$0x790];
	[tilespmem:$0xB00] =	vst v1;
	v1 =	vadd.s32 v3, v2;
	v2 =	vadd.s32 v0, v38;
	v3 =	vmul.u32 $0x5, v50  }
0x19c: {  	v45 =	vld [tilespmem:$0x3A0];
	v50 =	vmul.u32 $0x5, v53;
	[tilespmem:$0xB10] =	vst v1;
	v1 =	vadd.s32 v47, v2;
	v2 =	vadd.s32 v0, v51  }
0x19d: {  	v46 =	vld [tilespmem:$0x7A0];
	[tilespmem:$0xB20] =	vst v1;
	v1 =	vadd.s32 v3, v2;
	v2 =	vadd.s32 v0, v54;
	v3 =	vmul.u32 $0x5, v56  }
0x19e: {  	v48 =	vld [tilespmem:$0x3B0];
	v53 =	vmul.u32 $0x5, v59;
	[tilespmem:$0xB30] =	vst v1;
	v1 =	vadd.s32 v50, v2;
	v2 =	vadd.s32 v0, v57  }
0x19f: {  	v51 =	vld [tilespmem:$0x3C0];
	[tilespmem:$0xB40] =	vst v1;
	v1 =	vadd.s32 v3, v2;
	v2 =	vadd.s32 v0, v60;
	v3 =	vmul.u32 $0x5, v62  }
0x1a0: {  	v54 =	vld [tilespmem:$0x3D0];
	v56 =	vmul.u32 $0x5, v39;
	[tilespmem:$0xB50] =	vst v1;
	v1 =	vadd.s32 v53, v2;
	v2 =	vadd.s32 v0, v63  }
0x1a1: {  	v57 =	vld [tilespmem:$0x3E0];
	[tilespmem:$0xB60] =	vst v1;
	v1 =	vadd.s32 v3, v2;
	v2 =	vadd.s32 v0, v40;
	v3 =	vmul.u32 $0x5, v42  }
0x1a2: {  	v59 =	vmul.u32 $0x5, v45;
	v60 =	vld [tilespmem:$0x3F0];
	[tilespmem:$0xB70] =	vst v1;
	v1 =	vadd.s32 v56, v2;
	v2 =	vadd.s32 v0, v43  }
0x1a3: {  	v61 =	vld [tilespmem:$0x7F0];
	[tilespmem:$0xB80] =	vst v1;
	v1 =	vadd.s32 v3, v2;
	v2 =	vadd.s32 v0, v46;
	v3 =	vmul.u32 $0x5, v48  }
0x1a4: {  	v62 =	vmul.u32 $0x5, v51;
	[tilespmem:$0xB90] =	vst v1;
	v1 =	vadd.s32 v59, v2;
	v2 =	vadd.s32 v0, v49  }
0x1a5: {  	[tilespmem:$0xBA0] =	vst v1;
	v1 =	vadd.s32 v3, v2;
	v2 =	vadd.s32 v0, v52;
	v3 =	vmul.u32 $0x5, v54  }
0x1a6: {  	v63 =	vmul.u32 $0x5, v57;
	[tilespmem:$0xBB0] =	vst v1;
	v1 =	vadd.s32 v62, v2;
	v2 =	vadd.s32 v0, v55  }
0x1a7: {  	[tilespmem:$0xBC0] =	vst v1;
	v1 =	vadd.s32 v3, v2;
	v2 =	vadd.s32 v0, v58;
	v3 =	vmul.u32 $0x5, v60  }
0x1a8: {  	[tilespmem:$0xBD0] =	vst v1;
	v1 =	vadd.s32 v63, v2;
	v2 =	vadd.s32 v0, v61  }
0x1a9: {  	[tilespmem:$0xBE0] =	vst v1;
	v1 =	vadd.s32 v3, v2  }
0x1aa: {  	[tilespmem:$0xBF0] =	vst v1  }
0x1ab: {  	_ =	swait.ge [sflag:s15], $0x8000  }
0x1ac: {  	[sflag:s15] =	ssyncset.done $0x0  }
0x1ad: {  	[sflag:s15] =	ssyncadd.s32 $0xFFFF8000  }
0x1ae: {  	[tilespmem:s5], [sflag:$0x4] =	stream.indirect.gather [spmem:s1], $0x40, s4, s23, $0xb8;
	[tilespmem:$0x13000] =	vst v63  }
0x1af: {  	_ = 	snop  }
0x1b0: {  	[tilespmem:s7], [sflag:$0x4] =	stream.indirect.gather [spmem:s1], $0x40, s6, s23, $0xb8;
	[tilespmem:$0x13000] =	vst v63  }
0x1b1: {  	_ = 	snop  }
0x1b2: {  	[tilespmem:s9], [sflag:$0x4] =	stream.indirect.gather [spmem:s1], $0x40, s8, s23, $0xb8;
	[tilespmem:$0x13000] =	vst v63  }
0x1b3: {  	s19 =	rddreg [dreg:$0x5]  }
0x1b4: {  	[tilespmem:s11], [sflag:$0x4] =	stream.indirect.gather [spmem:s1], $0x40, s10, s23, $0xb8;
	[tilespmem:$0x13000] =	vst v63  }
0x1b5: {  	s20 =	rddreg [dreg:$0x4];
	s19 =	sadd.s32 s17, s19  }
0x1b6: {  	[tilespmem:s24], [sflag:$0x2] =	stream.linear.gather [hbm4b:s19+s2], $0x200, $0x38;
	[tilespmem:$0x13000] =	vst v63  }
0x1b7: {  	s20 =	sadd.s32 s17, s20  }
0x1b8: {  	[tilespmem:s26], [sflag:$0x2] =	stream.linear.gather [hbm4b:s20+s2], $0x200, $0x38;
	[tilespmem:$0x13000] =	vst v63  }
0x1b9: {  	_ =	swait.ge [sflag:s12], $0x2000  }
0x1ba: {  	[sflag:s12] =	ssyncset.done $0x0  }
0x1bb: {  	[sflag:s12] =	ssyncadd.s32 $0xFFFFE000  }
0x1bc: {  	_ =	swait.ge [sflag:s12], $0x2000  }
0x1bd: {  	[sflag:s12] =	ssyncset.done $0x0  }
0x1be: {  	[sflag:s12] =	ssyncadd.s32 $0xFFFFE000  }
0x1bf: {  	_ =	swait.ge [sflag:s12], $0x2000  }
0x1c0: {  	[sflag:s12] =	ssyncset.done $0x0  }
0x1c1: {  	[sflag:s12] =	ssyncadd.s32 $0xFFFFE000  }
0x1c2: {  	_ =	swait.ge [sflag:s12], $0x2000  }
0x1c3: {  	[sflag:s12] =	ssyncset.done $0x0  }
0x1c4: {  	[sflag:s12] =	ssyncadd.s32 $0xFFFFE000  }
0x1c5: {  	[hbm4b:s16+s2] =	stream.linear.scatter [tilespmem:s25], [sflag:$0x5], $0x8000, $0x38;
	[tilespmem:$0x13000] =	vst v63  }
0x1c6: {  	_ =	swait.ge [sflag:s13], $0x2000  }
0x1c7: {  	[sflag:s13] =	ssyncset.done $0x0  }
0x1c8: {  	[sflag:s13] =	ssyncadd.s32 $0xFFFFE000  }
0x1c9: {  	_ =	swait.ge [sflag:s13], $0x2000  }
0x1ca: {  	[sflag:s13] =	ssyncset.done $0x0  }
0x1cb: {  	[sflag:s13] =	ssyncadd.s32 $0xFFFFE000  }
0x1cc: {  	_ =	swait.ge [sflag:s13], $0x2000  }
0x1cd: {  	[sflag:s13] =	ssyncset.done $0x0  }
0x1ce: {  	p1 =	sne.s32 s17, $0x3080;
	[sflag:s13] =	ssyncadd.s32 $0xFFFFE000  }
.Ltmp0:
0x1cf: {  	_ =	swait.ge [sflag:s13], $0x2000;
	(pc) =	sbr.rel @p1 .LBB2_2-.Ltmp0, $4  }
0x1d0: {  	[sflag:s13] =	ssyncset.done $0x0  }
0x1d1: {  	[sflag:s13] =	ssyncadd.s32 $0xFFFFE000  }
0x1d2: {  	[hbm4b:s18+s2] =	stream.linear.scatter [tilespmem:s5], [sflag:$0x6], $0x8000, $0x38;
	[tilespmem:$0x13000] =	vst v63  }
0x1d3: {  	s17 =	sadd.s32 $0x80, s17;
	s16 =	sadd.s32 $0x2000, s16;
	s18 =	sadd.s32 $0x2000, s18  }
0x1d4: {  	_ =	swait.ge [sflag:s22], $0x200  }
0x1d5: {  	[sflag:s22] =	ssyncset.done $0x0  }
0x1d6: {  	[sflag:s22] =	ssyncadd.s32 $0xFFFFFE00  }
0x1d7: {  	_ =	swait.ge [sflag:s22], $0x200  }
0x1d8: {  	[sflag:s22] =	ssyncset.done $0x0  }
0x1d9: {  	[sflag:s22] =	ssyncadd.s32 $0xFFFFFE00  }
0x1da: {  	v1 =	vld [tilespmem:$0x0]  }
0x1db: {  	v2 =	vld [tilespmem:$0x400]  }
0x1dc: {  	v3 =	vld [tilespmem:$0x10]  }
0x1dd: {  	v4 =	vld [tilespmem:$0x410]  }
0x1de: {  	v5 =	vld [tilespmem:$0x20]  }
0x1df: {  	v6 =	vld [tilespmem:$0x420]  }
0x1e0: {  	v7 =	vld [tilespmem:$0x30]  }
0x1e1: {  	v8 =	vld [tilespmem:$0x430]  }
0x1e2: {  	v9 =	vld [tilespmem:$0x40]  }
0x1e3: {  	v10 =	vld [tilespmem:$0x440]  }
0x1e4: {  	v11 =	vld [tilespmem:$0x50]  }
0x1e5: {  	v12 =	vld [tilespmem:$0x450]  }
0x1e6: {  	v13 =	vld [tilespmem:$0x60]  }
0x1e7: {  	v14 =	vld [tilespmem:$0x460]  }
0x1e8: {  	v15 =	vld [tilespmem:$0x70]  }
0x1e9: {  	v16 =	vld [tilespmem:$0x470]  }
0x1ea: {  	v17 =	vld [tilespmem:$0x80]  }
0x1eb: {  	v18 =	vld [tilespmem:$0x480]  }
0x1ec: {  	v19 =	vld [tilespmem:$0x90]  }
0x1ed: {  	v20 =	vld [tilespmem:$0x490]  }
0x1ee: {  	v21 =	vld [tilespmem:$0xA0]  }
0x1ef: {  	v22 =	vld [tilespmem:$0x4A0]  }
0x1f0: {  	v23 =	vld [tilespmem:$0xB0]  }
0x1f1: {  	v24 =	vld [tilespmem:$0x4B0]  }
0x1f2: {  	v25 =	vld [tilespmem:$0xC0]  }
0x1f3: {  	v26 =	vld [tilespmem:$0x4C0]  }
0x1f4: {  	v27 =	vld [tilespmem:$0xD0]  }
0x1f5: {  	v28 =	vld [tilespmem:$0x4D0]  }
0x1f6: {  	v29 =	vld [tilespmem:$0xE0]  }
0x1f7: {  	v30 =	vld [tilespmem:$0x4E0]  }
0x1f8: {  	v31 =	vld [tilespmem:$0xF0]  }
0x1f9: {  	v32 =	vld [tilespmem:$0x4F0]  }
0x1fa: {  	v33 =	vld [tilespmem:$0x100]  }
0x1fb: {  	v34 =	vld [tilespmem:$0x500]  }
0x1fc: {  	v35 =	vld [tilespmem:$0x110]  }
0x1fd: {  	v36 =	vld [tilespmem:$0x510]  }
0x1fe: {  	v37 =	vld [tilespmem:$0x120];
	v1 =	vmul.u32 $0x5, v1  }
0x1ff: {  	v38 =	vld [tilespmem:$0x520];
	v2 =	vadd.s32 v0, v2;
	v3 =	vmul.u32 $0x5, v3  }
0x200: {  	v50 =	vld [tilespmem:$0x130];
	v49 =	vmul.u32 $0x5, v5;
	v1 =	vadd.s32 v1, v2;
	v2 =	vadd.s32 v0, v4  }
0x201: {  	v51 =	vld [tilespmem:$0x530];
	[tilespmem:$0x800] =	vst v1;
	v1 =	vadd.s32 v3, v2;
	v2 =	vadd.s32 v0, v6;
	v3 =	vmul.u32 $0x5, v7  }
0x202: {  	v53 =	vld [tilespmem:$0x140];
	v52 =	vmul.u32 $0x5, v9;
	[tilespmem:$0x810] =	vst v1;
	v1 =	vadd.s32 v49, v2;
	v2 =	vadd.s32 v0, v8  }
0x203: {  	v54 =	vld [tilespmem:$0x540];
	[tilespmem:$0x820] =	vst v1;
	v1 =	vadd.s32 v3, v2;
	v2 =	vadd.s32 v0, v10;
	v3 =	vmul.u32 $0x5, v11  }
0x204: {  	v56 =	vld [tilespmem:$0x150];
	v55 =	vmul.u32 $0x5, v13;
	[tilespmem:$0x830] =	vst v1;
	v1 =	vadd.s32 v52, v2;
	v2 =	vadd.s32 v0, v12  }
0x205: {  	v57 =	vld [tilespmem:$0x550];
	[tilespmem:$0x840] =	vst v1;
	v1 =	vadd.s32 v3, v2;
	v2 =	vadd.s32 v0, v14;
	v3 =	vmul.u32 $0x5, v15  }
0x206: {  	v59 =	vld [tilespmem:$0x160];
	v58 =	vmul.u32 $0x5, v17;
	[tilespmem:$0x850] =	vst v1;
	v1 =	vadd.s32 v55, v2;
	v2 =	vadd.s32 v0, v16  }
0x207: {  	v60 =	vld [tilespmem:$0x560];
	[tilespmem:$0x860] =	vst v1;
	v1 =	vadd.s32 v3, v2;
	v2 =	vadd.s32 v0, v18;
	v3 =	vmul.u32 $0x5, v19  }
0x208: {  	v62 =	vld [tilespmem:$0x170];
	v61 =	vmul.u32 $0x5, v21;
	[tilespmem:$0x870] =	vst v1;
	v1 =	vadd.s32 v58, v2;
	v2 =	vadd.s32 v0, v20  }
0x209: {  	v63 =	vld [tilespmem:$0x570];
	[tilespmem:$0x880] =	vst v1;
	v1 =	vadd.s32 v3, v2;
	v2 =	vadd.s32 v0, v22;
	v3 =	vmul.u32 $0x5, v23  }
0x20a: {  	v39 =	vld [tilespmem:$0x1D0];
	v23 =	vmul.u32 $0x5, v25;
	[tilespmem:$0x890] =	vst v1;
	v1 =	vadd.s32 v61, v2;
	v2 =	vadd.s32 v0, v24  }
0x20b: {  	v40 =	vld [tilespmem:$0x5D0];
	[tilespmem:$0x8A0] =	vst v1;
	v1 =	vadd.s32 v3, v2;
	v2 =	vadd.s32 v0, v26;
	v3 =	vmul.u32 $0x5, v27  }
0x20c: {  	v42 =	vld [tilespmem:$0x1E0];
	v26 =	vmul.u32 $0x5, v29;
	[tilespmem:$0x8B0] =	vst v1;
	v1 =	vadd.s32 v23, v2;
	v2 =	vadd.s32 v0, v28  }
0x20d: {  	v25 =	vld [tilespmem:$0x580];
	[tilespmem:$0x8C0] =	vst v1;
	v1 =	vadd.s32 v3, v2;
	v2 =	vadd.s32 v0, v30;
	v3 =	vmul.u32 $0x5, v31  }
0x20e: {  	v24 =	vld [tilespmem:$0x180];
	v29 =	vmul.u32 $0x5, v33;
	[tilespmem:$0x8D0] =	vst v1;
	v1 =	vadd.s32 v26, v2;
	v2 =	vadd.s32 v0, v32  }
0x20f: {  	v27 =	vld [tilespmem:$0x190];
	[tilespmem:$0x8E0] =	vst v1;
	v1 =	vadd.s32 v3, v2;
	v2 =	vadd.s32 v0, v34;
	v3 =	vmul.u32 $0x5, v35  }
0x210: {  	v33 =	vld [tilespmem:$0x1B0];
	v32 =	vmul.u32 $0x5, v37;
	[tilespmem:$0x8F0] =	vst v1;
	v1 =	vadd.s32 v29, v2;
	v2 =	vadd.s32 v0, v36  }
0x211: {  	v28 =	vld [tilespmem:$0x590];
	[tilespmem:$0x900] =	vst v1;
	v1 =	vadd.s32 v3, v2;
	v2 =	vadd.s32 v0, v38;
	v3 =	vmul.u32 $0x5, v50  }
0x212: {  	v30 =	vld [tilespmem:$0x1A0];
	v35 =	vmul.u32 $0x5, v53;
	[tilespmem:$0x910] =	vst v1;
	v1 =	vadd.s32 v32, v2;
	v2 =	vadd.s32 v0, v51  }
0x213: {  	v31 =	vld [tilespmem:$0x5A0];
	[tilespmem:$0x920] =	vst v1;
	v1 =	vadd.s32 v3, v2;
	v2 =	vadd.s32 v0, v54;
	v3 =	vmul.u32 $0x5, v56  }
0x214: {  	v34 =	vld [tilespmem:$0x5B0];
	v38 =	vmul.u32 $0x5, v59;
	[tilespmem:$0x930] =	vst v1;
	v1 =	vadd.s32 v35, v2;
	v2 =	vadd.s32 v0, v57  }
0x215: {  	v36 =	vld [tilespmem:$0x1C0];
	[tilespmem:$0x940] =	vst v1;
	v1 =	vadd.s32 v3, v2;
	v2 =	vadd.s32 v0, v60;
	v3 =	vmul.u32 $0x5, v62  }
0x216: {  	v37 =	vld [tilespmem:$0x5C0];
	v41 =	vmul.u32 $0x5, v24;
	[tilespmem:$0x950] =	vst v1;
	v1 =	vadd.s32 v38, v2;
	v2 =	vadd.s32 v0, v63  }
0x217: {  	v43 =	vld [tilespmem:$0x5E0];
	[tilespmem:$0x960] =	vst v1;
	v1 =	vadd.s32 v3, v2;
	v2 =	vadd.s32 v0, v25;
	v3 =	vmul.u32 $0x5, v27  }
0x218: {  	v45 =	vld [tilespmem:$0x1F0];
	v44 =	vmul.u32 $0x5, v30;
	[tilespmem:$0x970] =	vst v1;
	v1 =	vadd.s32 v41, v2;
	v2 =	vadd.s32 v0, v28  }
0x219: {  	v46 =	vld [tilespmem:$0x5F0];
	[tilespmem:$0x980] =	vst v1;
	v1 =	vadd.s32 v3, v2;
	v2 =	vadd.s32 v0, v31;
	v3 =	vmul.u32 $0x5, v33  }
0x21a: {  	v47 =	vmul.u32 $0x5, v36;
	[tilespmem:$0x990] =	vst v1;
	v1 =	vadd.s32 v44, v2;
	v2 =	vadd.s32 v0, v34  }
0x21b: {  	[tilespmem:$0x9A0] =	vst v1;
	v1 =	vadd.s32 v3, v2;
	v2 =	vadd.s32 v0, v37;
	v3 =	vmul.u32 $0x5, v39  }
0x21c: {  	v48 =	vmul.u32 $0x5, v42;
	[tilespmem:$0x9B0] =	vst v1;
	v1 =	vadd.s32 v47, v2;
	v2 =	vadd.s32 v0, v40  }
0x21d: {  	[tilespmem:$0x9C0] =	vst v1;
	v1 =	vadd.s32 v3, v2;
	v2 =	vadd.s32 v0, v43;
	v3 =	vmul.u32 $0x5, v45  }
0x21e: {  	[tilespmem:$0x9D0] =	vst v1;
	v1 =	vadd.s32 v48, v2;
	v2 =	vadd.s32 v0, v46  }
0x21f: {  	[tilespmem:$0x9E0] =	vst v1;
	v1 =	vadd.s32 v3, v2  }
0x220: {  	[tilespmem:$0x9F0] =	vst v1  }
0x221: {  	_ =	swait.ge [sflag:s14], $0x8000  }
0x222: {  	[sflag:s14] =	ssyncset.done $0x0  }
0x223: {  	s16 =	simm.s32 $0x800;
	[sflag:s14] =	ssyncadd.s32 $0xFFFF8000  }
0x224: {  	[tilespmem:s25], [sflag:$0x3] =	stream.indirect.gather [spmem:s1], $0x40, s16, s23, $0xb8;
	[tilespmem:$0x13000] =	vst v63  }
0x225: {  	s18 =	simm.s32 $0x880  }
0x226: {  	[tilespmem:s28], [sflag:$0x3] =	stream.indirect.gather [spmem:s1], $0x40, s18, s23, $0xb8;
	[tilespmem:$0x13000] =	vst v63  }
0x227: {  	_ = 	snop  }
0x228: {  	[tilespmem:s30], [sflag:$0x3] =	stream.indirect.gather [spmem:s1], $0x40, s29, s23, $0xb8;
	[tilespmem:$0x13000] =	vst v63  }
0x229: {  	_ = 	snop  }
0x22a: {  	[tilespmem:s0], [sflag:$0x3] =	stream.indirect.gather [spmem:s1], $0x40, s31, s23, $0xb8;
	[tilespmem:$0x13000] =	vst v63  }
0x22b: {  	_ =	swait.ge [sflag:s3], $0x200  }
0x22c: {  	[sflag:s3] =	ssyncset.done $0x0  }
0x22d: {  	[sflag:s3] =	ssyncadd.s32 $0xFFFFFE00  }
0x22e: {  	_ =	swait.ge [sflag:s3], $0x200  }
0x22f: {  	[sflag:s3] =	ssyncset.done $0x0  }
0x230: {  	[sflag:s3] =	ssyncadd.s32 $0xFFFFFE00  }
0x231: {  	v1 =	vld [tilespmem:$0x200]  }
0x232: {  	v2 =	vld [tilespmem:$0x600]  }
0x233: {  	v3 =	vld [tilespmem:$0x210]  }
0x234: {  	v49 =	vld [tilespmem:$0x610]  }
0x235: {  	v50 =	vld [tilespmem:$0x220]  }
0x236: {  	v6 =	vld [tilespmem:$0x620]  }
0x237: {  	v51 =	vld [tilespmem:$0x230]  }
0x238: {  	v52 =	vld [tilespmem:$0x630]  }
0x239: {  	v53 =	vld [tilespmem:$0x240]  }
0x23a: {  	v10 =	vld [tilespmem:$0x640]  }
0x23b: {  	v54 =	vld [tilespmem:$0x250]  }
0x23c: {  	v55 =	vld [tilespmem:$0x650]  }
0x23d: {  	v56 =	vld [tilespmem:$0x260]  }
0x23e: {  	v14 =	vld [tilespmem:$0x660]  }
0x23f: {  	v57 =	vld [tilespmem:$0x270]  }
0x240: {  	v58 =	vld [tilespmem:$0x670]  }
0x241: {  	v59 =	vld [tilespmem:$0x280]  }
0x242: {  	v18 =	vld [tilespmem:$0x680]  }
0x243: {  	v60 =	vld [tilespmem:$0x290]  }
0x244: {  	v61 =	vld [tilespmem:$0x690]  }
0x245: {  	v62 =	vld [tilespmem:$0x2A0]  }
0x246: {  	v22 =	vld [tilespmem:$0x6A0]  }
0x247: {  	v63 =	vld [tilespmem:$0x2B0]  }
0x248: {  	v24 =	vld [tilespmem:$0x6B0]  }
0x249: {  	v25 =	vld [tilespmem:$0x2C0]  }
0x24a: {  	v26 =	vld [tilespmem:$0x6C0]  }
0x24b: {  	v40 =	vld [tilespmem:$0x2D0]  }
0x24c: {  	v41 =	vld [tilespmem:$0x6D0]  }
0x24d: {  	v42 =	vld [tilespmem:$0x2E0]  }
0x24e: {  	v30 =	vld [tilespmem:$0x6E0]  }
0x24f: {  	v43 =	vld [tilespmem:$0x2F0]  }
0x250: {  	v44 =	vld [tilespmem:$0x6F0]  }
0x251: {  	v45 =	vld [tilespmem:$0x300]  }
0x252: {  	v34 =	vld [tilespmem:$0x700]  }
0x253: {  	v46 =	vld [tilespmem:$0x310]  }
0x254: {  	v47 =	vld [tilespmem:$0x710]  }
0x255: {  	v48 =	vld [tilespmem:$0x320];
	v1 =	vmul.u32 $0x5, v1  }
0x256: {  	v38 =	vld [tilespmem:$0x720];
	v2 =	vadd.s32 v0, v2;
	v3 =	vmul.u32 $0x5, v3  }
0x257: {  	v39 =	vld [tilespmem:$0x380];
	v1 =	vadd.s32 v1, v2;
	v2 =	vadd.s32 v0, v49;
	v49 =	vmul.u32 $0x5, v50  }
0x258: {  	v50 =	vld [tilespmem:$0x330];
	[tilespmem:$0xA00] =	vst v1;
	v1 =	vadd.s32 v3, v2;
	v2 =	vadd.s32 v0, v6;
	v3 =	vmul.u32 $0x5, v51  }
0x259: {  	v51 =	vld [tilespmem:$0x730];
	[tilespmem:$0xA10] =	vst v1;
	v1 =	vadd.s32 v49, v2;
	v2 =	vadd.s32 v0, v52;
	v52 =	vmul.u32 $0x5, v53  }
0x25a: {  	v53 =	vld [tilespmem:$0x340];
	[tilespmem:$0xA20] =	vst v1;
	v1 =	vadd.s32 v3, v2;
	v2 =	vadd.s32 v0, v10;
	v3 =	vmul.u32 $0x5, v54  }
0x25b: {  	v49 =	vld [tilespmem:$0x7B0];
	[tilespmem:$0xA30] =	vst v1;
	v1 =	vadd.s32 v52, v2;
	v2 =	vadd.s32 v0, v55;
	v55 =	vmul.u32 $0x5, v56  }
0x25c: {  	v54 =	vld [tilespmem:$0x740];
	[tilespmem:$0xA40] =	vst v1;
	v1 =	vadd.s32 v3, v2;
	v2 =	vadd.s32 v0, v14;
	v3 =	vmul.u32 $0x5, v57  }
0x25d: {  	v56 =	vld [tilespmem:$0x350];
	[tilespmem:$0xA50] =	vst v1;
	v1 =	vadd.s32 v55, v2;
	v2 =	vadd.s32 v0, v58;
	v58 =	vmul.u32 $0x5, v59  }
0x25e: {  	v52 =	vld [tilespmem:$0x7C0];
	[tilespmem:$0xA60] =	vst v1;
	v1 =	vadd.s32 v3, v2;
	v2 =	vadd.s32 v0, v18;
	v3 =	vmul.u32 $0x5, v60  }
0x25f: {  	v57 =	vld [tilespmem:$0x750];
	[tilespmem:$0xA70] =	vst v1;
	v1 =	vadd.s32 v58, v2;
	v2 =	vadd.s32 v0, v61;
	v61 =	vmul.u32 $0x5, v62  }
0x260: {  	v59 =	vld [tilespmem:$0x360];
	[tilespmem:$0xA80] =	vst v1;
	v1 =	vadd.s32 v3, v2;
	v2 =	vadd.s32 v0, v22;
	v3 =	vmul.u32 $0x5, v63  }
0x261: {  	v25 =	vmul.u32 $0x5, v25;
	v55 =	vld [tilespmem:$0x7D0];
	[tilespmem:$0xA90] =	vst v1;
	v1 =	vadd.s32 v61, v2;
	v2 =	vadd.s32 v0, v24  }
0x262: {  	v60 =	vld [tilespmem:$0x760];
	[tilespmem:$0xAA0] =	vst v1;
	v1 =	vadd.s32 v3, v2;
	v2 =	vadd.s32 v0, v26;
	v3 =	vmul.u32 $0x5, v40  }
0x263: {  	v62 =	vld [tilespmem:$0x370];
	[tilespmem:$0xAB0] =	vst v1;
	v1 =	vadd.s32 v25, v2;
	v2 =	vadd.s32 v0, v41;
	v41 =	vmul.u32 $0x5, v42  }
0x264: {  	v58 =	vld [tilespmem:$0x7E0];
	[tilespmem:$0xAC0] =	vst v1;
	v1 =	vadd.s32 v3, v2;
	v2 =	vadd.s32 v0, v30;
	v3 =	vmul.u32 $0x5, v43  }
0x265: {  	v63 =	vld [tilespmem:$0x770];
	[tilespmem:$0xAD0] =	vst v1;
	v1 =	vadd.s32 v41, v2;
	v2 =	vadd.s32 v0, v44;
	v44 =	vmul.u32 $0x5, v45  }
0x266: {  	v40 =	vld [tilespmem:$0x780];
	[tilespmem:$0xAE0] =	vst v1;
	v1 =	vadd.s32 v3, v2;
	v2 =	vadd.s32 v0, v34;
	v3 =	vmul.u32 $0x5, v46  }
0x267: {  	v42 =	vld [tilespmem:$0x390];
	[tilespmem:$0xAF0] =	vst v1;
	v1 =	vadd.s32 v44, v2;
	v2 =	vadd.s32 v0, v47;
	v47 =	vmul.u32 $0x5, v48  }
0x268: {  	v43 =	vld [tilespmem:$0x790];
	[tilespmem:$0xB00] =	vst v1;
	v1 =	vadd.s32 v3, v2;
	v2 =	vadd.s32 v0, v38;
	v3 =	vmul.u32 $0x5, v50  }
0x269: {  	v45 =	vld [tilespmem:$0x3A0];
	v50 =	vmul.u32 $0x5, v53;
	[tilespmem:$0xB10] =	vst v1;
	v1 =	vadd.s32 v47, v2;
	v2 =	vadd.s32 v0, v51  }
0x26a: {  	v46 =	vld [tilespmem:$0x7A0];
	[tilespmem:$0xB20] =	vst v1;
	v1 =	vadd.s32 v3, v2;
	v2 =	vadd.s32 v0, v54;
	v3 =	vmul.u32 $0x5, v56  }
0x26b: {  	v48 =	vld [tilespmem:$0x3B0];
	v53 =	vmul.u32 $0x5, v59;
	[tilespmem:$0xB30] =	vst v1;
	v1 =	vadd.s32 v50, v2;
	v2 =	vadd.s32 v0, v57  }
0x26c: {  	v51 =	vld [tilespmem:$0x3C0];
	[tilespmem:$0xB40] =	vst v1;
	v1 =	vadd.s32 v3, v2;
	v2 =	vadd.s32 v0, v60;
	v3 =	vmul.u32 $0x5, v62  }
0x26d: {  	v54 =	vld [tilespmem:$0x3D0];
	v56 =	vmul.u32 $0x5, v39;
	[tilespmem:$0xB50] =	vst v1;
	v1 =	vadd.s32 v53, v2;
	v2 =	vadd.s32 v0, v63  }
0x26e: {  	v57 =	vld [tilespmem:$0x3E0];
	[tilespmem:$0xB60] =	vst v1;
	v1 =	vadd.s32 v3, v2;
	v2 =	vadd.s32 v0, v40;
	v3 =	vmul.u32 $0x5, v42  }
0x26f: {  	v59 =	vmul.u32 $0x5, v45;
	v60 =	vld [tilespmem:$0x3F0];
	[tilespmem:$0xB70] =	vst v1;
	v1 =	vadd.s32 v56, v2;
	v2 =	vadd.s32 v0, v43  }
0x270: {  	v61 =	vld [tilespmem:$0x7F0];
	[tilespmem:$0xB80] =	vst v1;
	v1 =	vadd.s32 v3, v2;
	v2 =	vadd.s32 v0, v46;
	v3 =	vmul.u32 $0x5, v48  }
0x271: {  	v62 =	vmul.u32 $0x5, v51;
	[tilespmem:$0xB90] =	vst v1;
	v1 =	vadd.s32 v59, v2;
	v2 =	vadd.s32 v0, v49  }
0x272: {  	[tilespmem:$0xBA0] =	vst v1;
	v1 =	vadd.s32 v3, v2;
	v2 =	vadd.s32 v0, v52;
	v3 =	vmul.u32 $0x5, v54  }
0x273: {  	v63 =	vmul.u32 $0x5, v57;
	[tilespmem:$0xBB0] =	vst v1;
	v1 =	vadd.s32 v62, v2;
	v2 =	vadd.s32 v0, v55  }
0x274: {  	[tilespmem:$0xBC0] =	vst v1;
	v1 =	vadd.s32 v3, v2;
	v2 =	vadd.s32 v0, v58;
	v3 =	vmul.u32 $0x5, v60  }
0x275: {  	[tilespmem:$0xBD0] =	vst v1;
	v1 =	vadd.s32 v63, v2;
	v2 =	vadd.s32 v0, v61  }
0x276: {  	[tilespmem:$0xBE0] =	vst v1;
	v1 =	vadd.s32 v3, v2  }
0x277: {  	[tilespmem:$0xBF0] =	vst v1  }
0x278: {  	_ =	swait.ge [sflag:s15], $0x8000  }
0x279: {  	[sflag:s15] =	ssyncset.done $0x0  }
0x27a: {  	[sflag:s15] =	ssyncadd.s32 $0xFFFF8000  }
0x27b: {  	[tilespmem:s5], [sflag:$0x4] =	stream.indirect.gather [spmem:s1], $0x40, s4, s23, $0xb8;
	[tilespmem:$0x13000] =	vst v63  }
0x27c: {  	_ = 	snop  }
0x27d: {  	[tilespmem:s7], [sflag:$0x4] =	stream.indirect.gather [spmem:s1], $0x40, s6, s23, $0xb8;
	[tilespmem:$0x13000] =	vst v63  }
0x27e: {  	_ = 	snop  }
0x27f: {  	[tilespmem:s9], [sflag:$0x4] =	stream.indirect.gather [spmem:s1], $0x40, s8, s23, $0xb8;
	[tilespmem:$0x13000] =	vst v63  }
0x280: {  	_ = 	snop  }
0x281: {  	[tilespmem:s11], [sflag:$0x4] =	stream.indirect.gather [spmem:s1], $0x40, s10, s23, $0xb8;
	[tilespmem:$0x13000] =	vst v63  }
0x282: {  	_ =	swait.ge [sflag:s12], $0x2000  }
0x283: {  	[sflag:s12] =	ssyncset.done $0x0  }
0x284: {  	[sflag:s12] =	ssyncadd.s32 $0xFFFFE000  }
0x285: {  	_ =	swait.ge [sflag:s12], $0x2000  }
0x286: {  	[sflag:s12] =	ssyncset.done $0x0  }
0x287: {  	[sflag:s12] =	ssyncadd.s32 $0xFFFFE000  }
0x288: {  	_ =	swait.ge [sflag:s12], $0x2000  }
0x289: {  	[sflag:s12] =	ssyncset.done $0x0  }
0x28a: {  	[sflag:s12] =	ssyncadd.s32 $0xFFFFE000  }
0x28b: {  	_ =	swait.ge [sflag:s12], $0x2000  }
0x28c: {  	[sflag:s12] =	ssyncset.done $0x0  }
0x28d: {  	s19 =	rddreg [dreg:$0x13];
	[sflag:s12] =	ssyncadd.s32 $0xFFFFE000  }
0x28e: {  	[hbm4b:s19+s2] =	stream.linear.scatter [tilespmem:s25], [sflag:$0x5], $0x8000, $0x38;
	[tilespmem:$0x13000] =	vst v63  }
0x28f: {  	_ =	swait.ge [sflag:s13], $0x2000  }
0x290: {  	[sflag:s13] =	ssyncset.done $0x0  }
0x291: {  	[sflag:s13] =	ssyncadd.s32 $0xFFFFE000  }
0x292: {  	_ =	swait.ge [sflag:s13], $0x2000  }
0x293: {  	[sflag:s13] =	ssyncset.done $0x0  }
0x294: {  	[sflag:s13] =	ssyncadd.s32 $0xFFFFE000  }
0x295: {  	_ =	swait.ge [sflag:s13], $0x2000  }
0x296: {  	[sflag:s13] =	ssyncset.done $0x0  }
0x297: {  	[sflag:s13] =	ssyncadd.s32 $0xFFFFE000  }
0x298: {  	_ =	swait.ge [sflag:s13], $0x2000  }
0x299: {  	[sflag:s13] =	ssyncset.done $0x0  }
0x29a: {  	s20 =	rddreg [dreg:$0x14];
	[sflag:s13] =	ssyncadd.s32 $0xFFFFE000  }
0x29b: {  	[hbm4b:s20+s2] =	stream.linear.scatter [tilespmem:s5], [sflag:$0x6], $0x8000, $0x38;
	[tilespmem:$0x13000] =	vst v63  }
0x29c: {  	_ =	swait.ge [sflag:s14], $0x8000  }
0x29d: {  	[sflag:s14] =	ssyncset.done $0x0  }
0x29e: {  	[sflag:s14] =	ssyncadd.s32 $0xFFFF8000  }
0x29f: {  	_ =	swait.ge [sflag:s15], $0x8000  }
0x2a0: {  	s17 =	rddreg [dreg:$0x18]  }
0x2a1: {  	s21 =	rddreg [dreg:$0x15];
	s17 =	sadd.s32 $0x1, s17  }
0x2a2: {  	p1 =	sne.s32 s17, s21  }
.Ltmp1:
0x2a3: {  	_ = 	snop;
	(pc) =	sbr.rel @p1 .LBB2_1-.Ltmp1, $3  }
0x2a4: {  	_ =	sdelay $0x1  }
0x2a5: {  	s19 =	simm.s32 $0x400;
	[sflag:s15] =	ssyncset.done $0x0  }
0x2a6: {  	s20 =	simm.s32 $0x200;
	[sflag:s15] =	ssyncadd.s32 $0xFFFF8000;
	s21 =	simm.s32 $0x600  }
0x2a7: {  	_ =	sfence.sel $0x180000  }
0x2a8: {  	[bflag:$0x0] =	sbarrier.arrive $0xFFFF  }
0x2a9: {  	_ =	strace $0x90000047  }
0x2aa: {  	[bflag:$0x2] =	sbarrier.arrive $0xFFFF  }
0x2ab: {  	s0 =	rddreg [dreg:$0x3]  }
0x2ac: {  	s0 =	sadd.s32 @!p0 $0x100000, s0  }
0x2ad: {  	[sflag:s0] =	ssyncadd.tile.s32 @!p0 $0x1;
	_ =	shalt  }
.Lfunc_end2:
_tile_overlayer_lowered:
.L_overlay_start_2:
0x2ae: {  	(tag) =	ssettag $0x2  }
0x2af: {  	s0 =	rddreg [dreg:$0x0];
	s2 =	stileid.u32  }
0x2b0: {  	s1 =	rddreg [dreg:$0x1];
	p0 =	sne.s32 s2, $0x0  }
0x2b1: {  	s3 =	rddreg [dreg:$0x2];
	[bflag:$0x3] =	sbarrier.arrive $0xFFFF;
	s2 =	simm.s32 @!p0 $0x1C07  }
0x2b2: {  	[timem:s3], [sflag:s2] =	dma.local @!p0 [hbm:s0], s1  }
0x2b3: {  	s0 =	simm.s32 @!p0 $0x7  }
0x2b4: {  	_ =	swait.ge @!p0 [sflag:s0], s1  }
0x2b5: {  	s1 =	ssub.s32 @!p0 $0x0, s1;
	[sflag:s0] =	ssyncset.done @!p0 $0x0  }
0x2b6: {  	[sflag:s0] =	ssyncadd.s32 @!p0 s1  }
0x2b7: {  	[bflag:$0x3] =	sbarrier.arrive $0xFFFF  }
0x2b8: {  	_ =	shalt  }

// kernel: sparse-core-data-format-call.cloned.1.call-start
scs
called_computation_lowered:
.L_overlay_start_0:
0x0: {  	s2 =	sld [smem:$0x3FD9]  }
0x1: {  	s3 =	sld [smem:$0x3FFE];
	_ =	sdelay $0x1  }
0x2: {  	s1 =	srdreg.scid  }
0x3: {  	s0 =	sand.u32 $0x1, s1  }
0x4: {  	s18 =	sshll.u32 s0, $0xA;
	s2 =	sadd.s32 s3, s2  }
0x5: {  	s2 =	sadd.s32 s2, s18  }
0x6: {  	[smem:$0x3FC4] =	sst s2  }
0x7: {  	_ = 	snop  }
0x8: {  	s2 =	sld [smem:$0x3FD0];
	(tm) =	ssettm $0x1  }
0x9: {  	s19 =	sld [smem:$0x3FFB];
	_ =	sdelay $0x3  }
0xa: {  	_ =	strace s19  }
0xb: {  	s3 =	sld [smem:$0x3FFC];
	_ =	sdelay $0x3  }
0xc: {  	_ =	strace s3  }
0xd: {  	s3 =	sld [smem:$0x3FFD];
	_ =	sdelay $0x3  }
0xe: {  	_ =	strace s3  }
0xf: {  	_ =	strace $0x8FFFFFFF  }
0x10: {  	s20 =	sld [smem:$0x3FDB];
	_ =	sdelay $0x1  }
0x11: {  	s4 =	simm.s32 $_scs_section_size  }
0x12: {  	s5 =	simm.s32 $_size__tile_overlayer_lowered;
	s6 =	simm.s32 $_tile_overlayer_lowered  }
0x13: {  	s23 =	simm.s32 $0x1BFF;
	s22 =	sshll.u32 s6, $0x1;
	s3 =	sadd.s32 s4, s20  }
0x14: {  	s7 =	simm.s32 $0x0;
	s21 =	sshll.u32 s5, $0x1;
	s5 =	sadd.s32 s22, s3  }
0x15: {  	[timem:s7], [sflag:s23] =	dma.local [hbm:s5], s21  }
0x16: {  	_ =	swait.ge [sflag:s23], s21  }
0x17: {  	s4 =	ssub.s32 $0x0, s21;
	[sflag:s23] =	ssyncset.done $0x0  }
0x18: {  	[sflag:s23] =	ssyncadd.s32 s4;
	_ =	sdelay $0x1  }
0x19: {  	s24 =	simm.s32 $0x1B8B  }
0x1a: {  	_ =	swait.ge [sflag:s24], $0x1  }
0x1b: {  	[sflag:s24] =	ssyncset.done $0x0  }
0x1c: {  	s26 =	simm.s32 $0x1B8E;
	s25 =	sld [smem:$0x3FFE];
	[sflag:s24] =	ssyncadd.s32 $0xFFFFFFFF  }
0x1d: {  	s27 =	simm.s32 $execute0_lowered;
	[smem:$0x3FD2] =	sst s26  }
0x1e: {  	s5 =	sshll.u32 s27, $0x1;
	_ =	strace $0x80000049;
	[dreg:$0x1] =	wrdreg $0xFFFFFFFF  }
0x1f: {  	s28 =	simm.s32 $_size_execute0_lowered;
	s3 =	sadd.s32 s3, s5;
	[dreg:$0x0] =	wrdreg $0x0  }
0x20: {  	s5 =	sshll.u32 s28, $0x1;
	[dreg:$0x2] =	wrdreg s3  }
0x21: {  	[dreg:$0x3] =	wrdreg s5  }
0x22: {  	[dreg:$0x4] =	wrdreg $0xC0  }
0x23: {  	_ =	task [dreg:s7], $0x5FFFF  }
0x24: {  	[dreg:$0x1] =	wrdreg $0xFFFFFFFF  }
0x25: {  	[dreg:$0x0] =	wrdreg $0x60  }
0x26: {  	[dreg:$0x2] =	wrdreg s25  }
0x27: {  	[dreg:$0x3] =	wrdreg s2  }
0x28: {  	[dreg:$0x4] =	wrdreg $0x9  }
0x29: {  	_ =	task.clear_ibuf [dreg:s7], $0x5FFFF;
	_ =	strace $0x90000049  }
0x2a: {  	s29 =	simm.s32 $0x9;
	_ =	strace $0x8000004B  }
0x2b: {  	_ =	swait.ge [sflag:s29], $0x1  }
0x2c: {  	[sflag:s29] =	ssyncadd.s32 $0xFFFFFFFF  }
0x2d: {  	_ =	strace $0x9000004B  }
0x2e: {  	_ =	sfence  }
0x2f: {  	s30 =	sld [smem:$0x0];
	_ =	sdelay $0x2  }
0x30: {  	s31 =	sshll.u32 s1, $0xD;
	s1 =	sshrl.u32 s1, $0x2  }
0x31: {  	s3 =	sand.u32 $0x4000, s31;
	s1 =	sadd.s32 s1, s30  }
0x32: {  	s0 =	sor.u32 s3, s0;
	s1 =	sshll.u32 s1, $0x11  }
0x33: {  	s0 =	sor.u32 s1, s0  }
0x34: {  	s0 =	sadd.s32 $0x8F2B, s0  }
0x35: {  	[sflag:s0] =	ssyncadd.remote.s32 $0x1  }
0x36: {  	_ =	sfence.sel $0xFFFF  }
0x37: {  	[dreg:$0x0] =	wrdreg $0xFFFFFFFF;
	(pc) =	sbr.abs _section_cstart, $3  }
0x38: {  	[dreg:$0x1] =	wrdreg $0xFFFFFFFF  }
0x39: {  	_ =	task.clear_ibuf [dreg:s7], $0x2FFFF;
	_ =	strace $0x9FFFFFFF  }
0x3a: {  	(tm) =	ssettm $0x7FFFFFFF  }
0x3b: {  	_ =	shalt  }
tec
execute0_lowered:
.L_overlay_start_1:
0x0: {  	(tag) =	ssettag $0x1  }
0x1: {  	s0 =	srdreg.scid  }
0x2: {  	s1 =	sshll.u32 s0, $0x4  }
0x3: {  	s0 =	stileid.u32;
	s1 =	sand.u32 $0x10, s1  }
0x4: {  	s1 =	sor.u32 s0, s1  }
0x5: {  	s6 =	rddreg [dreg:$0x0];
	s4 =	simm.s32 $0x1;
	s2 =	sshll.u32 s1, $0x7  }
0x6: {  	s7 =	simm.s32 $0x2;
	s12 =	simm.s32 $0x0;
	s1 =	ssub.s32 $0x4000, s2  }
0x7: {  	s8 =	simm.s32 $0x20000;
	s13 =	simm.s32 $0x0;
	s3 =	sand.u32 $0xF80, s1  }
0x8: {  	s9 =	simm.s32 $0x0;
	s5 =	sshrl.u32 s1, $0xC;
	p0 =	sne.s32 s3, $0x0  }
.Ltmp0:
0x9: {  	s1 =	rddreg [dreg:$0x2];
	s4 =	simm.s32 @!p0 $0x0;
	(pc) =	sbr.rel .LBB1_1-.Ltmp0, $4  }
0xa: {  	s11 =	simm.s32 $0x0;
	s3 =	rddreg [dreg:$0x1];
	s5 =	sadd.s32 s4, s5  }
0xb: {  	_ =	strace $0x8000004A;
	s4 =	simm.s32 $0x1;
	s5 =	smul.u32 $0xC8, s5  }
0xc: {  	s6 =	sadd.s32 $0x1800, s6;
	s10 =	smov.u32 s2;
	[sflag:s4] =	ssyncpa.u1 $0x0  }
0xd: {  	p0 =	por $0x0, $0x0;
	[sflag:s7] =	ssyncpa.u1 $0x0;
	s7 =	sor.u32 $0x1, s5  }
.LBB1_4:
0xe: {  	s16 =	sshll.u32 s13, $0x3;
	s17 =	sand.u32 $0x78, s13  }
0xf: {  	s30 =	sand.u32 $0x1F800, s13;
	s12 =	sshll.u32 s12, $0x11;
	s16 =	sand.u32 $0x3C00, s16  }
0x10: {  	[tilespmem:s15+$0x810 ss:$0x81] =	vst.msk $0xffff, v2;
	s31 =	sand.u32 $0x7, s13;
	s16 =	sor.u32 s17, s16;
	s17 =	sadd.s32 s3, s30  }
0x11: {  	[tilespmem:s15+$0x1020 ss:$0x81] =	vst.msk $0xffff, v0;
	s13 =	sshll.u32 s31, $0x12;
	s12 =	sadd.s32 s12, s17;
	s16 =	sshrl.u32 s16, $0x3  }
0x12: {  	[tilespmem:s15+$0x0 ss:$0x81] =	vst.msk $0xffff, v1;
	s13 =	sor.u32 $0x400, s13;
	s12 =	sadd.s32 s16, s12  }
0x13: {  	[hbm4b:s12+s13] =	stream.strided.scatter [tilespmem:s14], [sflag:$0x2], $0x2000, s8, s13, $0x20;
	[tilespmem:$0x8080] =	vst v63  }
.LBB1_5:
0x14: {  	s14 =	sadd.s32 $0x1, s9  }
0x15: {  	s12 =	sadd.s32 $0x1000, s10;
	s16 =	smov.u32 s10;
	p2 =	sgt.s32 s14, $0xC7  }
0x16: {  	s16 =	smov.u32 @p2 s12  }
0x17: {  	s14 =	simm.s32 @p2 $0x0;
	p2 =	sgt.s32 s16, $0x3FFF  }
0x18: {  	s16 =	smov.u32 @p2 s2;
	p2 =	sne.s32 s11, s7  }
.Ltmp1:
0x19: {  	p1 =	slt.u32 s11, $0x2;
	(pc) =	sbr.rel @!p2 .LBB1_6-.Ltmp1, $4  }
0x1a: {  	s15 =	simm.s32 @!p1 $0x2  }
0x1b: {  	s13 =	smov.u32 s10;
	p0 =	por !p0, !p0;
	_ =	swait.ge @!p1 [sflag:s15], $0x2000  }
0x1c: {  	s12 =	smov.u32 s9;
	[sflag:s15] =	ssyncset.done @!p1 $0x0;
	s9 =	smov.u32 s14  }
0x1d: {  	s11 =	sadd.s32 $0x1, s11;
	[sflag:s15] =	ssyncadd.s32 @!p1 $0xFFFFE000;
	s10 =	smov.u32 s16  }
.LBB1_1:
0x1e: {  	p1 =	sge.u32 s11, s5  }
0x1f: {  	s14 =	sand.u32 @!p1 $0x1FFFFFF, s9  }
0x20: {  	s15 =	smulhi.u32 @!p1 $0x147AE15, s14;
	_ =	sdelay $0x1  }
0x21: {  	s15 =	smul.u32 @!p1 $0xC8, s15  }
0x22: {  	s16 =	sxor.u32 @!p1 $0xFFFFFFFF, s11;
	s17 =	smul.u32 @!p1 $0xC80, s10  }
0x23: {  	s31 =	sadd.s32 $0xFFFFFFFF, s11;
	s16 =	sshll.u32 @!p1 s16, $0xD;
	s14 =	ssub.s32 @!p1 s14, s15  }
0x24: {  	s15 =	sand.u32 @!p1 $0x2000, s16;
	s16 =	sadd.s32 @!p1 s6, s17;
	s14 =	sshll.u32 @!p1 s14, $0x4  }
0x25: {  	s17 =	simm.s32 @!p1 $0x6400;
	s14 =	sadd.s32 @!p1 s14, s16;
	s16 =	simm.s32 @!p1 $0x40  }
0x26: {  	[tilespmem:s15], [sflag:$0x1] =	stream.strided.gather @!p1 [hbm4b:s14+s16], $0x2000, s17, s16, $0x38;
	[tilespmem:$0x8080] =	vst v63  }
0x27: {  	p1 =	sge.u32 s31, s5  }
.Ltmp2:
0x28: {  	_ = 	snop;
	(pc) =	sbr.rel @p1 .LBB1_5-.Ltmp2, $1  }
0x29: {  	_ =	sdelay $0x3  }
0x2a: {  	s14 =	simm.s32 $0x1  }
0x2b: {  	_ =	swait.ge [sflag:s4], $0x2000;
	s14 =	simm.s32 @!p0 $0x0  }
0x2c: {  	[sflag:s4] =	ssyncset.done $0x0;
	s15 =	sshll.u32 s14, $0xD  }
0x2d: {  	[sflag:s4] =	ssyncadd.s32 $0xFFFFE000;
	s18 =	sor.u32 $0x20, s15  }
0x2e: {  	s14 =	smul.u32 $0x8100, s14;
	v3 =	vld [tilespmem:s18+$0x10]  }
0x2f: {  	s30 =	sand.u32 $0x1, s11;
	v2 =	vld [tilespmem:s18+$0xFFFFFFF0]  }
0x30: {  	s15 =	smul.u32 $0x8100, s30;
	s14 =	sshrl.u32 s14, $0x2;
	v0 =	vld [tilespmem:s18+$0x0]  }
0x31: {  	v1 =	vld [tilespmem:s18+$0xFFFFFFE0];
	s16 =	sor.u32 $0x4000, s14  }
0x32: {  	s31 =	sshrl.u32 s15, $0x2;
	s15 =	sadd.s32 $0x0, s16  }
0x33: {  	s17 =	simm.s32 $0x4;
	s18 =	sadd.s32 $0x40, s18;
	s14 =	sor.u32 $0x4000, s31;
	[tilespmem:s15+$0x1830 ss:$0x81] =	vst.msk $0xffff, v3  }
.LBB1_3:
0x34: {  	v3 =	vld [tilespmem:s18+$0x10];
	p1 =	sne.s32 s17, $0x1FC;
	[tilespmem:s15+$0x810 ss:$0x81] =	vst.msk $0xffff, v2;
	s19 =	smov.u32 s17;
	s17 =	sadd.s32 $0x4, s17  }
.Ltmp3:
0x35: {  	v2 =	vld [tilespmem:s18+$0xFFFFFFF0];
	[tilespmem:s15+$0x1020 ss:$0x81] =	vst.msk $0xffff, v0;
	(pc) =	sbr.rel @p1 .LBB1_3-.Ltmp3, $4  }
0x36: {  	v0 =	vld [tilespmem:s18+$0x0];
	[tilespmem:s15+$0x0 ss:$0x81] =	vst.msk $0xffff, v1  }
0x37: {  	s15 =	sshra.s32 s19, $0x2;
	v1 =	vld [tilespmem:s18+$0xFFFFFFE0]  }
0x38: {  	s15 =	sadd.s32 s15, s16  }
0x39: {  	s18 =	sadd.s32 $0x40, s18;
	[tilespmem:s15+$0x1830 ss:$0x81] =	vst.msk $0xffff, v3  }
.Ltmp4:
0x3a: {  	_ = 	snop;
	(pc) =	sbr.rel .LBB1_4-.Ltmp4, $1  }
0x3b: {  	_ =	sdelay $0x3  }
.LBB1_6:
0x3c: {  	_ =	sfence.sel $0x180000  }
0x3d: {  	s2 =	simm.s32 $0x1;
	[bflag:$0x0] =	sbarrier.arrive $0xFFFF  }
0x3e: {  	s31 =	simm.s32 $0x2;
	[sflag:s2] =	ssyncpa.u1 $0x1  }
0x3f: {  	[sflag:s31] =	ssyncpa.u1 $0x1  }
0x40: {  	p0 =	sne.s32 s0, $0x0;
	_ =	strace $0x9000004A  }
0x41: {  	s0 =	sadd.s32 @!p0 $0x100000, s1;
	[bflag:$0x2] =	sbarrier.arrive $0xFFFF  }
0x42: {  	[sflag:s0] =	ssyncadd.tile.s32 @!p0 $0x1;
	_ =	shalt  }
.Lfunc_end1:
_tile_overlayer_lowered:
.L_overlay_start_2:
0x43: {  	(tag) =	ssettag $0x2  }
0x44: {  	s0 =	rddreg [dreg:$0x0];
	s2 =	stileid.u32  }
0x45: {  	s1 =	rddreg [dreg:$0x1];
	p0 =	sne.s32 s2, $0x0  }
0x46: {  	s3 =	rddreg [dreg:$0x2];
	[bflag:$0x3] =	sbarrier.arrive $0xFFFF;
	s2 =	simm.s32 @!p0 $0x1C01  }
0x47: {  	[timem:s3], [sflag:s2] =	dma.local @!p0 [hbm:s0], s1  }
0x48: {  	s0 =	simm.s32 @!p0 $0x1  }
0x49: {  	_ =	swait.ge @!p0 [sflag:s0], s1  }
0x4a: {  	s1 =	ssub.s32 @!p0 $0x0, s1;
	[sflag:s0] =	ssyncset.done @!p0 $0x0  }
0x4b: {  	[sflag:s0] =	ssyncadd.s32 @!p0 s1  }
0x4c: {  	[bflag:$0x3] =	sbarrier.arrive $0xFFFF  }
0x4d: {  	_ =	shalt  }

</sc_bundles>
